<compile_context>
chip_gen: v7x
topology: tpu7x:2x2x1
jax: 0.10.2.dev20260603
libtpu: 0.0.44.dev20260713+nightly
codegen_flags: <defaults>
</compile_context>

<pallas_src>
import jax
import jax.numpy as jnp
from jax import lax
from jax.experimental import pallas as pl
from jax.experimental.pallas import tpu as pltpu
from jax.experimental.pallas import tpu_sc as plsc

_DIM = 768
_HID = 1536
_E = 8
_N = 2048
_TN = 256
_CHUNK = 256
_TR = 256
_NRT_TILES = 24
_NR = _NRT_TILES * _TR
_NW = 32
_TPW = _N // _NW


def _gate_body(x_ref, gw_ref, gb_ref,
               pos1_ref, pos2_ref, w0_ref, w1_ref, w2_ref,
               te_ref, act_ref, bal_ref):
    x = x_ref[...]
    gb = gb_ref[...]
    logits = jnp.dot(x, gw_ref[...],
                     preferred_element_type=jnp.float32) + gb
    m = jnp.max(logits, axis=-1, keepdims=True)
    ex = jnp.exp(logits - m)
    s = ex / jnp.sum(ex, axis=-1, keepdims=True)
    lane = jax.lax.broadcasted_iota(jnp.int32, s.shape, 1)
    sr = jnp.where(lane >= 1, s, -1.0)
    m1 = jnp.max(sr, axis=-1, keepdims=True)
    i1 = jnp.min(jnp.where(sr == m1, lane, 127), axis=-1, keepdims=True)
    sr2 = jnp.where(lane == i1, -1.0, sr)
    m2 = jnp.max(sr2, axis=-1, keepdims=True)
    i2 = jnp.min(jnp.where(sr2 == m2, lane, 127), axis=-1, keepdims=True)

    w0_ref[...] = s[:, 0:1]
    w1_ref[...] = m1
    w2_ref[...] = m2

    sel = (lane == 0) | (lane == i1) | (lane == i2)
    cw = jnp.where(sel, s, 0.0)
    usage = jnp.sum(jnp.where(sel, 1.0, 0.0), axis=0)
    ssum = jnp.sum(cw, axis=0)
    bal = jnp.sum(usage * ssum) * (float(_E) / (3.0 * _N * _N))
    bal_ref[...] = jnp.reshape(bal, (1, 1))

    oh1 = (lane == i1).astype(jnp.float32)
    oh2 = (lane == i2).astype(jnp.float32)
    S = oh1 + oh2
    chunks = []
    carry = jnp.zeros((1, _E), jnp.float32)
    ri = jax.lax.broadcasted_iota(jnp.int32, (_CHUNK, _CHUNK), 0)
    ci = jax.lax.broadcasted_iota(jnp.int32, (_CHUNK, _CHUNK), 1)
    tril = (ri > ci).astype(jnp.float32)
    for c in range(_N // _CHUNK):
        Sc = S[c * _CHUNK:(c + 1) * _CHUNK, :]
        Cc = jnp.dot(tril, Sc, preferred_element_type=jnp.float32) + carry
        chunks.append(Cc)
        carry = carry + jnp.sum(Sc, axis=0, keepdims=True)
    C = jnp.concatenate(chunks, axis=0)
    cnt = carry
    cnt_i = cnt.astype(jnp.int32)
    pc_i = ((cnt_i + (_TR - 1)) // _TR) * _TR
    pc = pc_i.astype(jnp.float32)
    le = jax.lax.broadcasted_iota(jnp.int32, (_E, _E), 0)
    ue = jax.lax.broadcasted_iota(jnp.int32, (_E, _E), 1)
    sut = (le < ue).astype(jnp.float32)
    base = jnp.dot(pc, sut, preferred_element_type=jnp.float32)
    r1 = jnp.sum(C * oh1, axis=1, keepdims=True)
    r2 = jnp.sum((C + oh1) * oh2, axis=1, keepdims=True)
    b1 = jnp.sum(base * oh1, axis=1, keepdims=True)
    b2 = jnp.sum(base * oh2, axis=1, keepdims=True)
    pos1_ref[...] = (b1 + r1).astype(jnp.int32)
    pos2_ref[...] = (b2 + r2).astype(jnp.int32)

    trow = jax.lax.broadcasted_iota(jnp.int32, (_NRT_TILES, 1), 0)
    srow_f = (trow * _TR).astype(jnp.float32)
    lane_t = jax.lax.broadcasted_iota(jnp.int32, (_NRT_TILES, _E), 1)
    Bf = jnp.broadcast_to(base, (_NRT_TILES, _E))
    cnt_ge = jnp.sum(jnp.where((lane_t >= 2) & (Bf <= srow_f), 1, 0),
                     axis=1, keepdims=True)
    te_ref[...] = 1 + cnt_ge
    total = jnp.sum(pc, axis=1, keepdims=True)
    act_ref[...] = (srow_f < total).astype(jnp.int32)


def _dispatch_body(x_hbm, pos1_hbm, pos2_hbm, w1_hbm, w2_hbm,
                   xd_hbm, ws_hbm,
                   idx1_v, idx2_v, wa_v, wb_v, xbuf, sem):
    wid = lax.axis_index("s") * 2 + lax.axis_index("c")
    sl = pl.ds(wid * _TPW, _TPW)
    pltpu.sync_copy(pos1_hbm.at[sl], idx1_v)
    pltpu.sync_copy(pos2_hbm.at[sl], idx2_v)
    pltpu.sync_copy(x_hbm.at[sl], xbuf)
    pltpu.sync_copy(w1_hbm.at[sl], wa_v)
    pltpu.sync_copy(w2_hbm.at[sl], wb_v)
    c1 = pltpu.async_copy(xbuf, xd_hbm.at[idx1_v], sem)
    c2 = pltpu.async_copy(xbuf, xd_hbm.at[idx2_v], sem)
    c3 = pltpu.async_copy(wa_v, ws_hbm.at[idx1_v], sem)
    c4 = pltpu.async_copy(wb_v, ws_hbm.at[idx2_v], sem)
    c1.wait(); c2.wait(); c3.wait(); c4.wait()


def _ffn_shared_body(x_ref, w0_ref, w1_ref, b1_ref, w2_ref, b2_ref,
                     w3_ref, b3_ref, yd_ref):
    x = x_ref[...]
    a = jnp.dot(x, w1_ref[0], preferred_element_type=jnp.float32) + b1_ref[0]
    g = jnp.dot(x, w3_ref[0], preferred_element_type=jnp.float32) + b3_ref[0]
    h = g * jax.nn.sigmoid(g) * a
    y = jnp.dot(h, w2_ref[0], preferred_element_type=jnp.float32) + b2_ref[0]
    yd_ref[...] = y * w0_ref[...]


def _ffn_routed_body(te_sref, act_sref, xd_ref, ws_ref,
                     w1_ref, b1_ref, w2_ref, b2_ref, w3_ref, b3_ref, yd_ref):
    t = pl.program_id(0)

    @pl.when(act_sref[t] == 1)
    def _():
        xb = xd_ref[...].astype(jnp.bfloat16)
        a = jnp.dot(xb, w1_ref[0],
                    preferred_element_type=jnp.float32) + b1_ref[0]
        g = jnp.dot(xb, w3_ref[0],
                    preferred_element_type=jnp.float32) + b3_ref[0]
        h = (g * jax.nn.sigmoid(g) * a).astype(jnp.bfloat16)
        y = jnp.dot(h, w2_ref[0],
                    preferred_element_type=jnp.float32) + b2_ref[0]
        yd_ref[...] = y * ws_ref[...]


_CCH = 16


def _combine_body(yds_hbm, ydr_hbm, pos1_hbm, pos2_hbm, out_hbm,
                  idx1_v, idx2_v, acc0, bb10, bb20, acc1, bb11, bb21,
                  sem, sem2):
    wid = lax.axis_index("s") * 2 + lax.axis_index("c")
    b = wid * _TPW
    pltpu.sync_copy(pos1_hbm.at[pl.ds(b, _TPW)], idx1_v)
    pltpu.sync_copy(pos2_hbm.at[pl.ds(b, _TPW)], idx2_v)
    bufs = [(acc0, bb10, bb20), (acc1, bb11, bb21)]
    nch = _TPW // _CCH

    def fire(ch):
        acc, bb1, bb2 = bufs[ch % 2]
        sl = pl.ds(b + ch * _CCH, _CCH)
        ca = pltpu.async_copy(yds_hbm.at[sl], acc, sem)
        c1 = pltpu.async_copy(ydr_hbm.at[idx1_v.at[pl.ds(ch * _CCH, _CCH)]],
                              bb1, sem)
        c2 = pltpu.async_copy(ydr_hbm.at[idx2_v.at[pl.ds(ch * _CCH, _CCH)]],
                              bb2, sem)
        return ca, c1, c2

    stores = [None, None]
    pend = fire(0)
    for ch in range(nch):
        for c in pend:
            c.wait()
        if ch + 1 < nch:
            if stores[(ch + 1) % 2] is not None:
                stores[(ch + 1) % 2].wait()
            pend = fire(ch + 1)
        acc, bb1, bb2 = bufs[ch % 2]
        for r in range(_CCH):
            def add_row(i, _, r=r):
                cs = pl.ds(i * 16, 16)
                acc[r, cs] = acc[r, cs] + bb1[r, cs] + bb2[r, cs]
                return 0
            lax.fori_loop(0, _DIM // 16, add_row, 0)
        stores[ch % 2] = pltpu.async_copy(
            acc, out_hbm.at[pl.ds(b + ch * _CCH, _CCH)], sem2)
    for h in stores:
        if h is not None:
            h.wait()


def kernel(x, gate_W, gate_b, W1, B1, W2, B2, W3, B3):
    Bb, Tt, C = x.shape
    xf = x.reshape(_N, _DIM)

    pos1, pos2, w0, w1, w2, te, act, bal = pl.pallas_call(
        _gate_body,
        out_shape=[
            jax.ShapeDtypeStruct((_N, 1), jnp.int32),
            jax.ShapeDtypeStruct((_N, 1), jnp.int32),
            jax.ShapeDtypeStruct((_N, 1), jnp.float32),
            jax.ShapeDtypeStruct((_N, 1), jnp.float32),
            jax.ShapeDtypeStruct((_N, 1), jnp.float32),
            jax.ShapeDtypeStruct((_NRT_TILES, 1), jnp.int32),
            jax.ShapeDtypeStruct((_NRT_TILES, 1), jnp.int32),
            jax.ShapeDtypeStruct((1, 1), jnp.float32),
        ],
    )(xf, gate_W, gate_b.reshape(1, _E))

    mesh = plsc.VectorSubcoreMesh(core_axis_name="c", subcore_axis_name="s")
    xd, ws = pl.kernel(
        _dispatch_body,
        mesh=mesh,
        out_type=[
            jax.ShapeDtypeStruct((_NR, _DIM), jnp.float32),
            jax.ShapeDtypeStruct((_NR,), jnp.float32),
        ],
        scratch_types=[
            pltpu.VMEM((_TPW,), jnp.int32),
            pltpu.VMEM((_TPW,), jnp.int32),
            pltpu.VMEM((_TPW,), jnp.float32),
            pltpu.VMEM((_TPW,), jnp.float32),
            pltpu.VMEM((_TPW, _DIM), jnp.float32),
            pltpu.SemaphoreType.DMA,
        ],
    )(xf, pos1.reshape(_N), pos2.reshape(_N), w1.reshape(_N), w2.reshape(_N))

    W1b = W1[1:].astype(jnp.bfloat16)
    W2b = W2[1:].astype(jnp.bfloat16)
    W3b = W3[1:].astype(jnp.bfloat16)
    B1r = B1.reshape(_E, 1, _HID)
    B2r = B2.reshape(_E, 1, _DIM)
    B3r = B3.reshape(_E, 1, _HID)

    yds = pl.pallas_call(
        _ffn_shared_body,
        grid=(_N // _TN,),
        in_specs=[
            pl.BlockSpec((_TN, _DIM), lambda t: (t, 0)),
            pl.BlockSpec((_TN, 1), lambda t: (t, 0)),
            pl.BlockSpec((1, _DIM, _HID), lambda t: (0, 0, 0)),
            pl.BlockSpec((1, 1, _HID), lambda t: (0, 0, 0)),
            pl.BlockSpec((1, _HID, _DIM), lambda t: (0, 0, 0)),
            pl.BlockSpec((1, 1, _DIM), lambda t: (0, 0, 0)),
            pl.BlockSpec((1, _DIM, _HID), lambda t: (0, 0, 0)),
            pl.BlockSpec((1, 1, _HID), lambda t: (0, 0, 0)),
        ],
        out_specs=pl.BlockSpec((_TN, _DIM), lambda t: (t, 0)),
        out_shape=jax.ShapeDtypeStruct((_N, _DIM), jnp.float32),
        compiler_params=pltpu.CompilerParams(
            dimension_semantics=("arbitrary",)),
    )(xf, w0, W1, B1r, W2, B2r, W3, B3r)

    ydr = pl.pallas_call(
        _ffn_routed_body,
        grid_spec=pltpu.PrefetchScalarGridSpec(
            num_scalar_prefetch=2,
            grid=(_NRT_TILES,),
            in_specs=[
                pl.BlockSpec((_TR, _DIM), lambda t, te, act: (t, 0)),
                pl.BlockSpec((_TR, 1), lambda t, te, act: (t, 0)),
                pl.BlockSpec((1, _DIM, _HID),
                             lambda t, te, act: (te[t] - 1, 0, 0)),
                pl.BlockSpec((1, 1, _HID),
                             lambda t, te, act: (te[t], 0, 0)),
                pl.BlockSpec((1, _HID, _DIM),
                             lambda t, te, act: (te[t] - 1, 0, 0)),
                pl.BlockSpec((1, 1, _DIM),
                             lambda t, te, act: (te[t], 0, 0)),
                pl.BlockSpec((1, _DIM, _HID),
                             lambda t, te, act: (te[t] - 1, 0, 0)),
                pl.BlockSpec((1, 1, _HID),
                             lambda t, te, act: (te[t], 0, 0)),
            ],
            out_specs=pl.BlockSpec((_TR, _DIM), lambda t, te, act: (t, 0)),
        ),
        out_shape=jax.ShapeDtypeStruct((_NR, _DIM), jnp.float32),
        compiler_params=pltpu.CompilerParams(
            dimension_semantics=("arbitrary",)),
    )(te.reshape(_NRT_TILES), act.reshape(_NRT_TILES),
      xd, ws.reshape(_NR, 1),
      W1b, B1r, W2b, B2r, W3b, B3r)

    out = pl.kernel(
        _combine_body,
        mesh=mesh,
        out_type=jax.ShapeDtypeStruct((_N, _DIM), jnp.float32),
        scratch_types=[
            pltpu.VMEM((_TPW,), jnp.int32),
            pltpu.VMEM((_TPW,), jnp.int32),
            pltpu.VMEM((_CCH, _DIM), jnp.float32),
            pltpu.VMEM((_CCH, _DIM), jnp.float32),
            pltpu.VMEM((_CCH, _DIM), jnp.float32),
            pltpu.VMEM((_CCH, _DIM), jnp.float32),
            pltpu.VMEM((_CCH, _DIM), jnp.float32),
            pltpu.VMEM((_CCH, _DIM), jnp.float32),
            pltpu.SemaphoreType.DMA,
            pltpu.SemaphoreType.DMA,
        ],
    )(yds, ydr, pos1.reshape(_N), pos2.reshape(_N))

    return out.reshape(Bb, Tt, C), bal.reshape(())

# --- scband reference (transcript-rebuilt; emitter-appended) ---
"""Pipeline reference for scband-mo-emlp-16930761081089 (READ-ONLY COPY).

The authoritative reference and input builder live on the scoring server;
editing this copy changes nothing except your own understanding.
"""

import jax, jax.numpy as jnp
import numpy as np

DIM = 768
HID = 1536  # ffn_factor(2) * n_embd(768)
E = 8       # n_experts * m_sub_experts
NSH = 1     # n_shared_experts * m_sub_experts
K = 2       # n_activated_experts
SCALE = 1.0
B, T = 1, 2048


def _uniform(key, shape, scale):
    return jax.random.uniform(key, shape, minval=-scale, maxval=scale, dtype=jnp.float32)


def setup_inputs(seed: int = 0) -> dict:
    key = jax.random.key(seed)
    ks = jax.random.split(key, 10)
    s1 = 1.0 / np.sqrt(DIM)
    s2 = 1.0 / np.sqrt(HID)
    x = jax.random.normal(ks[0], (B, T, DIM), dtype=jnp.float32)
    gate_W = _uniform(ks[1], (DIM, E), s1)
    gate_b = _uniform(ks[2], (E,), s1)
    W1 = _uniform(ks[3], (E, DIM, HID), s1)
    B1 = _uniform(ks[4], (E, HID), s1)
    W2 = _uniform(ks[5], (E, HID, DIM), s2)
    B2 = _uniform(ks[6], (E, DIM), s2)
    W3 = _uniform(ks[7], (E, DIM, HID), s1)
    B3 = _uniform(ks[8], (E, HID), s1)
    return {"x": x, "gate_W": gate_W, "gate_b": gate_b,
            "W1": W1, "B1": B1, "W2": W2, "B2": B2, "W3": W3, "B3": B3}


def _silu(v):
    return v * jax.nn.sigmoid(v)


def reference(x, gate_W, gate_b, W1, B1, W2, B2, W3, B3):
    Bb, Tt, C = x.shape
    N = Bb * Tt
    xf = x.reshape(N, C)
    logits = xf @ gate_W + gate_b
    scores = jax.nn.softmax(logits.astype(jnp.float32), axis=-1).astype(logits.dtype)
    scores_shared = scores[:, :NSH]
    scores_routable = scores[:, NSH:]
    topk_vals, topk_idx = jax.lax.top_k(scores_routable, K)
    topk_idx_off = topk_idx + NSH
    shared_ix = jnp.broadcast_to(jnp.arange(NSH)[None, :], (N, NSH))
    all_idx = jnp.concatenate([shared_ix, topk_idx_off], axis=-1)   # (N, NSH+K)
    all_w = jnp.concatenate([scores_shared, topk_vals], axis=-1) * SCALE
    rows = jnp.broadcast_to(jnp.arange(N)[:, None], all_idx.shape)
    # per-token combined gate weight per expert (disjoint indices per token)
    cw = jnp.zeros((N, E), dtype=x.dtype).at[rows.reshape(-1), all_idx.reshape(-1)].add(all_w.reshape(-1))
    # dense expert evaluation (mathematically identical to dispatch: each (token,expert)
    # contribution is gate_weight * Expert_e(x_token); unselected experts have weight 0)
    a = jnp.einsum('nd,edh->enh', xf, W1) + B1[:, None, :]
    bgl = jnp.einsum('nd,edh->enh', xf, W3) + B3[:, None, :]
    h = _silu(bgl) * a
    y = jnp.einsum('enh,ehd->end', h, W2) + B2[:, None, :]
    out = jnp.einsum('ne,end->nd', cw, y).reshape(Bb, Tt, C)
    # balance loss
    usage = jnp.zeros((E,), jnp.float32).at[all_idx.reshape(-1)].add(1.0)
    score_sum = jnp.zeros((E,), jnp.float32).at[all_idx.reshape(-1)].add(all_w.reshape(-1).astype(jnp.float32))
    Kp = float(NSH + K)
    usage_f = (float(E) / (Kp * N)) * usage
    score_p = score_sum / N
    bal_loss = (usage_f * score_p).sum()
    return out, bal_loss

if __name__ == "__main__":
    import jax
    _d = setup_inputs()
    print(jax.jit(kernel)(*tuple(_d.values())))

</pallas_src>

<mosaic_0001>
#map = affine_map<(d0, d1) -> (0, 0)>
#map1 = affine_map<(d0, d1) -> (0)>
module attributes {stable_mosaic.version = 14 : i64} {
  func.func @_combine_body(%arg0: i32, %arg1: i32, %arg2: memref<2048x768xf32, #tpu.memory_space<hbm>>, %arg3: memref<6144x768xf32, #tpu.memory_space<hbm>>, %arg4: memref<2048xi32, #tpu.memory_space<hbm>>, %arg5: memref<2048xi32, #tpu.memory_space<hbm>>, %arg6: memref<2048x768xf32, #tpu.memory_space<hbm>>, %arg7: memref<64xi32, #tpu.memory_space<vmem>>, %arg8: memref<64xi32, #tpu.memory_space<vmem>>, %arg9: memref<16x768xf32, #tpu.memory_space<vmem>>, %arg10: memref<16x768xf32, #tpu.memory_space<vmem>>, %arg11: memref<16x768xf32, #tpu.memory_space<vmem>>, %arg12: memref<16x768xf32, #tpu.memory_space<vmem>>, %arg13: memref<16x768xf32, #tpu.memory_space<vmem>>, %arg14: memref<16x768xf32, #tpu.memory_space<vmem>>, %arg15: memref<!tpu.dma_semaphore, #tpu.memory_space<semaphore_mem>>, %arg16: memref<!tpu.dma_semaphore, #tpu.memory_space<semaphore_mem>>) attributes {dimension_semantics = [#tpu.dimension_semantics<core_parallel>, #tpu.dimension_semantics<subcore_parallel>], iteration_bounds = array<i64: 2, 16>, scalar_prefetch = 0 : i64, scratch_operands = 10 : i64, tpu.core_type = #tpu.core_type<sc_vector_subcore>, window_params = [{transform_indices = #map}, {transform_indices = #map}, {transform_indices = #map1}, {transform_indices = #map1}, {transform_indices = #map}]} {
    %mul3A = arith.constant 2 : i32
    %mul3A_0 = arith.muli %arg1, %mul3A : i32
    %add3A = arith.addi %mul3A_0, %arg0 : i32
    %mul3A_1 = arith.constant 64 : i32
    %mul3A_2 = arith.muli %add3A, %mul3A_1 : i32
    "tpu.region"() ({
      %run_scoped3A = tpu.sem_alloc : memref<!tpu.dma_semaphore, #tpu.memory_space<semaphore_mem>>
      %dma_start3A_608 = tpu.memref_slice %arg4[%mul3A_2] : memref<2048xi32, #tpu.memory_space<hbm>> -> memref<64xi32, #tpu.memory_space<hbm>>
      %dma_start3A_609 = tpu.memref_slice %arg4[%mul3A_2] : memref<2048xi32, #tpu.memory_space<hbm>> -> memref<64xi32, #tpu.memory_space<hbm>>
      tpu.enqueue_dma source(%dma_start3A_609 : memref<64xi32, #tpu.memory_space<hbm>>) target(%arg7 : memref<64xi32, #tpu.memory_space<vmem>>) target_semaphore(%run_scoped3A : memref<!tpu.dma_semaphore, #tpu.memory_space<semaphore_mem>>)
      %dma_wait3A_610 = tpu.memref_slice %arg4[%mul3A_2] : memref<2048xi32, #tpu.memory_space<hbm>> -> memref<64xi32, #tpu.memory_space<hbm>>
      %dma_wait3A_611 = tpu.memref_slice %arg4[%mul3A_2] : memref<2048xi32, #tpu.memory_space<hbm>> -> memref<64xi32, #tpu.memory_space<hbm>>
      tpu.wait_dma2 semaphore(%run_scoped3A : memref<!tpu.dma_semaphore, #tpu.memory_space<semaphore_mem>>) src(%dma_wait3A_611 : memref<64xi32, #tpu.memory_space<hbm>>) dst(%arg7 : memref<64xi32, #tpu.memory_space<vmem>>)
      tpu.yield
    }) : () -> ()
    "tpu.region"() ({
      %run_scoped3A = tpu.sem_alloc : memref<!tpu.dma_semaphore, #tpu.memory_space<semaphore_mem>>
      %dma_start3A_608 = tpu.memref_slice %arg5[%mul3A_2] : memref<2048xi32, #tpu.memory_space<hbm>> -> memref<64xi32, #tpu.memory_space<hbm>>
      %dma_start3A_609 = tpu.memref_slice %arg5[%mul3A_2] : memref<2048xi32, #tpu.memory_space<hbm>> -> memref<64xi32, #tpu.memory_space<hbm>>
      tpu.enqueue_dma source(%dma_start3A_609 : memref<64xi32, #tpu.memory_space<hbm>>) target(%arg8 : memref<64xi32, #tpu.memory_space<vmem>>) target_semaphore(%run_scoped3A : memref<!tpu.dma_semaphore, #tpu.memory_space<semaphore_mem>>)
      %dma_wait3A_610 = tpu.memref_slice %arg5[%mul3A_2] : memref<2048xi32, #tpu.memory_space<hbm>> -> memref<64xi32, #tpu.memory_space<hbm>>
      %dma_wait3A_611 = tpu.memref_slice %arg5[%mul3A_2] : memref<2048xi32, #tpu.memory_space<hbm>> -> memref<64xi32, #tpu.memory_space<hbm>>
      tpu.wait_dma2 semaphore(%run_scoped3A : memref<!tpu.dma_semaphore, #tpu.memory_space<semaphore_mem>>) src(%dma_wait3A_611 : memref<64xi32, #tpu.memory_space<hbm>>) dst(%arg8 : memref<64xi32, #tpu.memory_space<vmem>>)
      tpu.yield
    }) : () -> ()
    %add3A_3 = arith.constant 0 : i32
    %add3A_4 = arith.addi %mul3A_2, %add3A_3 : i32
    %dma_start3A = arith.constant 0 : i32
    %dma_start3A_5 = tpu.memref_slice %arg2[%add3A_4, %dma_start3A] : memref<2048x768xf32, #tpu.memory_space<hbm>> -> memref<16x768xf32, #tpu.memory_space<hbm>>
    %dma_start3A_6 = arith.constant 0 : i32
    %dma_start3A_7 = tpu.memref_slice %arg2[%add3A_4, %dma_start3A_6] : memref<2048x768xf32, #tpu.memory_space<hbm>> -> memref<16x768xf32, #tpu.memory_space<hbm>>
    tpu.enqueue_dma source(%dma_start3A_7 : memref<16x768xf32, #tpu.memory_space<hbm>>) target(%arg9 : memref<16x768xf32, #tpu.memory_space<vmem>>) target_semaphore(%arg15 : memref<!tpu.dma_semaphore, #tpu.memory_space<semaphore_mem>>)
    %dma_start3A_8 = arith.constant 0 : i32
    %dma_start3A_9 = tpu.memref_slice %arg7[%dma_start3A_8] : memref<64xi32, #tpu.memory_space<vmem>> -> memref<16xi32, #tpu.memory_space<vmem>>
    %dma_start3A_10 = arith.constant 0 : i32
    %dma_start3A_11 = arith.constant 0 : i32
    %dma_start3A_12 = tpu.memref_slice %arg3[%dma_start3A_10, %dma_start3A_11] : memref<6144x768xf32, #tpu.memory_space<hbm>> -> memref<6144x768xf32, #tpu.memory_space<hbm>>
    tpu.enqueue_indirect_dma source(%dma_start3A_12 : memref<6144x768xf32, #tpu.memory_space<hbm>>) target(%arg10 : memref<16x768xf32, #tpu.memory_space<vmem>>) offsets(%dma_start3A_9 : memref<16xi32, #tpu.memory_space<vmem>>) semaphore(%arg15 : memref<!tpu.dma_semaphore, #tpu.memory_space<semaphore_mem>>)
    %dma_start3A_13 = arith.constant 0 : i32
    %dma_start3A_14 = tpu.memref_slice %arg8[%dma_start3A_13] : memref<64xi32, #tpu.memory_space<vmem>> -> memref<16xi32, #tpu.memory_space<vmem>>
    %dma_start3A_15 = arith.constant 0 : i32
    %dma_start3A_16 = arith.constant 0 : i32
    %dma_start3A_17 = tpu.memref_slice %arg3[%dma_start3A_15, %dma_start3A_16] : memref<6144x768xf32, #tpu.memory_space<hbm>> -> memref<6144x768xf32, #tpu.memory_space<hbm>>
    tpu.enqueue_indirect_dma source(%dma_start3A_17 : memref<6144x768xf32, #tpu.memory_space<hbm>>) target(%arg11 : memref<16x768xf32, #tpu.memory_space<vmem>>) offsets(%dma_start3A_14 : memref<16xi32, #tpu.memory_space<vmem>>) semaphore(%arg15 : memref<!tpu.dma_semaphore, #tpu.memory_space<semaphore_mem>>)
    %dma_wait3A = arith.constant 0 : i32
    %dma_wait3A_18 = tpu.memref_slice %arg2[%add3A_4, %dma_wait3A] : memref<2048x768xf32, #tpu.memory_space<hbm>> -> memref<16x768xf32, #tpu.memory_space<hbm>>
    %dma_wait3A_19 = arith.constant 0 : i32
    %dma_wait3A_20 = tpu.memref_slice %arg2[%add3A_4, %dma_wait3A_19] : memref<2048x768xf32, #tpu.memory_space<hbm>> -> memref<16x768xf32, #tpu.memory_space<hbm>>
    tpu.wait_dma2 semaphore(%arg15 : memref<!tpu.dma_semaphore, #tpu.memory_space<semaphore_mem>>) src(%dma_wait3A_20 : memref<16x768xf32, #tpu.memory_space<hbm>>) dst(%arg9 : memref<16x768xf32, #tpu.memory_space<vmem>>)
    %dma_wait3A_21 = arith.constant 0 : i32
    %dma_wait3A_22 = tpu.memref_slice %arg7[%dma_wait3A_21] : memref<64xi32, #tpu.memory_space<vmem>> -> memref<16xi32, #tpu.memory_space<vmem>>
    %dma_wait3A_23 = arith.constant 0 : i32
    %dma_wait3A_24 = arith.constant 0 : i32
    %dma_wait3A_25 = tpu.memref_slice %arg3[%dma_wait3A_23, %dma_wait3A_24] : memref<6144x768xf32, #tpu.memory_space<hbm>> -> memref<6144x768xf32, #tpu.memory_space<hbm>>
    tpu.wait_indirect_dma semaphore(%arg15 : memref<!tpu.dma_semaphore, #tpu.memory_space<semaphore_mem>>) src(%dma_wait3A_25 : memref<6144x768xf32, #tpu.memory_space<hbm>>) dst(%arg10 : memref<16x768xf32, #tpu.memory_space<vmem>>)
    %dma_wait3A_26 = arith.constant 0 : i32
    %dma_wait3A_27 = tpu.memref_slice %arg8[%dma_wait3A_26] : memref<64xi32, #tpu.memory_space<vmem>> -> memref<16xi32, #tpu.memory_space<vmem>>
    %dma_wait3A_28 = arith.constant 0 : i32
    %dma_wait3A_29 = arith.constant 0 : i32
    %dma_wait3A_30 = tpu.memref_slice %arg3[%dma_wait3A_28, %dma_wait3A_29] : memref<6144x768xf32, #tpu.memory_space<hbm>> -> memref<6144x768xf32, #tpu.memory_space<hbm>>
    tpu.wait_indirect_dma semaphore(%arg15 : memref<!tpu.dma_semaphore, #tpu.memory_space<semaphore_mem>>) src(%dma_wait3A_30 : memref<6144x768xf32, #tpu.memory_space<hbm>>) dst(%arg11 : memref<16x768xf32, #tpu.memory_space<vmem>>)
    %add3A_31 = arith.constant 16 : i32
    %add3A_32 = arith.addi %mul3A_2, %add3A_31 : i32
    %dma_start3A_33 = arith.constant 0 : i32
    %dma_start3A_34 = tpu.memref_slice %arg2[%add3A_32, %dma_start3A_33] : memref<2048x768xf32, #tpu.memory_space<hbm>> -> memref<16x768xf32, #tpu.memory_space<hbm>>
    %dma_start3A_35 = arith.constant 0 : i32
    %dma_start3A_36 = tpu.memref_slice %arg2[%add3A_32, %dma_start3A_35] : memref<2048x768xf32, #tpu.memory_space<hbm>> -> memref<16x768xf32, #tpu.memory_space<hbm>>
    tpu.enqueue_dma source(%dma_start3A_36 : memref<16x768xf32, #tpu.memory_space<hbm>>) target(%arg12 : memref<16x768xf32, #tpu.memory_space<vmem>>) target_semaphore(%arg15 : memref<!tpu.dma_semaphore, #tpu.memory_space<semaphore_mem>>)
    %dma_start3A_37 = arith.constant 16 : i32
    %dma_start3A_38 = tpu.memref_slice %arg7[%dma_start3A_37] : memref<64xi32, #tpu.memory_space<vmem>> -> memref<16xi32, #tpu.memory_space<vmem>>
    %dma_start3A_39 = arith.constant 0 : i32
    %dma_start3A_40 = arith.constant 0 : i32
    %dma_start3A_41 = tpu.memref_slice %arg3[%dma_start3A_39, %dma_start3A_40] : memref<6144x768xf32, #tpu.memory_space<hbm>> -> memref<6144x768xf32, #tpu.memory_space<hbm>>
    tpu.enqueue_indirect_dma source(%dma_start3A_41 : memref<6144x768xf32, #tpu.memory_space<hbm>>) target(%arg13 : memref<16x768xf32, #tpu.memory_space<vmem>>) offsets(%dma_start3A_38 : memref<16xi32, #tpu.memory_space<vmem>>) semaphore(%arg15 : memref<!tpu.dma_semaphore, #tpu.memory_space<semaphore_mem>>)
    %dma_start3A_42 = arith.constant 16 : i32
    %dma_start3A_43 = tpu.memref_slice %arg8[%dma_start3A_42] : memref<64xi32, #tpu.memory_space<vmem>> -> memref<16xi32, #tpu.memory_space<vmem>>
    %dma_start3A_44 = arith.constant 0 : i32
    %dma_start3A_45 = arith.constant 0 : i32
    %dma_start3A_46 = tpu.memref_slice %arg3[%dma_start3A_44, %dma_start3A_45] : memref<6144x768xf32, #tpu.memory_space<hbm>> -> memref<6144x768xf32, #tpu.memory_space<hbm>>
    tpu.enqueue_indirect_dma source(%dma_start3A_46 : memref<6144x768xf32, #tpu.memory_space<hbm>>) target(%arg14 : memref<16x768xf32, #tpu.memory_space<vmem>>) offsets(%dma_start3A_43 : memref<16xi32, #tpu.memory_space<vmem>>) semaphore(%arg15 : memref<!tpu.dma_semaphore, #tpu.memory_space<semaphore_mem>>)
    %scan3A = arith.constant 0 : i32
    %scan3A_47 = arith.constant 0 : i32
    %scan3A_48 = arith.constant 48 : i32
    %scan3A_49 = arith.addi %scan3A_47, %scan3A_48 : i32
    %scan3A_50 = arith.constant 1 : i32
    %scan3A_51 = scf.for %scan3A_608 = %scan3A_47 to %scan3A_49 step %scan3A_50 iter_args(%scan3A_609 = %scan3A) -> (i32)  : i32 {
      %mul3A_610 = arith.constant 16 : i32
      %mul3A_611 = arith.muli %scan3A_608, %mul3A_610 : i32
      %get3A = arith.constant 0 : i32
      %get3A_612 = arith.index_cast %get3A : i32 to index
      %get3A_613 = arith.index_cast %mul3A_611 : i32 to index
      %get3A_614 = tpu.vector_load %arg9[%get3A_612, %get3A_613] {strides = array<i32>} : memref<16x768xf32, #tpu.memory_space<vmem>>, vector<1x16xf32>,
      %get3A_615 = vector.shape_cast %get3A_614 : vector<1x16xf32> to vector<16xf32>
      %get3A_616 = arith.constant 0 : i32
      %get3A_617 = arith.index_cast %get3A_616 : i32 to index
      %get3A_618 = arith.index_cast %mul3A_611 : i32 to index
      %get3A_619 = tpu.vector_load %arg10[%get3A_617, %get3A_618] {strides = array<i32>} : memref<16x768xf32, #tpu.memory_space<vmem>>, vector<1x16xf32>,
      %get3A_620 = vector.shape_cast %get3A_619 : vector<1x16xf32> to vector<16xf32>
      %add3A_621 = arith.addf %get3A_615, %get3A_620 : vector<16xf32>
      %get3A_622 = arith.constant 0 : i32
      %get3A_623 = arith.index_cast %get3A_622 : i32 to index
      %get3A_624 = arith.index_cast %mul3A_611 : i32 to index
      %get3A_625 = tpu.vector_load %arg11[%get3A_623, %get3A_624] {strides = array<i32>} : memref<16x768xf32, #tpu.memory_space<vmem>>, vector<1x16xf32>,
      %get3A_626 = vector.shape_cast %get3A_625 : vector<1x16xf32> to vector<16xf32>
      %add3A_627 = arith.addf %add3A_621, %get3A_626 : vector<16xf32>
      %swap3A = arith.constant 0 : i32
      %swap3A_628 = arith.index_cast %swap3A : i32 to index
      %swap3A_629 = arith.index_cast %mul3A_611 : i32 to index
      %swap3A_630 = tpu.vector_load %arg9[%swap3A_628, %swap3A_629] {strides = array<i32>} : memref<16x768xf32, #tpu.memory_space<vmem>>, vector<1x16xf32>,
      %swap3A_631 = vector.shape_cast %swap3A_630 : vector<1x16xf32> to vector<16xf32>
      %swap3A_632 = vector.shape_cast %add3A_627 : vector<16xf32> to vector<1x16xf32>
      tpu.vector_store %arg9[%swap3A_628, %swap3A_629], %swap3A_632 {strides = array<i32>} : memref<16x768xf32, #tpu.memory_space<vmem>>, vector<1x16xf32>,
      %scan3A_633 = arith.constant 0 : i32
      scf.yield %scan3A_633 : i32
    }
    %scan3A_52 = arith.constant 48 : i32
    %scan3A_53 = arith.constant 0 : i32
    %scan3A_54 = arith.constant 0 : i32
    %scan3A_55 = arith.constant 48 : i32
    %scan3A_56 = arith.addi %scan3A_54, %scan3A_55 : i32
    %scan3A_57 = arith.constant 1 : i32
    %scan3A_58 = scf.for %scan3A_608 = %scan3A_54 to %scan3A_56 step %scan3A_57 iter_args(%scan3A_609 = %scan3A_53) -> (i32)  : i32 {
      %mul3A_610 = arith.constant 16 : i32
      %mul3A_611 = arith.muli %scan3A_608, %mul3A_610 : i32
      %get3A = arith.constant 1 : i32
      %get3A_612 = arith.index_cast %get3A : i32 to index
      %get3A_613 = arith.index_cast %mul3A_611 : i32 to index
      %get3A_614 = tpu.vector_load %arg9[%get3A_612, %get3A_613] {strides = array<i32>} : memref<16x768xf32, #tpu.memory_space<vmem>>, vector<1x16xf32>,
      %get3A_615 = vector.shape_cast %get3A_614 : vector<1x16xf32> to vector<16xf32>
      %get3A_616 = arith.constant 1 : i32
      %get3A_617 = arith.index_cast %get3A_616 : i32 to index
      %get3A_618 = arith.index_cast %mul3A_611 : i32 to index
      %get3A_619 = tpu.vector_load %arg10[%get3A_617, %get3A_618] {strides = array<i32>} : memref<16x768xf32, #tpu.memory_space<vmem>>, vector<1x16xf32>,
      %get3A_620 = vector.shape_cast %get3A_619 : vector<1x16xf32> to vector<16xf32>
      %add3A_621 = arith.addf %get3A_615, %get3A_620 : vector<16xf32>
      %get3A_622 = arith.constant 1 : i32
      %get3A_623 = arith.index_cast %get3A_622 : i32 to index
      %get3A_624 = arith.index_cast %mul3A_611 : i32 to index
      %get3A_625 = tpu.vector_load %arg11[%get3A_623, %get3A_624] {strides = array<i32>} : memref<16x768xf32, #tpu.memory_space<vmem>>, vector<1x16xf32>,
      %get3A_626 = vector.shape_cast %get3A_625 : vector<1x16xf32> to vector<16xf32>
      %add3A_627 = arith.addf %add3A_621, %get3A_626 : vector<16xf32>
      %swap3A = arith.constant 1 : i32
      %swap3A_628 = arith.index_cast %swap3A : i32 to index
      %swap3A_629 = arith.index_cast %mul3A_611 : i32 to index
      %swap3A_630 = tpu.vector_load %arg9[%swap3A_628, %swap3A_629] {strides = array<i32>} : memref<16x768xf32, #tpu.memory_space<vmem>>, vector<1x16xf32>,
      %swap3A_631 = vector.shape_cast %swap3A_630 : vector<1x16xf32> to vector<16xf32>
      %swap3A_632 = vector.shape_cast %add3A_627 : vector<16xf32> to vector<1x16xf32>
      tpu.vector_store %arg9[%swap3A_628, %swap3A_629], %swap3A_632 {strides = array<i32>} : memref<16x768xf32, #tpu.memory_space<vmem>>, vector<1x16xf32>,
      %scan3A_633 = arith.constant 0 : i32
      scf.yield %scan3A_633 : i32
    }
    %scan3A_59 = arith.constant 48 : i32
    %scan3A_60 = arith.constant 0 : i32
    %scan3A_61 = arith.constant 0 : i32
    %scan3A_62 = arith.constant 48 : i32
    %scan3A_63 = arith.addi %scan3A_61, %scan3A_62 : i32
    %scan3A_64 = arith.constant 1 : i32
    %scan3A_65 = scf.for %scan3A_608 = %scan3A_61 to %scan3A_63 step %scan3A_64 iter_args(%scan3A_609 = %scan3A_60) -> (i32)  : i32 {
      %mul3A_610 = arith.constant 16 : i32
      %mul3A_611 = arith.muli %scan3A_608, %mul3A_610 : i32
      %get3A = arith.constant 2 : i32
      %get3A_612 = arith.index_cast %get3A : i32 to index
      %get3A_613 = arith.index_cast %mul3A_611 : i32 to index
      %get3A_614 = tpu.vector_load %arg9[%get3A_612, %get3A_613] {strides = array<i32>} : memref<16x768xf32, #tpu.memory_space<vmem>>, vector<1x16xf32>,
      %get3A_615 = vector.shape_cast %get3A_614 : vector<1x16xf32> to vector<16xf32>
      %get3A_616 = arith.constant 2 : i32
      %get3A_617 = arith.index_cast %get3A_616 : i32 to index
      %get3A_618 = arith.index_cast %mul3A_611 : i32 to index
      %get3A_619 = tpu.vector_load %arg10[%get3A_617, %get3A_618] {strides = array<i32>} : memref<16x768xf32, #tpu.memory_space<vmem>>, vector<1x16xf32>,
      %get3A_620 = vector.shape_cast %get3A_619 : vector<1x16xf32> to vector<16xf32>
      %add3A_621 = arith.addf %get3A_615, %get3A_620 : vector<16xf32>
      %get3A_622 = arith.constant 2 : i32
      %get3A_623 = arith.index_cast %get3A_622 : i32 to index
      %get3A_624 = arith.index_cast %mul3A_611 : i32 to index
      %get3A_625 = tpu.vector_load %arg11[%get3A_623, %get3A_624] {strides = array<i32>} : memref<16x768xf32, #tpu.memory_space<vmem>>, vector<1x16xf32>,
      %get3A_626 = vector.shape_cast %get3A_625 : vector<1x16xf32> to vector<16xf32>
      %add3A_627 = arith.addf %add3A_621, %get3A_626 : vector<16xf32>
      %swap3A = arith.constant 2 : i32
      %swap3A_628 = arith.index_cast %swap3A : i32 to index
      %swap3A_629 = arith.index_cast %mul3A_611 : i32 to index
      %swap3A_630 = tpu.vector_load %arg9[%swap3A_628, %swap3A_629] {strides = array<i32>} : memref<16x768xf32, #tpu.memory_space<vmem>>, vector<1x16xf32>,
      %swap3A_631 = vector.shape_cast %swap3A_630 : vector<1x16xf32> to vector<16xf32>
      %swap3A_632 = vector.shape_cast %add3A_627 : vector<16xf32> to vector<1x16xf32>
      tpu.vector_store %arg9[%swap3A_628, %swap3A_629], %swap3A_632 {strides = array<i32>} : memref<16x768xf32, #tpu.memory_space<vmem>>, vector<1x16xf32>,
      %scan3A_633 = arith.constant 0 : i32
      scf.yield %scan3A_633 : i32
    }
    %scan3A_66 = arith.constant 48 : i32
    %scan3A_67 = arith.constant 0 : i32
    %scan3A_68 = arith.constant 0 : i32
    %scan3A_69 = arith.constant 48 : i32
    %scan3A_70 = arith.addi %scan3A_68, %scan3A_69 : i32
    %scan3A_71 = arith.constant 1 : i32
    %scan3A_72 = scf.for %scan3A_608 = %scan3A_68 to %scan3A_70 step %scan3A_71 iter_args(%scan3A_609 = %scan3A_67) -> (i32)  : i32 {
      %mul3A_610 = arith.constant 16 : i32
      %mul3A_611 = arith.muli %scan3A_608, %mul3A_610 : i32
      %get3A = arith.constant 3 : i32
      %get3A_612 = arith.index_cast %get3A : i32 to index
      %get3A_613 = arith.index_cast %mul3A_611 : i32 to index
      %get3A_614 = tpu.vector_load %arg9[%get3A_612, %get3A_613] {strides = array<i32>} : memref<16x768xf32, #tpu.memory_space<vmem>>, vector<1x16xf32>,
      %get3A_615 = vector.shape_cast %get3A_614 : vector<1x16xf32> to vector<16xf32>
      %get3A_616 = arith.constant 3 : i32
      %get3A_617 = arith.index_cast %get3A_616 : i32 to index
      %get3A_618 = arith.index_cast %mul3A_611 : i32 to index
      %get3A_619 = tpu.vector_load %arg10[%get3A_617, %get3A_618] {strides = array<i32>} : memref<16x768xf32, #tpu.memory_space<vmem>>, vector<1x16xf32>,
      %get3A_620 = vector.shape_cast %get3A_619 : vector<1x16xf32> to vector<16xf32>
      %add3A_621 = arith.addf %get3A_615, %get3A_620 : vector<16xf32>
      %get3A_622 = arith.constant 3 : i32
      %get3A_623 = arith.index_cast %get3A_622 : i32 to index
      %get3A_624 = arith.index_cast %mul3A_611 : i32 to index
      %get3A_625 = tpu.vector_load %arg11[%get3A_623, %get3A_624] {strides = array<i32>} : memref<16x768xf32, #tpu.memory_space<vmem>>, vector<1x16xf32>,
      %get3A_626 = vector.shape_cast %get3A_625 : vector<1x16xf32> to vector<16xf32>
      %add3A_627 = arith.addf %add3A_621, %get3A_626 : vector<16xf32>
      %swap3A = arith.constant 3 : i32
      %swap3A_628 = arith.index_cast %swap3A : i32 to index
      %swap3A_629 = arith.index_cast %mul3A_611 : i32 to index
      %swap3A_630 = tpu.vector_load %arg9[%swap3A_628, %swap3A_629] {strides = array<i32>} : memref<16x768xf32, #tpu.memory_space<vmem>>, vector<1x16xf32>,
      %swap3A_631 = vector.shape_cast %swap3A_630 : vector<1x16xf32> to vector<16xf32>
      %swap3A_632 = vector.shape_cast %add3A_627 : vector<16xf32> to vector<1x16xf32>
      tpu.vector_store %arg9[%swap3A_628, %swap3A_629], %swap3A_632 {strides = array<i32>} : memref<16x768xf32, #tpu.memory_space<vmem>>, vector<1x16xf32>,
      %scan3A_633 = arith.constant 0 : i32
      scf.yield %scan3A_633 : i32
    }
    %scan3A_73 = arith.constant 48 : i32
    %scan3A_74 = arith.constant 0 : i32
    %scan3A_75 = arith.constant 0 : i32
    %scan3A_76 = arith.constant 48 : i32
    %scan3A_77 = arith.addi %scan3A_75, %scan3A_76 : i32
    %scan3A_78 = arith.constant 1 : i32
    %scan3A_79 = scf.for %scan3A_608 = %scan3A_75 to %scan3A_77 step %scan3A_78 iter_args(%scan3A_609 = %scan3A_74) -> (i32)  : i32 {
      %mul3A_610 = arith.constant 16 : i32
      %mul3A_611 = arith.muli %scan3A_608, %mul3A_610 : i32
      %get3A = arith.constant 4 : i32
      %get3A_612 = arith.index_cast %get3A : i32 to index
      %get3A_613 = arith.index_cast %mul3A_611 : i32 to index
      %get3A_614 = tpu.vector_load %arg9[%get3A_612, %get3A_613] {strides = array<i32>} : memref<16x768xf32, #tpu.memory_space<vmem>>, vector<1x16xf32>,
      %get3A_615 = vector.shape_cast %get3A_614 : vector<1x16xf32> to vector<16xf32>
      %get3A_616 = arith.constant 4 : i32
      %get3A_617 = arith.index_cast %get3A_616 : i32 to index
      %get3A_618 = arith.index_cast %mul3A_611 : i32 to index
      %get3A_619 = tpu.vector_load %arg10[%get3A_617, %get3A_618] {strides = array<i32>} : memref<16x768xf32, #tpu.memory_space<vmem>>, vector<1x16xf32>,
      %get3A_620 = vector.shape_cast %get3A_619 : vector<1x16xf32> to vector<16xf32>
      %add3A_621 = arith.addf %get3A_615, %get3A_620 : vector<16xf32>
      %get3A_622 = arith.constant 4 : i32
      %get3A_623 = arith.index_cast %get3A_622 : i32 to index
      %get3A_624 = arith.index_cast %mul3A_611 : i32 to index
      %get3A_625 = tpu.vector_load %arg11[%get3A_623, %get3A_624] {strides = array<i32>} : memref<16x768xf32, #tpu.memory_space<vmem>>, vector<1x16xf32>,
      %get3A_626 = vector.shape_cast %get3A_625 : vector<1x16xf32> to vector<16xf32>
      %add3A_627 = arith.addf %add3A_621, %get3A_626 : vector<16xf32>
      %swap3A = arith.constant 4 : i32
      %swap3A_628 = arith.index_cast %swap3A : i32 to index
      %swap3A_629 = arith.index_cast %mul3A_611 : i32 to index
      %swap3A_630 = tpu.vector_load %arg9[%swap3A_628, %swap3A_629] {strides = array<i32>} : memref<16x768xf32, #tpu.memory_space<vmem>>, vector<1x16xf32>,
      %swap3A_631 = vector.shape_cast %swap3A_630 : vector<1x16xf32> to vector<16xf32>
      %swap3A_632 = vector.shape_cast %add3A_627 : vector<16xf32> to vector<1x16xf32>
      tpu.vector_store %arg9[%swap3A_628, %swap3A_629], %swap3A_632 {strides = array<i32>} : memref<16x768xf32, #tpu.memory_space<vmem>>, vector<1x16xf32>,
      %scan3A_633 = arith.constant 0 : i32
      scf.yield %scan3A_633 : i32
    }
    %scan3A_80 = arith.constant 48 : i32
    %scan3A_81 = arith.constant 0 : i32
    %scan3A_82 = arith.constant 0 : i32
    %scan3A_83 = arith.constant 48 : i32
    %scan3A_84 = arith.addi %scan3A_82, %scan3A_83 : i32
    %scan3A_85 = arith.constant 1 : i32
    %scan3A_86 = scf.for %scan3A_608 = %scan3A_82 to %scan3A_84 step %scan3A_85 iter_args(%scan3A_609 = %scan3A_81) -> (i32)  : i32 {
      %mul3A_610 = arith.constant 16 : i32
      %mul3A_611 = arith.muli %scan3A_608, %mul3A_610 : i32
      %get3A = arith.constant 5 : i32
      %get3A_612 = arith.index_cast %get3A : i32 to index
      %get3A_613 = arith.index_cast %mul3A_611 : i32 to index
      %get3A_614 = tpu.vector_load %arg9[%get3A_612, %get3A_613] {strides = array<i32>} : memref<16x768xf32, #tpu.memory_space<vmem>>, vector<1x16xf32>,
      %get3A_615 = vector.shape_cast %get3A_614 : vector<1x16xf32> to vector<16xf32>
      %get3A_616 = arith.constant 5 : i32
      %get3A_617 = arith.index_cast %get3A_616 : i32 to index
      %get3A_618 = arith.index_cast %mul3A_611 : i32 to index
      %get3A_619 = tpu.vector_load %arg10[%get3A_617, %get3A_618] {strides = array<i32>} : memref<16x768xf32, #tpu.memory_space<vmem>>, vector<1x16xf32>,
      %get3A_620 = vector.shape_cast %get3A_619 : vector<1x16xf32> to vector<16xf32>
      %add3A_621 = arith.addf %get3A_615, %get3A_620 : vector<16xf32>
      %get3A_622 = arith.constant 5 : i32
      %get3A_623 = arith.index_cast %get3A_622 : i32 to index
      %get3A_624 = arith.index_cast %mul3A_611 : i32 to index
      %get3A_625 = tpu.vector_load %arg11[%get3A_623, %get3A_624] {strides = array<i32>} : memref<16x768xf32, #tpu.memory_space<vmem>>, vector<1x16xf32>,
      %get3A_626 = vector.shape_cast %get3A_625 : vector<1x16xf32> to vector<16xf32>
      %add3A_627 = arith.addf %add3A_621, %get3A_626 : vector<16xf32>
      %swap3A = arith.constant 5 : i32
      %swap3A_628 = arith.index_cast %swap3A : i32 to index
      %swap3A_629 = arith.index_cast %mul3A_611 : i32 to index
      %swap3A_630 = tpu.vector_load %arg9[%swap3A_628, %swap3A_629] {strides = array<i32>} : memref<16x768xf32, #tpu.memory_space<vmem>>, vector<1x16xf32>,
      %swap3A_631 = vector.shape_cast %swap3A_630 : vector<1x16xf32> to vector<16xf32>
      %swap3A_632 = vector.shape_cast %add3A_627 : vector<16xf32> to vector<1x16xf32>
      tpu.vector_store %arg9[%swap3A_628, %swap3A_629], %swap3A_632 {strides = array<i32>} : memref<16x768xf32, #tpu.memory_space<vmem>>, vector<1x16xf32>,
      %scan3A_633 = arith.constant 0 : i32
      scf.yield %scan3A_633 : i32
    }
    %scan3A_87 = arith.constant 48 : i32
    %scan3A_88 = arith.constant 0 : i32
    %scan3A_89 = arith.constant 0 : i32
    %scan3A_90 = arith.constant 48 : i32
    %scan3A_91 = arith.addi %scan3A_89, %scan3A_90 : i32
    %scan3A_92 = arith.constant 1 : i32
    %scan3A_93 = scf.for %scan3A_608 = %scan3A_89 to %scan3A_91 step %scan3A_92 iter_args(%scan3A_609 = %scan3A_88) -> (i32)  : i32 {
      %mul3A_610 = arith.constant 16 : i32
      %mul3A_611 = arith.muli %scan3A_608, %mul3A_610 : i32
      %get3A = arith.constant 6 : i32
      %get3A_612 = arith.index_cast %get3A : i32 to index
      %get3A_613 = arith.index_cast %mul3A_611 : i32 to index
      %get3A_614 = tpu.vector_load %arg9[%get3A_612, %get3A_613] {strides = array<i32>} : memref<16x768xf32, #tpu.memory_space<vmem>>, vector<1x16xf32>,
      %get3A_615 = vector.shape_cast %get3A_614 : vector<1x16xf32> to vector<16xf32>
      %get3A_616 = arith.constant 6 : i32
      %get3A_617 = arith.index_cast %get3A_616 : i32 to index
      %get3A_618 = arith.index_cast %mul3A_611 : i32 to index
      %get3A_619 = tpu.vector_load %arg10[%get3A_617, %get3A_618] {strides = array<i32>} : memref<16x768xf32, #tpu.memory_space<vmem>>, vector<1x16xf32>,
      %get3A_620 = vector.shape_cast %get3A_619 : vector<1x16xf32> to vector<16xf32>
      %add3A_621 = arith.addf %get3A_615, %get3A_620 : vector<16xf32>
      %get3A_622 = arith.constant 6 : i32
      %get3A_623 = arith.index_cast %get3A_622 : i32 to index
      %get3A_624 = arith.index_cast %mul3A_611 : i32 to index
      %get3A_625 = tpu.vector_load %arg11[%get3A_623, %get3A_624] {strides = array<i32>} : memref<16x768xf32, #tpu.memory_space<vmem>>, vector<1x16xf32>,
      %get3A_626 = vector.shape_cast %get3A_625 : vector<1x16xf32> to vector<16xf32>
      %add3A_627 = arith.addf %add3A_621, %get3A_626 : vector<16xf32>
      %swap3A = arith.constant 6 : i32
      %swap3A_628 = arith.index_cast %swap3A : i32 to index
      %swap3A_629 = arith.index_cast %mul3A_611 : i32 to index
      %swap3A_630 = tpu.vector_load %arg9[%swap3A_628, %swap3A_629] {strides = array<i32>} : memref<16x768xf32, #tpu.memory_space<vmem>>, vector<1x16xf32>,
      %swap3A_631 = vector.shape_cast %swap3A_630 : vector<1x16xf32> to vector<16xf32>
      %swap3A_632 = vector.shape_cast %add3A_627 : vector<16xf32> to vector<1x16xf32>
      tpu.vector_store %arg9[%swap3A_628, %swap3A_629], %swap3A_632 {strides = array<i32>} : memref<16x768xf32, #tpu.memory_space<vmem>>, vector<1x16xf32>,
      %scan3A_633 = arith.constant 0 : i32
      scf.yield %scan3A_633 : i32
    }
    %scan3A_94 = arith.constant 48 : i32
    %scan3A_95 = arith.constant 0 : i32
    %scan3A_96 = arith.constant 0 : i32
    %scan3A_97 = arith.constant 48 : i32
    %scan3A_98 = arith.addi %scan3A_96, %scan3A_97 : i32
    %scan3A_99 = arith.constant 1 : i32
    %scan3A_100 = scf.for %scan3A_608 = %scan3A_96 to %scan3A_98 step %scan3A_99 iter_args(%scan3A_609 = %scan3A_95) -> (i32)  : i32 {
      %mul3A_610 = arith.constant 16 : i32
      %mul3A_611 = arith.muli %scan3A_608, %mul3A_610 : i32
      %get3A = arith.constant 7 : i32
      %get3A_612 = arith.index_cast %get3A : i32 to index
      %get3A_613 = arith.index_cast %mul3A_611 : i32 to index
      %get3A_614 = tpu.vector_load %arg9[%get3A_612, %get3A_613] {strides = array<i32>} : memref<16x768xf32, #tpu.memory_space<vmem>>, vector<1x16xf32>,
      %get3A_615 = vector.shape_cast %get3A_614 : vector<1x16xf32> to vector<16xf32>
      %get3A_616 = arith.constant 7 : i32
      %get3A_617 = arith.index_cast %get3A_616 : i32 to index
      %get3A_618 = arith.index_cast %mul3A_611 : i32 to index
      %get3A_619 = tpu.vector_load %arg10[%get3A_617, %get3A_618] {strides = array<i32>} : memref<16x768xf32, #tpu.memory_space<vmem>>, vector<1x16xf32>,
      %get3A_620 = vector.shape_cast %get3A_619 : vector<1x16xf32> to vector<16xf32>
      %add3A_621 = arith.addf %get3A_615, %get3A_620 : vector<16xf32>
      %get3A_622 = arith.constant 7 : i32
      %get3A_623 = arith.index_cast %get3A_622 : i32 to index
      %get3A_624 = arith.index_cast %mul3A_611 : i32 to index
      %get3A_625 = tpu.vector_load %arg11[%get3A_623, %get3A_624] {strides = array<i32>} : memref<16x768xf32, #tpu.memory_space<vmem>>, vector<1x16xf32>,
      %get3A_626 = vector.shape_cast %get3A_625 : vector<1x16xf32> to vector<16xf32>
      %add3A_627 = arith.addf %add3A_621, %get3A_626 : vector<16xf32>
      %swap3A = arith.constant 7 : i32
      %swap3A_628 = arith.index_cast %swap3A : i32 to index
      %swap3A_629 = arith.index_cast %mul3A_611 : i32 to index
      %swap3A_630 = tpu.vector_load %arg9[%swap3A_628, %swap3A_629] {strides = array<i32>} : memref<16x768xf32, #tpu.memory_space<vmem>>, vector<1x16xf32>,
      %swap3A_631 = vector.shape_cast %swap3A_630 : vector<1x16xf32> to vector<16xf32>
      %swap3A_632 = vector.shape_cast %add3A_627 : vector<16xf32> to vector<1x16xf32>
      tpu.vector_store %arg9[%swap3A_628, %swap3A_629], %swap3A_632 {strides = array<i32>} : memref<16x768xf32, #tpu.memory_space<vmem>>, vector<1x16xf32>,
      %scan3A_633 = arith.constant 0 : i32
      scf.yield %scan3A_633 : i32
    }
    %scan3A_101 = arith.constant 48 : i32
    %scan3A_102 = arith.constant 0 : i32
    %scan3A_103 = arith.constant 0 : i32
    %scan3A_104 = arith.constant 48 : i32
    %scan3A_105 = arith.addi %scan3A_103, %scan3A_104 : i32
    %scan3A_106 = arith.constant 1 : i32
    %scan3A_107 = scf.for %scan3A_608 = %scan3A_103 to %scan3A_105 step %scan3A_106 iter_args(%scan3A_609 = %scan3A_102) -> (i32)  : i32 {
      %mul3A_610 = arith.constant 16 : i32
      %mul3A_611 = arith.muli %scan3A_608, %mul3A_610 : i32
      %get3A = arith.constant 8 : i32
      %get3A_612 = arith.index_cast %get3A : i32 to index
      %get3A_613 = arith.index_cast %mul3A_611 : i32 to index
      %get3A_614 = tpu.vector_load %arg9[%get3A_612, %get3A_613] {strides = array<i32>} : memref<16x768xf32, #tpu.memory_space<vmem>>, vector<1x16xf32>,
      %get3A_615 = vector.shape_cast %get3A_614 : vector<1x16xf32> to vector<16xf32>
      %get3A_616 = arith.constant 8 : i32
      %get3A_617 = arith.index_cast %get3A_616 : i32 to index
      %get3A_618 = arith.index_cast %mul3A_611 : i32 to index
      %get3A_619 = tpu.vector_load %arg10[%get3A_617, %get3A_618] {strides = array<i32>} : memref<16x768xf32, #tpu.memory_space<vmem>>, vector<1x16xf32>,
      %get3A_620 = vector.shape_cast %get3A_619 : vector<1x16xf32> to vector<16xf32>
      %add3A_621 = arith.addf %get3A_615, %get3A_620 : vector<16xf32>
      %get3A_622 = arith.constant 8 : i32
      %get3A_623 = arith.index_cast %get3A_622 : i32 to index
      %get3A_624 = arith.index_cast %mul3A_611 : i32 to index
      %get3A_625 = tpu.vector_load %arg11[%get3A_623, %get3A_624] {strides = array<i32>} : memref<16x768xf32, #tpu.memory_space<vmem>>, vector<1x16xf32>,
      %get3A_626 = vector.shape_cast %get3A_625 : vector<1x16xf32> to vector<16xf32>
      %add3A_627 = arith.addf %add3A_621, %get3A_626 : vector<16xf32>
      %swap3A = arith.constant 8 : i32
      %swap3A_628 = arith.index_cast %swap3A : i32 to index
      %swap3A_629 = arith.index_cast %mul3A_611 : i32 to index
      %swap3A_630 = tpu.vector_load %arg9[%swap3A_628, %swap3A_629] {strides = array<i32>} : memref<16x768xf32, #tpu.memory_space<vmem>>, vector<1x16xf32>,
      %swap3A_631 = vector.shape_cast %swap3A_630 : vector<1x16xf32> to vector<16xf32>
      %swap3A_632 = vector.shape_cast %add3A_627 : vector<16xf32> to vector<1x16xf32>
      tpu.vector_store %arg9[%swap3A_628, %swap3A_629], %swap3A_632 {strides = array<i32>} : memref<16x768xf32, #tpu.memory_space<vmem>>, vector<1x16xf32>,
      %scan3A_633 = arith.constant 0 : i32
      scf.yield %scan3A_633 : i32
    }
    %scan3A_108 = arith.constant 48 : i32
    %scan3A_109 = arith.constant 0 : i32
    %scan3A_110 = arith.constant 0 : i32
    %scan3A_111 = arith.constant 48 : i32
    %scan3A_112 = arith.addi %scan3A_110, %scan3A_111 : i32
    %scan3A_113 = arith.constant 1 : i32
    %scan3A_114 = scf.for %scan3A_608 = %scan3A_110 to %scan3A_112 step %scan3A_113 iter_args(%scan3A_609 = %scan3A_109) -> (i32)  : i32 {
      %mul3A_610 = arith.constant 16 : i32
      %mul3A_611 = arith.muli %scan3A_608, %mul3A_610 : i32
      %get3A = arith.constant 9 : i32
      %get3A_612 = arith.index_cast %get3A : i32 to index
      %get3A_613 = arith.index_cast %mul3A_611 : i32 to index
      %get3A_614 = tpu.vector_load %arg9[%get3A_612, %get3A_613] {strides = array<i32>} : memref<16x768xf32, #tpu.memory_space<vmem>>, vector<1x16xf32>,
      %get3A_615 = vector.shape_cast %get3A_614 : vector<1x16xf32> to vector<16xf32>
      %get3A_616 = arith.constant 9 : i32
      %get3A_617 = arith.index_cast %get3A_616 : i32 to index
      %get3A_618 = arith.index_cast %mul3A_611 : i32 to index
      %get3A_619 = tpu.vector_load %arg10[%get3A_617, %get3A_618] {strides = array<i32>} : memref<16x768xf32, #tpu.memory_space<vmem>>, vector<1x16xf32>,
      %get3A_620 = vector.shape_cast %get3A_619 : vector<1x16xf32> to vector<16xf32>
      %add3A_621 = arith.addf %get3A_615, %get3A_620 : vector<16xf32>
      %get3A_622 = arith.constant 9 : i32
      %get3A_623 = arith.index_cast %get3A_622 : i32 to index
      %get3A_624 = arith.index_cast %mul3A_611 : i32 to index
      %get3A_625 = tpu.vector_load %arg11[%get3A_623, %get3A_624] {strides = array<i32>} : memref<16x768xf32, #tpu.memory_space<vmem>>, vector<1x16xf32>,
      %get3A_626 = vector.shape_cast %get3A_625 : vector<1x16xf32> to vector<16xf32>
      %add3A_627 = arith.addf %add3A_621, %get3A_626 : vector<16xf32>
      %swap3A = arith.constant 9 : i32
      %swap3A_628 = arith.index_cast %swap3A : i32 to index
      %swap3A_629 = arith.index_cast %mul3A_611 : i32 to index
      %swap3A_630 = tpu.vector_load %arg9[%swap3A_628, %swap3A_629] {strides = array<i32>} : memref<16x768xf32, #tpu.memory_space<vmem>>, vector<1x16xf32>,
      %swap3A_631 = vector.shape_cast %swap3A_630 : vector<1x16xf32> to vector<16xf32>
      %swap3A_632 = vector.shape_cast %add3A_627 : vector<16xf32> to vector<1x16xf32>
      tpu.vector_store %arg9[%swap3A_628, %swap3A_629], %swap3A_632 {strides = array<i32>} : memref<16x768xf32, #tpu.memory_space<vmem>>, vector<1x16xf32>,
      %scan3A_633 = arith.constant 0 : i32
      scf.yield %scan3A_633 : i32
    }
    %scan3A_115 = arith.constant 48 : i32
    %scan3A_116 = arith.constant 0 : i32
    %scan3A_117 = arith.constant 0 : i32
    %scan3A_118 = arith.constant 48 : i32
    %scan3A_119 = arith.addi %scan3A_117, %scan3A_118 : i32
    %scan3A_120 = arith.constant 1 : i32
    %scan3A_121 = scf.for %scan3A_608 = %scan3A_117 to %scan3A_119 step %scan3A_120 iter_args(%scan3A_609 = %scan3A_116) -> (i32)  : i32 {
      %mul3A_610 = arith.constant 16 : i32
      %mul3A_611 = arith.muli %scan3A_608, %mul3A_610 : i32
      %get3A = arith.constant 10 : i32
      %get3A_612 = arith.index_cast %get3A : i32 to index
      %get3A_613 = arith.index_cast %mul3A_611 : i32 to index
      %get3A_614 = tpu.vector_load %arg9[%get3A_612, %get3A_613] {strides = array<i32>} : memref<16x768xf32, #tpu.memory_space<vmem>>, vector<1x16xf32>,
      %get3A_615 = vector.shape_cast %get3A_614 : vector<1x16xf32> to vector<16xf32>
      %get3A_616 = arith.constant 10 : i32
      %get3A_617 = arith.index_cast %get3A_616 : i32 to index
      %get3A_618 = arith.index_cast %mul3A_611 : i32 to index
      %get3A_619 = tpu.vector_load %arg10[%get3A_617, %get3A_618] {strides = array<i32>} : memref<16x768xf32, #tpu.memory_space<vmem>>, vector<1x16xf32>,
      %get3A_620 = vector.shape_cast %get3A_619 : vector<1x16xf32> to vector<16xf32>
      %add3A_621 = arith.addf %get3A_615, %get3A_620 : vector<16xf32>
      %get3A_622 = arith.constant 10 : i32
      %get3A_623 = arith.index_cast %get3A_622 : i32 to index
      %get3A_624 = arith.index_cast %mul3A_611 : i32 to index
      %get3A_625 = tpu.vector_load %arg11[%get3A_623, %get3A_624] {strides = array<i32>} : memref<16x768xf32, #tpu.memory_space<vmem>>, vector<1x16xf32>,
      %get3A_626 = vector.shape_cast %get3A_625 : vector<1x16xf32> to vector<16xf32>
      %add3A_627 = arith.addf %add3A_621, %get3A_626 : vector<16xf32>
      %swap3A = arith.constant 10 : i32
      %swap3A_628 = arith.index_cast %swap3A : i32 to index
      %swap3A_629 = arith.index_cast %mul3A_611 : i32 to index
      %swap3A_630 = tpu.vector_load %arg9[%swap3A_628, %swap3A_629] {strides = array<i32>} : memref<16x768xf32, #tpu.memory_space<vmem>>, vector<1x16xf32>,
      %swap3A_631 = vector.shape_cast %swap3A_630 : vector<1x16xf32> to vector<16xf32>
      %swap3A_632 = vector.shape_cast %add3A_627 : vector<16xf32> to vector<1x16xf32>
      tpu.vector_store %arg9[%swap3A_628, %swap3A_629], %swap3A_632 {strides = array<i32>} : memref<16x768xf32, #tpu.memory_space<vmem>>, vector<1x16xf32>,
      %scan3A_633 = arith.constant 0 : i32
      scf.yield %scan3A_633 : i32
    }
    %scan3A_122 = arith.constant 48 : i32
    %scan3A_123 = arith.constant 0 : i32
    %scan3A_124 = arith.constant 0 : i32
    %scan3A_125 = arith.constant 48 : i32
    %scan3A_126 = arith.addi %scan3A_124, %scan3A_125 : i32
    %scan3A_127 = arith.constant 1 : i32
    %scan3A_128 = scf.for %scan3A_608 = %scan3A_124 to %scan3A_126 step %scan3A_127 iter_args(%scan3A_609 = %scan3A_123) -> (i32)  : i32 {
      %mul3A_610 = arith.constant 16 : i32
      %mul3A_611 = arith.muli %scan3A_608, %mul3A_610 : i32
      %get3A = arith.constant 11 : i32
      %get3A_612 = arith.index_cast %get3A : i32 to index
      %get3A_613 = arith.index_cast %mul3A_611 : i32 to index
      %get3A_614 = tpu.vector_load %arg9[%get3A_612, %get3A_613] {strides = array<i32>} : memref<16x768xf32, #tpu.memory_space<vmem>>, vector<1x16xf32>,
      %get3A_615 = vector.shape_cast %get3A_614 : vector<1x16xf32> to vector<16xf32>
      %get3A_616 = arith.constant 11 : i32
      %get3A_617 = arith.index_cast %get3A_616 : i32 to index
      %get3A_618 = arith.index_cast %mul3A_611 : i32 to index
      %get3A_619 = tpu.vector_load %arg10[%get3A_617, %get3A_618] {strides = array<i32>} : memref<16x768xf32, #tpu.memory_space<vmem>>, vector<1x16xf32>,
      %get3A_620 = vector.shape_cast %get3A_619 : vector<1x16xf32> to vector<16xf32>
      %add3A_621 = arith.addf %get3A_615, %get3A_620 : vector<16xf32>
      %get3A_622 = arith.constant 11 : i32
      %get3A_623 = arith.index_cast %get3A_622 : i32 to index
      %get3A_624 = arith.index_cast %mul3A_611 : i32 to index
      %get3A_625 = tpu.vector_load %arg11[%get3A_623, %get3A_624] {strides = array<i32>} : memref<16x768xf32, #tpu.memory_space<vmem>>, vector<1x16xf32>,
      %get3A_626 = vector.shape_cast %get3A_625 : vector<1x16xf32> to vector<16xf32>
      %add3A_627 = arith.addf %add3A_621, %get3A_626 : vector<16xf32>
      %swap3A = arith.constant 11 : i32
      %swap3A_628 = arith.index_cast %swap3A : i32 to index
      %swap3A_629 = arith.index_cast %mul3A_611 : i32 to index
      %swap3A_630 = tpu.vector_load %arg9[%swap3A_628, %swap3A_629] {strides = array<i32>} : memref<16x768xf32, #tpu.memory_space<vmem>>, vector<1x16xf32>,
      %swap3A_631 = vector.shape_cast %swap3A_630 : vector<1x16xf32> to vector<16xf32>
      %swap3A_632 = vector.shape_cast %add3A_627 : vector<16xf32> to vector<1x16xf32>
      tpu.vector_store %arg9[%swap3A_628, %swap3A_629], %swap3A_632 {strides = array<i32>} : memref<16x768xf32, #tpu.memory_space<vmem>>, vector<1x16xf32>,
      %scan3A_633 = arith.constant 0 : i32
      scf.yield %scan3A_633 : i32
    }
    %scan3A_129 = arith.constant 48 : i32
    %scan3A_130 = arith.constant 0 : i32
    %scan3A_131 = arith.constant 0 : i32
    %scan3A_132 = arith.constant 48 : i32
    %scan3A_133 = arith.addi %scan3A_131, %scan3A_132 : i32
    %scan3A_134 = arith.constant 1 : i32
    %scan3A_135 = scf.for %scan3A_608 = %scan3A_131 to %scan3A_133 step %scan3A_134 iter_args(%scan3A_609 = %scan3A_130) -> (i32)  : i32 {
      %mul3A_610 = arith.constant 16 : i32
      %mul3A_611 = arith.muli %scan3A_608, %mul3A_610 : i32
      %get3A = arith.constant 12 : i32
      %get3A_612 = arith.index_cast %get3A : i32 to index
      %get3A_613 = arith.index_cast %mul3A_611 : i32 to index
      %get3A_614 = tpu.vector_load %arg9[%get3A_612, %get3A_613] {strides = array<i32>} : memref<16x768xf32, #tpu.memory_space<vmem>>, vector<1x16xf32>,
      %get3A_615 = vector.shape_cast %get3A_614 : vector<1x16xf32> to vector<16xf32>
      %get3A_616 = arith.constant 12 : i32
      %get3A_617 = arith.index_cast %get3A_616 : i32 to index
      %get3A_618 = arith.index_cast %mul3A_611 : i32 to index
      %get3A_619 = tpu.vector_load %arg10[%get3A_617, %get3A_618] {strides = array<i32>} : memref<16x768xf32, #tpu.memory_space<vmem>>, vector<1x16xf32>,
      %get3A_620 = vector.shape_cast %get3A_619 : vector<1x16xf32> to vector<16xf32>
      %add3A_621 = arith.addf %get3A_615, %get3A_620 : vector<16xf32>
      %get3A_622 = arith.constant 12 : i32
      %get3A_623 = arith.index_cast %get3A_622 : i32 to index
      %get3A_624 = arith.index_cast %mul3A_611 : i32 to index
      %get3A_625 = tpu.vector_load %arg11[%get3A_623, %get3A_624] {strides = array<i32>} : memref<16x768xf32, #tpu.memory_space<vmem>>, vector<1x16xf32>,
      %get3A_626 = vector.shape_cast %get3A_625 : vector<1x16xf32> to vector<16xf32>
      %add3A_627 = arith.addf %add3A_621, %get3A_626 : vector<16xf32>
      %swap3A = arith.constant 12 : i32
      %swap3A_628 = arith.index_cast %swap3A : i32 to index
      %swap3A_629 = arith.index_cast %mul3A_611 : i32 to index
      %swap3A_630 = tpu.vector_load %arg9[%swap3A_628, %swap3A_629] {strides = array<i32>} : memref<16x768xf32, #tpu.memory_space<vmem>>, vector<1x16xf32>,
      %swap3A_631 = vector.shape_cast %swap3A_630 : vector<1x16xf32> to vector<16xf32>
      %swap3A_632 = vector.shape_cast %add3A_627 : vector<16xf32> to vector<1x16xf32>
      tpu.vector_store %arg9[%swap3A_628, %swap3A_629], %swap3A_632 {strides = array<i32>} : memref<16x768xf32, #tpu.memory_space<vmem>>, vector<1x16xf32>,
      %scan3A_633 = arith.constant 0 : i32
      scf.yield %scan3A_633 : i32
    }
    %scan3A_136 = arith.constant 48 : i32
    %scan3A_137 = arith.constant 0 : i32
    %scan3A_138 = arith.constant 0 : i32
    %scan3A_139 = arith.constant 48 : i32
    %scan3A_140 = arith.addi %scan3A_138, %scan3A_139 : i32
    %scan3A_141 = arith.constant 1 : i32
    %scan3A_142 = scf.for %scan3A_608 = %scan3A_138 to %scan3A_140 step %scan3A_141 iter_args(%scan3A_609 = %scan3A_137) -> (i32)  : i32 {
      %mul3A_610 = arith.constant 16 : i32
      %mul3A_611 = arith.muli %scan3A_608, %mul3A_610 : i32
      %get3A = arith.constant 13 : i32
      %get3A_612 = arith.index_cast %get3A : i32 to index
      %get3A_613 = arith.index_cast %mul3A_611 : i32 to index
      %get3A_614 = tpu.vector_load %arg9[%get3A_612, %get3A_613] {strides = array<i32>} : memref<16x768xf32, #tpu.memory_space<vmem>>, vector<1x16xf32>,
      %get3A_615 = vector.shape_cast %get3A_614 : vector<1x16xf32> to vector<16xf32>
      %get3A_616 = arith.constant 13 : i32
      %get3A_617 = arith.index_cast %get3A_616 : i32 to index
      %get3A_618 = arith.index_cast %mul3A_611 : i32 to index
      %get3A_619 = tpu.vector_load %arg10[%get3A_617, %get3A_618] {strides = array<i32>} : memref<16x768xf32, #tpu.memory_space<vmem>>, vector<1x16xf32>,
      %get3A_620 = vector.shape_cast %get3A_619 : vector<1x16xf32> to vector<16xf32>
      %add3A_621 = arith.addf %get3A_615, %get3A_620 : vector<16xf32>
      %get3A_622 = arith.constant 13 : i32
      %get3A_623 = arith.index_cast %get3A_622 : i32 to index
      %get3A_624 = arith.index_cast %mul3A_611 : i32 to index
      %get3A_625 = tpu.vector_load %arg11[%get3A_623, %get3A_624] {strides = array<i32>} : memref<16x768xf32, #tpu.memory_space<vmem>>, vector<1x16xf32>,
      %get3A_626 = vector.shape_cast %get3A_625 : vector<1x16xf32> to vector<16xf32>
      %add3A_627 = arith.addf %add3A_621, %get3A_626 : vector<16xf32>
      %swap3A = arith.constant 13 : i32
      %swap3A_628 = arith.index_cast %swap3A : i32 to index
      %swap3A_629 = arith.index_cast %mul3A_611 : i32 to index
      %swap3A_630 = tpu.vector_load %arg9[%swap3A_628, %swap3A_629] {strides = array<i32>} : memref<16x768xf32, #tpu.memory_space<vmem>>, vector<1x16xf32>,
      %swap3A_631 = vector.shape_cast %swap3A_630 : vector<1x16xf32> to vector<16xf32>
      %swap3A_632 = vector.shape_cast %add3A_627 : vector<16xf32> to vector<1x16xf32>
      tpu.vector_store %arg9[%swap3A_628, %swap3A_629], %swap3A_632 {strides = array<i32>} : memref<16x768xf32, #tpu.memory_space<vmem>>, vector<1x16xf32>,
      %scan3A_633 = arith.constant 0 : i32
      scf.yield %scan3A_633 : i32
    }
    %scan3A_143 = arith.constant 48 : i32
    %scan3A_144 = arith.constant 0 : i32
    %scan3A_145 = arith.constant 0 : i32
    %scan3A_146 = arith.constant 48 : i32
    %scan3A_147 = arith.addi %scan3A_145, %scan3A_146 : i32
    %scan3A_148 = arith.constant 1 : i32
    %scan3A_149 = scf.for %scan3A_608 = %scan3A_145 to %scan3A_147 step %scan3A_148 iter_args(%scan3A_609 = %scan3A_144) -> (i32)  : i32 {
      %mul3A_610 = arith.constant 16 : i32
      %mul3A_611 = arith.muli %scan3A_608, %mul3A_610 : i32
      %get3A = arith.constant 14 : i32
      %get3A_612 = arith.index_cast %get3A : i32 to index
      %get3A_613 = arith.index_cast %mul3A_611 : i32 to index
      %get3A_614 = tpu.vector_load %arg9[%get3A_612, %get3A_613] {strides = array<i32>} : memref<16x768xf32, #tpu.memory_space<vmem>>, vector<1x16xf32>,
      %get3A_615 = vector.shape_cast %get3A_614 : vector<1x16xf32> to vector<16xf32>
      %get3A_616 = arith.constant 14 : i32
      %get3A_617 = arith.index_cast %get3A_616 : i32 to index
      %get3A_618 = arith.index_cast %mul3A_611 : i32 to index
      %get3A_619 = tpu.vector_load %arg10[%get3A_617, %get3A_618] {strides = array<i32>} : memref<16x768xf32, #tpu.memory_space<vmem>>, vector<1x16xf32>,
      %get3A_620 = vector.shape_cast %get3A_619 : vector<1x16xf32> to vector<16xf32>
      %add3A_621 = arith.addf %get3A_615, %get3A_620 : vector<16xf32>
      %get3A_622 = arith.constant 14 : i32
      %get3A_623 = arith.index_cast %get3A_622 : i32 to index
      %get3A_624 = arith.index_cast %mul3A_611 : i32 to index
      %get3A_625 = tpu.vector_load %arg11[%get3A_623, %get3A_624] {strides = array<i32>} : memref<16x768xf32, #tpu.memory_space<vmem>>, vector<1x16xf32>,
      %get3A_626 = vector.shape_cast %get3A_625 : vector<1x16xf32> to vector<16xf32>
      %add3A_627 = arith.addf %add3A_621, %get3A_626 : vector<16xf32>
      %swap3A = arith.constant 14 : i32
      %swap3A_628 = arith.index_cast %swap3A : i32 to index
      %swap3A_629 = arith.index_cast %mul3A_611 : i32 to index
      %swap3A_630 = tpu.vector_load %arg9[%swap3A_628, %swap3A_629] {strides = array<i32>} : memref<16x768xf32, #tpu.memory_space<vmem>>, vector<1x16xf32>,
      %swap3A_631 = vector.shape_cast %swap3A_630 : vector<1x16xf32> to vector<16xf32>
      %swap3A_632 = vector.shape_cast %add3A_627 : vector<16xf32> to vector<1x16xf32>
      tpu.vector_store %arg9[%swap3A_628, %swap3A_629], %swap3A_632 {strides = array<i32>} : memref<16x768xf32, #tpu.memory_space<vmem>>, vector<1x16xf32>,
      %scan3A_633 = arith.constant 0 : i32
      scf.yield %scan3A_633 : i32
    }
    %scan3A_150 = arith.constant 48 : i32
    %scan3A_151 = arith.constant 0 : i32
    %scan3A_152 = arith.constant 0 : i32
    %scan3A_153 = arith.constant 48 : i32
    %scan3A_154 = arith.addi %scan3A_152, %scan3A_153 : i32
    %scan3A_155 = arith.constant 1 : i32
    %scan3A_156 = scf.for %scan3A_608 = %scan3A_152 to %scan3A_154 step %scan3A_155 iter_args(%scan3A_609 = %scan3A_151) -> (i32)  : i32 {
      %mul3A_610 = arith.constant 16 : i32
      %mul3A_611 = arith.muli %scan3A_608, %mul3A_610 : i32
      %get3A = arith.constant 15 : i32
      %get3A_612 = arith.index_cast %get3A : i32 to index
      %get3A_613 = arith.index_cast %mul3A_611 : i32 to index
      %get3A_614 = tpu.vector_load %arg9[%get3A_612, %get3A_613] {strides = array<i32>} : memref<16x768xf32, #tpu.memory_space<vmem>>, vector<1x16xf32>,
      %get3A_615 = vector.shape_cast %get3A_614 : vector<1x16xf32> to vector<16xf32>
      %get3A_616 = arith.constant 15 : i32
      %get3A_617 = arith.index_cast %get3A_616 : i32 to index
      %get3A_618 = arith.index_cast %mul3A_611 : i32 to index
      %get3A_619 = tpu.vector_load %arg10[%get3A_617, %get3A_618] {strides = array<i32>} : memref<16x768xf32, #tpu.memory_space<vmem>>, vector<1x16xf32>,
      %get3A_620 = vector.shape_cast %get3A_619 : vector<1x16xf32> to vector<16xf32>
      %add3A_621 = arith.addf %get3A_615, %get3A_620 : vector<16xf32>
      %get3A_622 = arith.constant 15 : i32
      %get3A_623 = arith.index_cast %get3A_622 : i32 to index
      %get3A_624 = arith.index_cast %mul3A_611 : i32 to index
      %get3A_625 = tpu.vector_load %arg11[%get3A_623, %get3A_624] {strides = array<i32>} : memref<16x768xf32, #tpu.memory_space<vmem>>, vector<1x16xf32>,
      %get3A_626 = vector.shape_cast %get3A_625 : vector<1x16xf32> to vector<16xf32>
      %add3A_627 = arith.addf %add3A_621, %get3A_626 : vector<16xf32>
      %swap3A = arith.constant 15 : i32
      %swap3A_628 = arith.index_cast %swap3A : i32 to index
      %swap3A_629 = arith.index_cast %mul3A_611 : i32 to index
      %swap3A_630 = tpu.vector_load %arg9[%swap3A_628, %swap3A_629] {strides = array<i32>} : memref<16x768xf32, #tpu.memory_space<vmem>>, vector<1x16xf32>,
      %swap3A_631 = vector.shape_cast %swap3A_630 : vector<1x16xf32> to vector<16xf32>
      %swap3A_632 = vector.shape_cast %add3A_627 : vector<16xf32> to vector<1x16xf32>
      tpu.vector_store %arg9[%swap3A_628, %swap3A_629], %swap3A_632 {strides = array<i32>} : memref<16x768xf32, #tpu.memory_space<vmem>>, vector<1x16xf32>,
      %scan3A_633 = arith.constant 0 : i32
      scf.yield %scan3A_633 : i32
    }
    %scan3A_157 = arith.constant 48 : i32
    %add3A_158 = arith.constant 0 : i32
    %add3A_159 = arith.addi %mul3A_2, %add3A_158 : i32
    %dma_start3A_160 = arith.constant 0 : i32
    %dma_start3A_161 = tpu.memref_slice %arg6[%add3A_159, %dma_start3A_160] : memref<2048x768xf32, #tpu.memory_space<hbm>> -> memref<16x768xf32, #tpu.memory_space<hbm>>
    %dma_start3A_162 = arith.constant 0 : i32
    %dma_start3A_163 = tpu.memref_slice %arg6[%add3A_159, %dma_start3A_162] : memref<2048x768xf32, #tpu.memory_space<hbm>> -> memref<16x768xf32, #tpu.memory_space<hbm>>
    tpu.enqueue_dma source(%arg9 : memref<16x768xf32, #tpu.memory_space<vmem>>) target(%dma_start3A_163 : memref<16x768xf32, #tpu.memory_space<hbm>>) target_semaphore(%arg16 : memref<!tpu.dma_semaphore, #tpu.memory_space<semaphore_mem>>)
    %dma_wait3A_164 = arith.constant 0 : i32
    %dma_wait3A_165 = tpu.memref_slice %arg2[%add3A_32, %dma_wait3A_164] : memref<2048x768xf32, #tpu.memory_space<hbm>> -> memref<16x768xf32, #tpu.memory_space<hbm>>
    %dma_wait3A_166 = arith.constant 0 : i32
    %dma_wait3A_167 = tpu.memref_slice %arg2[%add3A_32, %dma_wait3A_166] : memref<2048x768xf32, #tpu.memory_space<hbm>> -> memref<16x768xf32, #tpu.memory_space<hbm>>
    tpu.wait_dma2 semaphore(%arg15 : memref<!tpu.dma_semaphore, #tpu.memory_space<semaphore_mem>>) src(%dma_wait3A_167 : memref<16x768xf32, #tpu.memory_space<hbm>>) dst(%arg12 : memref<16x768xf32, #tpu.memory_space<vmem>>)
    %dma_wait3A_168 = arith.constant 16 : i32
    %dma_wait3A_169 = tpu.memref_slice %arg7[%dma_wait3A_168] : memref<64xi32, #tpu.memory_space<vmem>> -> memref<16xi32, #tpu.memory_space<vmem>>
    %dma_wait3A_170 = arith.constant 0 : i32
    %dma_wait3A_171 = arith.constant 0 : i32
    %dma_wait3A_172 = tpu.memref_slice %arg3[%dma_wait3A_170, %dma_wait3A_171] : memref<6144x768xf32, #tpu.memory_space<hbm>> -> memref<6144x768xf32, #tpu.memory_space<hbm>>
    tpu.wait_indirect_dma semaphore(%arg15 : memref<!tpu.dma_semaphore, #tpu.memory_space<semaphore_mem>>) src(%dma_wait3A_172 : memref<6144x768xf32, #tpu.memory_space<hbm>>) dst(%arg13 : memref<16x768xf32, #tpu.memory_space<vmem>>)
    %dma_wait3A_173 = arith.constant 16 : i32
    %dma_wait3A_174 = tpu.memref_slice %arg8[%dma_wait3A_173] : memref<64xi32, #tpu.memory_space<vmem>> -> memref<16xi32, #tpu.memory_space<vmem>>
    %dma_wait3A_175 = arith.constant 0 : i32
    %dma_wait3A_176 = arith.constant 0 : i32
    %dma_wait3A_177 = tpu.memref_slice %arg3[%dma_wait3A_175, %dma_wait3A_176] : memref<6144x768xf32, #tpu.memory_space<hbm>> -> memref<6144x768xf32, #tpu.memory_space<hbm>>
    tpu.wait_indirect_dma semaphore(%arg15 : memref<!tpu.dma_semaphore, #tpu.memory_space<semaphore_mem>>) src(%dma_wait3A_177 : memref<6144x768xf32, #tpu.memory_space<hbm>>) dst(%arg14 : memref<16x768xf32, #tpu.memory_space<vmem>>)
    %dma_wait3A_178 = arith.constant 0 : i32
    %dma_wait3A_179 = tpu.memref_slice %arg6[%add3A_159, %dma_wait3A_178] : memref<2048x768xf32, #tpu.memory_space<hbm>> -> memref<16x768xf32, #tpu.memory_space<hbm>>
    %dma_wait3A_180 = arith.constant 0 : i32
    %dma_wait3A_181 = tpu.memref_slice %arg6[%add3A_159, %dma_wait3A_180] : memref<2048x768xf32, #tpu.memory_space<hbm>> -> memref<16x768xf32, #tpu.memory_space<hbm>>
    tpu.wait_dma2 semaphore(%arg16 : memref<!tpu.dma_semaphore, #tpu.memory_space<semaphore_mem>>) src(%arg9 : memref<16x768xf32, #tpu.memory_space<vmem>>) dst(%dma_wait3A_181 : memref<16x768xf32, #tpu.memory_space<hbm>>)
    %add3A_182 = arith.constant 32 : i32
    %add3A_183 = arith.addi %mul3A_2, %add3A_182 : i32
    %dma_start3A_184 = arith.constant 0 : i32
    %dma_start3A_185 = tpu.memref_slice %arg2[%add3A_183, %dma_start3A_184] : memref<2048x768xf32, #tpu.memory_space<hbm>> -> memref<16x768xf32, #tpu.memory_space<hbm>>
    %dma_start3A_186 = arith.constant 0 : i32
    %dma_start3A_187 = tpu.memref_slice %arg2[%add3A_183, %dma_start3A_186] : memref<2048x768xf32, #tpu.memory_space<hbm>> -> memref<16x768xf32, #tpu.memory_space<hbm>>
    tpu.enqueue_dma source(%dma_start3A_187 : memref<16x768xf32, #tpu.memory_space<hbm>>) target(%arg9 : memref<16x768xf32, #tpu.memory_space<vmem>>) target_semaphore(%arg15 : memref<!tpu.dma_semaphore, #tpu.memory_space<semaphore_mem>>)
    %dma_start3A_188 = arith.constant 32 : i32
    %dma_start3A_189 = tpu.memref_slice %arg7[%dma_start3A_188] : memref<64xi32, #tpu.memory_space<vmem>> -> memref<16xi32, #tpu.memory_space<vmem>>
    %dma_start3A_190 = arith.constant 0 : i32
    %dma_start3A_191 = arith.constant 0 : i32
    %dma_start3A_192 = tpu.memref_slice %arg3[%dma_start3A_190, %dma_start3A_191] : memref<6144x768xf32, #tpu.memory_space<hbm>> -> memref<6144x768xf32, #tpu.memory_space<hbm>>
    tpu.enqueue_indirect_dma source(%dma_start3A_192 : memref<6144x768xf32, #tpu.memory_space<hbm>>) target(%arg10 : memref<16x768xf32, #tpu.memory_space<vmem>>) offsets(%dma_start3A_189 : memref<16xi32, #tpu.memory_space<vmem>>) semaphore(%arg15 : memref<!tpu.dma_semaphore, #tpu.memory_space<semaphore_mem>>)
    %dma_start3A_193 = arith.constant 32 : i32
    %dma_start3A_194 = tpu.memref_slice %arg8[%dma_start3A_193] : memref<64xi32, #tpu.memory_space<vmem>> -> memref<16xi32, #tpu.memory_space<vmem>>
    %dma_start3A_195 = arith.constant 0 : i32
    %dma_start3A_196 = arith.constant 0 : i32
    %dma_start3A_197 = tpu.memref_slice %arg3[%dma_start3A_195, %dma_start3A_196] : memref<6144x768xf32, #tpu.memory_space<hbm>> -> memref<6144x768xf32, #tpu.memory_space<hbm>>
    tpu.enqueue_indirect_dma source(%dma_start3A_197 : memref<6144x768xf32, #tpu.memory_space<hbm>>) target(%arg11 : memref<16x768xf32, #tpu.memory_space<vmem>>) offsets(%dma_start3A_194 : memref<16xi32, #tpu.memory_space<vmem>>) semaphore(%arg15 : memref<!tpu.dma_semaphore, #tpu.memory_space<semaphore_mem>>)
    %scan3A_198 = arith.constant 0 : i32
    %scan3A_199 = arith.constant 0 : i32
    %scan3A_200 = arith.constant 48 : i32
    %scan3A_201 = arith.addi %scan3A_199, %scan3A_200 : i32
    %scan3A_202 = arith.constant 1 : i32
    %scan3A_203 = scf.for %scan3A_608 = %scan3A_199 to %scan3A_201 step %scan3A_202 iter_args(%scan3A_609 = %scan3A_198) -> (i32)  : i32 {
      %mul3A_610 = arith.constant 16 : i32
      %mul3A_611 = arith.muli %scan3A_608, %mul3A_610 : i32
      %get3A = arith.constant 0 : i32
      %get3A_612 = arith.index_cast %get3A : i32 to index
      %get3A_613 = arith.index_cast %mul3A_611 : i32 to index
      %get3A_614 = tpu.vector_load %arg12[%get3A_612, %get3A_613] {strides = array<i32>} : memref<16x768xf32, #tpu.memory_space<vmem>>, vector<1x16xf32>,
      %get3A_615 = vector.shape_cast %get3A_614 : vector<1x16xf32> to vector<16xf32>
      %get3A_616 = arith.constant 0 : i32
      %get3A_617 = arith.index_cast %get3A_616 : i32 to index
      %get3A_618 = arith.index_cast %mul3A_611 : i32 to index
      %get3A_619 = tpu.vector_load %arg13[%get3A_617, %get3A_618] {strides = array<i32>} : memref<16x768xf32, #tpu.memory_space<vmem>>, vector<1x16xf32>,
      %get3A_620 = vector.shape_cast %get3A_619 : vector<1x16xf32> to vector<16xf32>
      %add3A_621 = arith.addf %get3A_615, %get3A_620 : vector<16xf32>
      %get3A_622 = arith.constant 0 : i32
      %get3A_623 = arith.index_cast %get3A_622 : i32 to index
      %get3A_624 = arith.index_cast %mul3A_611 : i32 to index
      %get3A_625 = tpu.vector_load %arg14[%get3A_623, %get3A_624] {strides = array<i32>} : memref<16x768xf32, #tpu.memory_space<vmem>>, vector<1x16xf32>,
      %get3A_626 = vector.shape_cast %get3A_625 : vector<1x16xf32> to vector<16xf32>
      %add3A_627 = arith.addf %add3A_621, %get3A_626 : vector<16xf32>
      %swap3A = arith.constant 0 : i32
      %swap3A_628 = arith.index_cast %swap3A : i32 to index
      %swap3A_629 = arith.index_cast %mul3A_611 : i32 to index
      %swap3A_630 = tpu.vector_load %arg12[%swap3A_628, %swap3A_629] {strides = array<i32>} : memref<16x768xf32, #tpu.memory_space<vmem>>, vector<1x16xf32>,
      %swap3A_631 = vector.shape_cast %swap3A_630 : vector<1x16xf32> to vector<16xf32>
      %swap3A_632 = vector.shape_cast %add3A_627 : vector<16xf32> to vector<1x16xf32>
      tpu.vector_store %arg12[%swap3A_628, %swap3A_629], %swap3A_632 {strides = array<i32>} : memref<16x768xf32, #tpu.memory_space<vmem>>, vector<1x16xf32>,
      %scan3A_633 = arith.constant 0 : i32
      scf.yield %scan3A_633 : i32
    }
    %scan3A_204 = arith.constant 48 : i32
    %scan3A_205 = arith.constant 0 : i32
    %scan3A_206 = arith.constant 0 : i32
    %scan3A_207 = arith.constant 48 : i32
    %scan3A_208 = arith.addi %scan3A_206, %scan3A_207 : i32
    %scan3A_209 = arith.constant 1 : i32
    %scan3A_210 = scf.for %scan3A_608 = %scan3A_206 to %scan3A_208 step %scan3A_209 iter_args(%scan3A_609 = %scan3A_205) -> (i32)  : i32 {
      %mul3A_610 = arith.constant 16 : i32
      %mul3A_611 = arith.muli %scan3A_608, %mul3A_610 : i32
      %get3A = arith.constant 1 : i32
      %get3A_612 = arith.index_cast %get3A : i32 to index
      %get3A_613 = arith.index_cast %mul3A_611 : i32 to index
      %get3A_614 = tpu.vector_load %arg12[%get3A_612, %get3A_613] {strides = array<i32>} : memref<16x768xf32, #tpu.memory_space<vmem>>, vector<1x16xf32>,
      %get3A_615 = vector.shape_cast %get3A_614 : vector<1x16xf32> to vector<16xf32>
      %get3A_616 = arith.constant 1 : i32
      %get3A_617 = arith.index_cast %get3A_616 : i32 to index
      %get3A_618 = arith.index_cast %mul3A_611 : i32 to index
      %get3A_619 = tpu.vector_load %arg13[%get3A_617, %get3A_618] {strides = array<i32>} : memref<16x768xf32, #tpu.memory_space<vmem>>, vector<1x16xf32>,
      %get3A_620 = vector.shape_cast %get3A_619 : vector<1x16xf32> to vector<16xf32>
      %add3A_621 = arith.addf %get3A_615, %get3A_620 : vector<16xf32>
      %get3A_622 = arith.constant 1 : i32
      %get3A_623 = arith.index_cast %get3A_622 : i32 to index
      %get3A_624 = arith.index_cast %mul3A_611 : i32 to index
      %get3A_625 = tpu.vector_load %arg14[%get3A_623, %get3A_624] {strides = array<i32>} : memref<16x768xf32, #tpu.memory_space<vmem>>, vector<1x16xf32>,
      %get3A_626 = vector.shape_cast %get3A_625 : vector<1x16xf32> to vector<16xf32>
      %add3A_627 = arith.addf %add3A_621, %get3A_626 : vector<16xf32>
      %swap3A = arith.constant 1 : i32
      %swap3A_628 = arith.index_cast %swap3A : i32 to index
      %swap3A_629 = arith.index_cast %mul3A_611 : i32 to index
      %swap3A_630 = tpu.vector_load %arg12[%swap3A_628, %swap3A_629] {strides = array<i32>} : memref<16x768xf32, #tpu.memory_space<vmem>>, vector<1x16xf32>,
      %swap3A_631 = vector.shape_cast %swap3A_630 : vector<1x16xf32> to vector<16xf32>
      %swap3A_632 = vector.shape_cast %add3A_627 : vector<16xf32> to vector<1x16xf32>
      tpu.vector_store %arg12[%swap3A_628, %swap3A_629], %swap3A_632 {strides = array<i32>} : memref<16x768xf32, #tpu.memory_space<vmem>>, vector<1x16xf32>,
      %scan3A_633 = arith.constant 0 : i32
      scf.yield %scan3A_633 : i32
    }
    %scan3A_211 = arith.constant 48 : i32
    %scan3A_212 = arith.constant 0 : i32
    %scan3A_213 = arith.constant 0 : i32
    %scan3A_214 = arith.constant 48 : i32
    %scan3A_215 = arith.addi %scan3A_213, %scan3A_214 : i32
    %scan3A_216 = arith.constant 1 : i32
    %scan3A_217 = scf.for %scan3A_608 = %scan3A_213 to %scan3A_215 step %scan3A_216 iter_args(%scan3A_609 = %scan3A_212) -> (i32)  : i32 {
      %mul3A_610 = arith.constant 16 : i32
      %mul3A_611 = arith.muli %scan3A_608, %mul3A_610 : i32
      %get3A = arith.constant 2 : i32
      %get3A_612 = arith.index_cast %get3A : i32 to index
      %get3A_613 = arith.index_cast %mul3A_611 : i32 to index
      %get3A_614 = tpu.vector_load %arg12[%get3A_612, %get3A_613] {strides = array<i32>} : memref<16x768xf32, #tpu.memory_space<vmem>>, vector<1x16xf32>,
      %get3A_615 = vector.shape_cast %get3A_614 : vector<1x16xf32> to vector<16xf32>
      %get3A_616 = arith.constant 2 : i32
      %get3A_617 = arith.index_cast %get3A_616 : i32 to index
      %get3A_618 = arith.index_cast %mul3A_611 : i32 to index
      %get3A_619 = tpu.vector_load %arg13[%get3A_617, %get3A_618] {strides = array<i32>} : memref<16x768xf32, #tpu.memory_space<vmem>>, vector<1x16xf32>,
      %get3A_620 = vector.shape_cast %get3A_619 : vector<1x16xf32> to vector<16xf32>
      %add3A_621 = arith.addf %get3A_615, %get3A_620 : vector<16xf32>
      %get3A_622 = arith.constant 2 : i32
      %get3A_623 = arith.index_cast %get3A_622 : i32 to index
      %get3A_624 = arith.index_cast %mul3A_611 : i32 to index
      %get3A_625 = tpu.vector_load %arg14[%get3A_623, %get3A_624] {strides = array<i32>} : memref<16x768xf32, #tpu.memory_space<vmem>>, vector<1x16xf32>,
      %get3A_626 = vector.shape_cast %get3A_625 : vector<1x16xf32> to vector<16xf32>
      %add3A_627 = arith.addf %add3A_621, %get3A_626 : vector<16xf32>
      %swap3A = arith.constant 2 : i32
      %swap3A_628 = arith.index_cast %swap3A : i32 to index
      %swap3A_629 = arith.index_cast %mul3A_611 : i32 to index
      %swap3A_630 = tpu.vector_load %arg12[%swap3A_628, %swap3A_629] {strides = array<i32>} : memref<16x768xf32, #tpu.memory_space<vmem>>, vector<1x16xf32>,
      %swap3A_631 = vector.shape_cast %swap3A_630 : vector<1x16xf32> to vector<16xf32>
      %swap3A_632 = vector.shape_cast %add3A_627 : vector<16xf32> to vector<1x16xf32>
      tpu.vector_store %arg12[%swap3A_628, %swap3A_629], %swap3A_632 {strides = array<i32>} : memref<16x768xf32, #tpu.memory_space<vmem>>, vector<1x16xf32>,
      %scan3A_633 = arith.constant 0 : i32
      scf.yield %scan3A_633 : i32
    }
    %scan3A_218 = arith.constant 48 : i32
    %scan3A_219 = arith.constant 0 : i32
    %scan3A_220 = arith.constant 0 : i32
    %scan3A_221 = arith.constant 48 : i32
    %scan3A_222 = arith.addi %scan3A_220, %scan3A_221 : i32
    %scan3A_223 = arith.constant 1 : i32
    %scan3A_224 = scf.for %scan3A_608 = %scan3A_220 to %scan3A_222 step %scan3A_223 iter_args(%scan3A_609 = %scan3A_219) -> (i32)  : i32 {
      %mul3A_610 = arith.constant 16 : i32
      %mul3A_611 = arith.muli %scan3A_608, %mul3A_610 : i32
      %get3A = arith.constant 3 : i32
      %get3A_612 = arith.index_cast %get3A : i32 to index
      %get3A_613 = arith.index_cast %mul3A_611 : i32 to index
      %get3A_614 = tpu.vector_load %arg12[%get3A_612, %get3A_613] {strides = array<i32>} : memref<16x768xf32, #tpu.memory_space<vmem>>, vector<1x16xf32>,
      %get3A_615 = vector.shape_cast %get3A_614 : vector<1x16xf32> to vector<16xf32>
      %get3A_616 = arith.constant 3 : i32
      %get3A_617 = arith.index_cast %get3A_616 : i32 to index
      %get3A_618 = arith.index_cast %mul3A_611 : i32 to index
      %get3A_619 = tpu.vector_load %arg13[%get3A_617, %get3A_618] {strides = array<i32>} : memref<16x768xf32, #tpu.memory_space<vmem>>, vector<1x16xf32>,
      %get3A_620 = vector.shape_cast %get3A_619 : vector<1x16xf32> to vector<16xf32>
      %add3A_621 = arith.addf %get3A_615, %get3A_620 : vector<16xf32>
      %get3A_622 = arith.constant 3 : i32
      %get3A_623 = arith.index_cast %get3A_622 : i32 to index
      %get3A_624 = arith.index_cast %mul3A_611 : i32 to index
      %get3A_625 = tpu.vector_load %arg14[%get3A_623, %get3A_624] {strides = array<i32>} : memref<16x768xf32, #tpu.memory_space<vmem>>, vector<1x16xf32>,
      %get3A_626 = vector.shape_cast %get3A_625 : vector<1x16xf32> to vector<16xf32>
      %add3A_627 = arith.addf %add3A_621, %get3A_626 : vector<16xf32>
      %swap3A = arith.constant 3 : i32
      %swap3A_628 = arith.index_cast %swap3A : i32 to index
      %swap3A_629 = arith.index_cast %mul3A_611 : i32 to index
      %swap3A_630 = tpu.vector_load %arg12[%swap3A_628, %swap3A_629] {strides = array<i32>} : memref<16x768xf32, #tpu.memory_space<vmem>>, vector<1x16xf32>,
      %swap3A_631 = vector.shape_cast %swap3A_630 : vector<1x16xf32> to vector<16xf32>
      %swap3A_632 = vector.shape_cast %add3A_627 : vector<16xf32> to vector<1x16xf32>
      tpu.vector_store %arg12[%swap3A_628, %swap3A_629], %swap3A_632 {strides = array<i32>} : memref<16x768xf32, #tpu.memory_space<vmem>>, vector<1x16xf32>,
      %scan3A_633 = arith.constant 0 : i32
      scf.yield %scan3A_633 : i32
    }
    %scan3A_225 = arith.constant 48 : i32
    %scan3A_226 = arith.constant 0 : i32
    %scan3A_227 = arith.constant 0 : i32
    %scan3A_228 = arith.constant 48 : i32
    %scan3A_229 = arith.addi %scan3A_227, %scan3A_228 : i32
    %scan3A_230 = arith.constant 1 : i32
    %scan3A_231 = scf.for %scan3A_608 = %scan3A_227 to %scan3A_229 step %scan3A_230 iter_args(%scan3A_609 = %scan3A_226) -> (i32)  : i32 {
      %mul3A_610 = arith.constant 16 : i32
      %mul3A_611 = arith.muli %scan3A_608, %mul3A_610 : i32
      %get3A = arith.constant 4 : i32
      %get3A_612 = arith.index_cast %get3A : i32 to index
      %get3A_613 = arith.index_cast %mul3A_611 : i32 to index
      %get3A_614 = tpu.vector_load %arg12[%get3A_612, %get3A_613] {strides = array<i32>} : memref<16x768xf32, #tpu.memory_space<vmem>>, vector<1x16xf32>,
      %get3A_615 = vector.shape_cast %get3A_614 : vector<1x16xf32> to vector<16xf32>
      %get3A_616 = arith.constant 4 : i32
      %get3A_617 = arith.index_cast %get3A_616 : i32 to index
      %get3A_618 = arith.index_cast %mul3A_611 : i32 to index
      %get3A_619 = tpu.vector_load %arg13[%get3A_617, %get3A_618] {strides = array<i32>} : memref<16x768xf32, #tpu.memory_space<vmem>>, vector<1x16xf32>,
      %get3A_620 = vector.shape_cast %get3A_619 : vector<1x16xf32> to vector<16xf32>
      %add3A_621 = arith.addf %get3A_615, %get3A_620 : vector<16xf32>
      %get3A_622 = arith.constant 4 : i32
      %get3A_623 = arith.index_cast %get3A_622 : i32 to index
      %get3A_624 = arith.index_cast %mul3A_611 : i32 to index
      %get3A_625 = tpu.vector_load %arg14[%get3A_623, %get3A_624] {strides = array<i32>} : memref<16x768xf32, #tpu.memory_space<vmem>>, vector<1x16xf32>,
      %get3A_626 = vector.shape_cast %get3A_625 : vector<1x16xf32> to vector<16xf32>
      %add3A_627 = arith.addf %add3A_621, %get3A_626 : vector<16xf32>
      %swap3A = arith.constant 4 : i32
      %swap3A_628 = arith.index_cast %swap3A : i32 to index
      %swap3A_629 = arith.index_cast %mul3A_611 : i32 to index
      %swap3A_630 = tpu.vector_load %arg12[%swap3A_628, %swap3A_629] {strides = array<i32>} : memref<16x768xf32, #tpu.memory_space<vmem>>, vector<1x16xf32>,
      %swap3A_631 = vector.shape_cast %swap3A_630 : vector<1x16xf32> to vector<16xf32>
      %swap3A_632 = vector.shape_cast %add3A_627 : vector<16xf32> to vector<1x16xf32>
      tpu.vector_store %arg12[%swap3A_628, %swap3A_629], %swap3A_632 {strides = array<i32>} : memref<16x768xf32, #tpu.memory_space<vmem>>, vector<1x16xf32>,
      %scan3A_633 = arith.constant 0 : i32
      scf.yield %scan3A_633 : i32
    }
    %scan3A_232 = arith.constant 48 : i32
    %scan3A_233 = arith.constant 0 : i32
    %scan3A_234 = arith.constant 0 : i32
    %scan3A_235 = arith.constant 48 : i32
    %scan3A_236 = arith.addi %scan3A_234, %scan3A_235 : i32
    %scan3A_237 = arith.constant 1 : i32
    %scan3A_238 = scf.for %scan3A_608 = %scan3A_234 to %scan3A_236 step %scan3A_237 iter_args(%scan3A_609 = %scan3A_233) -> (i32)  : i32 {
      %mul3A_610 = arith.constant 16 : i32
      %mul3A_611 = arith.muli %scan3A_608, %mul3A_610 : i32
      %get3A = arith.constant 5 : i32
      %get3A_612 = arith.index_cast %get3A : i32 to index
      %get3A_613 = arith.index_cast %mul3A_611 : i32 to index
      %get3A_614 = tpu.vector_load %arg12[%get3A_612, %get3A_613] {strides = array<i32>} : memref<16x768xf32, #tpu.memory_space<vmem>>, vector<1x16xf32>,
      %get3A_615 = vector.shape_cast %get3A_614 : vector<1x16xf32> to vector<16xf32>
      %get3A_616 = arith.constant 5 : i32
      %get3A_617 = arith.index_cast %get3A_616 : i32 to index
      %get3A_618 = arith.index_cast %mul3A_611 : i32 to index
      %get3A_619 = tpu.vector_load %arg13[%get3A_617, %get3A_618] {strides = array<i32>} : memref<16x768xf32, #tpu.memory_space<vmem>>, vector<1x16xf32>,
      %get3A_620 = vector.shape_cast %get3A_619 : vector<1x16xf32> to vector<16xf32>
      %add3A_621 = arith.addf %get3A_615, %get3A_620 : vector<16xf32>
      %get3A_622 = arith.constant 5 : i32
      %get3A_623 = arith.index_cast %get3A_622 : i32 to index
      %get3A_624 = arith.index_cast %mul3A_611 : i32 to index
      %get3A_625 = tpu.vector_load %arg14[%get3A_623, %get3A_624] {strides = array<i32>} : memref<16x768xf32, #tpu.memory_space<vmem>>, vector<1x16xf32>,
      %get3A_626 = vector.shape_cast %get3A_625 : vector<1x16xf32> to vector<16xf32>
      %add3A_627 = arith.addf %add3A_621, %get3A_626 : vector<16xf32>
      %swap3A = arith.constant 5 : i32
      %swap3A_628 = arith.index_cast %swap3A : i32 to index
      %swap3A_629 = arith.index_cast %mul3A_611 : i32 to index
      %swap3A_630 = tpu.vector_load %arg12[%swap3A_628, %swap3A_629] {strides = array<i32>} : memref<16x768xf32, #tpu.memory_space<vmem>>, vector<1x16xf32>,
      %swap3A_631 = vector.shape_cast %swap3A_630 : vector<1x16xf32> to vector<16xf32>
      %swap3A_632 = vector.shape_cast %add3A_627 : vector<16xf32> to vector<1x16xf32>
      tpu.vector_store %arg12[%swap3A_628, %swap3A_629], %swap3A_632 {strides = array<i32>} : memref<16x768xf32, #tpu.memory_space<vmem>>, vector<1x16xf32>,
      %scan3A_633 = arith.constant 0 : i32
      scf.yield %scan3A_633 : i32
    }
    %scan3A_239 = arith.constant 48 : i32
    %scan3A_240 = arith.constant 0 : i32
    %scan3A_241 = arith.constant 0 : i32
    %scan3A_242 = arith.constant 48 : i32
    %scan3A_243 = arith.addi %scan3A_241, %scan3A_242 : i32
    %scan3A_244 = arith.constant 1 : i32
    %scan3A_245 = scf.for %scan3A_608 = %scan3A_241 to %scan3A_243 step %scan3A_244 iter_args(%scan3A_609 = %scan3A_240) -> (i32)  : i32 {
      %mul3A_610 = arith.constant 16 : i32
      %mul3A_611 = arith.muli %scan3A_608, %mul3A_610 : i32
      %get3A = arith.constant 6 : i32
      %get3A_612 = arith.index_cast %get3A : i32 to index
      %get3A_613 = arith.index_cast %mul3A_611 : i32 to index
      %get3A_614 = tpu.vector_load %arg12[%get3A_612, %get3A_613] {strides = array<i32>} : memref<16x768xf32, #tpu.memory_space<vmem>>, vector<1x16xf32>,
      %get3A_615 = vector.shape_cast %get3A_614 : vector<1x16xf32> to vector<16xf32>
      %get3A_616 = arith.constant 6 : i32
      %get3A_617 = arith.index_cast %get3A_616 : i32 to index
      %get3A_618 = arith.index_cast %mul3A_611 : i32 to index
      %get3A_619 = tpu.vector_load %arg13[%get3A_617, %get3A_618] {strides = array<i32>} : memref<16x768xf32, #tpu.memory_space<vmem>>, vector<1x16xf32>,
      %get3A_620 = vector.shape_cast %get3A_619 : vector<1x16xf32> to vector<16xf32>
      %add3A_621 = arith.addf %get3A_615, %get3A_620 : vector<16xf32>
      %get3A_622 = arith.constant 6 : i32
      %get3A_623 = arith.index_cast %get3A_622 : i32 to index
      %get3A_624 = arith.index_cast %mul3A_611 : i32 to index
      %get3A_625 = tpu.vector_load %arg14[%get3A_623, %get3A_624] {strides = array<i32>} : memref<16x768xf32, #tpu.memory_space<vmem>>, vector<1x16xf32>,
      %get3A_626 = vector.shape_cast %get3A_625 : vector<1x16xf32> to vector<16xf32>
      %add3A_627 = arith.addf %add3A_621, %get3A_626 : vector<16xf32>
      %swap3A = arith.constant 6 : i32
      %swap3A_628 = arith.index_cast %swap3A : i32 to index
      %swap3A_629 = arith.index_cast %mul3A_611 : i32 to index
      %swap3A_630 = tpu.vector_load %arg12[%swap3A_628, %swap3A_629] {strides = array<i32>} : memref<16x768xf32, #tpu.memory_space<vmem>>, vector<1x16xf32>,
      %swap3A_631 = vector.shape_cast %swap3A_630 : vector<1x16xf32> to vector<16xf32>
      %swap3A_632 = vector.shape_cast %add3A_627 : vector<16xf32> to vector<1x16xf32>
      tpu.vector_store %arg12[%swap3A_628, %swap3A_629], %swap3A_632 {strides = array<i32>} : memref<16x768xf32, #tpu.memory_space<vmem>>, vector<1x16xf32>,
      %scan3A_633 = arith.constant 0 : i32
      scf.yield %scan3A_633 : i32
    }
    %scan3A_246 = arith.constant 48 : i32
    %scan3A_247 = arith.constant 0 : i32
    %scan3A_248 = arith.constant 0 : i32
    %scan3A_249 = arith.constant 48 : i32
    %scan3A_250 = arith.addi %scan3A_248, %scan3A_249 : i32
    %scan3A_251 = arith.constant 1 : i32
    %scan3A_252 = scf.for %scan3A_608 = %scan3A_248 to %scan3A_250 step %scan3A_251 iter_args(%scan3A_609 = %scan3A_247) -> (i32)  : i32 {
      %mul3A_610 = arith.constant 16 : i32
      %mul3A_611 = arith.muli %scan3A_608, %mul3A_610 : i32
      %get3A = arith.constant 7 : i32
      %get3A_612 = arith.index_cast %get3A : i32 to index
      %get3A_613 = arith.index_cast %mul3A_611 : i32 to index
      %get3A_614 = tpu.vector_load %arg12[%get3A_612, %get3A_613] {strides = array<i32>} : memref<16x768xf32, #tpu.memory_space<vmem>>, vector<1x16xf32>,
      %get3A_615 = vector.shape_cast %get3A_614 : vector<1x16xf32> to vector<16xf32>
      %get3A_616 = arith.constant 7 : i32
      %get3A_617 = arith.index_cast %get3A_616 : i32 to index
      %get3A_618 = arith.index_cast %mul3A_611 : i32 to index
      %get3A_619 = tpu.vector_load %arg13[%get3A_617, %get3A_618] {strides = array<i32>} : memref<16x768xf32, #tpu.memory_space<vmem>>, vector<1x16xf32>,
      %get3A_620 = vector.shape_cast %get3A_619 : vector<1x16xf32> to vector<16xf32>
      %add3A_621 = arith.addf %get3A_615, %get3A_620 : vector<16xf32>
      %get3A_622 = arith.constant 7 : i32
      %get3A_623 = arith.index_cast %get3A_622 : i32 to index
      %get3A_624 = arith.index_cast %mul3A_611 : i32 to index
      %get3A_625 = tpu.vector_load %arg14[%get3A_623, %get3A_624] {strides = array<i32>} : memref<16x768xf32, #tpu.memory_space<vmem>>, vector<1x16xf32>,
      %get3A_626 = vector.shape_cast %get3A_625 : vector<1x16xf32> to vector<16xf32>
      %add3A_627 = arith.addf %add3A_621, %get3A_626 : vector<16xf32>
      %swap3A = arith.constant 7 : i32
      %swap3A_628 = arith.index_cast %swap3A : i32 to index
      %swap3A_629 = arith.index_cast %mul3A_611 : i32 to index
      %swap3A_630 = tpu.vector_load %arg12[%swap3A_628, %swap3A_629] {strides = array<i32>} : memref<16x768xf32, #tpu.memory_space<vmem>>, vector<1x16xf32>,
      %swap3A_631 = vector.shape_cast %swap3A_630 : vector<1x16xf32> to vector<16xf32>
      %swap3A_632 = vector.shape_cast %add3A_627 : vector<16xf32> to vector<1x16xf32>
      tpu.vector_store %arg12[%swap3A_628, %swap3A_629], %swap3A_632 {strides = array<i32>} : memref<16x768xf32, #tpu.memory_space<vmem>>, vector<1x16xf32>,
      %scan3A_633 = arith.constant 0 : i32
      scf.yield %scan3A_633 : i32
    }
    %scan3A_253 = arith.constant 48 : i32
    %scan3A_254 = arith.constant 0 : i32
    %scan3A_255 = arith.constant 0 : i32
    %scan3A_256 = arith.constant 48 : i32
    %scan3A_257 = arith.addi %scan3A_255, %scan3A_256 : i32
    %scan3A_258 = arith.constant 1 : i32
    %scan3A_259 = scf.for %scan3A_608 = %scan3A_255 to %scan3A_257 step %scan3A_258 iter_args(%scan3A_609 = %scan3A_254) -> (i32)  : i32 {
      %mul3A_610 = arith.constant 16 : i32
      %mul3A_611 = arith.muli %scan3A_608, %mul3A_610 : i32
      %get3A = arith.constant 8 : i32
      %get3A_612 = arith.index_cast %get3A : i32 to index
      %get3A_613 = arith.index_cast %mul3A_611 : i32 to index
      %get3A_614 = tpu.vector_load %arg12[%get3A_612, %get3A_613] {strides = array<i32>} : memref<16x768xf32, #tpu.memory_space<vmem>>, vector<1x16xf32>,
      %get3A_615 = vector.shape_cast %get3A_614 : vector<1x16xf32> to vector<16xf32>
      %get3A_616 = arith.constant 8 : i32
      %get3A_617 = arith.index_cast %get3A_616 : i32 to index
      %get3A_618 = arith.index_cast %mul3A_611 : i32 to index
      %get3A_619 = tpu.vector_load %arg13[%get3A_617, %get3A_618] {strides = array<i32>} : memref<16x768xf32, #tpu.memory_space<vmem>>, vector<1x16xf32>,
      %get3A_620 = vector.shape_cast %get3A_619 : vector<1x16xf32> to vector<16xf32>
      %add3A_621 = arith.addf %get3A_615, %get3A_620 : vector<16xf32>
      %get3A_622 = arith.constant 8 : i32
      %get3A_623 = arith.index_cast %get3A_622 : i32 to index
      %get3A_624 = arith.index_cast %mul3A_611 : i32 to index
      %get3A_625 = tpu.vector_load %arg14[%get3A_623, %get3A_624] {strides = array<i32>} : memref<16x768xf32, #tpu.memory_space<vmem>>, vector<1x16xf32>,
      %get3A_626 = vector.shape_cast %get3A_625 : vector<1x16xf32> to vector<16xf32>
      %add3A_627 = arith.addf %add3A_621, %get3A_626 : vector<16xf32>
      %swap3A = arith.constant 8 : i32
      %swap3A_628 = arith.index_cast %swap3A : i32 to index
      %swap3A_629 = arith.index_cast %mul3A_611 : i32 to index
      %swap3A_630 = tpu.vector_load %arg12[%swap3A_628, %swap3A_629] {strides = array<i32>} : memref<16x768xf32, #tpu.memory_space<vmem>>, vector<1x16xf32>,
      %swap3A_631 = vector.shape_cast %swap3A_630 : vector<1x16xf32> to vector<16xf32>
      %swap3A_632 = vector.shape_cast %add3A_627 : vector<16xf32> to vector<1x16xf32>
      tpu.vector_store %arg12[%swap3A_628, %swap3A_629], %swap3A_632 {strides = array<i32>} : memref<16x768xf32, #tpu.memory_space<vmem>>, vector<1x16xf32>,
      %scan3A_633 = arith.constant 0 : i32
      scf.yield %scan3A_633 : i32
    }
    %scan3A_260 = arith.constant 48 : i32
    %scan3A_261 = arith.constant 0 : i32
    %scan3A_262 = arith.constant 0 : i32
    %scan3A_263 = arith.constant 48 : i32
    %scan3A_264 = arith.addi %scan3A_262, %scan3A_263 : i32
    %scan3A_265 = arith.constant 1 : i32
    %scan3A_266 = scf.for %scan3A_608 = %scan3A_262 to %scan3A_264 step %scan3A_265 iter_args(%scan3A_609 = %scan3A_261) -> (i32)  : i32 {
      %mul3A_610 = arith.constant 16 : i32
      %mul3A_611 = arith.muli %scan3A_608, %mul3A_610 : i32
      %get3A = arith.constant 9 : i32
      %get3A_612 = arith.index_cast %get3A : i32 to index
      %get3A_613 = arith.index_cast %mul3A_611 : i32 to index
      %get3A_614 = tpu.vector_load %arg12[%get3A_612, %get3A_613] {strides = array<i32>} : memref<16x768xf32, #tpu.memory_space<vmem>>, vector<1x16xf32>,
      %get3A_615 = vector.shape_cast %get3A_614 : vector<1x16xf32> to vector<16xf32>
      %get3A_616 = arith.constant 9 : i32
      %get3A_617 = arith.index_cast %get3A_616 : i32 to index
      %get3A_618 = arith.index_cast %mul3A_611 : i32 to index
      %get3A_619 = tpu.vector_load %arg13[%get3A_617, %get3A_618] {strides = array<i32>} : memref<16x768xf32, #tpu.memory_space<vmem>>, vector<1x16xf32>,
      %get3A_620 = vector.shape_cast %get3A_619 : vector<1x16xf32> to vector<16xf32>
      %add3A_621 = arith.addf %get3A_615, %get3A_620 : vector<16xf32>
      %get3A_622 = arith.constant 9 : i32
      %get3A_623 = arith.index_cast %get3A_622 : i32 to index
      %get3A_624 = arith.index_cast %mul3A_611 : i32 to index
      %get3A_625 = tpu.vector_load %arg14[%get3A_623, %get3A_624] {strides = array<i32>} : memref<16x768xf32, #tpu.memory_space<vmem>>, vector<1x16xf32>,
      %get3A_626 = vector.shape_cast %get3A_625 : vector<1x16xf32> to vector<16xf32>
      %add3A_627 = arith.addf %add3A_621, %get3A_626 : vector<16xf32>
      %swap3A = arith.constant 9 : i32
      %swap3A_628 = arith.index_cast %swap3A : i32 to index
      %swap3A_629 = arith.index_cast %mul3A_611 : i32 to index
      %swap3A_630 = tpu.vector_load %arg12[%swap3A_628, %swap3A_629] {strides = array<i32>} : memref<16x768xf32, #tpu.memory_space<vmem>>, vector<1x16xf32>,
      %swap3A_631 = vector.shape_cast %swap3A_630 : vector<1x16xf32> to vector<16xf32>
      %swap3A_632 = vector.shape_cast %add3A_627 : vector<16xf32> to vector<1x16xf32>
      tpu.vector_store %arg12[%swap3A_628, %swap3A_629], %swap3A_632 {strides = array<i32>} : memref<16x768xf32, #tpu.memory_space<vmem>>, vector<1x16xf32>,
      %scan3A_633 = arith.constant 0 : i32
      scf.yield %scan3A_633 : i32
    }
    %scan3A_267 = arith.constant 48 : i32
    %scan3A_268 = arith.constant 0 : i32
    %scan3A_269 = arith.constant 0 : i32
    %scan3A_270 = arith.constant 48 : i32
    %scan3A_271 = arith.addi %scan3A_269, %scan3A_270 : i32
    %scan3A_272 = arith.constant 1 : i32
    %scan3A_273 = scf.for %scan3A_608 = %scan3A_269 to %scan3A_271 step %scan3A_272 iter_args(%scan3A_609 = %scan3A_268) -> (i32)  : i32 {
      %mul3A_610 = arith.constant 16 : i32
      %mul3A_611 = arith.muli %scan3A_608, %mul3A_610 : i32
      %get3A = arith.constant 10 : i32
      %get3A_612 = arith.index_cast %get3A : i32 to index
      %get3A_613 = arith.index_cast %mul3A_611 : i32 to index
      %get3A_614 = tpu.vector_load %arg12[%get3A_612, %get3A_613] {strides = array<i32>} : memref<16x768xf32, #tpu.memory_space<vmem>>, vector<1x16xf32>,
      %get3A_615 = vector.shape_cast %get3A_614 : vector<1x16xf32> to vector<16xf32>
      %get3A_616 = arith.constant 10 : i32
      %get3A_617 = arith.index_cast %get3A_616 : i32 to index
      %get3A_618 = arith.index_cast %mul3A_611 : i32 to index
      %get3A_619 = tpu.vector_load %arg13[%get3A_617, %get3A_618] {strides = array<i32>} : memref<16x768xf32, #tpu.memory_space<vmem>>, vector<1x16xf32>,
      %get3A_620 = vector.shape_cast %get3A_619 : vector<1x16xf32> to vector<16xf32>
      %add3A_621 = arith.addf %get3A_615, %get3A_620 : vector<16xf32>
      %get3A_622 = arith.constant 10 : i32
      %get3A_623 = arith.index_cast %get3A_622 : i32 to index
      %get3A_624 = arith.index_cast %mul3A_611 : i32 to index
      %get3A_625 = tpu.vector_load %arg14[%get3A_623, %get3A_624] {strides = array<i32>} : memref<16x768xf32, #tpu.memory_space<vmem>>, vector<1x16xf32>,
      %get3A_626 = vector.shape_cast %get3A_625 : vector<1x16xf32> to vector<16xf32>
      %add3A_627 = arith.addf %add3A_621, %get3A_626 : vector<16xf32>
      %swap3A = arith.constant 10 : i32
      %swap3A_628 = arith.index_cast %swap3A : i32 to index
      %swap3A_629 = arith.index_cast %mul3A_611 : i32 to index
      %swap3A_630 = tpu.vector_load %arg12[%swap3A_628, %swap3A_629] {strides = array<i32>} : memref<16x768xf32, #tpu.memory_space<vmem>>, vector<1x16xf32>,
      %swap3A_631 = vector.shape_cast %swap3A_630 : vector<1x16xf32> to vector<16xf32>
      %swap3A_632 = vector.shape_cast %add3A_627 : vector<16xf32> to vector<1x16xf32>
      tpu.vector_store %arg12[%swap3A_628, %swap3A_629], %swap3A_632 {strides = array<i32>} : memref<16x768xf32, #tpu.memory_space<vmem>>, vector<1x16xf32>,
      %scan3A_633 = arith.constant 0 : i32
      scf.yield %scan3A_633 : i32
    }
    %scan3A_274 = arith.constant 48 : i32
    %scan3A_275 = arith.constant 0 : i32
    %scan3A_276 = arith.constant 0 : i32
    %scan3A_277 = arith.constant 48 : i32
    %scan3A_278 = arith.addi %scan3A_276, %scan3A_277 : i32
    %scan3A_279 = arith.constant 1 : i32
    %scan3A_280 = scf.for %scan3A_608 = %scan3A_276 to %scan3A_278 step %scan3A_279 iter_args(%scan3A_609 = %scan3A_275) -> (i32)  : i32 {
      %mul3A_610 = arith.constant 16 : i32
      %mul3A_611 = arith.muli %scan3A_608, %mul3A_610 : i32
      %get3A = arith.constant 11 : i32
      %get3A_612 = arith.index_cast %get3A : i32 to index
      %get3A_613 = arith.index_cast %mul3A_611 : i32 to index
      %get3A_614 = tpu.vector_load %arg12[%get3A_612, %get3A_613] {strides = array<i32>} : memref<16x768xf32, #tpu.memory_space<vmem>>, vector<1x16xf32>,
      %get3A_615 = vector.shape_cast %get3A_614 : vector<1x16xf32> to vector<16xf32>
      %get3A_616 = arith.constant 11 : i32
      %get3A_617 = arith.index_cast %get3A_616 : i32 to index
      %get3A_618 = arith.index_cast %mul3A_611 : i32 to index
      %get3A_619 = tpu.vector_load %arg13[%get3A_617, %get3A_618] {strides = array<i32>} : memref<16x768xf32, #tpu.memory_space<vmem>>, vector<1x16xf32>,
      %get3A_620 = vector.shape_cast %get3A_619 : vector<1x16xf32> to vector<16xf32>
      %add3A_621 = arith.addf %get3A_615, %get3A_620 : vector<16xf32>
      %get3A_622 = arith.constant 11 : i32
      %get3A_623 = arith.index_cast %get3A_622 : i32 to index
      %get3A_624 = arith.index_cast %mul3A_611 : i32 to index
      %get3A_625 = tpu.vector_load %arg14[%get3A_623, %get3A_624] {strides = array<i32>} : memref<16x768xf32, #tpu.memory_space<vmem>>, vector<1x16xf32>,
      %get3A_626 = vector.shape_cast %get3A_625 : vector<1x16xf32> to vector<16xf32>
      %add3A_627 = arith.addf %add3A_621, %get3A_626 : vector<16xf32>
      %swap3A = arith.constant 11 : i32
      %swap3A_628 = arith.index_cast %swap3A : i32 to index
      %swap3A_629 = arith.index_cast %mul3A_611 : i32 to index
      %swap3A_630 = tpu.vector_load %arg12[%swap3A_628, %swap3A_629] {strides = array<i32>} : memref<16x768xf32, #tpu.memory_space<vmem>>, vector<1x16xf32>,
      %swap3A_631 = vector.shape_cast %swap3A_630 : vector<1x16xf32> to vector<16xf32>
      %swap3A_632 = vector.shape_cast %add3A_627 : vector<16xf32> to vector<1x16xf32>
      tpu.vector_store %arg12[%swap3A_628, %swap3A_629], %swap3A_632 {strides = array<i32>} : memref<16x768xf32, #tpu.memory_space<vmem>>, vector<1x16xf32>,
      %scan3A_633 = arith.constant 0 : i32
      scf.yield %scan3A_633 : i32
    }
    %scan3A_281 = arith.constant 48 : i32
    %scan3A_282 = arith.constant 0 : i32
    %scan3A_283 = arith.constant 0 : i32
    %scan3A_284 = arith.constant 48 : i32
    %scan3A_285 = arith.addi %scan3A_283, %scan3A_284 : i32
    %scan3A_286 = arith.constant 1 : i32
    %scan3A_287 = scf.for %scan3A_608 = %scan3A_283 to %scan3A_285 step %scan3A_286 iter_args(%scan3A_609 = %scan3A_282) -> (i32)  : i32 {
      %mul3A_610 = arith.constant 16 : i32
      %mul3A_611 = arith.muli %scan3A_608, %mul3A_610 : i32
      %get3A = arith.constant 12 : i32
      %get3A_612 = arith.index_cast %get3A : i32 to index
      %get3A_613 = arith.index_cast %mul3A_611 : i32 to index
      %get3A_614 = tpu.vector_load %arg12[%get3A_612, %get3A_613] {strides = array<i32>} : memref<16x768xf32, #tpu.memory_space<vmem>>, vector<1x16xf32>,
      %get3A_615 = vector.shape_cast %get3A_614 : vector<1x16xf32> to vector<16xf32>
      %get3A_616 = arith.constant 12 : i32
      %get3A_617 = arith.index_cast %get3A_616 : i32 to index
      %get3A_618 = arith.index_cast %mul3A_611 : i32 to index
      %get3A_619 = tpu.vector_load %arg13[%get3A_617, %get3A_618] {strides = array<i32>} : memref<16x768xf32, #tpu.memory_space<vmem>>, vector<1x16xf32>,
      %get3A_620 = vector.shape_cast %get3A_619 : vector<1x16xf32> to vector<16xf32>
      %add3A_621 = arith.addf %get3A_615, %get3A_620 : vector<16xf32>
      %get3A_622 = arith.constant 12 : i32
      %get3A_623 = arith.index_cast %get3A_622 : i32 to index
      %get3A_624 = arith.index_cast %mul3A_611 : i32 to index
      %get3A_625 = tpu.vector_load %arg14[%get3A_623, %get3A_624] {strides = array<i32>} : memref<16x768xf32, #tpu.memory_space<vmem>>, vector<1x16xf32>,
      %get3A_626 = vector.shape_cast %get3A_625 : vector<1x16xf32> to vector<16xf32>
      %add3A_627 = arith.addf %add3A_621, %get3A_626 : vector<16xf32>
      %swap3A = arith.constant 12 : i32
      %swap3A_628 = arith.index_cast %swap3A : i32 to index
      %swap3A_629 = arith.index_cast %mul3A_611 : i32 to index
      %swap3A_630 = tpu.vector_load %arg12[%swap3A_628, %swap3A_629] {strides = array<i32>} : memref<16x768xf32, #tpu.memory_space<vmem>>, vector<1x16xf32>,
      %swap3A_631 = vector.shape_cast %swap3A_630 : vector<1x16xf32> to vector<16xf32>
      %swap3A_632 = vector.shape_cast %add3A_627 : vector<16xf32> to vector<1x16xf32>
      tpu.vector_store %arg12[%swap3A_628, %swap3A_629], %swap3A_632 {strides = array<i32>} : memref<16x768xf32, #tpu.memory_space<vmem>>, vector<1x16xf32>,
      %scan3A_633 = arith.constant 0 : i32
      scf.yield %scan3A_633 : i32
    }
    %scan3A_288 = arith.constant 48 : i32
    %scan3A_289 = arith.constant 0 : i32
    %scan3A_290 = arith.constant 0 : i32
    %scan3A_291 = arith.constant 48 : i32
    %scan3A_292 = arith.addi %scan3A_290, %scan3A_291 : i32
    %scan3A_293 = arith.constant 1 : i32
    %scan3A_294 = scf.for %scan3A_608 = %scan3A_290 to %scan3A_292 step %scan3A_293 iter_args(%scan3A_609 = %scan3A_289) -> (i32)  : i32 {
      %mul3A_610 = arith.constant 16 : i32
      %mul3A_611 = arith.muli %scan3A_608, %mul3A_610 : i32
      %get3A = arith.constant 13 : i32
      %get3A_612 = arith.index_cast %get3A : i32 to index
      %get3A_613 = arith.index_cast %mul3A_611 : i32 to index
      %get3A_614 = tpu.vector_load %arg12[%get3A_612, %get3A_613] {strides = array<i32>} : memref<16x768xf32, #tpu.memory_space<vmem>>, vector<1x16xf32>,
      %get3A_615 = vector.shape_cast %get3A_614 : vector<1x16xf32> to vector<16xf32>
      %get3A_616 = arith.constant 13 : i32
      %get3A_617 = arith.index_cast %get3A_616 : i32 to index
      %get3A_618 = arith.index_cast %mul3A_611 : i32 to index
      %get3A_619 = tpu.vector_load %arg13[%get3A_617, %get3A_618] {strides = array<i32>} : memref<16x768xf32, #tpu.memory_space<vmem>>, vector<1x16xf32>,
      %get3A_620 = vector.shape_cast %get3A_619 : vector<1x16xf32> to vector<16xf32>
      %add3A_621 = arith.addf %get3A_615, %get3A_620 : vector<16xf32>
      %get3A_622 = arith.constant 13 : i32
      %get3A_623 = arith.index_cast %get3A_622 : i32 to index
      %get3A_624 = arith.index_cast %mul3A_611 : i32 to index
      %get3A_625 = tpu.vector_load %arg14[%get3A_623, %get3A_624] {strides = array<i32>} : memref<16x768xf32, #tpu.memory_space<vmem>>, vector<1x16xf32>,
      %get3A_626 = vector.shape_cast %get3A_625 : vector<1x16xf32> to vector<16xf32>
      %add3A_627 = arith.addf %add3A_621, %get3A_626 : vector<16xf32>
      %swap3A = arith.constant 13 : i32
      %swap3A_628 = arith.index_cast %swap3A : i32 to index
      %swap3A_629 = arith.index_cast %mul3A_611 : i32 to index
      %swap3A_630 = tpu.vector_load %arg12[%swap3A_628, %swap3A_629] {strides = array<i32>} : memref<16x768xf32, #tpu.memory_space<vmem>>, vector<1x16xf32>,
      %swap3A_631 = vector.shape_cast %swap3A_630 : vector<1x16xf32> to vector<16xf32>
      %swap3A_632 = vector.shape_cast %add3A_627 : vector<16xf32> to vector<1x16xf32>
      tpu.vector_store %arg12[%swap3A_628, %swap3A_629], %swap3A_632 {strides = array<i32>} : memref<16x768xf32, #tpu.memory_space<vmem>>, vector<1x16xf32>,
      %scan3A_633 = arith.constant 0 : i32
      scf.yield %scan3A_633 : i32
    }
    %scan3A_295 = arith.constant 48 : i32
    %scan3A_296 = arith.constant 0 : i32
    %scan3A_297 = arith.constant 0 : i32
    %scan3A_298 = arith.constant 48 : i32
    %scan3A_299 = arith.addi %scan3A_297, %scan3A_298 : i32
    %scan3A_300 = arith.constant 1 : i32
    %scan3A_301 = scf.for %scan3A_608 = %scan3A_297 to %scan3A_299 step %scan3A_300 iter_args(%scan3A_609 = %scan3A_296) -> (i32)  : i32 {
      %mul3A_610 = arith.constant 16 : i32
      %mul3A_611 = arith.muli %scan3A_608, %mul3A_610 : i32
      %get3A = arith.constant 14 : i32
      %get3A_612 = arith.index_cast %get3A : i32 to index
      %get3A_613 = arith.index_cast %mul3A_611 : i32 to index
      %get3A_614 = tpu.vector_load %arg12[%get3A_612, %get3A_613] {strides = array<i32>} : memref<16x768xf32, #tpu.memory_space<vmem>>, vector<1x16xf32>,
      %get3A_615 = vector.shape_cast %get3A_614 : vector<1x16xf32> to vector<16xf32>
      %get3A_616 = arith.constant 14 : i32
      %get3A_617 = arith.index_cast %get3A_616 : i32 to index
      %get3A_618 = arith.index_cast %mul3A_611 : i32 to index
      %get3A_619 = tpu.vector_load %arg13[%get3A_617, %get3A_618] {strides = array<i32>} : memref<16x768xf32, #tpu.memory_space<vmem>>, vector<1x16xf32>,
      %get3A_620 = vector.shape_cast %get3A_619 : vector<1x16xf32> to vector<16xf32>
      %add3A_621 = arith.addf %get3A_615, %get3A_620 : vector<16xf32>
      %get3A_622 = arith.constant 14 : i32
      %get3A_623 = arith.index_cast %get3A_622 : i32 to index
      %get3A_624 = arith.index_cast %mul3A_611 : i32 to index
      %get3A_625 = tpu.vector_load %arg14[%get3A_623, %get3A_624] {strides = array<i32>} : memref<16x768xf32, #tpu.memory_space<vmem>>, vector<1x16xf32>,
      %get3A_626 = vector.shape_cast %get3A_625 : vector<1x16xf32> to vector<16xf32>
      %add3A_627 = arith.addf %add3A_621, %get3A_626 : vector<16xf32>
      %swap3A = arith.constant 14 : i32
      %swap3A_628 = arith.index_cast %swap3A : i32 to index
      %swap3A_629 = arith.index_cast %mul3A_611 : i32 to index
      %swap3A_630 = tpu.vector_load %arg12[%swap3A_628, %swap3A_629] {strides = array<i32>} : memref<16x768xf32, #tpu.memory_space<vmem>>, vector<1x16xf32>,
      %swap3A_631 = vector.shape_cast %swap3A_630 : vector<1x16xf32> to vector<16xf32>
      %swap3A_632 = vector.shape_cast %add3A_627 : vector<16xf32> to vector<1x16xf32>
      tpu.vector_store %arg12[%swap3A_628, %swap3A_629], %swap3A_632 {strides = array<i32>} : memref<16x768xf32, #tpu.memory_space<vmem>>, vector<1x16xf32>,
      %scan3A_633 = arith.constant 0 : i32
      scf.yield %scan3A_633 : i32
    }
    %scan3A_302 = arith.constant 48 : i32
    %scan3A_303 = arith.constant 0 : i32
    %scan3A_304 = arith.constant 0 : i32
    %scan3A_305 = arith.constant 48 : i32
    %scan3A_306 = arith.addi %scan3A_304, %scan3A_305 : i32
    %scan3A_307 = arith.constant 1 : i32
    %scan3A_308 = scf.for %scan3A_608 = %scan3A_304 to %scan3A_306 step %scan3A_307 iter_args(%scan3A_609 = %scan3A_303) -> (i32)  : i32 {
      %mul3A_610 = arith.constant 16 : i32
      %mul3A_611 = arith.muli %scan3A_608, %mul3A_610 : i32
      %get3A = arith.constant 15 : i32
      %get3A_612 = arith.index_cast %get3A : i32 to index
      %get3A_613 = arith.index_cast %mul3A_611 : i32 to index
      %get3A_614 = tpu.vector_load %arg12[%get3A_612, %get3A_613] {strides = array<i32>} : memref<16x768xf32, #tpu.memory_space<vmem>>, vector<1x16xf32>,
      %get3A_615 = vector.shape_cast %get3A_614 : vector<1x16xf32> to vector<16xf32>
      %get3A_616 = arith.constant 15 : i32
      %get3A_617 = arith.index_cast %get3A_616 : i32 to index
      %get3A_618 = arith.index_cast %mul3A_611 : i32 to index
      %get3A_619 = tpu.vector_load %arg13[%get3A_617, %get3A_618] {strides = array<i32>} : memref<16x768xf32, #tpu.memory_space<vmem>>, vector<1x16xf32>,
      %get3A_620 = vector.shape_cast %get3A_619 : vector<1x16xf32> to vector<16xf32>
      %add3A_621 = arith.addf %get3A_615, %get3A_620 : vector<16xf32>
      %get3A_622 = arith.constant 15 : i32
      %get3A_623 = arith.index_cast %get3A_622 : i32 to index
      %get3A_624 = arith.index_cast %mul3A_611 : i32 to index
      %get3A_625 = tpu.vector_load %arg14[%get3A_623, %get3A_624] {strides = array<i32>} : memref<16x768xf32, #tpu.memory_space<vmem>>, vector<1x16xf32>,
      %get3A_626 = vector.shape_cast %get3A_625 : vector<1x16xf32> to vector<16xf32>
      %add3A_627 = arith.addf %add3A_621, %get3A_626 : vector<16xf32>
      %swap3A = arith.constant 15 : i32
      %swap3A_628 = arith.index_cast %swap3A : i32 to index
      %swap3A_629 = arith.index_cast %mul3A_611 : i32 to index
      %swap3A_630 = tpu.vector_load %arg12[%swap3A_628, %swap3A_629] {strides = array<i32>} : memref<16x768xf32, #tpu.memory_space<vmem>>, vector<1x16xf32>,
      %swap3A_631 = vector.shape_cast %swap3A_630 : vector<1x16xf32> to vector<16xf32>
      %swap3A_632 = vector.shape_cast %add3A_627 : vector<16xf32> to vector<1x16xf32>
      tpu.vector_store %arg12[%swap3A_628, %swap3A_629], %swap3A_632 {strides = array<i32>} : memref<16x768xf32, #tpu.memory_space<vmem>>, vector<1x16xf32>,
      %scan3A_633 = arith.constant 0 : i32
      scf.yield %scan3A_633 : i32
    }
    %scan3A_309 = arith.constant 48 : i32
    %add3A_310 = arith.constant 16 : i32
    %add3A_311 = arith.addi %mul3A_2, %add3A_310 : i32
    %dma_start3A_312 = arith.constant 0 : i32
    %dma_start3A_313 = tpu.memref_slice %arg6[%add3A_311, %dma_start3A_312] : memref<2048x768xf32, #tpu.memory_space<hbm>> -> memref<16x768xf32, #tpu.memory_space<hbm>>
    %dma_start3A_314 = arith.constant 0 : i32
    %dma_start3A_315 = tpu.memref_slice %arg6[%add3A_311, %dma_start3A_314] : memref<2048x768xf32, #tpu.memory_space<hbm>> -> memref<16x768xf32, #tpu.memory_space<hbm>>
    tpu.enqueue_dma source(%arg12 : memref<16x768xf32, #tpu.memory_space<vmem>>) target(%dma_start3A_315 : memref<16x768xf32, #tpu.memory_space<hbm>>) target_semaphore(%arg16 : memref<!tpu.dma_semaphore, #tpu.memory_space<semaphore_mem>>)
    %dma_wait3A_316 = arith.constant 0 : i32
    %dma_wait3A_317 = tpu.memref_slice %arg2[%add3A_183, %dma_wait3A_316] : memref<2048x768xf32, #tpu.memory_space<hbm>> -> memref<16x768xf32, #tpu.memory_space<hbm>>
    %dma_wait3A_318 = arith.constant 0 : i32
    %dma_wait3A_319 = tpu.memref_slice %arg2[%add3A_183, %dma_wait3A_318] : memref<2048x768xf32, #tpu.memory_space<hbm>> -> memref<16x768xf32, #tpu.memory_space<hbm>>
    tpu.wait_dma2 semaphore(%arg15 : memref<!tpu.dma_semaphore, #tpu.memory_space<semaphore_mem>>) src(%dma_wait3A_319 : memref<16x768xf32, #tpu.memory_space<hbm>>) dst(%arg9 : memref<16x768xf32, #tpu.memory_space<vmem>>)
    %dma_wait3A_320 = arith.constant 32 : i32
    %dma_wait3A_321 = tpu.memref_slice %arg7[%dma_wait3A_320] : memref<64xi32, #tpu.memory_space<vmem>> -> memref<16xi32, #tpu.memory_space<vmem>>
    %dma_wait3A_322 = arith.constant 0 : i32
    %dma_wait3A_323 = arith.constant 0 : i32
    %dma_wait3A_324 = tpu.memref_slice %arg3[%dma_wait3A_322, %dma_wait3A_323] : memref<6144x768xf32, #tpu.memory_space<hbm>> -> memref<6144x768xf32, #tpu.memory_space<hbm>>
    tpu.wait_indirect_dma semaphore(%arg15 : memref<!tpu.dma_semaphore, #tpu.memory_space<semaphore_mem>>) src(%dma_wait3A_324 : memref<6144x768xf32, #tpu.memory_space<hbm>>) dst(%arg10 : memref<16x768xf32, #tpu.memory_space<vmem>>)
    %dma_wait3A_325 = arith.constant 32 : i32
    %dma_wait3A_326 = tpu.memref_slice %arg8[%dma_wait3A_325] : memref<64xi32, #tpu.memory_space<vmem>> -> memref<16xi32, #tpu.memory_space<vmem>>
    %dma_wait3A_327 = arith.constant 0 : i32
    %dma_wait3A_328 = arith.constant 0 : i32
    %dma_wait3A_329 = tpu.memref_slice %arg3[%dma_wait3A_327, %dma_wait3A_328] : memref<6144x768xf32, #tpu.memory_space<hbm>> -> memref<6144x768xf32, #tpu.memory_space<hbm>>
    tpu.wait_indirect_dma semaphore(%arg15 : memref<!tpu.dma_semaphore, #tpu.memory_space<semaphore_mem>>) src(%dma_wait3A_329 : memref<6144x768xf32, #tpu.memory_space<hbm>>) dst(%arg11 : memref<16x768xf32, #tpu.memory_space<vmem>>)
    %dma_wait3A_330 = arith.constant 0 : i32
    %dma_wait3A_331 = tpu.memref_slice %arg6[%add3A_311, %dma_wait3A_330] : memref<2048x768xf32, #tpu.memory_space<hbm>> -> memref<16x768xf32, #tpu.memory_space<hbm>>
    %dma_wait3A_332 = arith.constant 0 : i32
    %dma_wait3A_333 = tpu.memref_slice %arg6[%add3A_311, %dma_wait3A_332] : memref<2048x768xf32, #tpu.memory_space<hbm>> -> memref<16x768xf32, #tpu.memory_space<hbm>>
    tpu.wait_dma2 semaphore(%arg16 : memref<!tpu.dma_semaphore, #tpu.memory_space<semaphore_mem>>) src(%arg12 : memref<16x768xf32, #tpu.memory_space<vmem>>) dst(%dma_wait3A_333 : memref<16x768xf32, #tpu.memory_space<hbm>>)
    %add3A_334 = arith.constant 48 : i32
    %add3A_335 = arith.addi %mul3A_2, %add3A_334 : i32
    %dma_start3A_336 = arith.constant 0 : i32
    %dma_start3A_337 = tpu.memref_slice %arg2[%add3A_335, %dma_start3A_336] : memref<2048x768xf32, #tpu.memory_space<hbm>> -> memref<16x768xf32, #tpu.memory_space<hbm>>
    %dma_start3A_338 = arith.constant 0 : i32
    %dma_start3A_339 = tpu.memref_slice %arg2[%add3A_335, %dma_start3A_338] : memref<2048x768xf32, #tpu.memory_space<hbm>> -> memref<16x768xf32, #tpu.memory_space<hbm>>
    tpu.enqueue_dma source(%dma_start3A_339 : memref<16x768xf32, #tpu.memory_space<hbm>>) target(%arg12 : memref<16x768xf32, #tpu.memory_space<vmem>>) target_semaphore(%arg15 : memref<!tpu.dma_semaphore, #tpu.memory_space<semaphore_mem>>)
    %dma_start3A_340 = arith.constant 48 : i32
    %dma_start3A_341 = tpu.memref_slice %arg7[%dma_start3A_340] : memref<64xi32, #tpu.memory_space<vmem>> -> memref<16xi32, #tpu.memory_space<vmem>>
    %dma_start3A_342 = arith.constant 0 : i32
    %dma_start3A_343 = arith.constant 0 : i32
    %dma_start3A_344 = tpu.memref_slice %arg3[%dma_start3A_342, %dma_start3A_343] : memref<6144x768xf32, #tpu.memory_space<hbm>> -> memref<6144x768xf32, #tpu.memory_space<hbm>>
    tpu.enqueue_indirect_dma source(%dma_start3A_344 : memref<6144x768xf32, #tpu.memory_space<hbm>>) target(%arg13 : memref<16x768xf32, #tpu.memory_space<vmem>>) offsets(%dma_start3A_341 : memref<16xi32, #tpu.memory_space<vmem>>) semaphore(%arg15 : memref<!tpu.dma_semaphore, #tpu.memory_space<semaphore_mem>>)
    %dma_start3A_345 = arith.constant 48 : i32
    %dma_start3A_346 = tpu.memref_slice %arg8[%dma_start3A_345] : memref<64xi32, #tpu.memory_space<vmem>> -> memref<16xi32, #tpu.memory_space<vmem>>
    %dma_start3A_347 = arith.constant 0 : i32
    %dma_start3A_348 = arith.constant 0 : i32
    %dma_start3A_349 = tpu.memref_slice %arg3[%dma_start3A_347, %dma_start3A_348] : memref<6144x768xf32, #tpu.memory_space<hbm>> -> memref<6144x768xf32, #tpu.memory_space<hbm>>
    tpu.enqueue_indirect_dma source(%dma_start3A_349 : memref<6144x768xf32, #tpu.memory_space<hbm>>) target(%arg14 : memref<16x768xf32, #tpu.memory_space<vmem>>) offsets(%dma_start3A_346 : memref<16xi32, #tpu.memory_space<vmem>>) semaphore(%arg15 : memref<!tpu.dma_semaphore, #tpu.memory_space<semaphore_mem>>)
    %scan3A_350 = arith.constant 0 : i32
    %scan3A_351 = arith.constant 0 : i32
    %scan3A_352 = arith.constant 48 : i32
    %scan3A_353 = arith.addi %scan3A_351, %scan3A_352 : i32
    %scan3A_354 = arith.constant 1 : i32
    %scan3A_355 = scf.for %scan3A_608 = %scan3A_351 to %scan3A_353 step %scan3A_354 iter_args(%scan3A_609 = %scan3A_350) -> (i32)  : i32 {
      %mul3A_610 = arith.constant 16 : i32
      %mul3A_611 = arith.muli %scan3A_608, %mul3A_610 : i32
      %get3A = arith.constant 0 : i32
      %get3A_612 = arith.index_cast %get3A : i32 to index
      %get3A_613 = arith.index_cast %mul3A_611 : i32 to index
      %get3A_614 = tpu.vector_load %arg9[%get3A_612, %get3A_613] {strides = array<i32>} : memref<16x768xf32, #tpu.memory_space<vmem>>, vector<1x16xf32>,
      %get3A_615 = vector.shape_cast %get3A_614 : vector<1x16xf32> to vector<16xf32>
      %get3A_616 = arith.constant 0 : i32
      %get3A_617 = arith.index_cast %get3A_616 : i32 to index
      %get3A_618 = arith.index_cast %mul3A_611 : i32 to index
      %get3A_619 = tpu.vector_load %arg10[%get3A_617, %get3A_618] {strides = array<i32>} : memref<16x768xf32, #tpu.memory_space<vmem>>, vector<1x16xf32>,
      %get3A_620 = vector.shape_cast %get3A_619 : vector<1x16xf32> to vector<16xf32>
      %add3A_621 = arith.addf %get3A_615, %get3A_620 : vector<16xf32>
      %get3A_622 = arith.constant 0 : i32
      %get3A_623 = arith.index_cast %get3A_622 : i32 to index
      %get3A_624 = arith.index_cast %mul3A_611 : i32 to index
      %get3A_625 = tpu.vector_load %arg11[%get3A_623, %get3A_624] {strides = array<i32>} : memref<16x768xf32, #tpu.memory_space<vmem>>, vector<1x16xf32>,
      %get3A_626 = vector.shape_cast %get3A_625 : vector<1x16xf32> to vector<16xf32>
      %add3A_627 = arith.addf %add3A_621, %get3A_626 : vector<16xf32>
      %swap3A = arith.constant 0 : i32
      %swap3A_628 = arith.index_cast %swap3A : i32 to index
      %swap3A_629 = arith.index_cast %mul3A_611 : i32 to index
      %swap3A_630 = tpu.vector_load %arg9[%swap3A_628, %swap3A_629] {strides = array<i32>} : memref<16x768xf32, #tpu.memory_space<vmem>>, vector<1x16xf32>,
      %swap3A_631 = vector.shape_cast %swap3A_630 : vector<1x16xf32> to vector<16xf32>
      %swap3A_632 = vector.shape_cast %add3A_627 : vector<16xf32> to vector<1x16xf32>
      tpu.vector_store %arg9[%swap3A_628, %swap3A_629], %swap3A_632 {strides = array<i32>} : memref<16x768xf32, #tpu.memory_space<vmem>>, vector<1x16xf32>,
      %scan3A_633 = arith.constant 0 : i32
      scf.yield %scan3A_633 : i32
    }
    %scan3A_356 = arith.constant 48 : i32
    %scan3A_357 = arith.constant 0 : i32
    %scan3A_358 = arith.constant 0 : i32
    %scan3A_359 = arith.constant 48 : i32
    %scan3A_360 = arith.addi %scan3A_358, %scan3A_359 : i32
    %scan3A_361 = arith.constant 1 : i32
    %scan3A_362 = scf.for %scan3A_608 = %scan3A_358 to %scan3A_360 step %scan3A_361 iter_args(%scan3A_609 = %scan3A_357) -> (i32)  : i32 {
      %mul3A_610 = arith.constant 16 : i32
      %mul3A_611 = arith.muli %scan3A_608, %mul3A_610 : i32
      %get3A = arith.constant 1 : i32
      %get3A_612 = arith.index_cast %get3A : i32 to index
      %get3A_613 = arith.index_cast %mul3A_611 : i32 to index
      %get3A_614 = tpu.vector_load %arg9[%get3A_612, %get3A_613] {strides = array<i32>} : memref<16x768xf32, #tpu.memory_space<vmem>>, vector<1x16xf32>,
      %get3A_615 = vector.shape_cast %get3A_614 : vector<1x16xf32> to vector<16xf32>
      %get3A_616 = arith.constant 1 : i32
      %get3A_617 = arith.index_cast %get3A_616 : i32 to index
      %get3A_618 = arith.index_cast %mul3A_611 : i32 to index
      %get3A_619 = tpu.vector_load %arg10[%get3A_617, %get3A_618] {strides = array<i32>} : memref<16x768xf32, #tpu.memory_space<vmem>>, vector<1x16xf32>,
      %get3A_620 = vector.shape_cast %get3A_619 : vector<1x16xf32> to vector<16xf32>
      %add3A_621 = arith.addf %get3A_615, %get3A_620 : vector<16xf32>
      %get3A_622 = arith.constant 1 : i32
      %get3A_623 = arith.index_cast %get3A_622 : i32 to index
      %get3A_624 = arith.index_cast %mul3A_611 : i32 to index
      %get3A_625 = tpu.vector_load %arg11[%get3A_623, %get3A_624] {strides = array<i32>} : memref<16x768xf32, #tpu.memory_space<vmem>>, vector<1x16xf32>,
      %get3A_626 = vector.shape_cast %get3A_625 : vector<1x16xf32> to vector<16xf32>
      %add3A_627 = arith.addf %add3A_621, %get3A_626 : vector<16xf32>
      %swap3A = arith.constant 1 : i32
      %swap3A_628 = arith.index_cast %swap3A : i32 to index
      %swap3A_629 = arith.index_cast %mul3A_611 : i32 to index
      %swap3A_630 = tpu.vector_load %arg9[%swap3A_628, %swap3A_629] {strides = array<i32>} : memref<16x768xf32, #tpu.memory_space<vmem>>, vector<1x16xf32>,
      %swap3A_631 = vector.shape_cast %swap3A_630 : vector<1x16xf32> to vector<16xf32>
      %swap3A_632 = vector.shape_cast %add3A_627 : vector<16xf32> to vector<1x16xf32>
      tpu.vector_store %arg9[%swap3A_628, %swap3A_629], %swap3A_632 {strides = array<i32>} : memref<16x768xf32, #tpu.memory_space<vmem>>, vector<1x16xf32>,
      %scan3A_633 = arith.constant 0 : i32
      scf.yield %scan3A_633 : i32
    }
    %scan3A_363 = arith.constant 48 : i32
    %scan3A_364 = arith.constant 0 : i32
    %scan3A_365 = arith.constant 0 : i32
    %scan3A_366 = arith.constant 48 : i32
    %scan3A_367 = arith.addi %scan3A_365, %scan3A_366 : i32
    %scan3A_368 = arith.constant 1 : i32
    %scan3A_369 = scf.for %scan3A_608 = %scan3A_365 to %scan3A_367 step %scan3A_368 iter_args(%scan3A_609 = %scan3A_364) -> (i32)  : i32 {
      %mul3A_610 = arith.constant 16 : i32
      %mul3A_611 = arith.muli %scan3A_608, %mul3A_610 : i32
      %get3A = arith.constant 2 : i32
      %get3A_612 = arith.index_cast %get3A : i32 to index
      %get3A_613 = arith.index_cast %mul3A_611 : i32 to index
      %get3A_614 = tpu.vector_load %arg9[%get3A_612, %get3A_613] {strides = array<i32>} : memref<16x768xf32, #tpu.memory_space<vmem>>, vector<1x16xf32>,
      %get3A_615 = vector.shape_cast %get3A_614 : vector<1x16xf32> to vector<16xf32>
      %get3A_616 = arith.constant 2 : i32
      %get3A_617 = arith.index_cast %get3A_616 : i32 to index
      %get3A_618 = arith.index_cast %mul3A_611 : i32 to index
      %get3A_619 = tpu.vector_load %arg10[%get3A_617, %get3A_618] {strides = array<i32>} : memref<16x768xf32, #tpu.memory_space<vmem>>, vector<1x16xf32>,
      %get3A_620 = vector.shape_cast %get3A_619 : vector<1x16xf32> to vector<16xf32>
      %add3A_621 = arith.addf %get3A_615, %get3A_620 : vector<16xf32>
      %get3A_622 = arith.constant 2 : i32
      %get3A_623 = arith.index_cast %get3A_622 : i32 to index
      %get3A_624 = arith.index_cast %mul3A_611 : i32 to index
      %get3A_625 = tpu.vector_load %arg11[%get3A_623, %get3A_624] {strides = array<i32>} : memref<16x768xf32, #tpu.memory_space<vmem>>, vector<1x16xf32>,
      %get3A_626 = vector.shape_cast %get3A_625 : vector<1x16xf32> to vector<16xf32>
      %add3A_627 = arith.addf %add3A_621, %get3A_626 : vector<16xf32>
      %swap3A = arith.constant 2 : i32
      %swap3A_628 = arith.index_cast %swap3A : i32 to index
      %swap3A_629 = arith.index_cast %mul3A_611 : i32 to index
      %swap3A_630 = tpu.vector_load %arg9[%swap3A_628, %swap3A_629] {strides = array<i32>} : memref<16x768xf32, #tpu.memory_space<vmem>>, vector<1x16xf32>,
      %swap3A_631 = vector.shape_cast %swap3A_630 : vector<1x16xf32> to vector<16xf32>
      %swap3A_632 = vector.shape_cast %add3A_627 : vector<16xf32> to vector<1x16xf32>
      tpu.vector_store %arg9[%swap3A_628, %swap3A_629], %swap3A_632 {strides = array<i32>} : memref<16x768xf32, #tpu.memory_space<vmem>>, vector<1x16xf32>,
      %scan3A_633 = arith.constant 0 : i32
      scf.yield %scan3A_633 : i32
    }
    %scan3A_370 = arith.constant 48 : i32
    %scan3A_371 = arith.constant 0 : i32
    %scan3A_372 = arith.constant 0 : i32
    %scan3A_373 = arith.constant 48 : i32
    %scan3A_374 = arith.addi %scan3A_372, %scan3A_373 : i32
    %scan3A_375 = arith.constant 1 : i32
    %scan3A_376 = scf.for %scan3A_608 = %scan3A_372 to %scan3A_374 step %scan3A_375 iter_args(%scan3A_609 = %scan3A_371) -> (i32)  : i32 {
      %mul3A_610 = arith.constant 16 : i32
      %mul3A_611 = arith.muli %scan3A_608, %mul3A_610 : i32
      %get3A = arith.constant 3 : i32
      %get3A_612 = arith.index_cast %get3A : i32 to index
      %get3A_613 = arith.index_cast %mul3A_611 : i32 to index
      %get3A_614 = tpu.vector_load %arg9[%get3A_612, %get3A_613] {strides = array<i32>} : memref<16x768xf32, #tpu.memory_space<vmem>>, vector<1x16xf32>,
      %get3A_615 = vector.shape_cast %get3A_614 : vector<1x16xf32> to vector<16xf32>
      %get3A_616 = arith.constant 3 : i32
      %get3A_617 = arith.index_cast %get3A_616 : i32 to index
      %get3A_618 = arith.index_cast %mul3A_611 : i32 to index
      %get3A_619 = tpu.vector_load %arg10[%get3A_617, %get3A_618] {strides = array<i32>} : memref<16x768xf32, #tpu.memory_space<vmem>>, vector<1x16xf32>,
      %get3A_620 = vector.shape_cast %get3A_619 : vector<1x16xf32> to vector<16xf32>
      %add3A_621 = arith.addf %get3A_615, %get3A_620 : vector<16xf32>
      %get3A_622 = arith.constant 3 : i32
      %get3A_623 = arith.index_cast %get3A_622 : i32 to index
      %get3A_624 = arith.index_cast %mul3A_611 : i32 to index
      %get3A_625 = tpu.vector_load %arg11[%get3A_623, %get3A_624] {strides = array<i32>} : memref<16x768xf32, #tpu.memory_space<vmem>>, vector<1x16xf32>,
      %get3A_626 = vector.shape_cast %get3A_625 : vector<1x16xf32> to vector<16xf32>
      %add3A_627 = arith.addf %add3A_621, %get3A_626 : vector<16xf32>
      %swap3A = arith.constant 3 : i32
      %swap3A_628 = arith.index_cast %swap3A : i32 to index
      %swap3A_629 = arith.index_cast %mul3A_611 : i32 to index
      %swap3A_630 = tpu.vector_load %arg9[%swap3A_628, %swap3A_629] {strides = array<i32>} : memref<16x768xf32, #tpu.memory_space<vmem>>, vector<1x16xf32>,
      %swap3A_631 = vector.shape_cast %swap3A_630 : vector<1x16xf32> to vector<16xf32>
      %swap3A_632 = vector.shape_cast %add3A_627 : vector<16xf32> to vector<1x16xf32>
      tpu.vector_store %arg9[%swap3A_628, %swap3A_629], %swap3A_632 {strides = array<i32>} : memref<16x768xf32, #tpu.memory_space<vmem>>, vector<1x16xf32>,
      %scan3A_633 = arith.constant 0 : i32
      scf.yield %scan3A_633 : i32
    }
    %scan3A_377 = arith.constant 48 : i32
    %scan3A_378 = arith.constant 0 : i32
    %scan3A_379 = arith.constant 0 : i32
    %scan3A_380 = arith.constant 48 : i32
    %scan3A_381 = arith.addi %scan3A_379, %scan3A_380 : i32
    %scan3A_382 = arith.constant 1 : i32
    %scan3A_383 = scf.for %scan3A_608 = %scan3A_379 to %scan3A_381 step %scan3A_382 iter_args(%scan3A_609 = %scan3A_378) -> (i32)  : i32 {
      %mul3A_610 = arith.constant 16 : i32
      %mul3A_611 = arith.muli %scan3A_608, %mul3A_610 : i32
      %get3A = arith.constant 4 : i32
      %get3A_612 = arith.index_cast %get3A : i32 to index
      %get3A_613 = arith.index_cast %mul3A_611 : i32 to index
      %get3A_614 = tpu.vector_load %arg9[%get3A_612, %get3A_613] {strides = array<i32>} : memref<16x768xf32, #tpu.memory_space<vmem>>, vector<1x16xf32>,
      %get3A_615 = vector.shape_cast %get3A_614 : vector<1x16xf32> to vector<16xf32>
      %get3A_616 = arith.constant 4 : i32
      %get3A_617 = arith.index_cast %get3A_616 : i32 to index
      %get3A_618 = arith.index_cast %mul3A_611 : i32 to index
      %get3A_619 = tpu.vector_load %arg10[%get3A_617, %get3A_618] {strides = array<i32>} : memref<16x768xf32, #tpu.memory_space<vmem>>, vector<1x16xf32>,
      %get3A_620 = vector.shape_cast %get3A_619 : vector<1x16xf32> to vector<16xf32>
      %add3A_621 = arith.addf %get3A_615, %get3A_620 : vector<16xf32>
      %get3A_622 = arith.constant 4 : i32
      %get3A_623 = arith.index_cast %get3A_622 : i32 to index
      %get3A_624 = arith.index_cast %mul3A_611 : i32 to index
      %get3A_625 = tpu.vector_load %arg11[%get3A_623, %get3A_624] {strides = array<i32>} : memref<16x768xf32, #tpu.memory_space<vmem>>, vector<1x16xf32>,
      %get3A_626 = vector.shape_cast %get3A_625 : vector<1x16xf32> to vector<16xf32>
      %add3A_627 = arith.addf %add3A_621, %get3A_626 : vector<16xf32>
      %swap3A = arith.constant 4 : i32
      %swap3A_628 = arith.index_cast %swap3A : i32 to index
      %swap3A_629 = arith.index_cast %mul3A_611 : i32 to index
      %swap3A_630 = tpu.vector_load %arg9[%swap3A_628, %swap3A_629] {strides = array<i32>} : memref<16x768xf32, #tpu.memory_space<vmem>>, vector<1x16xf32>,
      %swap3A_631 = vector.shape_cast %swap3A_630 : vector<1x16xf32> to vector<16xf32>
      %swap3A_632 = vector.shape_cast %add3A_627 : vector<16xf32> to vector<1x16xf32>
      tpu.vector_store %arg9[%swap3A_628, %swap3A_629], %swap3A_632 {strides = array<i32>} : memref<16x768xf32, #tpu.memory_space<vmem>>, vector<1x16xf32>,
      %scan3A_633 = arith.constant 0 : i32
      scf.yield %scan3A_633 : i32
    }
    %scan3A_384 = arith.constant 48 : i32
    %scan3A_385 = arith.constant 0 : i32
    %scan3A_386 = arith.constant 0 : i32
    %scan3A_387 = arith.constant 48 : i32
    %scan3A_388 = arith.addi %scan3A_386, %scan3A_387 : i32
    %scan3A_389 = arith.constant 1 : i32
    %scan3A_390 = scf.for %scan3A_608 = %scan3A_386 to %scan3A_388 step %scan3A_389 iter_args(%scan3A_609 = %scan3A_385) -> (i32)  : i32 {
      %mul3A_610 = arith.constant 16 : i32
      %mul3A_611 = arith.muli %scan3A_608, %mul3A_610 : i32
      %get3A = arith.constant 5 : i32
      %get3A_612 = arith.index_cast %get3A : i32 to index
      %get3A_613 = arith.index_cast %mul3A_611 : i32 to index
      %get3A_614 = tpu.vector_load %arg9[%get3A_612, %get3A_613] {strides = array<i32>} : memref<16x768xf32, #tpu.memory_space<vmem>>, vector<1x16xf32>,
      %get3A_615 = vector.shape_cast %get3A_614 : vector<1x16xf32> to vector<16xf32>
      %get3A_616 = arith.constant 5 : i32
      %get3A_617 = arith.index_cast %get3A_616 : i32 to index
      %get3A_618 = arith.index_cast %mul3A_611 : i32 to index
      %get3A_619 = tpu.vector_load %arg10[%get3A_617, %get3A_618] {strides = array<i32>} : memref<16x768xf32, #tpu.memory_space<vmem>>, vector<1x16xf32>,
      %get3A_620 = vector.shape_cast %get3A_619 : vector<1x16xf32> to vector<16xf32>
      %add3A_621 = arith.addf %get3A_615, %get3A_620 : vector<16xf32>
      %get3A_622 = arith.constant 5 : i32
      %get3A_623 = arith.index_cast %get3A_622 : i32 to index
      %get3A_624 = arith.index_cast %mul3A_611 : i32 to index
      %get3A_625 = tpu.vector_load %arg11[%get3A_623, %get3A_624] {strides = array<i32>} : memref<16x768xf32, #tpu.memory_space<vmem>>, vector<1x16xf32>,
      %get3A_626 = vector.shape_cast %get3A_625 : vector<1x16xf32> to vector<16xf32>
      %add3A_627 = arith.addf %add3A_621, %get3A_626 : vector<16xf32>
      %swap3A = arith.constant 5 : i32
      %swap3A_628 = arith.index_cast %swap3A : i32 to index
      %swap3A_629 = arith.index_cast %mul3A_611 : i32 to index
      %swap3A_630 = tpu.vector_load %arg9[%swap3A_628, %swap3A_629] {strides = array<i32>} : memref<16x768xf32, #tpu.memory_space<vmem>>, vector<1x16xf32>,
      %swap3A_631 = vector.shape_cast %swap3A_630 : vector<1x16xf32> to vector<16xf32>
      %swap3A_632 = vector.shape_cast %add3A_627 : vector<16xf32> to vector<1x16xf32>
      tpu.vector_store %arg9[%swap3A_628, %swap3A_629], %swap3A_632 {strides = array<i32>} : memref<16x768xf32, #tpu.memory_space<vmem>>, vector<1x16xf32>,
      %scan3A_633 = arith.constant 0 : i32
      scf.yield %scan3A_633 : i32
    }
    %scan3A_391 = arith.constant 48 : i32
    %scan3A_392 = arith.constant 0 : i32
    %scan3A_393 = arith.constant 0 : i32
    %scan3A_394 = arith.constant 48 : i32
    %scan3A_395 = arith.addi %scan3A_393, %scan3A_394 : i32
    %scan3A_396 = arith.constant 1 : i32
    %scan3A_397 = scf.for %scan3A_608 = %scan3A_393 to %scan3A_395 step %scan3A_396 iter_args(%scan3A_609 = %scan3A_392) -> (i32)  : i32 {
      %mul3A_610 = arith.constant 16 : i32
      %mul3A_611 = arith.muli %scan3A_608, %mul3A_610 : i32
      %get3A = arith.constant 6 : i32
      %get3A_612 = arith.index_cast %get3A : i32 to index
      %get3A_613 = arith.index_cast %mul3A_611 : i32 to index
      %get3A_614 = tpu.vector_load %arg9[%get3A_612, %get3A_613] {strides = array<i32>} : memref<16x768xf32, #tpu.memory_space<vmem>>, vector<1x16xf32>,
      %get3A_615 = vector.shape_cast %get3A_614 : vector<1x16xf32> to vector<16xf32>
      %get3A_616 = arith.constant 6 : i32
      %get3A_617 = arith.index_cast %get3A_616 : i32 to index
      %get3A_618 = arith.index_cast %mul3A_611 : i32 to index
      %get3A_619 = tpu.vector_load %arg10[%get3A_617, %get3A_618] {strides = array<i32>} : memref<16x768xf32, #tpu.memory_space<vmem>>, vector<1x16xf32>,
      %get3A_620 = vector.shape_cast %get3A_619 : vector<1x16xf32> to vector<16xf32>
      %add3A_621 = arith.addf %get3A_615, %get3A_620 : vector<16xf32>
      %get3A_622 = arith.constant 6 : i32
      %get3A_623 = arith.index_cast %get3A_622 : i32 to index
      %get3A_624 = arith.index_cast %mul3A_611 : i32 to index
      %get3A_625 = tpu.vector_load %arg11[%get3A_623, %get3A_624] {strides = array<i32>} : memref<16x768xf32, #tpu.memory_space<vmem>>, vector<1x16xf32>,
      %get3A_626 = vector.shape_cast %get3A_625 : vector<1x16xf32> to vector<16xf32>
      %add3A_627 = arith.addf %add3A_621, %get3A_626 : vector<16xf32>
      %swap3A = arith.constant 6 : i32
      %swap3A_628 = arith.index_cast %swap3A : i32 to index
      %swap3A_629 = arith.index_cast %mul3A_611 : i32 to index
      %swap3A_630 = tpu.vector_load %arg9[%swap3A_628, %swap3A_629] {strides = array<i32>} : memref<16x768xf32, #tpu.memory_space<vmem>>, vector<1x16xf32>,
      %swap3A_631 = vector.shape_cast %swap3A_630 : vector<1x16xf32> to vector<16xf32>
      %swap3A_632 = vector.shape_cast %add3A_627 : vector<16xf32> to vector<1x16xf32>
      tpu.vector_store %arg9[%swap3A_628, %swap3A_629], %swap3A_632 {strides = array<i32>} : memref<16x768xf32, #tpu.memory_space<vmem>>, vector<1x16xf32>,
      %scan3A_633 = arith.constant 0 : i32
      scf.yield %scan3A_633 : i32
    }
    %scan3A_398 = arith.constant 48 : i32
    %scan3A_399 = arith.constant 0 : i32
    %scan3A_400 = arith.constant 0 : i32
    %scan3A_401 = arith.constant 48 : i32
    %scan3A_402 = arith.addi %scan3A_400, %scan3A_401 : i32
    %scan3A_403 = arith.constant 1 : i32
    %scan3A_404 = scf.for %scan3A_608 = %scan3A_400 to %scan3A_402 step %scan3A_403 iter_args(%scan3A_609 = %scan3A_399) -> (i32)  : i32 {
      %mul3A_610 = arith.constant 16 : i32
      %mul3A_611 = arith.muli %scan3A_608, %mul3A_610 : i32
      %get3A = arith.constant 7 : i32
      %get3A_612 = arith.index_cast %get3A : i32 to index
      %get3A_613 = arith.index_cast %mul3A_611 : i32 to index
      %get3A_614 = tpu.vector_load %arg9[%get3A_612, %get3A_613] {strides = array<i32>} : memref<16x768xf32, #tpu.memory_space<vmem>>, vector<1x16xf32>,
      %get3A_615 = vector.shape_cast %get3A_614 : vector<1x16xf32> to vector<16xf32>
      %get3A_616 = arith.constant 7 : i32
      %get3A_617 = arith.index_cast %get3A_616 : i32 to index
      %get3A_618 = arith.index_cast %mul3A_611 : i32 to index
      %get3A_619 = tpu.vector_load %arg10[%get3A_617, %get3A_618] {strides = array<i32>} : memref<16x768xf32, #tpu.memory_space<vmem>>, vector<1x16xf32>,
      %get3A_620 = vector.shape_cast %get3A_619 : vector<1x16xf32> to vector<16xf32>
      %add3A_621 = arith.addf %get3A_615, %get3A_620 : vector<16xf32>
      %get3A_622 = arith.constant 7 : i32
      %get3A_623 = arith.index_cast %get3A_622 : i32 to index
      %get3A_624 = arith.index_cast %mul3A_611 : i32 to index
      %get3A_625 = tpu.vector_load %arg11[%get3A_623, %get3A_624] {strides = array<i32>} : memref<16x768xf32, #tpu.memory_space<vmem>>, vector<1x16xf32>,
      %get3A_626 = vector.shape_cast %get3A_625 : vector<1x16xf32> to vector<16xf32>
      %add3A_627 = arith.addf %add3A_621, %get3A_626 : vector<16xf32>
      %swap3A = arith.constant 7 : i32
      %swap3A_628 = arith.index_cast %swap3A : i32 to index
      %swap3A_629 = arith.index_cast %mul3A_611 : i32 to index
      %swap3A_630 = tpu.vector_load %arg9[%swap3A_628, %swap3A_629] {strides = array<i32>} : memref<16x768xf32, #tpu.memory_space<vmem>>, vector<1x16xf32>,
      %swap3A_631 = vector.shape_cast %swap3A_630 : vector<1x16xf32> to vector<16xf32>
      %swap3A_632 = vector.shape_cast %add3A_627 : vector<16xf32> to vector<1x16xf32>
      tpu.vector_store %arg9[%swap3A_628, %swap3A_629], %swap3A_632 {strides = array<i32>} : memref<16x768xf32, #tpu.memory_space<vmem>>, vector<1x16xf32>,
      %scan3A_633 = arith.constant 0 : i32
      scf.yield %scan3A_633 : i32
    }
    %scan3A_405 = arith.constant 48 : i32
    %scan3A_406 = arith.constant 0 : i32
    %scan3A_407 = arith.constant 0 : i32
    %scan3A_408 = arith.constant 48 : i32
    %scan3A_409 = arith.addi %scan3A_407, %scan3A_408 : i32
    %scan3A_410 = arith.constant 1 : i32
    %scan3A_411 = scf.for %scan3A_608 = %scan3A_407 to %scan3A_409 step %scan3A_410 iter_args(%scan3A_609 = %scan3A_406) -> (i32)  : i32 {
      %mul3A_610 = arith.constant 16 : i32
      %mul3A_611 = arith.muli %scan3A_608, %mul3A_610 : i32
      %get3A = arith.constant 8 : i32
      %get3A_612 = arith.index_cast %get3A : i32 to index
      %get3A_613 = arith.index_cast %mul3A_611 : i32 to index
      %get3A_614 = tpu.vector_load %arg9[%get3A_612, %get3A_613] {strides = array<i32>} : memref<16x768xf32, #tpu.memory_space<vmem>>, vector<1x16xf32>,
      %get3A_615 = vector.shape_cast %get3A_614 : vector<1x16xf32> to vector<16xf32>
      %get3A_616 = arith.constant 8 : i32
      %get3A_617 = arith.index_cast %get3A_616 : i32 to index
      %get3A_618 = arith.index_cast %mul3A_611 : i32 to index
      %get3A_619 = tpu.vector_load %arg10[%get3A_617, %get3A_618] {strides = array<i32>} : memref<16x768xf32, #tpu.memory_space<vmem>>, vector<1x16xf32>,
      %get3A_620 = vector.shape_cast %get3A_619 : vector<1x16xf32> to vector<16xf32>
      %add3A_621 = arith.addf %get3A_615, %get3A_620 : vector<16xf32>
      %get3A_622 = arith.constant 8 : i32
      %get3A_623 = arith.index_cast %get3A_622 : i32 to index
      %get3A_624 = arith.index_cast %mul3A_611 : i32 to index
      %get3A_625 = tpu.vector_load %arg11[%get3A_623, %get3A_624] {strides = array<i32>} : memref<16x768xf32, #tpu.memory_space<vmem>>, vector<1x16xf32>,
      %get3A_626 = vector.shape_cast %get3A_625 : vector<1x16xf32> to vector<16xf32>
      %add3A_627 = arith.addf %add3A_621, %get3A_626 : vector<16xf32>
      %swap3A = arith.constant 8 : i32
      %swap3A_628 = arith.index_cast %swap3A : i32 to index
      %swap3A_629 = arith.index_cast %mul3A_611 : i32 to index
      %swap3A_630 = tpu.vector_load %arg9[%swap3A_628, %swap3A_629] {strides = array<i32>} : memref<16x768xf32, #tpu.memory_space<vmem>>, vector<1x16xf32>,
      %swap3A_631 = vector.shape_cast %swap3A_630 : vector<1x16xf32> to vector<16xf32>
      %swap3A_632 = vector.shape_cast %add3A_627 : vector<16xf32> to vector<1x16xf32>
      tpu.vector_store %arg9[%swap3A_628, %swap3A_629], %swap3A_632 {strides = array<i32>} : memref<16x768xf32, #tpu.memory_space<vmem>>, vector<1x16xf32>,
      %scan3A_633 = arith.constant 0 : i32
      scf.yield %scan3A_633 : i32
    }
    %scan3A_412 = arith.constant 48 : i32
    %scan3A_413 = arith.constant 0 : i32
    %scan3A_414 = arith.constant 0 : i32
    %scan3A_415 = arith.constant 48 : i32
    %scan3A_416 = arith.addi %scan3A_414, %scan3A_415 : i32
    %scan3A_417 = arith.constant 1 : i32
    %scan3A_418 = scf.for %scan3A_608 = %scan3A_414 to %scan3A_416 step %scan3A_417 iter_args(%scan3A_609 = %scan3A_413) -> (i32)  : i32 {
      %mul3A_610 = arith.constant 16 : i32
      %mul3A_611 = arith.muli %scan3A_608, %mul3A_610 : i32
      %get3A = arith.constant 9 : i32
      %get3A_612 = arith.index_cast %get3A : i32 to index
      %get3A_613 = arith.index_cast %mul3A_611 : i32 to index
      %get3A_614 = tpu.vector_load %arg9[%get3A_612, %get3A_613] {strides = array<i32>} : memref<16x768xf32, #tpu.memory_space<vmem>>, vector<1x16xf32>,
      %get3A_615 = vector.shape_cast %get3A_614 : vector<1x16xf32> to vector<16xf32>
      %get3A_616 = arith.constant 9 : i32
      %get3A_617 = arith.index_cast %get3A_616 : i32 to index
      %get3A_618 = arith.index_cast %mul3A_611 : i32 to index
      %get3A_619 = tpu.vector_load %arg10[%get3A_617, %get3A_618] {strides = array<i32>} : memref<16x768xf32, #tpu.memory_space<vmem>>, vector<1x16xf32>,
      %get3A_620 = vector.shape_cast %get3A_619 : vector<1x16xf32> to vector<16xf32>
      %add3A_621 = arith.addf %get3A_615, %get3A_620 : vector<16xf32>
      %get3A_622 = arith.constant 9 : i32
      %get3A_623 = arith.index_cast %get3A_622 : i32 to index
      %get3A_624 = arith.index_cast %mul3A_611 : i32 to index
      %get3A_625 = tpu.vector_load %arg11[%get3A_623, %get3A_624] {strides = array<i32>} : memref<16x768xf32, #tpu.memory_space<vmem>>, vector<1x16xf32>,
      %get3A_626 = vector.shape_cast %get3A_625 : vector<1x16xf32> to vector<16xf32>
      %add3A_627 = arith.addf %add3A_621, %get3A_626 : vector<16xf32>
      %swap3A = arith.constant 9 : i32
      %swap3A_628 = arith.index_cast %swap3A : i32 to index
      %swap3A_629 = arith.index_cast %mul3A_611 : i32 to index
      %swap3A_630 = tpu.vector_load %arg9[%swap3A_628, %swap3A_629] {strides = array<i32>} : memref<16x768xf32, #tpu.memory_space<vmem>>, vector<1x16xf32>,
      %swap3A_631 = vector.shape_cast %swap3A_630 : vector<1x16xf32> to vector<16xf32>
      %swap3A_632 = vector.shape_cast %add3A_627 : vector<16xf32> to vector<1x16xf32>
      tpu.vector_store %arg9[%swap3A_628, %swap3A_629], %swap3A_632 {strides = array<i32>} : memref<16x768xf32, #tpu.memory_space<vmem>>, vector<1x16xf32>,
      %scan3A_633 = arith.constant 0 : i32
      scf.yield %scan3A_633 : i32
    }
    %scan3A_419 = arith.constant 48 : i32
    %scan3A_420 = arith.constant 0 : i32
    %scan3A_421 = arith.constant 0 : i32
    %scan3A_422 = arith.constant 48 : i32
    %scan3A_423 = arith.addi %scan3A_421, %scan3A_422 : i32
    %scan3A_424 = arith.constant 1 : i32
    %scan3A_425 = scf.for %scan3A_608 = %scan3A_421 to %scan3A_423 step %scan3A_424 iter_args(%scan3A_609 = %scan3A_420) -> (i32)  : i32 {
      %mul3A_610 = arith.constant 16 : i32
      %mul3A_611 = arith.muli %scan3A_608, %mul3A_610 : i32
      %get3A = arith.constant 10 : i32
      %get3A_612 = arith.index_cast %get3A : i32 to index
      %get3A_613 = arith.index_cast %mul3A_611 : i32 to index
      %get3A_614 = tpu.vector_load %arg9[%get3A_612, %get3A_613] {strides = array<i32>} : memref<16x768xf32, #tpu.memory_space<vmem>>, vector<1x16xf32>,
      %get3A_615 = vector.shape_cast %get3A_614 : vector<1x16xf32> to vector<16xf32>
      %get3A_616 = arith.constant 10 : i32
      %get3A_617 = arith.index_cast %get3A_616 : i32 to index
      %get3A_618 = arith.index_cast %mul3A_611 : i32 to index
      %get3A_619 = tpu.vector_load %arg10[%get3A_617, %get3A_618] {strides = array<i32>} : memref<16x768xf32, #tpu.memory_space<vmem>>, vector<1x16xf32>,
      %get3A_620 = vector.shape_cast %get3A_619 : vector<1x16xf32> to vector<16xf32>
      %add3A_621 = arith.addf %get3A_615, %get3A_620 : vector<16xf32>
      %get3A_622 = arith.constant 10 : i32
      %get3A_623 = arith.index_cast %get3A_622 : i32 to index
      %get3A_624 = arith.index_cast %mul3A_611 : i32 to index
      %get3A_625 = tpu.vector_load %arg11[%get3A_623, %get3A_624] {strides = array<i32>} : memref<16x768xf32, #tpu.memory_space<vmem>>, vector<1x16xf32>,
      %get3A_626 = vector.shape_cast %get3A_625 : vector<1x16xf32> to vector<16xf32>
      %add3A_627 = arith.addf %add3A_621, %get3A_626 : vector<16xf32>
      %swap3A = arith.constant 10 : i32
      %swap3A_628 = arith.index_cast %swap3A : i32 to index
      %swap3A_629 = arith.index_cast %mul3A_611 : i32 to index
      %swap3A_630 = tpu.vector_load %arg9[%swap3A_628, %swap3A_629] {strides = array<i32>} : memref<16x768xf32, #tpu.memory_space<vmem>>, vector<1x16xf32>,
      %swap3A_631 = vector.shape_cast %swap3A_630 : vector<1x16xf32> to vector<16xf32>
      %swap3A_632 = vector.shape_cast %add3A_627 : vector<16xf32> to vector<1x16xf32>
      tpu.vector_store %arg9[%swap3A_628, %swap3A_629], %swap3A_632 {strides = array<i32>} : memref<16x768xf32, #tpu.memory_space<vmem>>, vector<1x16xf32>,
      %scan3A_633 = arith.constant 0 : i32
      scf.yield %scan3A_633 : i32
    }
    %scan3A_426 = arith.constant 48 : i32
    %scan3A_427 = arith.constant 0 : i32
    %scan3A_428 = arith.constant 0 : i32
    %scan3A_429 = arith.constant 48 : i32
    %scan3A_430 = arith.addi %scan3A_428, %scan3A_429 : i32
    %scan3A_431 = arith.constant 1 : i32
    %scan3A_432 = scf.for %scan3A_608 = %scan3A_428 to %scan3A_430 step %scan3A_431 iter_args(%scan3A_609 = %scan3A_427) -> (i32)  : i32 {
      %mul3A_610 = arith.constant 16 : i32
      %mul3A_611 = arith.muli %scan3A_608, %mul3A_610 : i32
      %get3A = arith.constant 11 : i32
      %get3A_612 = arith.index_cast %get3A : i32 to index
      %get3A_613 = arith.index_cast %mul3A_611 : i32 to index
      %get3A_614 = tpu.vector_load %arg9[%get3A_612, %get3A_613] {strides = array<i32>} : memref<16x768xf32, #tpu.memory_space<vmem>>, vector<1x16xf32>,
      %get3A_615 = vector.shape_cast %get3A_614 : vector<1x16xf32> to vector<16xf32>
      %get3A_616 = arith.constant 11 : i32
      %get3A_617 = arith.index_cast %get3A_616 : i32 to index
      %get3A_618 = arith.index_cast %mul3A_611 : i32 to index
      %get3A_619 = tpu.vector_load %arg10[%get3A_617, %get3A_618] {strides = array<i32>} : memref<16x768xf32, #tpu.memory_space<vmem>>, vector<1x16xf32>,
      %get3A_620 = vector.shape_cast %get3A_619 : vector<1x16xf32> to vector<16xf32>
      %add3A_621 = arith.addf %get3A_615, %get3A_620 : vector<16xf32>
      %get3A_622 = arith.constant 11 : i32
      %get3A_623 = arith.index_cast %get3A_622 : i32 to index
      %get3A_624 = arith.index_cast %mul3A_611 : i32 to index
      %get3A_625 = tpu.vector_load %arg11[%get3A_623, %get3A_624] {strides = array<i32>} : memref<16x768xf32, #tpu.memory_space<vmem>>, vector<1x16xf32>,
      %get3A_626 = vector.shape_cast %get3A_625 : vector<1x16xf32> to vector<16xf32>
      %add3A_627 = arith.addf %add3A_621, %get3A_626 : vector<16xf32>
      %swap3A = arith.constant 11 : i32
      %swap3A_628 = arith.index_cast %swap3A : i32 to index
      %swap3A_629 = arith.index_cast %mul3A_611 : i32 to index
      %swap3A_630 = tpu.vector_load %arg9[%swap3A_628, %swap3A_629] {strides = array<i32>} : memref<16x768xf32, #tpu.memory_space<vmem>>, vector<1x16xf32>,
      %swap3A_631 = vector.shape_cast %swap3A_630 : vector<1x16xf32> to vector<16xf32>
      %swap3A_632 = vector.shape_cast %add3A_627 : vector<16xf32> to vector<1x16xf32>
      tpu.vector_store %arg9[%swap3A_628, %swap3A_629], %swap3A_632 {strides = array<i32>} : memref<16x768xf32, #tpu.memory_space<vmem>>, vector<1x16xf32>,
      %scan3A_633 = arith.constant 0 : i32
      scf.yield %scan3A_633 : i32
    }
    %scan3A_433 = arith.constant 48 : i32
    %scan3A_434 = arith.constant 0 : i32
    %scan3A_435 = arith.constant 0 : i32
    %scan3A_436 = arith.constant 48 : i32
    %scan3A_437 = arith.addi %scan3A_435, %scan3A_436 : i32
    %scan3A_438 = arith.constant 1 : i32
    %scan3A_439 = scf.for %scan3A_608 = %scan3A_435 to %scan3A_437 step %scan3A_438 iter_args(%scan3A_609 = %scan3A_434) -> (i32)  : i32 {
      %mul3A_610 = arith.constant 16 : i32
      %mul3A_611 = arith.muli %scan3A_608, %mul3A_610 : i32
      %get3A = arith.constant 12 : i32
      %get3A_612 = arith.index_cast %get3A : i32 to index
      %get3A_613 = arith.index_cast %mul3A_611 : i32 to index
      %get3A_614 = tpu.vector_load %arg9[%get3A_612, %get3A_613] {strides = array<i32>} : memref<16x768xf32, #tpu.memory_space<vmem>>, vector<1x16xf32>,
      %get3A_615 = vector.shape_cast %get3A_614 : vector<1x16xf32> to vector<16xf32>
      %get3A_616 = arith.constant 12 : i32
      %get3A_617 = arith.index_cast %get3A_616 : i32 to index
      %get3A_618 = arith.index_cast %mul3A_611 : i32 to index
      %get3A_619 = tpu.vector_load %arg10[%get3A_617, %get3A_618] {strides = array<i32>} : memref<16x768xf32, #tpu.memory_space<vmem>>, vector<1x16xf32>,
      %get3A_620 = vector.shape_cast %get3A_619 : vector<1x16xf32> to vector<16xf32>
      %add3A_621 = arith.addf %get3A_615, %get3A_620 : vector<16xf32>
      %get3A_622 = arith.constant 12 : i32
      %get3A_623 = arith.index_cast %get3A_622 : i32 to index
      %get3A_624 = arith.index_cast %mul3A_611 : i32 to index
      %get3A_625 = tpu.vector_load %arg11[%get3A_623, %get3A_624] {strides = array<i32>} : memref<16x768xf32, #tpu.memory_space<vmem>>, vector<1x16xf32>,
      %get3A_626 = vector.shape_cast %get3A_625 : vector<1x16xf32> to vector<16xf32>
      %add3A_627 = arith.addf %add3A_621, %get3A_626 : vector<16xf32>
      %swap3A = arith.constant 12 : i32
      %swap3A_628 = arith.index_cast %swap3A : i32 to index
      %swap3A_629 = arith.index_cast %mul3A_611 : i32 to index
      %swap3A_630 = tpu.vector_load %arg9[%swap3A_628, %swap3A_629] {strides = array<i32>} : memref<16x768xf32, #tpu.memory_space<vmem>>, vector<1x16xf32>,
      %swap3A_631 = vector.shape_cast %swap3A_630 : vector<1x16xf32> to vector<16xf32>
      %swap3A_632 = vector.shape_cast %add3A_627 : vector<16xf32> to vector<1x16xf32>
      tpu.vector_store %arg9[%swap3A_628, %swap3A_629], %swap3A_632 {strides = array<i32>} : memref<16x768xf32, #tpu.memory_space<vmem>>, vector<1x16xf32>,
      %scan3A_633 = arith.constant 0 : i32
      scf.yield %scan3A_633 : i32
    }
    %scan3A_440 = arith.constant 48 : i32
    %scan3A_441 = arith.constant 0 : i32
    %scan3A_442 = arith.constant 0 : i32
    %scan3A_443 = arith.constant 48 : i32
    %scan3A_444 = arith.addi %scan3A_442, %scan3A_443 : i32
    %scan3A_445 = arith.constant 1 : i32
    %scan3A_446 = scf.for %scan3A_608 = %scan3A_442 to %scan3A_444 step %scan3A_445 iter_args(%scan3A_609 = %scan3A_441) -> (i32)  : i32 {
      %mul3A_610 = arith.constant 16 : i32
      %mul3A_611 = arith.muli %scan3A_608, %mul3A_610 : i32
      %get3A = arith.constant 13 : i32
      %get3A_612 = arith.index_cast %get3A : i32 to index
      %get3A_613 = arith.index_cast %mul3A_611 : i32 to index
      %get3A_614 = tpu.vector_load %arg9[%get3A_612, %get3A_613] {strides = array<i32>} : memref<16x768xf32, #tpu.memory_space<vmem>>, vector<1x16xf32>,
      %get3A_615 = vector.shape_cast %get3A_614 : vector<1x16xf32> to vector<16xf32>
      %get3A_616 = arith.constant 13 : i32
      %get3A_617 = arith.index_cast %get3A_616 : i32 to index
      %get3A_618 = arith.index_cast %mul3A_611 : i32 to index
      %get3A_619 = tpu.vector_load %arg10[%get3A_617, %get3A_618] {strides = array<i32>} : memref<16x768xf32, #tpu.memory_space<vmem>>, vector<1x16xf32>,
      %get3A_620 = vector.shape_cast %get3A_619 : vector<1x16xf32> to vector<16xf32>
      %add3A_621 = arith.addf %get3A_615, %get3A_620 : vector<16xf32>
      %get3A_622 = arith.constant 13 : i32
      %get3A_623 = arith.index_cast %get3A_622 : i32 to index
      %get3A_624 = arith.index_cast %mul3A_611 : i32 to index
      %get3A_625 = tpu.vector_load %arg11[%get3A_623, %get3A_624] {strides = array<i32>} : memref<16x768xf32, #tpu.memory_space<vmem>>, vector<1x16xf32>,
      %get3A_626 = vector.shape_cast %get3A_625 : vector<1x16xf32> to vector<16xf32>
      %add3A_627 = arith.addf %add3A_621, %get3A_626 : vector<16xf32>
      %swap3A = arith.constant 13 : i32
      %swap3A_628 = arith.index_cast %swap3A : i32 to index
      %swap3A_629 = arith.index_cast %mul3A_611 : i32 to index
      %swap3A_630 = tpu.vector_load %arg9[%swap3A_628, %swap3A_629] {strides = array<i32>} : memref<16x768xf32, #tpu.memory_space<vmem>>, vector<1x16xf32>,
      %swap3A_631 = vector.shape_cast %swap3A_630 : vector<1x16xf32> to vector<16xf32>
      %swap3A_632 = vector.shape_cast %add3A_627 : vector<16xf32> to vector<1x16xf32>
      tpu.vector_store %arg9[%swap3A_628, %swap3A_629], %swap3A_632 {strides = array<i32>} : memref<16x768xf32, #tpu.memory_space<vmem>>, vector<1x16xf32>,
      %scan3A_633 = arith.constant 0 : i32
      scf.yield %scan3A_633 : i32
    }
    %scan3A_447 = arith.constant 48 : i32
    %scan3A_448 = arith.constant 0 : i32
    %scan3A_449 = arith.constant 0 : i32
    %scan3A_450 = arith.constant 48 : i32
    %scan3A_451 = arith.addi %scan3A_449, %scan3A_450 : i32
    %scan3A_452 = arith.constant 1 : i32
    %scan3A_453 = scf.for %scan3A_608 = %scan3A_449 to %scan3A_451 step %scan3A_452 iter_args(%scan3A_609 = %scan3A_448) -> (i32)  : i32 {
      %mul3A_610 = arith.constant 16 : i32
      %mul3A_611 = arith.muli %scan3A_608, %mul3A_610 : i32
      %get3A = arith.constant 14 : i32
      %get3A_612 = arith.index_cast %get3A : i32 to index
      %get3A_613 = arith.index_cast %mul3A_611 : i32 to index
      %get3A_614 = tpu.vector_load %arg9[%get3A_612, %get3A_613] {strides = array<i32>} : memref<16x768xf32, #tpu.memory_space<vmem>>, vector<1x16xf32>,
      %get3A_615 = vector.shape_cast %get3A_614 : vector<1x16xf32> to vector<16xf32>
      %get3A_616 = arith.constant 14 : i32
      %get3A_617 = arith.index_cast %get3A_616 : i32 to index
      %get3A_618 = arith.index_cast %mul3A_611 : i32 to index
      %get3A_619 = tpu.vector_load %arg10[%get3A_617, %get3A_618] {strides = array<i32>} : memref<16x768xf32, #tpu.memory_space<vmem>>, vector<1x16xf32>,
      %get3A_620 = vector.shape_cast %get3A_619 : vector<1x16xf32> to vector<16xf32>
      %add3A_621 = arith.addf %get3A_615, %get3A_620 : vector<16xf32>
      %get3A_622 = arith.constant 14 : i32
      %get3A_623 = arith.index_cast %get3A_622 : i32 to index
      %get3A_624 = arith.index_cast %mul3A_611 : i32 to index
      %get3A_625 = tpu.vector_load %arg11[%get3A_623, %get3A_624] {strides = array<i32>} : memref<16x768xf32, #tpu.memory_space<vmem>>, vector<1x16xf32>,
      %get3A_626 = vector.shape_cast %get3A_625 : vector<1x16xf32> to vector<16xf32>
      %add3A_627 = arith.addf %add3A_621, %get3A_626 : vector<16xf32>
      %swap3A = arith.constant 14 : i32
      %swap3A_628 = arith.index_cast %swap3A : i32 to index
      %swap3A_629 = arith.index_cast %mul3A_611 : i32 to index
      %swap3A_630 = tpu.vector_load %arg9[%swap3A_628, %swap3A_629] {strides = array<i32>} : memref<16x768xf32, #tpu.memory_space<vmem>>, vector<1x16xf32>,
      %swap3A_631 = vector.shape_cast %swap3A_630 : vector<1x16xf32> to vector<16xf32>
      %swap3A_632 = vector.shape_cast %add3A_627 : vector<16xf32> to vector<1x16xf32>
      tpu.vector_store %arg9[%swap3A_628, %swap3A_629], %swap3A_632 {strides = array<i32>} : memref<16x768xf32, #tpu.memory_space<vmem>>, vector<1x16xf32>,
      %scan3A_633 = arith.constant 0 : i32
      scf.yield %scan3A_633 : i32
    }
    %scan3A_454 = arith.constant 48 : i32
    %scan3A_455 = arith.constant 0 : i32
    %scan3A_456 = arith.constant 0 : i32
    %scan3A_457 = arith.constant 48 : i32
    %scan3A_458 = arith.addi %scan3A_456, %scan3A_457 : i32
    %scan3A_459 = arith.constant 1 : i32
    %scan3A_460 = scf.for %scan3A_608 = %scan3A_456 to %scan3A_458 step %scan3A_459 iter_args(%scan3A_609 = %scan3A_455) -> (i32)  : i32 {
      %mul3A_610 = arith.constant 16 : i32
      %mul3A_611 = arith.muli %scan3A_608, %mul3A_610 : i32
      %get3A = arith.constant 15 : i32
      %get3A_612 = arith.index_cast %get3A : i32 to index
      %get3A_613 = arith.index_cast %mul3A_611 : i32 to index
      %get3A_614 = tpu.vector_load %arg9[%get3A_612, %get3A_613] {strides = array<i32>} : memref<16x768xf32, #tpu.memory_space<vmem>>, vector<1x16xf32>,
      %get3A_615 = vector.shape_cast %get3A_614 : vector<1x16xf32> to vector<16xf32>
      %get3A_616 = arith.constant 15 : i32
      %get3A_617 = arith.index_cast %get3A_616 : i32 to index
      %get3A_618 = arith.index_cast %mul3A_611 : i32 to index
      %get3A_619 = tpu.vector_load %arg10[%get3A_617, %get3A_618] {strides = array<i32>} : memref<16x768xf32, #tpu.memory_space<vmem>>, vector<1x16xf32>,
      %get3A_620 = vector.shape_cast %get3A_619 : vector<1x16xf32> to vector<16xf32>
      %add3A_621 = arith.addf %get3A_615, %get3A_620 : vector<16xf32>
      %get3A_622 = arith.constant 15 : i32
      %get3A_623 = arith.index_cast %get3A_622 : i32 to index
      %get3A_624 = arith.index_cast %mul3A_611 : i32 to index
      %get3A_625 = tpu.vector_load %arg11[%get3A_623, %get3A_624] {strides = array<i32>} : memref<16x768xf32, #tpu.memory_space<vmem>>, vector<1x16xf32>,
      %get3A_626 = vector.shape_cast %get3A_625 : vector<1x16xf32> to vector<16xf32>
      %add3A_627 = arith.addf %add3A_621, %get3A_626 : vector<16xf32>
      %swap3A = arith.constant 15 : i32
      %swap3A_628 = arith.index_cast %swap3A : i32 to index
      %swap3A_629 = arith.index_cast %mul3A_611 : i32 to index
      %swap3A_630 = tpu.vector_load %arg9[%swap3A_628, %swap3A_629] {strides = array<i32>} : memref<16x768xf32, #tpu.memory_space<vmem>>, vector<1x16xf32>,
      %swap3A_631 = vector.shape_cast %swap3A_630 : vector<1x16xf32> to vector<16xf32>
      %swap3A_632 = vector.shape_cast %add3A_627 : vector<16xf32> to vector<1x16xf32>
      tpu.vector_store %arg9[%swap3A_628, %swap3A_629], %swap3A_632 {strides = array<i32>} : memref<16x768xf32, #tpu.memory_space<vmem>>, vector<1x16xf32>,
      %scan3A_633 = arith.constant 0 : i32
      scf.yield %scan3A_633 : i32
    }
    %scan3A_461 = arith.constant 48 : i32
    %add3A_462 = arith.constant 32 : i32
    %add3A_463 = arith.addi %mul3A_2, %add3A_462 : i32
    %dma_start3A_464 = arith.constant 0 : i32
    %dma_start3A_465 = tpu.memref_slice %arg6[%add3A_463, %dma_start3A_464] : memref<2048x768xf32, #tpu.memory_space<hbm>> -> memref<16x768xf32, #tpu.memory_space<hbm>>
    %dma_start3A_466 = arith.constant 0 : i32
    %dma_start3A_467 = tpu.memref_slice %arg6[%add3A_463, %dma_start3A_466] : memref<2048x768xf32, #tpu.memory_space<hbm>> -> memref<16x768xf32, #tpu.memory_space<hbm>>
    tpu.enqueue_dma source(%arg9 : memref<16x768xf32, #tpu.memory_space<vmem>>) target(%dma_start3A_467 : memref<16x768xf32, #tpu.memory_space<hbm>>) target_semaphore(%arg16 : memref<!tpu.dma_semaphore, #tpu.memory_space<semaphore_mem>>)
    %dma_wait3A_468 = arith.constant 0 : i32
    %dma_wait3A_469 = tpu.memref_slice %arg2[%add3A_335, %dma_wait3A_468] : memref<2048x768xf32, #tpu.memory_space<hbm>> -> memref<16x768xf32, #tpu.memory_space<hbm>>
    %dma_wait3A_470 = arith.constant 0 : i32
    %dma_wait3A_471 = tpu.memref_slice %arg2[%add3A_335, %dma_wait3A_470] : memref<2048x768xf32, #tpu.memory_space<hbm>> -> memref<16x768xf32, #tpu.memory_space<hbm>>
    tpu.wait_dma2 semaphore(%arg15 : memref<!tpu.dma_semaphore, #tpu.memory_space<semaphore_mem>>) src(%dma_wait3A_471 : memref<16x768xf32, #tpu.memory_space<hbm>>) dst(%arg12 : memref<16x768xf32, #tpu.memory_space<vmem>>)
    %dma_wait3A_472 = arith.constant 48 : i32
    %dma_wait3A_473 = tpu.memref_slice %arg7[%dma_wait3A_472] : memref<64xi32, #tpu.memory_space<vmem>> -> memref<16xi32, #tpu.memory_space<vmem>>
    %dma_wait3A_474 = arith.constant 0 : i32
    %dma_wait3A_475 = arith.constant 0 : i32
    %dma_wait3A_476 = tpu.memref_slice %arg3[%dma_wait3A_474, %dma_wait3A_475] : memref<6144x768xf32, #tpu.memory_space<hbm>> -> memref<6144x768xf32, #tpu.memory_space<hbm>>
    tpu.wait_indirect_dma semaphore(%arg15 : memref<!tpu.dma_semaphore, #tpu.memory_space<semaphore_mem>>) src(%dma_wait3A_476 : memref<6144x768xf32, #tpu.memory_space<hbm>>) dst(%arg13 : memref<16x768xf32, #tpu.memory_space<vmem>>)
    %dma_wait3A_477 = arith.constant 48 : i32
    %dma_wait3A_478 = tpu.memref_slice %arg8[%dma_wait3A_477] : memref<64xi32, #tpu.memory_space<vmem>> -> memref<16xi32, #tpu.memory_space<vmem>>
    %dma_wait3A_479 = arith.constant 0 : i32
    %dma_wait3A_480 = arith.constant 0 : i32
    %dma_wait3A_481 = tpu.memref_slice %arg3[%dma_wait3A_479, %dma_wait3A_480] : memref<6144x768xf32, #tpu.memory_space<hbm>> -> memref<6144x768xf32, #tpu.memory_space<hbm>>
    tpu.wait_indirect_dma semaphore(%arg15 : memref<!tpu.dma_semaphore, #tpu.memory_space<semaphore_mem>>) src(%dma_wait3A_481 : memref<6144x768xf32, #tpu.memory_space<hbm>>) dst(%arg14 : memref<16x768xf32, #tpu.memory_space<vmem>>)
    %scan3A_482 = arith.constant 0 : i32
    %scan3A_483 = arith.constant 0 : i32
    %scan3A_484 = arith.constant 48 : i32
    %scan3A_485 = arith.addi %scan3A_483, %scan3A_484 : i32
    %scan3A_486 = arith.constant 1 : i32
    %scan3A_487 = scf.for %scan3A_608 = %scan3A_483 to %scan3A_485 step %scan3A_486 iter_args(%scan3A_609 = %scan3A_482) -> (i32)  : i32 {
      %mul3A_610 = arith.constant 16 : i32
      %mul3A_611 = arith.muli %scan3A_608, %mul3A_610 : i32
      %get3A = arith.constant 0 : i32
      %get3A_612 = arith.index_cast %get3A : i32 to index
      %get3A_613 = arith.index_cast %mul3A_611 : i32 to index
      %get3A_614 = tpu.vector_load %arg12[%get3A_612, %get3A_613] {strides = array<i32>} : memref<16x768xf32, #tpu.memory_space<vmem>>, vector<1x16xf32>,
      %get3A_615 = vector.shape_cast %get3A_614 : vector<1x16xf32> to vector<16xf32>
      %get3A_616 = arith.constant 0 : i32
      %get3A_617 = arith.index_cast %get3A_616 : i32 to index
      %get3A_618 = arith.index_cast %mul3A_611 : i32 to index
      %get3A_619 = tpu.vector_load %arg13[%get3A_617, %get3A_618] {strides = array<i32>} : memref<16x768xf32, #tpu.memory_space<vmem>>, vector<1x16xf32>,
      %get3A_620 = vector.shape_cast %get3A_619 : vector<1x16xf32> to vector<16xf32>
      %add3A_621 = arith.addf %get3A_615, %get3A_620 : vector<16xf32>
      %get3A_622 = arith.constant 0 : i32
      %get3A_623 = arith.index_cast %get3A_622 : i32 to index
      %get3A_624 = arith.index_cast %mul3A_611 : i32 to index
      %get3A_625 = tpu.vector_load %arg14[%get3A_623, %get3A_624] {strides = array<i32>} : memref<16x768xf32, #tpu.memory_space<vmem>>, vector<1x16xf32>,
      %get3A_626 = vector.shape_cast %get3A_625 : vector<1x16xf32> to vector<16xf32>
      %add3A_627 = arith.addf %add3A_621, %get3A_626 : vector<16xf32>
      %swap3A = arith.constant 0 : i32
      %swap3A_628 = arith.index_cast %swap3A : i32 to index
      %swap3A_629 = arith.index_cast %mul3A_611 : i32 to index
      %swap3A_630 = tpu.vector_load %arg12[%swap3A_628, %swap3A_629] {strides = array<i32>} : memref<16x768xf32, #tpu.memory_space<vmem>>, vector<1x16xf32>,
      %swap3A_631 = vector.shape_cast %swap3A_630 : vector<1x16xf32> to vector<16xf32>
      %swap3A_632 = vector.shape_cast %add3A_627 : vector<16xf32> to vector<1x16xf32>
      tpu.vector_store %arg12[%swap3A_628, %swap3A_629], %swap3A_632 {strides = array<i32>} : memref<16x768xf32, #tpu.memory_space<vmem>>, vector<1x16xf32>,
      %scan3A_633 = arith.constant 0 : i32
      scf.yield %scan3A_633 : i32
    }
    %scan3A_488 = arith.constant 48 : i32
    %scan3A_489 = arith.constant 0 : i32
    %scan3A_490 = arith.constant 0 : i32
    %scan3A_491 = arith.constant 48 : i32
    %scan3A_492 = arith.addi %scan3A_490, %scan3A_491 : i32
    %scan3A_493 = arith.constant 1 : i32
    %scan3A_494 = scf.for %scan3A_608 = %scan3A_490 to %scan3A_492 step %scan3A_493 iter_args(%scan3A_609 = %scan3A_489) -> (i32)  : i32 {
      %mul3A_610 = arith.constant 16 : i32
      %mul3A_611 = arith.muli %scan3A_608, %mul3A_610 : i32
      %get3A = arith.constant 1 : i32
      %get3A_612 = arith.index_cast %get3A : i32 to index
      %get3A_613 = arith.index_cast %mul3A_611 : i32 to index
      %get3A_614 = tpu.vector_load %arg12[%get3A_612, %get3A_613] {strides = array<i32>} : memref<16x768xf32, #tpu.memory_space<vmem>>, vector<1x16xf32>,
      %get3A_615 = vector.shape_cast %get3A_614 : vector<1x16xf32> to vector<16xf32>
      %get3A_616 = arith.constant 1 : i32
      %get3A_617 = arith.index_cast %get3A_616 : i32 to index
      %get3A_618 = arith.index_cast %mul3A_611 : i32 to index
      %get3A_619 = tpu.vector_load %arg13[%get3A_617, %get3A_618] {strides = array<i32>} : memref<16x768xf32, #tpu.memory_space<vmem>>, vector<1x16xf32>,
      %get3A_620 = vector.shape_cast %get3A_619 : vector<1x16xf32> to vector<16xf32>
      %add3A_621 = arith.addf %get3A_615, %get3A_620 : vector<16xf32>
      %get3A_622 = arith.constant 1 : i32
      %get3A_623 = arith.index_cast %get3A_622 : i32 to index
      %get3A_624 = arith.index_cast %mul3A_611 : i32 to index
      %get3A_625 = tpu.vector_load %arg14[%get3A_623, %get3A_624] {strides = array<i32>} : memref<16x768xf32, #tpu.memory_space<vmem>>, vector<1x16xf32>,
      %get3A_626 = vector.shape_cast %get3A_625 : vector<1x16xf32> to vector<16xf32>
      %add3A_627 = arith.addf %add3A_621, %get3A_626 : vector<16xf32>
      %swap3A = arith.constant 1 : i32
      %swap3A_628 = arith.index_cast %swap3A : i32 to index
      %swap3A_629 = arith.index_cast %mul3A_611 : i32 to index
      %swap3A_630 = tpu.vector_load %arg12[%swap3A_628, %swap3A_629] {strides = array<i32>} : memref<16x768xf32, #tpu.memory_space<vmem>>, vector<1x16xf32>,
      %swap3A_631 = vector.shape_cast %swap3A_630 : vector<1x16xf32> to vector<16xf32>
      %swap3A_632 = vector.shape_cast %add3A_627 : vector<16xf32> to vector<1x16xf32>
      tpu.vector_store %arg12[%swap3A_628, %swap3A_629], %swap3A_632 {strides = array<i32>} : memref<16x768xf32, #tpu.memory_space<vmem>>, vector<1x16xf32>,
      %scan3A_633 = arith.constant 0 : i32
      scf.yield %scan3A_633 : i32
    }
    %scan3A_495 = arith.constant 48 : i32
    %scan3A_496 = arith.constant 0 : i32
    %scan3A_497 = arith.constant 0 : i32
    %scan3A_498 = arith.constant 48 : i32
    %scan3A_499 = arith.addi %scan3A_497, %scan3A_498 : i32
    %scan3A_500 = arith.constant 1 : i32
    %scan3A_501 = scf.for %scan3A_608 = %scan3A_497 to %scan3A_499 step %scan3A_500 iter_args(%scan3A_609 = %scan3A_496) -> (i32)  : i32 {
      %mul3A_610 = arith.constant 16 : i32
      %mul3A_611 = arith.muli %scan3A_608, %mul3A_610 : i32
      %get3A = arith.constant 2 : i32
      %get3A_612 = arith.index_cast %get3A : i32 to index
      %get3A_613 = arith.index_cast %mul3A_611 : i32 to index
      %get3A_614 = tpu.vector_load %arg12[%get3A_612, %get3A_613] {strides = array<i32>} : memref<16x768xf32, #tpu.memory_space<vmem>>, vector<1x16xf32>,
      %get3A_615 = vector.shape_cast %get3A_614 : vector<1x16xf32> to vector<16xf32>
      %get3A_616 = arith.constant 2 : i32
      %get3A_617 = arith.index_cast %get3A_616 : i32 to index
      %get3A_618 = arith.index_cast %mul3A_611 : i32 to index
      %get3A_619 = tpu.vector_load %arg13[%get3A_617, %get3A_618] {strides = array<i32>} : memref<16x768xf32, #tpu.memory_space<vmem>>, vector<1x16xf32>,
      %get3A_620 = vector.shape_cast %get3A_619 : vector<1x16xf32> to vector<16xf32>
      %add3A_621 = arith.addf %get3A_615, %get3A_620 : vector<16xf32>
      %get3A_622 = arith.constant 2 : i32
      %get3A_623 = arith.index_cast %get3A_622 : i32 to index
      %get3A_624 = arith.index_cast %mul3A_611 : i32 to index
      %get3A_625 = tpu.vector_load %arg14[%get3A_623, %get3A_624] {strides = array<i32>} : memref<16x768xf32, #tpu.memory_space<vmem>>, vector<1x16xf32>,
      %get3A_626 = vector.shape_cast %get3A_625 : vector<1x16xf32> to vector<16xf32>
      %add3A_627 = arith.addf %add3A_621, %get3A_626 : vector<16xf32>
      %swap3A = arith.constant 2 : i32
      %swap3A_628 = arith.index_cast %swap3A : i32 to index
      %swap3A_629 = arith.index_cast %mul3A_611 : i32 to index
      %swap3A_630 = tpu.vector_load %arg12[%swap3A_628, %swap3A_629] {strides = array<i32>} : memref<16x768xf32, #tpu.memory_space<vmem>>, vector<1x16xf32>,
      %swap3A_631 = vector.shape_cast %swap3A_630 : vector<1x16xf32> to vector<16xf32>
      %swap3A_632 = vector.shape_cast %add3A_627 : vector<16xf32> to vector<1x16xf32>
      tpu.vector_store %arg12[%swap3A_628, %swap3A_629], %swap3A_632 {strides = array<i32>} : memref<16x768xf32, #tpu.memory_space<vmem>>, vector<1x16xf32>,
      %scan3A_633 = arith.constant 0 : i32
      scf.yield %scan3A_633 : i32
    }
    %scan3A_502 = arith.constant 48 : i32
    %scan3A_503 = arith.constant 0 : i32
    %scan3A_504 = arith.constant 0 : i32
    %scan3A_505 = arith.constant 48 : i32
    %scan3A_506 = arith.addi %scan3A_504, %scan3A_505 : i32
    %scan3A_507 = arith.constant 1 : i32
    %scan3A_508 = scf.for %scan3A_608 = %scan3A_504 to %scan3A_506 step %scan3A_507 iter_args(%scan3A_609 = %scan3A_503) -> (i32)  : i32 {
      %mul3A_610 = arith.constant 16 : i32
      %mul3A_611 = arith.muli %scan3A_608, %mul3A_610 : i32
      %get3A = arith.constant 3 : i32
      %get3A_612 = arith.index_cast %get3A : i32 to index
      %get3A_613 = arith.index_cast %mul3A_611 : i32 to index
      %get3A_614 = tpu.vector_load %arg12[%get3A_612, %get3A_613] {strides = array<i32>} : memref<16x768xf32, #tpu.memory_space<vmem>>, vector<1x16xf32>,
      %get3A_615 = vector.shape_cast %get3A_614 : vector<1x16xf32> to vector<16xf32>
      %get3A_616 = arith.constant 3 : i32
      %get3A_617 = arith.index_cast %get3A_616 : i32 to index
      %get3A_618 = arith.index_cast %mul3A_611 : i32 to index
      %get3A_619 = tpu.vector_load %arg13[%get3A_617, %get3A_618] {strides = array<i32>} : memref<16x768xf32, #tpu.memory_space<vmem>>, vector<1x16xf32>,
      %get3A_620 = vector.shape_cast %get3A_619 : vector<1x16xf32> to vector<16xf32>
      %add3A_621 = arith.addf %get3A_615, %get3A_620 : vector<16xf32>
      %get3A_622 = arith.constant 3 : i32
      %get3A_623 = arith.index_cast %get3A_622 : i32 to index
      %get3A_624 = arith.index_cast %mul3A_611 : i32 to index
      %get3A_625 = tpu.vector_load %arg14[%get3A_623, %get3A_624] {strides = array<i32>} : memref<16x768xf32, #tpu.memory_space<vmem>>, vector<1x16xf32>,
      %get3A_626 = vector.shape_cast %get3A_625 : vector<1x16xf32> to vector<16xf32>
      %add3A_627 = arith.addf %add3A_621, %get3A_626 : vector<16xf32>
      %swap3A = arith.constant 3 : i32
      %swap3A_628 = arith.index_cast %swap3A : i32 to index
      %swap3A_629 = arith.index_cast %mul3A_611 : i32 to index
      %swap3A_630 = tpu.vector_load %arg12[%swap3A_628, %swap3A_629] {strides = array<i32>} : memref<16x768xf32, #tpu.memory_space<vmem>>, vector<1x16xf32>,
      %swap3A_631 = vector.shape_cast %swap3A_630 : vector<1x16xf32> to vector<16xf32>
      %swap3A_632 = vector.shape_cast %add3A_627 : vector<16xf32> to vector<1x16xf32>
      tpu.vector_store %arg12[%swap3A_628, %swap3A_629], %swap3A_632 {strides = array<i32>} : memref<16x768xf32, #tpu.memory_space<vmem>>, vector<1x16xf32>,
      %scan3A_633 = arith.constant 0 : i32
      scf.yield %scan3A_633 : i32
    }
    %scan3A_509 = arith.constant 48 : i32
    %scan3A_510 = arith.constant 0 : i32
    %scan3A_511 = arith.constant 0 : i32
    %scan3A_512 = arith.constant 48 : i32
    %scan3A_513 = arith.addi %scan3A_511, %scan3A_512 : i32
    %scan3A_514 = arith.constant 1 : i32
    %scan3A_515 = scf.for %scan3A_608 = %scan3A_511 to %scan3A_513 step %scan3A_514 iter_args(%scan3A_609 = %scan3A_510) -> (i32)  : i32 {
      %mul3A_610 = arith.constant 16 : i32
      %mul3A_611 = arith.muli %scan3A_608, %mul3A_610 : i32
      %get3A = arith.constant 4 : i32
      %get3A_612 = arith.index_cast %get3A : i32 to index
      %get3A_613 = arith.index_cast %mul3A_611 : i32 to index
      %get3A_614 = tpu.vector_load %arg12[%get3A_612, %get3A_613] {strides = array<i32>} : memref<16x768xf32, #tpu.memory_space<vmem>>, vector<1x16xf32>,
      %get3A_615 = vector.shape_cast %get3A_614 : vector<1x16xf32> to vector<16xf32>
      %get3A_616 = arith.constant 4 : i32
      %get3A_617 = arith.index_cast %get3A_616 : i32 to index
      %get3A_618 = arith.index_cast %mul3A_611 : i32 to index
      %get3A_619 = tpu.vector_load %arg13[%get3A_617, %get3A_618] {strides = array<i32>} : memref<16x768xf32, #tpu.memory_space<vmem>>, vector<1x16xf32>,
      %get3A_620 = vector.shape_cast %get3A_619 : vector<1x16xf32> to vector<16xf32>
      %add3A_621 = arith.addf %get3A_615, %get3A_620 : vector<16xf32>
      %get3A_622 = arith.constant 4 : i32
      %get3A_623 = arith.index_cast %get3A_622 : i32 to index
      %get3A_624 = arith.index_cast %mul3A_611 : i32 to index
      %get3A_625 = tpu.vector_load %arg14[%get3A_623, %get3A_624] {strides = array<i32>} : memref<16x768xf32, #tpu.memory_space<vmem>>, vector<1x16xf32>,
      %get3A_626 = vector.shape_cast %get3A_625 : vector<1x16xf32> to vector<16xf32>
      %add3A_627 = arith.addf %add3A_621, %get3A_626 : vector<16xf32>
      %swap3A = arith.constant 4 : i32
      %swap3A_628 = arith.index_cast %swap3A : i32 to index
      %swap3A_629 = arith.index_cast %mul3A_611 : i32 to index
      %swap3A_630 = tpu.vector_load %arg12[%swap3A_628, %swap3A_629] {strides = array<i32>} : memref<16x768xf32, #tpu.memory_space<vmem>>, vector<1x16xf32>,
      %swap3A_631 = vector.shape_cast %swap3A_630 : vector<1x16xf32> to vector<16xf32>
      %swap3A_632 = vector.shape_cast %add3A_627 : vector<16xf32> to vector<1x16xf32>
      tpu.vector_store %arg12[%swap3A_628, %swap3A_629], %swap3A_632 {strides = array<i32>} : memref<16x768xf32, #tpu.memory_space<vmem>>, vector<1x16xf32>,
      %scan3A_633 = arith.constant 0 : i32
      scf.yield %scan3A_633 : i32
    }
    %scan3A_516 = arith.constant 48 : i32
    %scan3A_517 = arith.constant 0 : i32
    %scan3A_518 = arith.constant 0 : i32
    %scan3A_519 = arith.constant 48 : i32
    %scan3A_520 = arith.addi %scan3A_518, %scan3A_519 : i32
    %scan3A_521 = arith.constant 1 : i32
    %scan3A_522 = scf.for %scan3A_608 = %scan3A_518 to %scan3A_520 step %scan3A_521 iter_args(%scan3A_609 = %scan3A_517) -> (i32)  : i32 {
      %mul3A_610 = arith.constant 16 : i32
      %mul3A_611 = arith.muli %scan3A_608, %mul3A_610 : i32
      %get3A = arith.constant 5 : i32
      %get3A_612 = arith.index_cast %get3A : i32 to index
      %get3A_613 = arith.index_cast %mul3A_611 : i32 to index
      %get3A_614 = tpu.vector_load %arg12[%get3A_612, %get3A_613] {strides = array<i32>} : memref<16x768xf32, #tpu.memory_space<vmem>>, vector<1x16xf32>,
      %get3A_615 = vector.shape_cast %get3A_614 : vector<1x16xf32> to vector<16xf32>
      %get3A_616 = arith.constant 5 : i32
      %get3A_617 = arith.index_cast %get3A_616 : i32 to index
      %get3A_618 = arith.index_cast %mul3A_611 : i32 to index
      %get3A_619 = tpu.vector_load %arg13[%get3A_617, %get3A_618] {strides = array<i32>} : memref<16x768xf32, #tpu.memory_space<vmem>>, vector<1x16xf32>,
      %get3A_620 = vector.shape_cast %get3A_619 : vector<1x16xf32> to vector<16xf32>
      %add3A_621 = arith.addf %get3A_615, %get3A_620 : vector<16xf32>
      %get3A_622 = arith.constant 5 : i32
      %get3A_623 = arith.index_cast %get3A_622 : i32 to index
      %get3A_624 = arith.index_cast %mul3A_611 : i32 to index
      %get3A_625 = tpu.vector_load %arg14[%get3A_623, %get3A_624] {strides = array<i32>} : memref<16x768xf32, #tpu.memory_space<vmem>>, vector<1x16xf32>,
      %get3A_626 = vector.shape_cast %get3A_625 : vector<1x16xf32> to vector<16xf32>
      %add3A_627 = arith.addf %add3A_621, %get3A_626 : vector<16xf32>
      %swap3A = arith.constant 5 : i32
      %swap3A_628 = arith.index_cast %swap3A : i32 to index
      %swap3A_629 = arith.index_cast %mul3A_611 : i32 to index
      %swap3A_630 = tpu.vector_load %arg12[%swap3A_628, %swap3A_629] {strides = array<i32>} : memref<16x768xf32, #tpu.memory_space<vmem>>, vector<1x16xf32>,
      %swap3A_631 = vector.shape_cast %swap3A_630 : vector<1x16xf32> to vector<16xf32>
      %swap3A_632 = vector.shape_cast %add3A_627 : vector<16xf32> to vector<1x16xf32>
      tpu.vector_store %arg12[%swap3A_628, %swap3A_629], %swap3A_632 {strides = array<i32>} : memref<16x768xf32, #tpu.memory_space<vmem>>, vector<1x16xf32>,
      %scan3A_633 = arith.constant 0 : i32
      scf.yield %scan3A_633 : i32
    }
    %scan3A_523 = arith.constant 48 : i32
    %scan3A_524 = arith.constant 0 : i32
    %scan3A_525 = arith.constant 0 : i32
    %scan3A_526 = arith.constant 48 : i32
    %scan3A_527 = arith.addi %scan3A_525, %scan3A_526 : i32
    %scan3A_528 = arith.constant 1 : i32
    %scan3A_529 = scf.for %scan3A_608 = %scan3A_525 to %scan3A_527 step %scan3A_528 iter_args(%scan3A_609 = %scan3A_524) -> (i32)  : i32 {
      %mul3A_610 = arith.constant 16 : i32
      %mul3A_611 = arith.muli %scan3A_608, %mul3A_610 : i32
      %get3A = arith.constant 6 : i32
      %get3A_612 = arith.index_cast %get3A : i32 to index
      %get3A_613 = arith.index_cast %mul3A_611 : i32 to index
      %get3A_614 = tpu.vector_load %arg12[%get3A_612, %get3A_613] {strides = array<i32>} : memref<16x768xf32, #tpu.memory_space<vmem>>, vector<1x16xf32>,
      %get3A_615 = vector.shape_cast %get3A_614 : vector<1x16xf32> to vector<16xf32>
      %get3A_616 = arith.constant 6 : i32
      %get3A_617 = arith.index_cast %get3A_616 : i32 to index
      %get3A_618 = arith.index_cast %mul3A_611 : i32 to index
      %get3A_619 = tpu.vector_load %arg13[%get3A_617, %get3A_618] {strides = array<i32>} : memref<16x768xf32, #tpu.memory_space<vmem>>, vector<1x16xf32>,
      %get3A_620 = vector.shape_cast %get3A_619 : vector<1x16xf32> to vector<16xf32>
      %add3A_621 = arith.addf %get3A_615, %get3A_620 : vector<16xf32>
      %get3A_622 = arith.constant 6 : i32
      %get3A_623 = arith.index_cast %get3A_622 : i32 to index
      %get3A_624 = arith.index_cast %mul3A_611 : i32 to index
      %get3A_625 = tpu.vector_load %arg14[%get3A_623, %get3A_624] {strides = array<i32>} : memref<16x768xf32, #tpu.memory_space<vmem>>, vector<1x16xf32>,
      %get3A_626 = vector.shape_cast %get3A_625 : vector<1x16xf32> to vector<16xf32>
      %add3A_627 = arith.addf %add3A_621, %get3A_626 : vector<16xf32>
      %swap3A = arith.constant 6 : i32
      %swap3A_628 = arith.index_cast %swap3A : i32 to index
      %swap3A_629 = arith.index_cast %mul3A_611 : i32 to index
      %swap3A_630 = tpu.vector_load %arg12[%swap3A_628, %swap3A_629] {strides = array<i32>} : memref<16x768xf32, #tpu.memory_space<vmem>>, vector<1x16xf32>,
      %swap3A_631 = vector.shape_cast %swap3A_630 : vector<1x16xf32> to vector<16xf32>
      %swap3A_632 = vector.shape_cast %add3A_627 : vector<16xf32> to vector<1x16xf32>
      tpu.vector_store %arg12[%swap3A_628, %swap3A_629], %swap3A_632 {strides = array<i32>} : memref<16x768xf32, #tpu.memory_space<vmem>>, vector<1x16xf32>,
      %scan3A_633 = arith.constant 0 : i32
      scf.yield %scan3A_633 : i32
    }
    %scan3A_530 = arith.constant 48 : i32
    %scan3A_531 = arith.constant 0 : i32
    %scan3A_532 = arith.constant 0 : i32
    %scan3A_533 = arith.constant 48 : i32
    %scan3A_534 = arith.addi %scan3A_532, %scan3A_533 : i32
    %scan3A_535 = arith.constant 1 : i32
    %scan3A_536 = scf.for %scan3A_608 = %scan3A_532 to %scan3A_534 step %scan3A_535 iter_args(%scan3A_609 = %scan3A_531) -> (i32)  : i32 {
      %mul3A_610 = arith.constant 16 : i32
      %mul3A_611 = arith.muli %scan3A_608, %mul3A_610 : i32
      %get3A = arith.constant 7 : i32
      %get3A_612 = arith.index_cast %get3A : i32 to index
      %get3A_613 = arith.index_cast %mul3A_611 : i32 to index
      %get3A_614 = tpu.vector_load %arg12[%get3A_612, %get3A_613] {strides = array<i32>} : memref<16x768xf32, #tpu.memory_space<vmem>>, vector<1x16xf32>,
      %get3A_615 = vector.shape_cast %get3A_614 : vector<1x16xf32> to vector<16xf32>
      %get3A_616 = arith.constant 7 : i32
      %get3A_617 = arith.index_cast %get3A_616 : i32 to index
      %get3A_618 = arith.index_cast %mul3A_611 : i32 to index
      %get3A_619 = tpu.vector_load %arg13[%get3A_617, %get3A_618] {strides = array<i32>} : memref<16x768xf32, #tpu.memory_space<vmem>>, vector<1x16xf32>,
      %get3A_620 = vector.shape_cast %get3A_619 : vector<1x16xf32> to vector<16xf32>
      %add3A_621 = arith.addf %get3A_615, %get3A_620 : vector<16xf32>
      %get3A_622 = arith.constant 7 : i32
      %get3A_623 = arith.index_cast %get3A_622 : i32 to index
      %get3A_624 = arith.index_cast %mul3A_611 : i32 to index
      %get3A_625 = tpu.vector_load %arg14[%get3A_623, %get3A_624] {strides = array<i32>} : memref<16x768xf32, #tpu.memory_space<vmem>>, vector<1x16xf32>,
      %get3A_626 = vector.shape_cast %get3A_625 : vector<1x16xf32> to vector<16xf32>
      %add3A_627 = arith.addf %add3A_621, %get3A_626 : vector<16xf32>
      %swap3A = arith.constant 7 : i32
      %swap3A_628 = arith.index_cast %swap3A : i32 to index
      %swap3A_629 = arith.index_cast %mul3A_611 : i32 to index
      %swap3A_630 = tpu.vector_load %arg12[%swap3A_628, %swap3A_629] {strides = array<i32>} : memref<16x768xf32, #tpu.memory_space<vmem>>, vector<1x16xf32>,
      %swap3A_631 = vector.shape_cast %swap3A_630 : vector<1x16xf32> to vector<16xf32>
      %swap3A_632 = vector.shape_cast %add3A_627 : vector<16xf32> to vector<1x16xf32>
      tpu.vector_store %arg12[%swap3A_628, %swap3A_629], %swap3A_632 {strides = array<i32>} : memref<16x768xf32, #tpu.memory_space<vmem>>, vector<1x16xf32>,
      %scan3A_633 = arith.constant 0 : i32
      scf.yield %scan3A_633 : i32
    }
    %scan3A_537 = arith.constant 48 : i32
    %scan3A_538 = arith.constant 0 : i32
    %scan3A_539 = arith.constant 0 : i32
    %scan3A_540 = arith.constant 48 : i32
    %scan3A_541 = arith.addi %scan3A_539, %scan3A_540 : i32
    %scan3A_542 = arith.constant 1 : i32
    %scan3A_543 = scf.for %scan3A_608 = %scan3A_539 to %scan3A_541 step %scan3A_542 iter_args(%scan3A_609 = %scan3A_538) -> (i32)  : i32 {
      %mul3A_610 = arith.constant 16 : i32
      %mul3A_611 = arith.muli %scan3A_608, %mul3A_610 : i32
      %get3A = arith.constant 8 : i32
      %get3A_612 = arith.index_cast %get3A : i32 to index
      %get3A_613 = arith.index_cast %mul3A_611 : i32 to index
      %get3A_614 = tpu.vector_load %arg12[%get3A_612, %get3A_613] {strides = array<i32>} : memref<16x768xf32, #tpu.memory_space<vmem>>, vector<1x16xf32>,
      %get3A_615 = vector.shape_cast %get3A_614 : vector<1x16xf32> to vector<16xf32>
      %get3A_616 = arith.constant 8 : i32
      %get3A_617 = arith.index_cast %get3A_616 : i32 to index
      %get3A_618 = arith.index_cast %mul3A_611 : i32 to index
      %get3A_619 = tpu.vector_load %arg13[%get3A_617, %get3A_618] {strides = array<i32>} : memref<16x768xf32, #tpu.memory_space<vmem>>, vector<1x16xf32>,
      %get3A_620 = vector.shape_cast %get3A_619 : vector<1x16xf32> to vector<16xf32>
      %add3A_621 = arith.addf %get3A_615, %get3A_620 : vector<16xf32>
      %get3A_622 = arith.constant 8 : i32
      %get3A_623 = arith.index_cast %get3A_622 : i32 to index
      %get3A_624 = arith.index_cast %mul3A_611 : i32 to index
      %get3A_625 = tpu.vector_load %arg14[%get3A_623, %get3A_624] {strides = array<i32>} : memref<16x768xf32, #tpu.memory_space<vmem>>, vector<1x16xf32>,
      %get3A_626 = vector.shape_cast %get3A_625 : vector<1x16xf32> to vector<16xf32>
      %add3A_627 = arith.addf %add3A_621, %get3A_626 : vector<16xf32>
      %swap3A = arith.constant 8 : i32
      %swap3A_628 = arith.index_cast %swap3A : i32 to index
      %swap3A_629 = arith.index_cast %mul3A_611 : i32 to index
      %swap3A_630 = tpu.vector_load %arg12[%swap3A_628, %swap3A_629] {strides = array<i32>} : memref<16x768xf32, #tpu.memory_space<vmem>>, vector<1x16xf32>,
      %swap3A_631 = vector.shape_cast %swap3A_630 : vector<1x16xf32> to vector<16xf32>
      %swap3A_632 = vector.shape_cast %add3A_627 : vector<16xf32> to vector<1x16xf32>
      tpu.vector_store %arg12[%swap3A_628, %swap3A_629], %swap3A_632 {strides = array<i32>} : memref<16x768xf32, #tpu.memory_space<vmem>>, vector<1x16xf32>,
      %scan3A_633 = arith.constant 0 : i32
      scf.yield %scan3A_633 : i32
    }
    %scan3A_544 = arith.constant 48 : i32
    %scan3A_545 = arith.constant 0 : i32
    %scan3A_546 = arith.constant 0 : i32
    %scan3A_547 = arith.constant 48 : i32
    %scan3A_548 = arith.addi %scan3A_546, %scan3A_547 : i32
    %scan3A_549 = arith.constant 1 : i32
    %scan3A_550 = scf.for %scan3A_608 = %scan3A_546 to %scan3A_548 step %scan3A_549 iter_args(%scan3A_609 = %scan3A_545) -> (i32)  : i32 {
      %mul3A_610 = arith.constant 16 : i32
      %mul3A_611 = arith.muli %scan3A_608, %mul3A_610 : i32
      %get3A = arith.constant 9 : i32
      %get3A_612 = arith.index_cast %get3A : i32 to index
      %get3A_613 = arith.index_cast %mul3A_611 : i32 to index
      %get3A_614 = tpu.vector_load %arg12[%get3A_612, %get3A_613] {strides = array<i32>} : memref<16x768xf32, #tpu.memory_space<vmem>>, vector<1x16xf32>,
      %get3A_615 = vector.shape_cast %get3A_614 : vector<1x16xf32> to vector<16xf32>
      %get3A_616 = arith.constant 9 : i32
      %get3A_617 = arith.index_cast %get3A_616 : i32 to index
      %get3A_618 = arith.index_cast %mul3A_611 : i32 to index
      %get3A_619 = tpu.vector_load %arg13[%get3A_617, %get3A_618] {strides = array<i32>} : memref<16x768xf32, #tpu.memory_space<vmem>>, vector<1x16xf32>,
      %get3A_620 = vector.shape_cast %get3A_619 : vector<1x16xf32> to vector<16xf32>
      %add3A_621 = arith.addf %get3A_615, %get3A_620 : vector<16xf32>
      %get3A_622 = arith.constant 9 : i32
      %get3A_623 = arith.index_cast %get3A_622 : i32 to index
      %get3A_624 = arith.index_cast %mul3A_611 : i32 to index
      %get3A_625 = tpu.vector_load %arg14[%get3A_623, %get3A_624] {strides = array<i32>} : memref<16x768xf32, #tpu.memory_space<vmem>>, vector<1x16xf32>,
      %get3A_626 = vector.shape_cast %get3A_625 : vector<1x16xf32> to vector<16xf32>
      %add3A_627 = arith.addf %add3A_621, %get3A_626 : vector<16xf32>
      %swap3A = arith.constant 9 : i32
      %swap3A_628 = arith.index_cast %swap3A : i32 to index
      %swap3A_629 = arith.index_cast %mul3A_611 : i32 to index
      %swap3A_630 = tpu.vector_load %arg12[%swap3A_628, %swap3A_629] {strides = array<i32>} : memref<16x768xf32, #tpu.memory_space<vmem>>, vector<1x16xf32>,
      %swap3A_631 = vector.shape_cast %swap3A_630 : vector<1x16xf32> to vector<16xf32>
      %swap3A_632 = vector.shape_cast %add3A_627 : vector<16xf32> to vector<1x16xf32>
      tpu.vector_store %arg12[%swap3A_628, %swap3A_629], %swap3A_632 {strides = array<i32>} : memref<16x768xf32, #tpu.memory_space<vmem>>, vector<1x16xf32>,
      %scan3A_633 = arith.constant 0 : i32
      scf.yield %scan3A_633 : i32
    }
    %scan3A_551 = arith.constant 48 : i32
    %scan3A_552 = arith.constant 0 : i32
    %scan3A_553 = arith.constant 0 : i32
    %scan3A_554 = arith.constant 48 : i32
    %scan3A_555 = arith.addi %scan3A_553, %scan3A_554 : i32
    %scan3A_556 = arith.constant 1 : i32
    %scan3A_557 = scf.for %scan3A_608 = %scan3A_553 to %scan3A_555 step %scan3A_556 iter_args(%scan3A_609 = %scan3A_552) -> (i32)  : i32 {
      %mul3A_610 = arith.constant 16 : i32
      %mul3A_611 = arith.muli %scan3A_608, %mul3A_610 : i32
      %get3A = arith.constant 10 : i32
      %get3A_612 = arith.index_cast %get3A : i32 to index
      %get3A_613 = arith.index_cast %mul3A_611 : i32 to index
      %get3A_614 = tpu.vector_load %arg12[%get3A_612, %get3A_613] {strides = array<i32>} : memref<16x768xf32, #tpu.memory_space<vmem>>, vector<1x16xf32>,
      %get3A_615 = vector.shape_cast %get3A_614 : vector<1x16xf32> to vector<16xf32>
      %get3A_616 = arith.constant 10 : i32
      %get3A_617 = arith.index_cast %get3A_616 : i32 to index
      %get3A_618 = arith.index_cast %mul3A_611 : i32 to index
      %get3A_619 = tpu.vector_load %arg13[%get3A_617, %get3A_618] {strides = array<i32>} : memref<16x768xf32, #tpu.memory_space<vmem>>, vector<1x16xf32>,
      %get3A_620 = vector.shape_cast %get3A_619 : vector<1x16xf32> to vector<16xf32>
      %add3A_621 = arith.addf %get3A_615, %get3A_620 : vector<16xf32>
      %get3A_622 = arith.constant 10 : i32
      %get3A_623 = arith.index_cast %get3A_622 : i32 to index
      %get3A_624 = arith.index_cast %mul3A_611 : i32 to index
      %get3A_625 = tpu.vector_load %arg14[%get3A_623, %get3A_624] {strides = array<i32>} : memref<16x768xf32, #tpu.memory_space<vmem>>, vector<1x16xf32>,
      %get3A_626 = vector.shape_cast %get3A_625 : vector<1x16xf32> to vector<16xf32>
      %add3A_627 = arith.addf %add3A_621, %get3A_626 : vector<16xf32>
      %swap3A = arith.constant 10 : i32
      %swap3A_628 = arith.index_cast %swap3A : i32 to index
      %swap3A_629 = arith.index_cast %mul3A_611 : i32 to index
      %swap3A_630 = tpu.vector_load %arg12[%swap3A_628, %swap3A_629] {strides = array<i32>} : memref<16x768xf32, #tpu.memory_space<vmem>>, vector<1x16xf32>,
      %swap3A_631 = vector.shape_cast %swap3A_630 : vector<1x16xf32> to vector<16xf32>
      %swap3A_632 = vector.shape_cast %add3A_627 : vector<16xf32> to vector<1x16xf32>
      tpu.vector_store %arg12[%swap3A_628, %swap3A_629], %swap3A_632 {strides = array<i32>} : memref<16x768xf32, #tpu.memory_space<vmem>>, vector<1x16xf32>,
      %scan3A_633 = arith.constant 0 : i32
      scf.yield %scan3A_633 : i32
    }
    %scan3A_558 = arith.constant 48 : i32
    %scan3A_559 = arith.constant 0 : i32
    %scan3A_560 = arith.constant 0 : i32
    %scan3A_561 = arith.constant 48 : i32
    %scan3A_562 = arith.addi %scan3A_560, %scan3A_561 : i32
    %scan3A_563 = arith.constant 1 : i32
    %scan3A_564 = scf.for %scan3A_608 = %scan3A_560 to %scan3A_562 step %scan3A_563 iter_args(%scan3A_609 = %scan3A_559) -> (i32)  : i32 {
      %mul3A_610 = arith.constant 16 : i32
      %mul3A_611 = arith.muli %scan3A_608, %mul3A_610 : i32
      %get3A = arith.constant 11 : i32
      %get3A_612 = arith.index_cast %get3A : i32 to index
      %get3A_613 = arith.index_cast %mul3A_611 : i32 to index
      %get3A_614 = tpu.vector_load %arg12[%get3A_612, %get3A_613] {strides = array<i32>} : memref<16x768xf32, #tpu.memory_space<vmem>>, vector<1x16xf32>,
      %get3A_615 = vector.shape_cast %get3A_614 : vector<1x16xf32> to vector<16xf32>
      %get3A_616 = arith.constant 11 : i32
      %get3A_617 = arith.index_cast %get3A_616 : i32 to index
      %get3A_618 = arith.index_cast %mul3A_611 : i32 to index
      %get3A_619 = tpu.vector_load %arg13[%get3A_617, %get3A_618] {strides = array<i32>} : memref<16x768xf32, #tpu.memory_space<vmem>>, vector<1x16xf32>,
      %get3A_620 = vector.shape_cast %get3A_619 : vector<1x16xf32> to vector<16xf32>
      %add3A_621 = arith.addf %get3A_615, %get3A_620 : vector<16xf32>
      %get3A_622 = arith.constant 11 : i32
      %get3A_623 = arith.index_cast %get3A_622 : i32 to index
      %get3A_624 = arith.index_cast %mul3A_611 : i32 to index
      %get3A_625 = tpu.vector_load %arg14[%get3A_623, %get3A_624] {strides = array<i32>} : memref<16x768xf32, #tpu.memory_space<vmem>>, vector<1x16xf32>,
      %get3A_626 = vector.shape_cast %get3A_625 : vector<1x16xf32> to vector<16xf32>
      %add3A_627 = arith.addf %add3A_621, %get3A_626 : vector<16xf32>
      %swap3A = arith.constant 11 : i32
      %swap3A_628 = arith.index_cast %swap3A : i32 to index
      %swap3A_629 = arith.index_cast %mul3A_611 : i32 to index
      %swap3A_630 = tpu.vector_load %arg12[%swap3A_628, %swap3A_629] {strides = array<i32>} : memref<16x768xf32, #tpu.memory_space<vmem>>, vector<1x16xf32>,
      %swap3A_631 = vector.shape_cast %swap3A_630 : vector<1x16xf32> to vector<16xf32>
      %swap3A_632 = vector.shape_cast %add3A_627 : vector<16xf32> to vector<1x16xf32>
      tpu.vector_store %arg12[%swap3A_628, %swap3A_629], %swap3A_632 {strides = array<i32>} : memref<16x768xf32, #tpu.memory_space<vmem>>, vector<1x16xf32>,
      %scan3A_633 = arith.constant 0 : i32
      scf.yield %scan3A_633 : i32
    }
    %scan3A_565 = arith.constant 48 : i32
    %scan3A_566 = arith.constant 0 : i32
    %scan3A_567 = arith.constant 0 : i32
    %scan3A_568 = arith.constant 48 : i32
    %scan3A_569 = arith.addi %scan3A_567, %scan3A_568 : i32
    %scan3A_570 = arith.constant 1 : i32
    %scan3A_571 = scf.for %scan3A_608 = %scan3A_567 to %scan3A_569 step %scan3A_570 iter_args(%scan3A_609 = %scan3A_566) -> (i32)  : i32 {
      %mul3A_610 = arith.constant 16 : i32
      %mul3A_611 = arith.muli %scan3A_608, %mul3A_610 : i32
      %get3A = arith.constant 12 : i32
      %get3A_612 = arith.index_cast %get3A : i32 to index
      %get3A_613 = arith.index_cast %mul3A_611 : i32 to index
      %get3A_614 = tpu.vector_load %arg12[%get3A_612, %get3A_613] {strides = array<i32>} : memref<16x768xf32, #tpu.memory_space<vmem>>, vector<1x16xf32>,
      %get3A_615 = vector.shape_cast %get3A_614 : vector<1x16xf32> to vector<16xf32>
      %get3A_616 = arith.constant 12 : i32
      %get3A_617 = arith.index_cast %get3A_616 : i32 to index
      %get3A_618 = arith.index_cast %mul3A_611 : i32 to index
      %get3A_619 = tpu.vector_load %arg13[%get3A_617, %get3A_618] {strides = array<i32>} : memref<16x768xf32, #tpu.memory_space<vmem>>, vector<1x16xf32>,
      %get3A_620 = vector.shape_cast %get3A_619 : vector<1x16xf32> to vector<16xf32>
      %add3A_621 = arith.addf %get3A_615, %get3A_620 : vector<16xf32>
      %get3A_622 = arith.constant 12 : i32
      %get3A_623 = arith.index_cast %get3A_622 : i32 to index
      %get3A_624 = arith.index_cast %mul3A_611 : i32 to index
      %get3A_625 = tpu.vector_load %arg14[%get3A_623, %get3A_624] {strides = array<i32>} : memref<16x768xf32, #tpu.memory_space<vmem>>, vector<1x16xf32>,
      %get3A_626 = vector.shape_cast %get3A_625 : vector<1x16xf32> to vector<16xf32>
      %add3A_627 = arith.addf %add3A_621, %get3A_626 : vector<16xf32>
      %swap3A = arith.constant 12 : i32
      %swap3A_628 = arith.index_cast %swap3A : i32 to index
      %swap3A_629 = arith.index_cast %mul3A_611 : i32 to index
      %swap3A_630 = tpu.vector_load %arg12[%swap3A_628, %swap3A_629] {strides = array<i32>} : memref<16x768xf32, #tpu.memory_space<vmem>>, vector<1x16xf32>,
      %swap3A_631 = vector.shape_cast %swap3A_630 : vector<1x16xf32> to vector<16xf32>
      %swap3A_632 = vector.shape_cast %add3A_627 : vector<16xf32> to vector<1x16xf32>
      tpu.vector_store %arg12[%swap3A_628, %swap3A_629], %swap3A_632 {strides = array<i32>} : memref<16x768xf32, #tpu.memory_space<vmem>>, vector<1x16xf32>,
      %scan3A_633 = arith.constant 0 : i32
      scf.yield %scan3A_633 : i32
    }
    %scan3A_572 = arith.constant 48 : i32
    %scan3A_573 = arith.constant 0 : i32
    %scan3A_574 = arith.constant 0 : i32
    %scan3A_575 = arith.constant 48 : i32
    %scan3A_576 = arith.addi %scan3A_574, %scan3A_575 : i32
    %scan3A_577 = arith.constant 1 : i32
    %scan3A_578 = scf.for %scan3A_608 = %scan3A_574 to %scan3A_576 step %scan3A_577 iter_args(%scan3A_609 = %scan3A_573) -> (i32)  : i32 {
      %mul3A_610 = arith.constant 16 : i32
      %mul3A_611 = arith.muli %scan3A_608, %mul3A_610 : i32
      %get3A = arith.constant 13 : i32
      %get3A_612 = arith.index_cast %get3A : i32 to index
      %get3A_613 = arith.index_cast %mul3A_611 : i32 to index
      %get3A_614 = tpu.vector_load %arg12[%get3A_612, %get3A_613] {strides = array<i32>} : memref<16x768xf32, #tpu.memory_space<vmem>>, vector<1x16xf32>,
      %get3A_615 = vector.shape_cast %get3A_614 : vector<1x16xf32> to vector<16xf32>
      %get3A_616 = arith.constant 13 : i32
      %get3A_617 = arith.index_cast %get3A_616 : i32 to index
      %get3A_618 = arith.index_cast %mul3A_611 : i32 to index
      %get3A_619 = tpu.vector_load %arg13[%get3A_617, %get3A_618] {strides = array<i32>} : memref<16x768xf32, #tpu.memory_space<vmem>>, vector<1x16xf32>,
      %get3A_620 = vector.shape_cast %get3A_619 : vector<1x16xf32> to vector<16xf32>
      %add3A_621 = arith.addf %get3A_615, %get3A_620 : vector<16xf32>
      %get3A_622 = arith.constant 13 : i32
      %get3A_623 = arith.index_cast %get3A_622 : i32 to index
      %get3A_624 = arith.index_cast %mul3A_611 : i32 to index
      %get3A_625 = tpu.vector_load %arg14[%get3A_623, %get3A_624] {strides = array<i32>} : memref<16x768xf32, #tpu.memory_space<vmem>>, vector<1x16xf32>,
      %get3A_626 = vector.shape_cast %get3A_625 : vector<1x16xf32> to vector<16xf32>
      %add3A_627 = arith.addf %add3A_621, %get3A_626 : vector<16xf32>
      %swap3A = arith.constant 13 : i32
      %swap3A_628 = arith.index_cast %swap3A : i32 to index
      %swap3A_629 = arith.index_cast %mul3A_611 : i32 to index
      %swap3A_630 = tpu.vector_load %arg12[%swap3A_628, %swap3A_629] {strides = array<i32>} : memref<16x768xf32, #tpu.memory_space<vmem>>, vector<1x16xf32>,
      %swap3A_631 = vector.shape_cast %swap3A_630 : vector<1x16xf32> to vector<16xf32>
      %swap3A_632 = vector.shape_cast %add3A_627 : vector<16xf32> to vector<1x16xf32>
      tpu.vector_store %arg12[%swap3A_628, %swap3A_629], %swap3A_632 {strides = array<i32>} : memref<16x768xf32, #tpu.memory_space<vmem>>, vector<1x16xf32>,
      %scan3A_633 = arith.constant 0 : i32
      scf.yield %scan3A_633 : i32
    }
    %scan3A_579 = arith.constant 48 : i32
    %scan3A_580 = arith.constant 0 : i32
    %scan3A_581 = arith.constant 0 : i32
    %scan3A_582 = arith.constant 48 : i32
    %scan3A_583 = arith.addi %scan3A_581, %scan3A_582 : i32
    %scan3A_584 = arith.constant 1 : i32
    %scan3A_585 = scf.for %scan3A_608 = %scan3A_581 to %scan3A_583 step %scan3A_584 iter_args(%scan3A_609 = %scan3A_580) -> (i32)  : i32 {
      %mul3A_610 = arith.constant 16 : i32
      %mul3A_611 = arith.muli %scan3A_608, %mul3A_610 : i32
      %get3A = arith.constant 14 : i32
      %get3A_612 = arith.index_cast %get3A : i32 to index
      %get3A_613 = arith.index_cast %mul3A_611 : i32 to index
      %get3A_614 = tpu.vector_load %arg12[%get3A_612, %get3A_613] {strides = array<i32>} : memref<16x768xf32, #tpu.memory_space<vmem>>, vector<1x16xf32>,
      %get3A_615 = vector.shape_cast %get3A_614 : vector<1x16xf32> to vector<16xf32>
      %get3A_616 = arith.constant 14 : i32
      %get3A_617 = arith.index_cast %get3A_616 : i32 to index
      %get3A_618 = arith.index_cast %mul3A_611 : i32 to index
      %get3A_619 = tpu.vector_load %arg13[%get3A_617, %get3A_618] {strides = array<i32>} : memref<16x768xf32, #tpu.memory_space<vmem>>, vector<1x16xf32>,
      %get3A_620 = vector.shape_cast %get3A_619 : vector<1x16xf32> to vector<16xf32>
      %add3A_621 = arith.addf %get3A_615, %get3A_620 : vector<16xf32>
      %get3A_622 = arith.constant 14 : i32
      %get3A_623 = arith.index_cast %get3A_622 : i32 to index
      %get3A_624 = arith.index_cast %mul3A_611 : i32 to index
      %get3A_625 = tpu.vector_load %arg14[%get3A_623, %get3A_624] {strides = array<i32>} : memref<16x768xf32, #tpu.memory_space<vmem>>, vector<1x16xf32>,
      %get3A_626 = vector.shape_cast %get3A_625 : vector<1x16xf32> to vector<16xf32>
      %add3A_627 = arith.addf %add3A_621, %get3A_626 : vector<16xf32>
      %swap3A = arith.constant 14 : i32
      %swap3A_628 = arith.index_cast %swap3A : i32 to index
      %swap3A_629 = arith.index_cast %mul3A_611 : i32 to index
      %swap3A_630 = tpu.vector_load %arg12[%swap3A_628, %swap3A_629] {strides = array<i32>} : memref<16x768xf32, #tpu.memory_space<vmem>>, vector<1x16xf32>,
      %swap3A_631 = vector.shape_cast %swap3A_630 : vector<1x16xf32> to vector<16xf32>
      %swap3A_632 = vector.shape_cast %add3A_627 : vector<16xf32> to vector<1x16xf32>
      tpu.vector_store %arg12[%swap3A_628, %swap3A_629], %swap3A_632 {strides = array<i32>} : memref<16x768xf32, #tpu.memory_space<vmem>>, vector<1x16xf32>,
      %scan3A_633 = arith.constant 0 : i32
      scf.yield %scan3A_633 : i32
    }
    %scan3A_586 = arith.constant 48 : i32
    %scan3A_587 = arith.constant 0 : i32
    %scan3A_588 = arith.constant 0 : i32
    %scan3A_589 = arith.constant 48 : i32
    %scan3A_590 = arith.addi %scan3A_588, %scan3A_589 : i32
    %scan3A_591 = arith.constant 1 : i32
    %scan3A_592 = scf.for %scan3A_608 = %scan3A_588 to %scan3A_590 step %scan3A_591 iter_args(%scan3A_609 = %scan3A_587) -> (i32)  : i32 {
      %mul3A_610 = arith.constant 16 : i32
      %mul3A_611 = arith.muli %scan3A_608, %mul3A_610 : i32
      %get3A = arith.constant 15 : i32
      %get3A_612 = arith.index_cast %get3A : i32 to index
      %get3A_613 = arith.index_cast %mul3A_611 : i32 to index
      %get3A_614 = tpu.vector_load %arg12[%get3A_612, %get3A_613] {strides = array<i32>} : memref<16x768xf32, #tpu.memory_space<vmem>>, vector<1x16xf32>,
      %get3A_615 = vector.shape_cast %get3A_614 : vector<1x16xf32> to vector<16xf32>
      %get3A_616 = arith.constant 15 : i32
      %get3A_617 = arith.index_cast %get3A_616 : i32 to index
      %get3A_618 = arith.index_cast %mul3A_611 : i32 to index
      %get3A_619 = tpu.vector_load %arg13[%get3A_617, %get3A_618] {strides = array<i32>} : memref<16x768xf32, #tpu.memory_space<vmem>>, vector<1x16xf32>,
      %get3A_620 = vector.shape_cast %get3A_619 : vector<1x16xf32> to vector<16xf32>
      %add3A_621 = arith.addf %get3A_615, %get3A_620 : vector<16xf32>
      %get3A_622 = arith.constant 15 : i32
      %get3A_623 = arith.index_cast %get3A_622 : i32 to index
      %get3A_624 = arith.index_cast %mul3A_611 : i32 to index
      %get3A_625 = tpu.vector_load %arg14[%get3A_623, %get3A_624] {strides = array<i32>} : memref<16x768xf32, #tpu.memory_space<vmem>>, vector<1x16xf32>,
      %get3A_626 = vector.shape_cast %get3A_625 : vector<1x16xf32> to vector<16xf32>
      %add3A_627 = arith.addf %add3A_621, %get3A_626 : vector<16xf32>
      %swap3A = arith.constant 15 : i32
      %swap3A_628 = arith.index_cast %swap3A : i32 to index
      %swap3A_629 = arith.index_cast %mul3A_611 : i32 to index
      %swap3A_630 = tpu.vector_load %arg12[%swap3A_628, %swap3A_629] {strides = array<i32>} : memref<16x768xf32, #tpu.memory_space<vmem>>, vector<1x16xf32>,
      %swap3A_631 = vector.shape_cast %swap3A_630 : vector<1x16xf32> to vector<16xf32>
      %swap3A_632 = vector.shape_cast %add3A_627 : vector<16xf32> to vector<1x16xf32>
      tpu.vector_store %arg12[%swap3A_628, %swap3A_629], %swap3A_632 {strides = array<i32>} : memref<16x768xf32, #tpu.memory_space<vmem>>, vector<1x16xf32>,
      %scan3A_633 = arith.constant 0 : i32
      scf.yield %scan3A_633 : i32
    }
    %scan3A_593 = arith.constant 48 : i32
    %add3A_594 = arith.constant 48 : i32
    %add3A_595 = arith.addi %mul3A_2, %add3A_594 : i32
    %dma_start3A_596 = arith.constant 0 : i32
    %dma_start3A_597 = tpu.memref_slice %arg6[%add3A_595, %dma_start3A_596] : memref<2048x768xf32, #tpu.memory_space<hbm>> -> memref<16x768xf32, #tpu.memory_space<hbm>>
    %dma_start3A_598 = arith.constant 0 : i32
    %dma_start3A_599 = tpu.memref_slice %arg6[%add3A_595, %dma_start3A_598] : memref<2048x768xf32, #tpu.memory_space<hbm>> -> memref<16x768xf32, #tpu.memory_space<hbm>>
    tpu.enqueue_dma source(%arg12 : memref<16x768xf32, #tpu.memory_space<vmem>>) target(%dma_start3A_599 : memref<16x768xf32, #tpu.memory_space<hbm>>) target_semaphore(%arg16 : memref<!tpu.dma_semaphore, #tpu.memory_space<semaphore_mem>>)
    %dma_wait3A_600 = arith.constant 0 : i32
    %dma_wait3A_601 = tpu.memref_slice %arg6[%add3A_463, %dma_wait3A_600] : memref<2048x768xf32, #tpu.memory_space<hbm>> -> memref<16x768xf32, #tpu.memory_space<hbm>>
    %dma_wait3A_602 = arith.constant 0 : i32
    %dma_wait3A_603 = tpu.memref_slice %arg6[%add3A_463, %dma_wait3A_602] : memref<2048x768xf32, #tpu.memory_space<hbm>> -> memref<16x768xf32, #tpu.memory_space<hbm>>
    tpu.wait_dma2 semaphore(%arg16 : memref<!tpu.dma_semaphore, #tpu.memory_space<semaphore_mem>>) src(%arg9 : memref<16x768xf32, #tpu.memory_space<vmem>>) dst(%dma_wait3A_603 : memref<16x768xf32, #tpu.memory_space<hbm>>)
    %dma_wait3A_604 = arith.constant 0 : i32
    %dma_wait3A_605 = tpu.memref_slice %arg6[%add3A_595, %dma_wait3A_604] : memref<2048x768xf32, #tpu.memory_space<hbm>> -> memref<16x768xf32, #tpu.memory_space<hbm>>
    %dma_wait3A_606 = arith.constant 0 : i32
    %dma_wait3A_607 = tpu.memref_slice %arg6[%add3A_595, %dma_wait3A_606] : memref<2048x768xf32, #tpu.memory_space<hbm>> -> memref<16x768xf32, #tpu.memory_space<hbm>>
    tpu.wait_dma2 semaphore(%arg16 : memref<!tpu.dma_semaphore, #tpu.memory_space<semaphore_mem>>) src(%arg12 : memref<16x768xf32, #tpu.memory_space<vmem>>) dst(%dma_wait3A_607 : memref<16x768xf32, #tpu.memory_space<hbm>>)
    return
  }
}

#map = affine_map<(d0, d1) -> (0, 0)>
#map1 = affine_map<(d0, d1) -> (0)>
module attributes {stable_mosaic.version = 14 : i64} {
  func.func @_dispatch_body(%arg0: i32, %arg1: i32, %arg2: memref<2048x768xf32, #tpu.memory_space<hbm>>, %arg3: memref<2048xi32, #tpu.memory_space<hbm>>, %arg4: memref<2048xi32, #tpu.memory_space<hbm>>, %arg5: memref<2048xf32, #tpu.memory_space<hbm>>, %arg6: memref<2048xf32, #tpu.memory_space<hbm>>, %arg7: memref<6144x768xf32, #tpu.memory_space<hbm>>, %arg8: memref<6144xf32, #tpu.memory_space<hbm>>, %arg9: memref<64xi32, #tpu.memory_space<vmem>>, %arg10: memref<64xi32, #tpu.memory_space<vmem>>, %arg11: memref<64xf32, #tpu.memory_space<vmem>>, %arg12: memref<64xf32, #tpu.memory_space<vmem>>, %arg13: memref<64x768xf32, #tpu.memory_space<vmem>>, %arg14: memref<!tpu.dma_semaphore, #tpu.memory_space<semaphore_mem>>) attributes {dimension_semantics = [#tpu.dimension_semantics<core_parallel>, #tpu.dimension_semantics<subcore_parallel>], iteration_bounds = array<i64: 2, 16>, scalar_prefetch = 0 : i64, scratch_operands = 6 : i64, tpu.core_type = #tpu.core_type<sc_vector_subcore>, window_params = [{transform_indices = #map}, {transform_indices = #map1}, {transform_indices = #map1}, {transform_indices = #map1}, {transform_indices = #map1}, {transform_indices = #map}, {transform_indices = #map1}]} {
    %mul3A = arith.constant 2 : i32
    %mul3A_0 = arith.muli %arg1, %mul3A : i32
    %add3A = arith.addi %mul3A_0, %arg0 : i32
    %mul3A_1 = arith.constant 64 : i32
    %mul3A_2 = arith.muli %add3A, %mul3A_1 : i32
    "tpu.region"() ({
      %run_scoped3A = tpu.sem_alloc : memref<!tpu.dma_semaphore, #tpu.memory_space<semaphore_mem>>
      %dma_start3A_21 = tpu.memref_slice %arg3[%mul3A_2] : memref<2048xi32, #tpu.memory_space<hbm>> -> memref<64xi32, #tpu.memory_space<hbm>>
      %dma_start3A_22 = tpu.memref_slice %arg3[%mul3A_2] : memref<2048xi32, #tpu.memory_space<hbm>> -> memref<64xi32, #tpu.memory_space<hbm>>
      tpu.enqueue_dma source(%dma_start3A_22 : memref<64xi32, #tpu.memory_space<hbm>>) target(%arg9 : memref<64xi32, #tpu.memory_space<vmem>>) target_semaphore(%run_scoped3A : memref<!tpu.dma_semaphore, #tpu.memory_space<semaphore_mem>>)
      %dma_wait3A_23 = tpu.memref_slice %arg3[%mul3A_2] : memref<2048xi32, #tpu.memory_space<hbm>> -> memref<64xi32, #tpu.memory_space<hbm>>
      %dma_wait3A_24 = tpu.memref_slice %arg3[%mul3A_2] : memref<2048xi32, #tpu.memory_space<hbm>> -> memref<64xi32, #tpu.memory_space<hbm>>
      tpu.wait_dma2 semaphore(%run_scoped3A : memref<!tpu.dma_semaphore, #tpu.memory_space<semaphore_mem>>) src(%dma_wait3A_24 : memref<64xi32, #tpu.memory_space<hbm>>) dst(%arg9 : memref<64xi32, #tpu.memory_space<vmem>>)
      tpu.yield
    }) : () -> ()
    "tpu.region"() ({
      %run_scoped3A = tpu.sem_alloc : memref<!tpu.dma_semaphore, #tpu.memory_space<semaphore_mem>>
      %dma_start3A_21 = tpu.memref_slice %arg4[%mul3A_2] : memref<2048xi32, #tpu.memory_space<hbm>> -> memref<64xi32, #tpu.memory_space<hbm>>
      %dma_start3A_22 = tpu.memref_slice %arg4[%mul3A_2] : memref<2048xi32, #tpu.memory_space<hbm>> -> memref<64xi32, #tpu.memory_space<hbm>>
      tpu.enqueue_dma source(%dma_start3A_22 : memref<64xi32, #tpu.memory_space<hbm>>) target(%arg10 : memref<64xi32, #tpu.memory_space<vmem>>) target_semaphore(%run_scoped3A : memref<!tpu.dma_semaphore, #tpu.memory_space<semaphore_mem>>)
      %dma_wait3A_23 = tpu.memref_slice %arg4[%mul3A_2] : memref<2048xi32, #tpu.memory_space<hbm>> -> memref<64xi32, #tpu.memory_space<hbm>>
      %dma_wait3A_24 = tpu.memref_slice %arg4[%mul3A_2] : memref<2048xi32, #tpu.memory_space<hbm>> -> memref<64xi32, #tpu.memory_space<hbm>>
      tpu.wait_dma2 semaphore(%run_scoped3A : memref<!tpu.dma_semaphore, #tpu.memory_space<semaphore_mem>>) src(%dma_wait3A_24 : memref<64xi32, #tpu.memory_space<hbm>>) dst(%arg10 : memref<64xi32, #tpu.memory_space<vmem>>)
      tpu.yield
    }) : () -> ()
    "tpu.region"() ({
      %run_scoped3A = tpu.sem_alloc : memref<!tpu.dma_semaphore, #tpu.memory_space<semaphore_mem>>
      %dma_start3A_21 = arith.constant 0 : i32
      %dma_start3A_22 = tpu.memref_slice %arg2[%mul3A_2, %dma_start3A_21] : memref<2048x768xf32, #tpu.memory_space<hbm>> -> memref<64x768xf32, #tpu.memory_space<hbm>>
      %dma_start3A_23 = arith.constant 0 : i32
      %dma_start3A_24 = tpu.memref_slice %arg2[%mul3A_2, %dma_start3A_23] : memref<2048x768xf32, #tpu.memory_space<hbm>> -> memref<64x768xf32, #tpu.memory_space<hbm>>
      tpu.enqueue_dma source(%dma_start3A_24 : memref<64x768xf32, #tpu.memory_space<hbm>>) target(%arg13 : memref<64x768xf32, #tpu.memory_space<vmem>>) target_semaphore(%run_scoped3A : memref<!tpu.dma_semaphore, #tpu.memory_space<semaphore_mem>>)
      %dma_wait3A_25 = arith.constant 0 : i32
      %dma_wait3A_26 = tpu.memref_slice %arg2[%mul3A_2, %dma_wait3A_25] : memref<2048x768xf32, #tpu.memory_space<hbm>> -> memref<64x768xf32, #tpu.memory_space<hbm>>
      %dma_wait3A_27 = arith.constant 0 : i32
      %dma_wait3A_28 = tpu.memref_slice %arg2[%mul3A_2, %dma_wait3A_27] : memref<2048x768xf32, #tpu.memory_space<hbm>> -> memref<64x768xf32, #tpu.memory_space<hbm>>
      tpu.wait_dma2 semaphore(%run_scoped3A : memref<!tpu.dma_semaphore, #tpu.memory_space<semaphore_mem>>) src(%dma_wait3A_28 : memref<64x768xf32, #tpu.memory_space<hbm>>) dst(%arg13 : memref<64x768xf32, #tpu.memory_space<vmem>>)
      tpu.yield
    }) : () -> ()
    "tpu.region"() ({
      %run_scoped3A = tpu.sem_alloc : memref<!tpu.dma_semaphore, #tpu.memory_space<semaphore_mem>>
      %dma_start3A_21 = tpu.memref_slice %arg5[%mul3A_2] : memref<2048xf32, #tpu.memory_space<hbm>> -> memref<64xf32, #tpu.memory_space<hbm>>
      %dma_start3A_22 = tpu.memref_slice %arg5[%mul3A_2] : memref<2048xf32, #tpu.memory_space<hbm>> -> memref<64xf32, #tpu.memory_space<hbm>>
      tpu.enqueue_dma source(%dma_start3A_22 : memref<64xf32, #tpu.memory_space<hbm>>) target(%arg11 : memref<64xf32, #tpu.memory_space<vmem>>) target_semaphore(%run_scoped3A : memref<!tpu.dma_semaphore, #tpu.memory_space<semaphore_mem>>)
      %dma_wait3A_23 = tpu.memref_slice %arg5[%mul3A_2] : memref<2048xf32, #tpu.memory_space<hbm>> -> memref<64xf32, #tpu.memory_space<hbm>>
      %dma_wait3A_24 = tpu.memref_slice %arg5[%mul3A_2] : memref<2048xf32, #tpu.memory_space<hbm>> -> memref<64xf32, #tpu.memory_space<hbm>>
      tpu.wait_dma2 semaphore(%run_scoped3A : memref<!tpu.dma_semaphore, #tpu.memory_space<semaphore_mem>>) src(%dma_wait3A_24 : memref<64xf32, #tpu.memory_space<hbm>>) dst(%arg11 : memref<64xf32, #tpu.memory_space<vmem>>)
      tpu.yield
    }) : () -> ()
    "tpu.region"() ({
      %run_scoped3A = tpu.sem_alloc : memref<!tpu.dma_semaphore, #tpu.memory_space<semaphore_mem>>
      %dma_start3A_21 = tpu.memref_slice %arg6[%mul3A_2] : memref<2048xf32, #tpu.memory_space<hbm>> -> memref<64xf32, #tpu.memory_space<hbm>>
      %dma_start3A_22 = tpu.memref_slice %arg6[%mul3A_2] : memref<2048xf32, #tpu.memory_space<hbm>> -> memref<64xf32, #tpu.memory_space<hbm>>
      tpu.enqueue_dma source(%dma_start3A_22 : memref<64xf32, #tpu.memory_space<hbm>>) target(%arg12 : memref<64xf32, #tpu.memory_space<vmem>>) target_semaphore(%run_scoped3A : memref<!tpu.dma_semaphore, #tpu.memory_space<semaphore_mem>>)
      %dma_wait3A_23 = tpu.memref_slice %arg6[%mul3A_2] : memref<2048xf32, #tpu.memory_space<hbm>> -> memref<64xf32, #tpu.memory_space<hbm>>
      %dma_wait3A_24 = tpu.memref_slice %arg6[%mul3A_2] : memref<2048xf32, #tpu.memory_space<hbm>> -> memref<64xf32, #tpu.memory_space<hbm>>
      tpu.wait_dma2 semaphore(%run_scoped3A : memref<!tpu.dma_semaphore, #tpu.memory_space<semaphore_mem>>) src(%dma_wait3A_24 : memref<64xf32, #tpu.memory_space<hbm>>) dst(%arg12 : memref<64xf32, #tpu.memory_space<vmem>>)
      tpu.yield
    }) : () -> ()
    %dma_start3A = arith.constant 0 : i32
    %dma_start3A_3 = arith.constant 0 : i32
    %dma_start3A_4 = tpu.memref_slice %arg7[%dma_start3A, %dma_start3A_3] : memref<6144x768xf32, #tpu.memory_space<hbm>> -> memref<6144x768xf32, #tpu.memory_space<hbm>>
    tpu.enqueue_indirect_dma source(%arg13 : memref<64x768xf32, #tpu.memory_space<vmem>>) target(%dma_start3A_4 : memref<6144x768xf32, #tpu.memory_space<hbm>>) offsets(%arg9 : memref<64xi32, #tpu.memory_space<vmem>>) semaphore(%arg14 : memref<!tpu.dma_semaphore, #tpu.memory_space<semaphore_mem>>)
    %dma_start3A_5 = arith.constant 0 : i32
    %dma_start3A_6 = arith.constant 0 : i32
    %dma_start3A_7 = tpu.memref_slice %arg7[%dma_start3A_5, %dma_start3A_6] : memref<6144x768xf32, #tpu.memory_space<hbm>> -> memref<6144x768xf32, #tpu.memory_space<hbm>>
    tpu.enqueue_indirect_dma source(%arg13 : memref<64x768xf32, #tpu.memory_space<vmem>>) target(%dma_start3A_7 : memref<6144x768xf32, #tpu.memory_space<hbm>>) offsets(%arg10 : memref<64xi32, #tpu.memory_space<vmem>>) semaphore(%arg14 : memref<!tpu.dma_semaphore, #tpu.memory_space<semaphore_mem>>)
    %dma_start3A_8 = arith.constant 0 : i32
    %dma_start3A_9 = tpu.memref_slice %arg8[%dma_start3A_8] : memref<6144xf32, #tpu.memory_space<hbm>> -> memref<6144xf32, #tpu.memory_space<hbm>>
    tpu.enqueue_indirect_dma source(%arg11 : memref<64xf32, #tpu.memory_space<vmem>>) target(%dma_start3A_9 : memref<6144xf32, #tpu.memory_space<hbm>>) offsets(%arg9 : memref<64xi32, #tpu.memory_space<vmem>>) semaphore(%arg14 : memref<!tpu.dma_semaphore, #tpu.memory_space<semaphore_mem>>)
    %dma_start3A_10 = arith.constant 0 : i32
    %dma_start3A_11 = tpu.memref_slice %arg8[%dma_start3A_10] : memref<6144xf32, #tpu.memory_space<hbm>> -> memref<6144xf32, #tpu.memory_space<hbm>>
    tpu.enqueue_indirect_dma source(%arg12 : memref<64xf32, #tpu.memory_space<vmem>>) target(%dma_start3A_11 : memref<6144xf32, #tpu.memory_space<hbm>>) offsets(%arg10 : memref<64xi32, #tpu.memory_space<vmem>>) semaphore(%arg14 : memref<!tpu.dma_semaphore, #tpu.memory_space<semaphore_mem>>)
    %dma_wait3A = arith.constant 0 : i32
    %dma_wait3A_12 = arith.constant 0 : i32
    %dma_wait3A_13 = tpu.memref_slice %arg7[%dma_wait3A, %dma_wait3A_12] : memref<6144x768xf32, #tpu.memory_space<hbm>> -> memref<6144x768xf32, #tpu.memory_space<hbm>>
    tpu.wait_indirect_dma semaphore(%arg14 : memref<!tpu.dma_semaphore, #tpu.memory_space<semaphore_mem>>) src(%arg13 : memref<64x768xf32, #tpu.memory_space<vmem>>) dst(%dma_wait3A_13 : memref<6144x768xf32, #tpu.memory_space<hbm>>)
    %dma_wait3A_14 = arith.constant 0 : i32
    %dma_wait3A_15 = arith.constant 0 : i32
    %dma_wait3A_16 = tpu.memref_slice %arg7[%dma_wait3A_14, %dma_wait3A_15] : memref<6144x768xf32, #tpu.memory_space<hbm>> -> memref<6144x768xf32, #tpu.memory_space<hbm>>
    tpu.wait_indirect_dma semaphore(%arg14 : memref<!tpu.dma_semaphore, #tpu.memory_space<semaphore_mem>>) src(%arg13 : memref<64x768xf32, #tpu.memory_space<vmem>>) dst(%dma_wait3A_16 : memref<6144x768xf32, #tpu.memory_space<hbm>>)
    %dma_wait3A_17 = arith.constant 0 : i32
    %dma_wait3A_18 = tpu.memref_slice %arg8[%dma_wait3A_17] : memref<6144xf32, #tpu.memory_space<hbm>> -> memref<6144xf32, #tpu.memory_space<hbm>>
    tpu.wait_indirect_dma semaphore(%arg14 : memref<!tpu.dma_semaphore, #tpu.memory_space<semaphore_mem>>) src(%arg11 : memref<64xf32, #tpu.memory_space<vmem>>) dst(%dma_wait3A_18 : memref<6144xf32, #tpu.memory_space<hbm>>)
    %dma_wait3A_19 = arith.constant 0 : i32
    %dma_wait3A_20 = tpu.memref_slice %arg8[%dma_wait3A_19] : memref<6144xf32, #tpu.memory_space<hbm>> -> memref<6144xf32, #tpu.memory_space<hbm>>
    tpu.wait_indirect_dma semaphore(%arg14 : memref<!tpu.dma_semaphore, #tpu.memory_space<semaphore_mem>>) src(%arg12 : memref<64xf32, #tpu.memory_space<vmem>>) dst(%dma_wait3A_20 : memref<6144xf32, #tpu.memory_space<hbm>>)
    return
  }
}

module attributes {stable_mosaic.version = 14 : i64} {
  func.func @_gate_body(%arg0: memref<2048x768xf32, #tpu.memory_space<vmem>>, %arg1: memref<768x8xf32, #tpu.memory_space<vmem>>, %arg2: memref<1x8xf32, #tpu.memory_space<vmem>>, %arg3: memref<2048x1xi32, #tpu.memory_space<vmem>>, %arg4: memref<2048x1xi32, #tpu.memory_space<vmem>>, %arg5: memref<2048x1xf32, #tpu.memory_space<vmem>>, %arg6: memref<2048x1xf32, #tpu.memory_space<vmem>>, %arg7: memref<2048x1xf32, #tpu.memory_space<vmem>>, %arg8: memref<24x1xi32, #tpu.memory_space<vmem>>, %arg9: memref<24x1xi32, #tpu.memory_space<vmem>>, %arg10: memref<1x1xf32, #tpu.memory_space<vmem>>) attributes {dimension_semantics = [], scalar_prefetch = 0 : i64, scratch_operands = 0 : i64, tpu.core_type = #tpu.core_type<tc>} {
    %get3A = arith.constant 0 : index
    %get3A_0 = arith.constant 0 : index
    %get3A_1 = vector.load %arg0[%get3A, %get3A_0] : memref<2048x768xf32, #tpu.memory_space<vmem>>, vector<2048x768xf32>
    %get3A_2 = arith.constant 0 : index
    %get3A_3 = arith.constant 0 : index
    %get3A_4 = vector.load %arg2[%get3A_2, %get3A_3] : memref<1x8xf32, #tpu.memory_space<vmem>>, vector<1x8xf32>
    %get3A_5 = arith.constant 0 : index
    %get3A_6 = arith.constant 0 : index
    %get3A_7 = vector.load %arg1[%get3A_5, %get3A_6] : memref<768x8xf32, #tpu.memory_space<vmem>>, vector<768x8xf32>
    %dot_general3A = arith.constant dense<0.000000e+00> : vector<2048x8xf32>
    %dot_general3A_8 = tpu.matmul %get3A_1, %get3A_7, %dot_general3A {dimension_numbers = #tpu.dot_dimension_numbers<[1], [0], [0], [1], [0, 0, 1, 1], [], []>, transpose_lhs_hint = false} : vector<2048x768xf32>, vector<768x8xf32>, vector<2048x8xf32> -> vector<2048x8xf32>
    %add3A = vector.broadcast %get3A_4 : vector<1x8xf32> to vector<2048x8xf32>
    %add3A_9 = arith.addf %dot_general3A_8, %add3A : vector<2048x8xf32>
    %reduce_max3A = arith.constant dense<0xFF800000> : vector<2048xf32>
    %reduce_max3A_10 = vector.multi_reduction <maximumf>, %add3A_9, %reduce_max3A [1] : vector<2048x8xf32> to vector<2048xf32>
    %broadcast_in_dim3A = vector.shape_cast %reduce_max3A_10 : vector<2048xf32> to vector<2048x1xf32>
    %sub3A = vector.broadcast %broadcast_in_dim3A : vector<2048x1xf32> to vector<2048x8xf32>
    %sub3A_11 = arith.subf %add3A_9, %sub3A : vector<2048x8xf32>
    %exp3A = math.exp %sub3A_11 : vector<2048x8xf32>
    %reduce_sum3A = arith.constant dense<0.000000e+00> : vector<2048xf32>
    %reduce_sum3A_12 = vector.multi_reduction <add>, %exp3A, %reduce_sum3A [1] : vector<2048x8xf32> to vector<2048xf32>
    %broadcast_in_dim3A_13 = vector.shape_cast %reduce_sum3A_12 : vector<2048xf32> to vector<2048x1xf32>
    %div3A = vector.broadcast %broadcast_in_dim3A_13 : vector<2048x1xf32> to vector<2048x8xf32>
    %div3A_14 = arith.divf %exp3A, %div3A : vector<2048x8xf32>
    %iota3A = tpu.iota {dimensions = array<i32: 1>} : vector<2048x8xi32>
    %ge3A = arith.constant 1 : i32
    %ge3A_15 = vector.broadcast %ge3A : i32 to vector<2048x8xi32>
    %ge3A_16 = arith.cmpi sge, %iota3A, %ge3A_15 : vector<2048x8xi32>
    %jit3A = arith.constant -1.000000e+00 : f32
    %broadcast_in_dim3A_17 = vector.broadcast %jit3A : f32 to vector<2048x8xf32>
    %select_n3A = arith.select %ge3A_16, %div3A_14, %broadcast_in_dim3A_17 : vector<2048x8xi1>, vector<2048x8xf32>
    %reduce_max3A_18 = arith.constant dense<0xFF800000> : vector<2048xf32>
    %reduce_max3A_19 = vector.multi_reduction <maximumf>, %select_n3A, %reduce_max3A_18 [1] : vector<2048x8xf32> to vector<2048xf32>
    %broadcast_in_dim3A_20 = vector.shape_cast %reduce_max3A_19 : vector<2048xf32> to vector<2048x1xf32>
    %eq3A = vector.broadcast %broadcast_in_dim3A_20 : vector<2048x1xf32> to vector<2048x8xf32>
    %eq3A_21 = arith.cmpf oeq, %select_n3A, %eq3A : vector<2048x8xf32>
    %jit3A_22 = arith.constant 127 : i32
    %broadcast_in_dim3A_23 = vector.broadcast %jit3A_22 : i32 to vector<2048x8xi32>
    %select_n3A_24 = arith.select %eq3A_21, %iota3A, %broadcast_in_dim3A_23 : vector<2048x8xi1>, vector<2048x8xi32>
    %reduce_min3A = arith.constant dense<2147483647> : vector<2048xi32>
    %reduce_min3A_25 = vector.multi_reduction <minsi>, %select_n3A_24, %reduce_min3A [1] : vector<2048x8xi32> to vector<2048xi32>
    %broadcast_in_dim3A_26 = vector.shape_cast %reduce_min3A_25 : vector<2048xi32> to vector<2048x1xi32>
    %eq3A_27 = vector.broadcast %broadcast_in_dim3A_26 : vector<2048x1xi32> to vector<2048x8xi32>
    %eq3A_28 = arith.cmpi eq, %iota3A, %eq3A_27 : vector<2048x8xi32>
    %jit3A_29 = arith.constant -1.000000e+00 : f32
    %broadcast_in_dim3A_30 = vector.broadcast %jit3A_29 : f32 to vector<2048x8xf32>
    %select_n3A_31 = arith.select %eq3A_28, %broadcast_in_dim3A_30, %select_n3A : vector<2048x8xi1>, vector<2048x8xf32>
    %reduce_max3A_32 = arith.constant dense<0xFF800000> : vector<2048xf32>
    %reduce_max3A_33 = vector.multi_reduction <maximumf>, %select_n3A_31, %reduce_max3A_32 [1] : vector<2048x8xf32> to vector<2048xf32>
    %broadcast_in_dim3A_34 = vector.shape_cast %reduce_max3A_33 : vector<2048xf32> to vector<2048x1xf32>
    %eq3A_35 = vector.broadcast %broadcast_in_dim3A_34 : vector<2048x1xf32> to vector<2048x8xf32>
    %eq3A_36 = arith.cmpf oeq, %select_n3A_31, %eq3A_35 : vector<2048x8xf32>
    %jit3A_37 = arith.constant 127 : i32
    %broadcast_in_dim3A_38 = vector.broadcast %jit3A_37 : i32 to vector<2048x8xi32>
    %select_n3A_39 = arith.select %eq3A_36, %iota3A, %broadcast_in_dim3A_38 : vector<2048x8xi1>, vector<2048x8xi32>
    %reduce_min3A_40 = arith.constant dense<2147483647> : vector<2048xi32>
    %reduce_min3A_41 = vector.multi_reduction <minsi>, %select_n3A_39, %reduce_min3A_40 [1] : vector<2048x8xi32> to vector<2048xi32>
    %broadcast_in_dim3A_42 = vector.shape_cast %reduce_min3A_41 : vector<2048xi32> to vector<2048x1xi32>
    %slice3A = vector.extract_strided_slice %div3A_14 {offsets = [0, 0], sizes = [2048, 1], strides = [1, 1]} : vector<2048x8xf32> to vector<2048x1xf32>
    %swap3A = arith.constant 0 : index
    %swap3A_43 = arith.constant 0 : index
    %swap3A_44 = vector.load %arg5[%swap3A, %swap3A_43] : memref<2048x1xf32, #tpu.memory_space<vmem>>, vector<2048x1xf32>
    tpu.vector_store %arg5[%swap3A, %swap3A_43], %slice3A {strides = array<i32>} : memref<2048x1xf32, #tpu.memory_space<vmem>>, vector<2048x1xf32>,
    %swap3A_45 = arith.constant 0 : index
    %swap3A_46 = arith.constant 0 : index
    %swap3A_47 = vector.load %arg6[%swap3A_45, %swap3A_46] : memref<2048x1xf32, #tpu.memory_space<vmem>>, vector<2048x1xf32>
    tpu.vector_store %arg6[%swap3A_45, %swap3A_46], %broadcast_in_dim3A_20 {strides = array<i32>} : memref<2048x1xf32, #tpu.memory_space<vmem>>, vector<2048x1xf32>,
    %swap3A_48 = arith.constant 0 : index
    %swap3A_49 = arith.constant 0 : index
    %swap3A_50 = vector.load %arg7[%swap3A_48, %swap3A_49] : memref<2048x1xf32, #tpu.memory_space<vmem>>, vector<2048x1xf32>
    tpu.vector_store %arg7[%swap3A_48, %swap3A_49], %broadcast_in_dim3A_34 {strides = array<i32>} : memref<2048x1xf32, #tpu.memory_space<vmem>>, vector<2048x1xf32>,
    %eq3A_51 = arith.constant 0 : i32
    %eq3A_52 = vector.broadcast %eq3A_51 : i32 to vector<2048x8xi32>
    %eq3A_53 = arith.cmpi eq, %iota3A, %eq3A_52 : vector<2048x8xi32>
    %eq3A_54 = vector.broadcast %broadcast_in_dim3A_26 : vector<2048x1xi32> to vector<2048x8xi32>
    %eq3A_55 = arith.cmpi eq, %iota3A, %eq3A_54 : vector<2048x8xi32>
    %or3A = arith.ori %eq3A_53, %eq3A_55 : vector<2048x8xi1>
    %eq3A_56 = vector.broadcast %broadcast_in_dim3A_42 : vector<2048x1xi32> to vector<2048x8xi32>
    %eq3A_57 = arith.cmpi eq, %iota3A, %eq3A_56 : vector<2048x8xi32>
    %or3A_58 = arith.ori %or3A, %eq3A_57 : vector<2048x8xi1>
    %jit3A_59 = arith.constant 0.000000e+00 : f32
    %broadcast_in_dim3A_60 = vector.broadcast %jit3A_59 : f32 to vector<2048x8xf32>
    %select_n3A_61 = arith.select %or3A_58, %div3A_14, %broadcast_in_dim3A_60 : vector<2048x8xi1>, vector<2048x8xf32>
    %jit3A_62 = arith.constant 1.000000e+00 : f32
    %jit3A_63 = arith.constant 0.000000e+00 : f32
    %broadcast_in_dim3A_64 = vector.broadcast %jit3A_62 : f32 to vector<2048x8xf32>
    %broadcast_in_dim3A_65 = vector.broadcast %jit3A_63 : f32 to vector<2048x8xf32>
    %select_n3A_66 = arith.select %or3A_58, %broadcast_in_dim3A_64, %broadcast_in_dim3A_65 : vector<2048x8xi1>, vector<2048x8xf32>
    %reduce_sum3A_67 = arith.constant dense<0.000000e+00> : vector<8xf32>
    %reduce_sum3A_68 = vector.multi_reduction <add>, %select_n3A_66, %reduce_sum3A_67 [0] : vector<2048x8xf32> to vector<8xf32>
    %reduce_sum3A_69 = arith.constant dense<0.000000e+00> : vector<8xf32>
    %reduce_sum3A_70 = vector.multi_reduction <add>, %select_n3A_61, %reduce_sum3A_69 [0] : vector<2048x8xf32> to vector<8xf32>
    %mul3A = arith.mulf %reduce_sum3A_68, %reduce_sum3A_70 : vector<8xf32>
    %reduce_sum3A_71 = vector.shape_cast %mul3A : vector<8xf32> to vector<1x8xf32>
    %reduce_sum3A_72 = arith.constant dense<0.000000e+00> : vector<1xf32>
    %reduce_sum3A_73 = vector.multi_reduction <add>, %reduce_sum3A_71, %reduce_sum3A_72 [1] : vector<1x8xf32> to vector<1xf32>
    %reduce_sum3A_74 = vector.shape_cast %reduce_sum3A_73 : vector<1xf32> to vector<1x1xf32>
    %reduce_sum3A_75 = vector.extract %reduce_sum3A_74[0, 0] : f32 from vector<1x1xf32>
    %mul3A_76 = arith.constant 6.35782897E-7 : f32
    %mul3A_77 = arith.mulf %reduce_sum3A_75, %mul3A_76 : f32
    %reshape3A = vector.broadcast %mul3A_77 : f32 to vector<1x1xf32>
    %swap3A_78 = arith.constant 0 : index
    %swap3A_79 = arith.constant 0 : index
    %swap3A_80 = vector.load %arg10[%swap3A_78, %swap3A_79] : memref<1x1xf32, #tpu.memory_space<vmem>>, vector<1x1xf32>
    tpu.vector_store %arg10[%swap3A_78, %swap3A_79], %reshape3A {strides = array<i32>} : memref<1x1xf32, #tpu.memory_space<vmem>>, vector<1x1xf32>,
    %eq3A_81 = vector.broadcast %broadcast_in_dim3A_26 : vector<2048x1xi32> to vector<2048x8xi32>
    %eq3A_82 = arith.cmpi eq, %iota3A, %eq3A_81 : vector<2048x8xi32>
    %convert_element_type3A = arith.extui %eq3A_82 : vector<2048x8xi1> to vector<2048x8xi32>
    %convert_element_type3A_83 = arith.sitofp %convert_element_type3A : vector<2048x8xi32> to vector<2048x8xf32>
    %eq3A_84 = vector.broadcast %broadcast_in_dim3A_42 : vector<2048x1xi32> to vector<2048x8xi32>
    %eq3A_85 = arith.cmpi eq, %iota3A, %eq3A_84 : vector<2048x8xi32>
    %convert_element_type3A_86 = arith.extui %eq3A_85 : vector<2048x8xi1> to vector<2048x8xi32>
    %convert_element_type3A_87 = arith.sitofp %convert_element_type3A_86 : vector<2048x8xi32> to vector<2048x8xf32>
    %add3A_88 = arith.addf %convert_element_type3A_83, %convert_element_type3A_87 : vector<2048x8xf32>
    %broadcast_in_dim3A_89 = arith.constant 0.000000e+00 : f32
    %broadcast_in_dim3A_90 = vector.broadcast %broadcast_in_dim3A_89 : f32 to vector<1x8xf32>
    %iota3A_91 = tpu.iota {dimensions = array<i32: 0>} : vector<256x256xi32>
    %iota3A_92 = tpu.iota {dimensions = array<i32: 1>} : vector<256x256xi32>
    %gt3A = arith.cmpi sgt, %iota3A_91, %iota3A_92 : vector<256x256xi32>
    %convert_element_type3A_93 = arith.extui %gt3A : vector<256x256xi1> to vector<256x256xi32>
    %convert_element_type3A_94 = arith.sitofp %convert_element_type3A_93 : vector<256x256xi32> to vector<256x256xf32>
    %slice3A_95 = vector.extract_strided_slice %add3A_88 {offsets = [0, 0], sizes = [256, 8], strides = [1, 1]} : vector<2048x8xf32> to vector<256x8xf32>
    %dot_general3A_96 = arith.constant dense<0.000000e+00> : vector<256x8xf32>
    %dot_general3A_97 = tpu.matmul %convert_element_type3A_94, %slice3A_95, %dot_general3A_96 {dimension_numbers = #tpu.dot_dimension_numbers<[1], [0], [0], [1], [0, 0, 1, 1], [], []>, transpose_lhs_hint = false} : vector<256x256xf32>, vector<256x8xf32>, vector<256x8xf32> -> vector<256x8xf32>
    %add3A_98 = vector.broadcast %broadcast_in_dim3A_90 : vector<1x8xf32> to vector<256x8xf32>
    %add3A_99 = arith.addf %dot_general3A_97, %add3A_98 : vector<256x8xf32>
    %reduce_sum3A_100 = arith.constant dense<0.000000e+00> : vector<8xf32>
    %reduce_sum3A_101 = vector.multi_reduction <add>, %slice3A_95, %reduce_sum3A_100 [0] : vector<256x8xf32> to vector<8xf32>
    %broadcast_in_dim3A_102 = vector.shape_cast %reduce_sum3A_101 : vector<8xf32> to vector<1x8xf32>
    %add3A_103 = arith.addf %broadcast_in_dim3A_90, %broadcast_in_dim3A_102 : vector<1x8xf32>
    %slice3A_104 = vector.extract_strided_slice %add3A_88 {offsets = [256, 0], sizes = [256, 8], strides = [1, 1]} : vector<2048x8xf32> to vector<256x8xf32>
    %dot_general3A_105 = arith.constant dense<0.000000e+00> : vector<256x8xf32>
    %dot_general3A_106 = tpu.matmul %convert_element_type3A_94, %slice3A_104, %dot_general3A_105 {dimension_numbers = #tpu.dot_dimension_numbers<[1], [0], [0], [1], [0, 0, 1, 1], [], []>, transpose_lhs_hint = false} : vector<256x256xf32>, vector<256x8xf32>, vector<256x8xf32> -> vector<256x8xf32>
    %add3A_107 = vector.broadcast %add3A_103 : vector<1x8xf32> to vector<256x8xf32>
    %add3A_108 = arith.addf %dot_general3A_106, %add3A_107 : vector<256x8xf32>
    %reduce_sum3A_109 = arith.constant dense<0.000000e+00> : vector<8xf32>
    %reduce_sum3A_110 = vector.multi_reduction <add>, %slice3A_104, %reduce_sum3A_109 [0] : vector<256x8xf32> to vector<8xf32>
    %broadcast_in_dim3A_111 = vector.shape_cast %reduce_sum3A_110 : vector<8xf32> to vector<1x8xf32>
    %add3A_112 = arith.addf %add3A_103, %broadcast_in_dim3A_111 : vector<1x8xf32>
    %slice3A_113 = vector.extract_strided_slice %add3A_88 {offsets = [512, 0], sizes = [256, 8], strides = [1, 1]} : vector<2048x8xf32> to vector<256x8xf32>
    %dot_general3A_114 = arith.constant dense<0.000000e+00> : vector<256x8xf32>
    %dot_general3A_115 = tpu.matmul %convert_element_type3A_94, %slice3A_113, %dot_general3A_114 {dimension_numbers = #tpu.dot_dimension_numbers<[1], [0], [0], [1], [0, 0, 1, 1], [], []>, transpose_lhs_hint = false} : vector<256x256xf32>, vector<256x8xf32>, vector<256x8xf32> -> vector<256x8xf32>
    %add3A_116 = vector.broadcast %add3A_112 : vector<1x8xf32> to vector<256x8xf32>
    %add3A_117 = arith.addf %dot_general3A_115, %add3A_116 : vector<256x8xf32>
    %reduce_sum3A_118 = arith.constant dense<0.000000e+00> : vector<8xf32>
    %reduce_sum3A_119 = vector.multi_reduction <add>, %slice3A_113, %reduce_sum3A_118 [0] : vector<256x8xf32> to vector<8xf32>
    %broadcast_in_dim3A_120 = vector.shape_cast %reduce_sum3A_119 : vector<8xf32> to vector<1x8xf32>
    %add3A_121 = arith.addf %add3A_112, %broadcast_in_dim3A_120 : vector<1x8xf32>
    %slice3A_122 = vector.extract_strided_slice %add3A_88 {offsets = [768, 0], sizes = [256, 8], strides = [1, 1]} : vector<2048x8xf32> to vector<256x8xf32>
    %dot_general3A_123 = arith.constant dense<0.000000e+00> : vector<256x8xf32>
    %dot_general3A_124 = tpu.matmul %convert_element_type3A_94, %slice3A_122, %dot_general3A_123 {dimension_numbers = #tpu.dot_dimension_numbers<[1], [0], [0], [1], [0, 0, 1, 1], [], []>, transpose_lhs_hint = false} : vector<256x256xf32>, vector<256x8xf32>, vector<256x8xf32> -> vector<256x8xf32>
    %add3A_125 = vector.broadcast %add3A_121 : vector<1x8xf32> to vector<256x8xf32>
    %add3A_126 = arith.addf %dot_general3A_124, %add3A_125 : vector<256x8xf32>
    %reduce_sum3A_127 = arith.constant dense<0.000000e+00> : vector<8xf32>
    %reduce_sum3A_128 = vector.multi_reduction <add>, %slice3A_122, %reduce_sum3A_127 [0] : vector<256x8xf32> to vector<8xf32>
    %broadcast_in_dim3A_129 = vector.shape_cast %reduce_sum3A_128 : vector<8xf32> to vector<1x8xf32>
    %add3A_130 = arith.addf %add3A_121, %broadcast_in_dim3A_129 : vector<1x8xf32>
    %slice3A_131 = vector.extract_strided_slice %add3A_88 {offsets = [1024, 0], sizes = [256, 8], strides = [1, 1]} : vector<2048x8xf32> to vector<256x8xf32>
    %dot_general3A_132 = arith.constant dense<0.000000e+00> : vector<256x8xf32>
    %dot_general3A_133 = tpu.matmul %convert_element_type3A_94, %slice3A_131, %dot_general3A_132 {dimension_numbers = #tpu.dot_dimension_numbers<[1], [0], [0], [1], [0, 0, 1, 1], [], []>, transpose_lhs_hint = false} : vector<256x256xf32>, vector<256x8xf32>, vector<256x8xf32> -> vector<256x8xf32>
    %add3A_134 = vector.broadcast %add3A_130 : vector<1x8xf32> to vector<256x8xf32>
    %add3A_135 = arith.addf %dot_general3A_133, %add3A_134 : vector<256x8xf32>
    %reduce_sum3A_136 = arith.constant dense<0.000000e+00> : vector<8xf32>
    %reduce_sum3A_137 = vector.multi_reduction <add>, %slice3A_131, %reduce_sum3A_136 [0] : vector<256x8xf32> to vector<8xf32>
    %broadcast_in_dim3A_138 = vector.shape_cast %reduce_sum3A_137 : vector<8xf32> to vector<1x8xf32>
    %add3A_139 = arith.addf %add3A_130, %broadcast_in_dim3A_138 : vector<1x8xf32>
    %slice3A_140 = vector.extract_strided_slice %add3A_88 {offsets = [1280, 0], sizes = [256, 8], strides = [1, 1]} : vector<2048x8xf32> to vector<256x8xf32>
    %dot_general3A_141 = arith.constant dense<0.000000e+00> : vector<256x8xf32>
    %dot_general3A_142 = tpu.matmul %convert_element_type3A_94, %slice3A_140, %dot_general3A_141 {dimension_numbers = #tpu.dot_dimension_numbers<[1], [0], [0], [1], [0, 0, 1, 1], [], []>, transpose_lhs_hint = false} : vector<256x256xf32>, vector<256x8xf32>, vector<256x8xf32> -> vector<256x8xf32>
    %add3A_143 = vector.broadcast %add3A_139 : vector<1x8xf32> to vector<256x8xf32>
    %add3A_144 = arith.addf %dot_general3A_142, %add3A_143 : vector<256x8xf32>
    %reduce_sum3A_145 = arith.constant dense<0.000000e+00> : vector<8xf32>
    %reduce_sum3A_146 = vector.multi_reduction <add>, %slice3A_140, %reduce_sum3A_145 [0] : vector<256x8xf32> to vector<8xf32>
    %broadcast_in_dim3A_147 = vector.shape_cast %reduce_sum3A_146 : vector<8xf32> to vector<1x8xf32>
    %add3A_148 = arith.addf %add3A_139, %broadcast_in_dim3A_147 : vector<1x8xf32>
    %slice3A_149 = vector.extract_strided_slice %add3A_88 {offsets = [1536, 0], sizes = [256, 8], strides = [1, 1]} : vector<2048x8xf32> to vector<256x8xf32>
    %dot_general3A_150 = arith.constant dense<0.000000e+00> : vector<256x8xf32>
    %dot_general3A_151 = tpu.matmul %convert_element_type3A_94, %slice3A_149, %dot_general3A_150 {dimension_numbers = #tpu.dot_dimension_numbers<[1], [0], [0], [1], [0, 0, 1, 1], [], []>, transpose_lhs_hint = false} : vector<256x256xf32>, vector<256x8xf32>, vector<256x8xf32> -> vector<256x8xf32>
    %add3A_152 = vector.broadcast %add3A_148 : vector<1x8xf32> to vector<256x8xf32>
    %add3A_153 = arith.addf %dot_general3A_151, %add3A_152 : vector<256x8xf32>
    %reduce_sum3A_154 = arith.constant dense<0.000000e+00> : vector<8xf32>
    %reduce_sum3A_155 = vector.multi_reduction <add>, %slice3A_149, %reduce_sum3A_154 [0] : vector<256x8xf32> to vector<8xf32>
    %broadcast_in_dim3A_156 = vector.shape_cast %reduce_sum3A_155 : vector<8xf32> to vector<1x8xf32>
    %add3A_157 = arith.addf %add3A_148, %broadcast_in_dim3A_156 : vector<1x8xf32>
    %slice3A_158 = vector.extract_strided_slice %add3A_88 {offsets = [1792, 0], sizes = [256, 8], strides = [1, 1]} : vector<2048x8xf32> to vector<256x8xf32>
    %dot_general3A_159 = arith.constant dense<0.000000e+00> : vector<256x8xf32>
    %dot_general3A_160 = tpu.matmul %convert_element_type3A_94, %slice3A_158, %dot_general3A_159 {dimension_numbers = #tpu.dot_dimension_numbers<[1], [0], [0], [1], [0, 0, 1, 1], [], []>, transpose_lhs_hint = false} : vector<256x256xf32>, vector<256x8xf32>, vector<256x8xf32> -> vector<256x8xf32>
    %add3A_161 = vector.broadcast %add3A_157 : vector<1x8xf32> to vector<256x8xf32>
    %add3A_162 = arith.addf %dot_general3A_160, %add3A_161 : vector<256x8xf32>
    %reduce_sum3A_163 = arith.constant dense<0.000000e+00> : vector<8xf32>
    %reduce_sum3A_164 = vector.multi_reduction <add>, %slice3A_158, %reduce_sum3A_163 [0] : vector<256x8xf32> to vector<8xf32>
    %broadcast_in_dim3A_165 = vector.shape_cast %reduce_sum3A_164 : vector<8xf32> to vector<1x8xf32>
    %add3A_166 = arith.addf %add3A_157, %broadcast_in_dim3A_165 : vector<1x8xf32>
    %concatenate3A = tpu.concatenate %add3A_99, %add3A_108, %add3A_117, %add3A_126, %add3A_135, %add3A_144, %add3A_153, %add3A_162 in 0 : vector<256x8xf32>, vector<256x8xf32>, vector<256x8xf32>, vector<256x8xf32>, vector<256x8xf32>, vector<256x8xf32>, vector<256x8xf32>, vector<256x8xf32> -> vector<2048x8xf32>
    %convert_element_type3A_167 = arith.fptosi %add3A_166 : vector<1x8xf32> to vector<1x8xi32>
    %add3A_168 = arith.constant 255 : i32
    %add3A_169 = vector.broadcast %add3A_168 : i32 to vector<1x8xi32>
    %add3A_170 = arith.addi %convert_element_type3A_167, %add3A_169 : vector<1x8xi32>
    %jit3A_171 = arith.constant 256 : i32
    %div3A_172 = vector.broadcast %jit3A_171 : i32 to vector<1x8xi32>
    %div3A_173 = arith.divsi %add3A_170, %div3A_172 : vector<1x8xi32>
    %sign3A = arith.constant 0 : i32
    %sign3A_174 = vector.broadcast %sign3A : i32 to vector<1x8xi32>
    %sign3A_175 = arith.cmpi sgt, %add3A_170, %sign3A_174 : vector<1x8xi32>
    %sign3A_176 = arith.extui %sign3A_175 : vector<1x8xi1> to vector<1x8xi32>
    %sign3A_177 = arith.constant 0 : i32
    %sign3A_178 = vector.broadcast %sign3A_177 : i32 to vector<1x8xi32>
    %sign3A_179 = arith.cmpi slt, %add3A_170, %sign3A_178 : vector<1x8xi32>
    %sign3A_180 = arith.extui %sign3A_179 : vector<1x8xi1> to vector<1x8xi32>
    %sign3A_181 = arith.subi %sign3A_176, %sign3A_180 : vector<1x8xi32>
    %sign3A_182 = arith.constant 0 : i32
    %sign3A_183 = arith.cmpi sgt, %jit3A_171, %sign3A_182 : i32
    %sign3A_184 = arith.extui %sign3A_183 : i1 to i32
    %sign3A_185 = arith.constant 0 : i32
    %sign3A_186 = arith.cmpi slt, %jit3A_171, %sign3A_185 : i32
    %sign3A_187 = arith.extui %sign3A_186 : i1 to i32
    %sign3A_188 = arith.subi %sign3A_184, %sign3A_187 : i32
    %ne3A = vector.broadcast %sign3A_188 : i32 to vector<1x8xi32>
    %ne3A_189 = arith.cmpi ne, %sign3A_181, %ne3A : vector<1x8xi32>
    %rem3A = vector.broadcast %jit3A_171 : i32 to vector<1x8xi32>
    %rem3A_190 = arith.remsi %add3A_170, %rem3A : vector<1x8xi32>
    %ne3A_191 = arith.constant 0 : i32
    %ne3A_192 = vector.broadcast %ne3A_191 : i32 to vector<1x8xi32>
    %ne3A_193 = arith.cmpi ne, %rem3A_190, %ne3A_192 : vector<1x8xi32>
    %and3A = arith.andi %ne3A_189, %ne3A_193 : vector<1x8xi1>
    %sub3A_194 = arith.constant 1 : i32
    %sub3A_195 = vector.broadcast %sub3A_194 : i32 to vector<1x8xi32>
    %sub3A_196 = arith.subi %div3A_173, %sub3A_195 : vector<1x8xi32>
    %select_n3A_197 = arith.select %and3A, %sub3A_196, %div3A_173 : vector<1x8xi1>, vector<1x8xi32>
    %mul3A_198 = arith.constant 256 : i32
    %mul3A_199 = vector.broadcast %mul3A_198 : i32 to vector<1x8xi32>
    %mul3A_200 = arith.muli %select_n3A_197, %mul3A_199 : vector<1x8xi32>
    %convert_element_type3A_201 = arith.sitofp %mul3A_200 : vector<1x8xi32> to vector<1x8xf32>
    %iota3A_202 = tpu.iota {dimensions = array<i32: 0>} : vector<8x8xi32>
    %iota3A_203 = tpu.iota {dimensions = array<i32: 1>} : vector<8x8xi32>
    %lt3A = arith.cmpi slt, %iota3A_202, %iota3A_203 : vector<8x8xi32>
    %convert_element_type3A_204 = arith.extui %lt3A : vector<8x8xi1> to vector<8x8xi32>
    %convert_element_type3A_205 = arith.sitofp %convert_element_type3A_204 : vector<8x8xi32> to vector<8x8xf32>
    %dot_general3A_206 = arith.constant dense<0.000000e+00> : vector<1x8xf32>
    %dot_general3A_207 = tpu.matmul %convert_element_type3A_201, %convert_element_type3A_205, %dot_general3A_206 {dimension_numbers = #tpu.dot_dimension_numbers<[1], [0], [0], [1], [0, 0, 1, 1], [], []>, transpose_lhs_hint = false} : vector<1x8xf32>, vector<8x8xf32>, vector<1x8xf32> -> vector<1x8xf32>
    %mul3A_208 = arith.mulf %concatenate3A, %convert_element_type3A_83 : vector<2048x8xf32>
    %reduce_sum3A_209 = arith.constant dense<0.000000e+00> : vector<2048xf32>
    %reduce_sum3A_210 = vector.multi_reduction <add>, %mul3A_208, %reduce_sum3A_209 [1] : vector<2048x8xf32> to vector<2048xf32>
    %broadcast_in_dim3A_211 = vector.shape_cast %reduce_sum3A_210 : vector<2048xf32> to vector<2048x1xf32>
    %add3A_212 = arith.addf %concatenate3A, %convert_element_type3A_83 : vector<2048x8xf32>
    %mul3A_213 = arith.mulf %add3A_212, %convert_element_type3A_87 : vector<2048x8xf32>
    %reduce_sum3A_214 = arith.constant dense<0.000000e+00> : vector<2048xf32>
    %reduce_sum3A_215 = vector.multi_reduction <add>, %mul3A_213, %reduce_sum3A_214 [1] : vector<2048x8xf32> to vector<2048xf32>
    %broadcast_in_dim3A_216 = vector.shape_cast %reduce_sum3A_215 : vector<2048xf32> to vector<2048x1xf32>
    %mul3A_217 = vector.broadcast %dot_general3A_207 : vector<1x8xf32> to vector<2048x8xf32>
    %mul3A_218 = arith.mulf %mul3A_217, %convert_element_type3A_83 : vector<2048x8xf32>
    %reduce_sum3A_219 = arith.constant dense<0.000000e+00> : vector<2048xf32>
    %reduce_sum3A_220 = vector.multi_reduction <add>, %mul3A_218, %reduce_sum3A_219 [1] : vector<2048x8xf32> to vector<2048xf32>
    %broadcast_in_dim3A_221 = vector.shape_cast %reduce_sum3A_220 : vector<2048xf32> to vector<2048x1xf32>
    %mul3A_222 = vector.broadcast %dot_general3A_207 : vector<1x8xf32> to vector<2048x8xf32>
    %mul3A_223 = arith.mulf %mul3A_222, %convert_element_type3A_87 : vector<2048x8xf32>
    %reduce_sum3A_224 = arith.constant dense<0.000000e+00> : vector<2048xf32>
    %reduce_sum3A_225 = vector.multi_reduction <add>, %mul3A_223, %reduce_sum3A_224 [1] : vector<2048x8xf32> to vector<2048xf32>
    %broadcast_in_dim3A_226 = vector.shape_cast %reduce_sum3A_225 : vector<2048xf32> to vector<2048x1xf32>
    %add3A_227 = arith.addf %broadcast_in_dim3A_221, %broadcast_in_dim3A_211 : vector<2048x1xf32>
    %convert_element_type3A_228 = arith.fptosi %add3A_227 : vector<2048x1xf32> to vector<2048x1xi32>
    %swap3A_229 = arith.constant 0 : index
    %swap3A_230 = arith.constant 0 : index
    %swap3A_231 = vector.load %arg3[%swap3A_229, %swap3A_230] : memref<2048x1xi32, #tpu.memory_space<vmem>>, vector<2048x1xi32>
    tpu.vector_store %arg3[%swap3A_229, %swap3A_230], %convert_element_type3A_228 {strides = array<i32>} : memref<2048x1xi32, #tpu.memory_space<vmem>>, vector<2048x1xi32>,
    %add3A_232 = arith.addf %broadcast_in_dim3A_226, %broadcast_in_dim3A_216 : vector<2048x1xf32>
    %convert_element_type3A_233 = arith.fptosi %add3A_232 : vector<2048x1xf32> to vector<2048x1xi32>
    %swap3A_234 = arith.constant 0 : index
    %swap3A_235 = arith.constant 0 : index
    %swap3A_236 = vector.load %arg4[%swap3A_234, %swap3A_235] : memref<2048x1xi32, #tpu.memory_space<vmem>>, vector<2048x1xi32>
    tpu.vector_store %arg4[%swap3A_234, %swap3A_235], %convert_element_type3A_233 {strides = array<i32>} : memref<2048x1xi32, #tpu.memory_space<vmem>>, vector<2048x1xi32>,
    %iota3A_237 = tpu.iota {dimensions = array<i32: 0>} : vector<24x1xi32>
    %mul3A_238 = arith.constant 256 : i32
    %mul3A_239 = vector.broadcast %mul3A_238 : i32 to vector<24x1xi32>
    %mul3A_240 = arith.muli %iota3A_237, %mul3A_239 : vector<24x1xi32>
    %convert_element_type3A_241 = arith.sitofp %mul3A_240 : vector<24x1xi32> to vector<24x1xf32>
    %iota3A_242 = tpu.iota {dimensions = array<i32: 1>} : vector<24x8xi32>
    %broadcast_in_dim3A_243 = vector.shape_cast %dot_general3A_207 : vector<1x8xf32> to vector<1x8xf32>
    %broadcast_in_dim3A_244 = vector.broadcast %broadcast_in_dim3A_243 : vector<1x8xf32> to vector<24x8xf32>
    %ge3A_245 = arith.constant 2 : i32
    %ge3A_246 = vector.broadcast %ge3A_245 : i32 to vector<24x8xi32>
    %ge3A_247 = arith.cmpi sge, %iota3A_242, %ge3A_246 : vector<24x8xi32>
    %le3A = vector.broadcast %convert_element_type3A_241 : vector<24x1xf32> to vector<24x8xf32>
    %le3A_248 = arith.cmpf ole, %broadcast_in_dim3A_244, %le3A : vector<24x8xf32>
    %and3A_249 = arith.andi %ge3A_247, %le3A_248 : vector<24x8xi1>
    %jit3A_250 = arith.constant 1 : i32
    %jit3A_251 = arith.constant 0 : i32
    %broadcast_in_dim3A_252 = vector.broadcast %jit3A_250 : i32 to vector<24x8xi32>
    %broadcast_in_dim3A_253 = vector.broadcast %jit3A_251 : i32 to vector<24x8xi32>
    %select_n3A_254 = arith.select %and3A_249, %broadcast_in_dim3A_252, %broadcast_in_dim3A_253 : vector<24x8xi1>, vector<24x8xi32>
    %reduce_sum3A_255 = arith.constant dense<0> : vector<24xi32>
    %reduce_sum3A_256 = vector.multi_reduction <add>, %select_n3A_254, %reduce_sum3A_255 [1] : vector<24x8xi32> to vector<24xi32>
    %broadcast_in_dim3A_257 = vector.shape_cast %reduce_sum3A_256 : vector<24xi32> to vector<24x1xi32>
    %add3A_258 = arith.constant 1 : i32
    %add3A_259 = vector.broadcast %add3A_258 : i32 to vector<24x1xi32>
    %add3A_260 = arith.addi %add3A_259, %broadcast_in_dim3A_257 : vector<24x1xi32>
    %swap3A_261 = arith.constant 0 : index
    %swap3A_262 = arith.constant 0 : index
    %swap3A_263 = vector.load %arg8[%swap3A_261, %swap3A_262] : memref<24x1xi32, #tpu.memory_space<vmem>>, vector<24x1xi32>
    tpu.vector_store %arg8[%swap3A_261, %swap3A_262], %add3A_260 {strides = array<i32>} : memref<24x1xi32, #tpu.memory_space<vmem>>, vector<24x1xi32>,
    %reduce_sum3A_264 = arith.constant dense<0.000000e+00> : vector<1xf32>
    %reduce_sum3A_265 = vector.multi_reduction <add>, %convert_element_type3A_201, %reduce_sum3A_264 [1] : vector<1x8xf32> to vector<1xf32>
    %broadcast_in_dim3A_266 = vector.shape_cast %reduce_sum3A_265 : vector<1xf32> to vector<1x1xf32>
    %lt3A_267 = vector.broadcast %broadcast_in_dim3A_266 : vector<1x1xf32> to vector<24x1xf32>
    %lt3A_268 = arith.cmpf olt, %convert_element_type3A_241, %lt3A_267 : vector<24x1xf32>
    %convert_element_type3A_269 = arith.extui %lt3A_268 : vector<24x1xi1> to vector<24x1xi32>
    %swap3A_270 = arith.constant 0 : index
    %swap3A_271 = arith.constant 0 : index
    %swap3A_272 = vector.load %arg9[%swap3A_270, %swap3A_271] : memref<24x1xi32, #tpu.memory_space<vmem>>, vector<24x1xi32>
    tpu.vector_store %arg9[%swap3A_270, %swap3A_271], %convert_element_type3A_269 {strides = array<i32>} : memref<24x1xi32, #tpu.memory_space<vmem>>, vector<24x1xi32>,
    return
  }
}

module attributes {stable_mosaic.version = 14 : i64} {
  func.func @_ffn_shared_body(%arg0: i32, %arg1: memref<256x768xf32, #tpu.memory_space<vmem>>, %arg2: memref<256x1xf32, #tpu.memory_space<vmem>>, %arg3: memref<1x768x1536xf32, #tpu.memory_space<vmem>>, %arg4: memref<1x1x1536xf32, #tpu.memory_space<vmem>>, %arg5: memref<1x1536x768xf32, #tpu.memory_space<vmem>>, %arg6: memref<1x1x768xf32, #tpu.memory_space<vmem>>, %arg7: memref<1x768x1536xf32, #tpu.memory_space<vmem>>, %arg8: memref<1x1x1536xf32, #tpu.memory_space<vmem>>, %arg9: memref<256x768xf32, #tpu.memory_space<vmem>>) attributes {dimension_semantics = [#tpu.dimension_semantics<arbitrary>], iteration_bounds = array<i64: 8>, scalar_prefetch = 0 : i64, scratch_operands = 0 : i64, tpu.core_type = #tpu.core_type<tc>, window_params = [{transform_indices = @transform_0, window_bounds = array<i64: 256, 768>}, {transform_indices = @transform_1, window_bounds = array<i64: 256, 1>}, {transform_indices = @transform_2, window_bounds = array<i64: 1, 768, 1536>}, {transform_indices = @transform_3, window_bounds = array<i64: 1, 1, 1536>}, {transform_indices = @transform_4, window_bounds = array<i64: 1, 1536, 768>}, {transform_indices = @transform_5, window_bounds = array<i64: 1, 1, 768>}, {transform_indices = @transform_6, window_bounds = array<i64: 1, 768, 1536>}, {transform_indices = @transform_7, window_bounds = array<i64: 1, 1, 1536>}, {transform_indices = @transform_8, window_bounds = array<i64: 256, 768>}]} {
    %get3A = arith.constant 0 : index
    %get3A_0 = arith.constant 0 : index
    %get3A_1 = vector.load %arg1[%get3A, %get3A_0] : memref<256x768xf32, #tpu.memory_space<vmem>>, vector<256x768xf32>
    %get3A_2 = arith.constant 0 : index
    %get3A_3 = arith.constant 0 : index
    %get3A_4 = arith.constant 0 : index
    %get3A_5 = vector.load %arg3[%get3A_2, %get3A_3, %get3A_4] : memref<1x768x1536xf32, #tpu.memory_space<vmem>>, vector<1x768x1536xf32>
    %get3A_6 = vector.shape_cast %get3A_5 : vector<1x768x1536xf32> to vector<768x1536xf32>
    %dot_general3A = arith.constant dense<0.000000e+00> : vector<256x1536xf32>
    %dot_general3A_7 = tpu.matmul %get3A_1, %get3A_6, %dot_general3A {dimension_numbers = #tpu.dot_dimension_numbers<[1], [0], [0], [1], [0, 0, 1, 1], [], []>, transpose_lhs_hint = false} : vector<256x768xf32>, vector<768x1536xf32>, vector<256x1536xf32> -> vector<256x1536xf32>
    %get3A_8 = arith.constant 0 : index
    %get3A_9 = arith.constant 0 : index
    %get3A_10 = arith.constant 0 : index
    %get3A_11 = vector.load %arg4[%get3A_8, %get3A_9, %get3A_10] : memref<1x1x1536xf32, #tpu.memory_space<vmem>>, vector<1x1x1536xf32>
    %get3A_12 = vector.shape_cast %get3A_11 : vector<1x1x1536xf32> to vector<1x1536xf32>
    %add3A = vector.broadcast %get3A_12 : vector<1x1536xf32> to vector<256x1536xf32>
    %add3A_13 = arith.addf %dot_general3A_7, %add3A : vector<256x1536xf32>
    %get3A_14 = arith.constant 0 : index
    %get3A_15 = arith.constant 0 : index
    %get3A_16 = arith.constant 0 : index
    %get3A_17 = vector.load %arg7[%get3A_14, %get3A_15, %get3A_16] : memref<1x768x1536xf32, #tpu.memory_space<vmem>>, vector<1x768x1536xf32>
    %get3A_18 = vector.shape_cast %get3A_17 : vector<1x768x1536xf32> to vector<768x1536xf32>
    %dot_general3A_19 = arith.constant dense<0.000000e+00> : vector<256x1536xf32>
    %dot_general3A_20 = tpu.matmul %get3A_1, %get3A_18, %dot_general3A_19 {dimension_numbers = #tpu.dot_dimension_numbers<[1], [0], [0], [1], [0, 0, 1, 1], [], []>, transpose_lhs_hint = false} : vector<256x768xf32>, vector<768x1536xf32>, vector<256x1536xf32> -> vector<256x1536xf32>
    %get3A_21 = arith.constant 0 : index
    %get3A_22 = arith.constant 0 : index
    %get3A_23 = arith.constant 0 : index
    %get3A_24 = vector.load %arg8[%get3A_21, %get3A_22, %get3A_23] : memref<1x1x1536xf32, #tpu.memory_space<vmem>>, vector<1x1x1536xf32>
    %get3A_25 = vector.shape_cast %get3A_24 : vector<1x1x1536xf32> to vector<1x1536xf32>
    %add3A_26 = vector.broadcast %get3A_25 : vector<1x1536xf32> to vector<256x1536xf32>
    %add3A_27 = arith.addf %dot_general3A_20, %add3A_26 : vector<256x1536xf32>
    %logistic3A = arith.negf %add3A_27 : vector<256x1536xf32>
    %logistic3A_28 = math.exp %logistic3A : vector<256x1536xf32>
    %logistic3A_29 = arith.constant 1.000000e+00 : f32
    %logistic3A_30 = vector.broadcast %logistic3A_29 : f32 to vector<256x1536xf32>
    %logistic3A_31 = arith.addf %logistic3A_30, %logistic3A_28 : vector<256x1536xf32>
    %logistic3A_32 = arith.divf %logistic3A_30, %logistic3A_31 : vector<256x1536xf32>
    %mul3A = arith.mulf %add3A_27, %logistic3A_32 : vector<256x1536xf32>
    %mul3A_33 = arith.mulf %mul3A, %add3A_13 : vector<256x1536xf32>
    %get3A_34 = arith.constant 0 : index
    %get3A_35 = arith.constant 0 : index
    %get3A_36 = arith.constant 0 : index
    %get3A_37 = vector.load %arg5[%get3A_34, %get3A_35, %get3A_36] : memref<1x1536x768xf32, #tpu.memory_space<vmem>>, vector<1x1536x768xf32>
    %get3A_38 = vector.shape_cast %get3A_37 : vector<1x1536x768xf32> to vector<1536x768xf32>
    %dot_general3A_39 = arith.constant dense<0.000000e+00> : vector<256x768xf32>
    %dot_general3A_40 = tpu.matmul %mul3A_33, %get3A_38, %dot_general3A_39 {dimension_numbers = #tpu.dot_dimension_numbers<[1], [0], [0], [1], [0, 0, 1, 1], [], []>, transpose_lhs_hint = false} : vector<256x1536xf32>, vector<1536x768xf32>, vector<256x768xf32> -> vector<256x768xf32>
    %get3A_41 = arith.constant 0 : index
    %get3A_42 = arith.constant 0 : index
    %get3A_43 = arith.constant 0 : index
    %get3A_44 = vector.load %arg6[%get3A_41, %get3A_42, %get3A_43] : memref<1x1x768xf32, #tpu.memory_space<vmem>>, vector<1x1x768xf32>
    %get3A_45 = vector.shape_cast %get3A_44 : vector<1x1x768xf32> to vector<1x768xf32>
    %add3A_46 = vector.broadcast %get3A_45 : vector<1x768xf32> to vector<256x768xf32>
    %add3A_47 = arith.addf %dot_general3A_40, %add3A_46 : vector<256x768xf32>
    %get3A_48 = arith.constant 0 : index
    %get3A_49 = arith.constant 0 : index
    %get3A_50 = vector.load %arg2[%get3A_48, %get3A_49] : memref<256x1xf32, #tpu.memory_space<vmem>>, vector<256x1xf32>
    %mul3A_51 = vector.broadcast %get3A_50 : vector<256x1xf32> to vector<256x768xf32>
    %mul3A_52 = arith.mulf %add3A_47, %mul3A_51 : vector<256x768xf32>
    %swap3A = arith.constant 0 : index
    %swap3A_53 = arith.constant 0 : index
    %swap3A_54 = vector.load %arg9[%swap3A, %swap3A_53] : memref<256x768xf32, #tpu.memory_space<vmem>>, vector<256x768xf32>
    tpu.vector_store %arg9[%swap3A, %swap3A_53], %mul3A_52 {strides = array<i32>} : memref<256x768xf32, #tpu.memory_space<vmem>>, vector<256x768xf32>,
    return
  }
  func.func @transform_0(%arg0: i32) -> (i32, i32) {
    %c0_i32 = arith.constant 0 : i32
    %c0_i32_0 = arith.constant 0 : i32
    return %arg0, %c0_i32 : i32, i32
  }
  func.func @transform_1(%arg0: i32) -> (i32, i32) {
    %c0_i32 = arith.constant 0 : i32
    %c0_i32_0 = arith.constant 0 : i32
    return %arg0, %c0_i32 : i32, i32
  }
  func.func @transform_2(%arg0: i32) -> (i32, i32, i32) {
    %c0_i32 = arith.constant 0 : i32
    %c0_i32_0 = arith.constant 0 : i32
    %c0_i32_1 = arith.constant 0 : i32
    %c0_i32_2 = arith.constant 0 : i32
    return %c0_i32, %c0_i32_0, %c0_i32_1 : i32, i32, i32
  }
  func.func @transform_3(%arg0: i32) -> (i32, i32, i32) {
    %c0_i32 = arith.constant 0 : i32
    %c0_i32_0 = arith.constant 0 : i32
    %c0_i32_1 = arith.constant 0 : i32
    %c0_i32_2 = arith.constant 0 : i32
    return %c0_i32, %c0_i32_0, %c0_i32_1 : i32, i32, i32
  }
  func.func @transform_4(%arg0: i32) -> (i32, i32, i32) {
    %c0_i32 = arith.constant 0 : i32
    %c0_i32_0 = arith.constant 0 : i32
    %c0_i32_1 = arith.constant 0 : i32
    %c0_i32_2 = arith.constant 0 : i32
    return %c0_i32, %c0_i32_0, %c0_i32_1 : i32, i32, i32
  }
  func.func @transform_5(%arg0: i32) -> (i32, i32, i32) {
    %c0_i32 = arith.constant 0 : i32
    %c0_i32_0 = arith.constant 0 : i32
    %c0_i32_1 = arith.constant 0 : i32
    %c0_i32_2 = arith.constant 0 : i32
    return %c0_i32, %c0_i32_0, %c0_i32_1 : i32, i32, i32
  }
  func.func @transform_6(%arg0: i32) -> (i32, i32, i32) {
    %c0_i32 = arith.constant 0 : i32
    %c0_i32_0 = arith.constant 0 : i32
    %c0_i32_1 = arith.constant 0 : i32
    %c0_i32_2 = arith.constant 0 : i32
    return %c0_i32, %c0_i32_0, %c0_i32_1 : i32, i32, i32
  }
  func.func @transform_7(%arg0: i32) -> (i32, i32, i32) {
    %c0_i32 = arith.constant 0 : i32
    %c0_i32_0 = arith.constant 0 : i32
    %c0_i32_1 = arith.constant 0 : i32
    %c0_i32_2 = arith.constant 0 : i32
    return %c0_i32, %c0_i32_0, %c0_i32_1 : i32, i32, i32
  }
  func.func @transform_8(%arg0: i32) -> (i32, i32) {
    %c0_i32 = arith.constant 0 : i32
    %c0_i32_0 = arith.constant 0 : i32
    return %arg0, %c0_i32 : i32, i32
  }
}

module attributes {stable_mosaic.version = 14 : i64} {
  func.func @_ffn_routed_body(%arg0: i32, %arg1: memref<24xi32, #tpu.memory_space<smem>>, %arg2: memref<24xi32, #tpu.memory_space<smem>>, %arg3: memref<256x768xf32, #tpu.memory_space<vmem>>, %arg4: memref<256x1xf32, #tpu.memory_space<vmem>>, %arg5: memref<1x768x1536xbf16, #tpu.memory_space<vmem>>, %arg6: memref<1x1x1536xf32, #tpu.memory_space<vmem>>, %arg7: memref<1x1536x768xbf16, #tpu.memory_space<vmem>>, %arg8: memref<1x1x768xf32, #tpu.memory_space<vmem>>, %arg9: memref<1x768x1536xbf16, #tpu.memory_space<vmem>>, %arg10: memref<1x1x1536xf32, #tpu.memory_space<vmem>>, %arg11: memref<256x768xf32, #tpu.memory_space<vmem>>) attributes {dimension_semantics = [#tpu.dimension_semantics<arbitrary>], iteration_bounds = array<i64: 24>, scalar_prefetch = 2 : i64, scratch_operands = 0 : i64, tpu.core_type = #tpu.core_type<tc>, window_params = [{transform_indices = @transform_0, window_bounds = array<i64: 256, 768>}, {transform_indices = @transform_1, window_bounds = array<i64: 256, 1>}, {transform_indices = @transform_2, window_bounds = array<i64: 1, 768, 1536>}, {transform_indices = @transform_3, window_bounds = array<i64: 1, 1, 1536>}, {transform_indices = @transform_4, window_bounds = array<i64: 1, 1536, 768>}, {transform_indices = @transform_5, window_bounds = array<i64: 1, 1, 768>}, {transform_indices = @transform_6, window_bounds = array<i64: 1, 768, 1536>}, {transform_indices = @transform_7, window_bounds = array<i64: 1, 1, 1536>}, {transform_indices = @transform_8, window_bounds = array<i64: 256, 768>}]} {
    %get3A = arith.index_cast %arg0 : i32 to index
    %get3A_0 = memref.load %arg2[%get3A] : memref<24xi32, #tpu.memory_space<smem>>
    %eq3A = arith.constant 1 : i32
    %eq3A_1 = arith.cmpi eq, %get3A_0, %eq3A : i32
    %convert_element_type3A = arith.extui %eq3A_1 : i1 to i32
    %cond3A = arith.constant 0 : i32
    %cond3A_2 = arith.cmpi ne, %convert_element_type3A, %cond3A : i32
    scf.if %cond3A_2 {
      %get3A_3 = arith.constant 0 : index
      %get3A_4 = arith.constant 0 : index
      %get3A_5 = vector.load %arg3[%get3A_3, %get3A_4] : memref<256x768xf32, #tpu.memory_space<vmem>>, vector<256x768xf32>
      %convert_element_type3A_6 = arith.truncf %get3A_5 : vector<256x768xf32> to vector<256x768xbf16>
      %get3A_7 = arith.constant 0 : index
      %get3A_8 = arith.constant 0 : index
      %get3A_9 = arith.constant 0 : index
      %get3A_10 = vector.load %arg5[%get3A_7, %get3A_8, %get3A_9] : memref<1x768x1536xbf16, #tpu.memory_space<vmem>>, vector<1x768x1536xbf16>
      %get3A_11 = vector.shape_cast %get3A_10 : vector<1x768x1536xbf16> to vector<768x1536xbf16>
      %dot_general3A = arith.constant dense<0.000000e+00> : vector<256x1536xf32>
      %dot_general3A_12 = tpu.matmul %convert_element_type3A_6, %get3A_11, %dot_general3A {dimension_numbers = #tpu.dot_dimension_numbers<[1], [0], [0], [1], [0, 0, 1, 1], [], []>, transpose_lhs_hint = false} : vector<256x768xbf16>, vector<768x1536xbf16>, vector<256x1536xf32> -> vector<256x1536xf32>
      %get3A_13 = arith.constant 0 : index
      %get3A_14 = arith.constant 0 : index
      %get3A_15 = arith.constant 0 : index
      %get3A_16 = vector.load %arg6[%get3A_13, %get3A_14, %get3A_15] : memref<1x1x1536xf32, #tpu.memory_space<vmem>>, vector<1x1x1536xf32>
      %get3A_17 = vector.shape_cast %get3A_16 : vector<1x1x1536xf32> to vector<1x1536xf32>
      %add3A = vector.broadcast %get3A_17 : vector<1x1536xf32> to vector<256x1536xf32>
      %add3A_18 = arith.addf %dot_general3A_12, %add3A : vector<256x1536xf32>
      %get3A_19 = arith.constant 0 : index
      %get3A_20 = arith.constant 0 : index
      %get3A_21 = arith.constant 0 : index
      %get3A_22 = vector.load %arg9[%get3A_19, %get3A_20, %get3A_21] : memref<1x768x1536xbf16, #tpu.memory_space<vmem>>, vector<1x768x1536xbf16>
      %get3A_23 = vector.shape_cast %get3A_22 : vector<1x768x1536xbf16> to vector<768x1536xbf16>
      %dot_general3A_24 = arith.constant dense<0.000000e+00> : vector<256x1536xf32>
      %dot_general3A_25 = tpu.matmul %convert_element_type3A_6, %get3A_23, %dot_general3A_24 {dimension_numbers = #tpu.dot_dimension_numbers<[1], [0], [0], [1], [0, 0, 1, 1], [], []>, transpose_lhs_hint = false} : vector<256x768xbf16>, vector<768x1536xbf16>, vector<256x1536xf32> -> vector<256x1536xf32>
      %get3A_26 = arith.constant 0 : index
      %get3A_27 = arith.constant 0 : index
      %get3A_28 = arith.constant 0 : index
      %get3A_29 = vector.load %arg10[%get3A_26, %get3A_27, %get3A_28] : memref<1x1x1536xf32, #tpu.memory_space<vmem>>, vector<1x1x1536xf32>
      %get3A_30 = vector.shape_cast %get3A_29 : vector<1x1x1536xf32> to vector<1x1536xf32>
      %add3A_31 = vector.broadcast %get3A_30 : vector<1x1536xf32> to vector<256x1536xf32>
      %add3A_32 = arith.addf %dot_general3A_25, %add3A_31 : vector<256x1536xf32>
      %logistic3A = arith.negf %add3A_32 : vector<256x1536xf32>
      %logistic3A_33 = math.exp %logistic3A : vector<256x1536xf32>
      %logistic3A_34 = arith.constant 1.000000e+00 : f32
      %logistic3A_35 = vector.broadcast %logistic3A_34 : f32 to vector<256x1536xf32>
      %logistic3A_36 = arith.addf %logistic3A_35, %logistic3A_33 : vector<256x1536xf32>
      %logistic3A_37 = arith.divf %logistic3A_35, %logistic3A_36 : vector<256x1536xf32>
      %mul3A = arith.mulf %add3A_32, %logistic3A_37 : vector<256x1536xf32>
      %mul3A_38 = arith.mulf %mul3A, %add3A_18 : vector<256x1536xf32>
      %convert_element_type3A_39 = arith.truncf %mul3A_38 : vector<256x1536xf32> to vector<256x1536xbf16>
      %get3A_40 = arith.constant 0 : index
      %get3A_41 = arith.constant 0 : index
      %get3A_42 = arith.constant 0 : index
      %get3A_43 = vector.load %arg7[%get3A_40, %get3A_41, %get3A_42] : memref<1x1536x768xbf16, #tpu.memory_space<vmem>>, vector<1x1536x768xbf16>
      %get3A_44 = vector.shape_cast %get3A_43 : vector<1x1536x768xbf16> to vector<1536x768xbf16>
      %dot_general3A_45 = arith.constant dense<0.000000e+00> : vector<256x768xf32>
      %dot_general3A_46 = tpu.matmul %convert_element_type3A_39, %get3A_44, %dot_general3A_45 {dimension_numbers = #tpu.dot_dimension_numbers<[1], [0], [0], [1], [0, 0, 1, 1], [], []>, transpose_lhs_hint = false} : vector<256x1536xbf16>, vector<1536x768xbf16>, vector<256x768xf32> -> vector<256x768xf32>
      %get3A_47 = arith.constant 0 : index
      %get3A_48 = arith.constant 0 : index
      %get3A_49 = arith.constant 0 : index
      %get3A_50 = vector.load %arg8[%get3A_47, %get3A_48, %get3A_49] : memref<1x1x768xf32, #tpu.memory_space<vmem>>, vector<1x1x768xf32>
      %get3A_51 = vector.shape_cast %get3A_50 : vector<1x1x768xf32> to vector<1x768xf32>
      %add3A_52 = vector.broadcast %get3A_51 : vector<1x768xf32> to vector<256x768xf32>
      %add3A_53 = arith.addf %dot_general3A_46, %add3A_52 : vector<256x768xf32>
      %get3A_54 = arith.constant 0 : index
      %get3A_55 = arith.constant 0 : index
      %get3A_56 = vector.load %arg4[%get3A_54, %get3A_55] : memref<256x1xf32, #tpu.memory_space<vmem>>, vector<256x1xf32>
      %mul3A_57 = vector.broadcast %get3A_56 : vector<256x1xf32> to vector<256x768xf32>
      %mul3A_58 = arith.mulf %add3A_53, %mul3A_57 : vector<256x768xf32>
      %swap3A = arith.constant 0 : index
      %swap3A_59 = arith.constant 0 : index
      %swap3A_60 = vector.load %arg11[%swap3A, %swap3A_59] : memref<256x768xf32, #tpu.memory_space<vmem>>, vector<256x768xf32>
      tpu.vector_store %arg11[%swap3A, %swap3A_59], %mul3A_58 {strides = array<i32>} : memref<256x768xf32, #tpu.memory_space<vmem>>, vector<256x768xf32>,
    } else {
    }
    return
  }
  func.func @transform_0(%arg0: i32, %arg1: memref<24xi32, #tpu.memory_space<smem>>, %arg2: memref<24xi32, #tpu.memory_space<smem>>) -> (i32, i32) {
    %c0_i32 = arith.constant 0 : i32
    %c0_i32_0 = arith.constant 0 : i32
    return %arg0, %c0_i32 : i32, i32
  }
  func.func @transform_1(%arg0: i32, %arg1: memref<24xi32, #tpu.memory_space<smem>>, %arg2: memref<24xi32, #tpu.memory_space<smem>>) -> (i32, i32) {
    %c0_i32 = arith.constant 0 : i32
    %c0_i32_0 = arith.constant 0 : i32
    return %arg0, %c0_i32 : i32, i32
  }
  func.func @transform_2(%arg0: i32, %arg1: memref<24xi32, #tpu.memory_space<smem>>, %arg2: memref<24xi32, #tpu.memory_space<smem>>) -> (i32, i32, i32) {
    %get3A = arith.index_cast %arg0 : i32 to index
    %get3A_0 = memref.load %arg1[%get3A] : memref<24xi32, #tpu.memory_space<smem>>
    %sub3A = arith.constant 1 : i32
    %sub3A_1 = arith.subi %get3A_0, %sub3A : i32
    %c0_i32 = arith.constant 0 : i32
    %c0_i32_2 = arith.constant 0 : i32
    %c0_i32_3 = arith.constant 0 : i32
    return %sub3A_1, %c0_i32, %c0_i32_2 : i32, i32, i32
  }
  func.func @transform_3(%arg0: i32, %arg1: memref<24xi32, #tpu.memory_space<smem>>, %arg2: memref<24xi32, #tpu.memory_space<smem>>) -> (i32, i32, i32) {
    %get3A = arith.index_cast %arg0 : i32 to index
    %get3A_0 = memref.load %arg1[%get3A] : memref<24xi32, #tpu.memory_space<smem>>
    %c0_i32 = arith.constant 0 : i32
    %c0_i32_1 = arith.constant 0 : i32
    %c0_i32_2 = arith.constant 0 : i32
    return %get3A_0, %c0_i32, %c0_i32_1 : i32, i32, i32
  }
  func.func @transform_4(%arg0: i32, %arg1: memref<24xi32, #tpu.memory_space<smem>>, %arg2: memref<24xi32, #tpu.memory_space<smem>>) -> (i32, i32, i32) {
    %get3A = arith.index_cast %arg0 : i32 to index
    %get3A_0 = memref.load %arg1[%get3A] : memref<24xi32, #tpu.memory_space<smem>>
    %sub3A = arith.constant 1 : i32
    %sub3A_1 = arith.subi %get3A_0, %sub3A : i32
    %c0_i32 = arith.constant 0 : i32
    %c0_i32_2 = arith.constant 0 : i32
    %c0_i32_3 = arith.constant 0 : i32
    return %sub3A_1, %c0_i32, %c0_i32_2 : i32, i32, i32
  }
  func.func @transform_5(%arg0: i32, %arg1: memref<24xi32, #tpu.memory_space<smem>>, %arg2: memref<24xi32, #tpu.memory_space<smem>>) -> (i32, i32, i32) {
    %get3A = arith.index_cast %arg0 : i32 to index
    %get3A_0 = memref.load %arg1[%get3A] : memref<24xi32, #tpu.memory_space<smem>>
    %c0_i32 = arith.constant 0 : i32
    %c0_i32_1 = arith.constant 0 : i32
    %c0_i32_2 = arith.constant 0 : i32
    return %get3A_0, %c0_i32, %c0_i32_1 : i32, i32, i32
  }
  func.func @transform_6(%arg0: i32, %arg1: memref<24xi32, #tpu.memory_space<smem>>, %arg2: memref<24xi32, #tpu.memory_space<smem>>) -> (i32, i32, i32) {
    %get3A = arith.index_cast %arg0 : i32 to index
    %get3A_0 = memref.load %arg1[%get3A] : memref<24xi32, #tpu.memory_space<smem>>
    %sub3A = arith.constant 1 : i32
    %sub3A_1 = arith.subi %get3A_0, %sub3A : i32
    %c0_i32 = arith.constant 0 : i32
    %c0_i32_2 = arith.constant 0 : i32
    %c0_i32_3 = arith.constant 0 : i32
    return %sub3A_1, %c0_i32, %c0_i32_2 : i32, i32, i32
  }
  func.func @transform_7(%arg0: i32, %arg1: memref<24xi32, #tpu.memory_space<smem>>, %arg2: memref<24xi32, #tpu.memory_space<smem>>) -> (i32, i32, i32) {
    %get3A = arith.index_cast %arg0 : i32 to index
    %get3A_0 = memref.load %arg1[%get3A] : memref<24xi32, #tpu.memory_space<smem>>
    %c0_i32 = arith.constant 0 : i32
    %c0_i32_1 = arith.constant 0 : i32
    %c0_i32_2 = arith.constant 0 : i32
    return %get3A_0, %c0_i32, %c0_i32_1 : i32, i32, i32
  }
  func.func @transform_8(%arg0: i32, %arg1: memref<24xi32, #tpu.memory_space<smem>>, %arg2: memref<24xi32, #tpu.memory_space<smem>>) -> (i32, i32) {
    %c0_i32 = arith.constant 0 : i32
    %c0_i32_0 = arith.constant 0 : i32
    return %arg0, %c0_i32 : i32, i32
  }
}

</mosaic_0001>

<sc_bundles>
// kernel: kernel.10.cloned.1.call-start
scs
__scs_entry_jumppad:
0x0: {  	(pc) =	sbr.rel $0x88, $3  }
0x1: {  	(tag) =	ssettag $0x0;
	lr =	simm.s32 $0x1  }
0x2: {  	[smem:$0x3F98] =	sst lr;
	_ =	strace $0xD0000000  }
0x3: {  	_ = 	snop  }
0x4: {  	_ = 	snop  }
0x5: {  	_ = 	snop  }
0x6: {  	_ = 	snop  }
0x7: {  	_ = 	snop  }
__scs_overlays_trampoline_lowered:
0x8: {  	[smem:$0x3FA7] =	sst s0  }
0x9: {  	[smem:$0x3FA8] =	sst s1  }
0xa: {  	[smem:$0x3FA9] =	sst s2  }
0xb: {  	[smem:$0x3FAA] =	sst s3  }
0xc: {  	[smem:$0x3FAB] =	sst s4  }
0xd: {  	[smem:$0x3FAC] =	sst s5  }
0xe: {  	[smem:$0x3FAD] =	sst s6  }
0xf: {  	[smem:$0x3FAE] =	sst s7  }
0x10: {  	[smem:$0x3FAF] =	sst s8  }
0x11: {  	[smem:$0x3FB0] =	sst s9;
	s0 =	simm.s32 @!p0 $0x0  }
0x12: {  	s1 =	sld [smem:$0x3F96];
	s0 =	simm.s32 @p0 $0x1  }
0x13: {  	[smem:$0x3FB1] =	sst s0;
	s0 =	simm.s32 @!p1 $0x0  }
0x14: {  	s2 =	sld [smem:$0x3F95];
	s0 =	simm.s32 @p1 $0x1  }
0x15: {  	[smem:$0x3FB2] =	sst s0;
	s0 =	simm.s32 @!p2 $0x0  }
0x16: {  	s3 =	sld [smem:$0x3FDB];
	s0 =	simm.s32 @p2 $0x1  }
0x17: {  	s4 =	simm.s32 $0x1BF5;
	[smem:$0x3FB4] =	sst s0  }
0x18: {  	s0 =	sld [smem:$0x3F97];
	_ =	swait.ge [sflag:s4], $0x0  }
0x19: {  	s7 =	sld [smem:$0x3F98]  }
0x1a: {  	s8 =	sadd.s32 $0xFFFFE003, lr  }
0x1b: {  	s9 =	sadd.s32 $0xFFFFFEF7, lr;
	s5 =	simm.s32 $0xFFFFFFFF;
	p2 =	slt.u32 s8, $0xFFFFF086  }
0x1c: {  	p1 =	slt.u32 s9, $0xF7A;
	s5 =	simm.s32 @!p2 $0x0  }
0x1d: {  	s5 =	simm.s32 @p1 $0x1;
	p0 =	seq.s32 s7, s2  }
0x1e: {  	s7 =	smul.u32 @!p0 $0xF7A, s2;
	p2 =	seq.s32 @!p0 s5, $0x0  }
0x1f: {  	s9 =	smul.u32 $0xF7A, s1;
	s8 =	simm.s32 @!p0 $0x1BF5;
	p2 =	por !p2, p0  }
0x20: {  	[sflag:s8] =	ssyncset.s32 @!p0 $0xFFFFF086;
	s6 =	sadd.s32 @!p0 s3, s7;
	s7 =	simm.s32 @!p0 $0x108  }
0x21: {  	s3 =	sadd.s32 s3, s9;
	s6 =	sadd.s32 @!p0 $0x88, s6;
	s7 =	simm.s32 @p2 $0x1082  }
0x22: {  	[simem:s7], [sflag:s8] =	dma.local @!p0 [hbm:s6], $0xF7A  }
0x23: {  	s9 =	sor.u32 $0xD0000000, s2;
	s6 =	simm.s32 $0x108;
	_ =	swait.ge @!p0 [sflag:s8], $0x0  }
0x24: {  	s3 =	sadd.s32 $0x88, s3;
	s6 =	simm.s32 @!p1 $0x1082;
	[sflag:s4] =	ssyncset.s32 $0xFFFFF086  }
0x25: {  	[simem:s6], [sflag:s4] =	dma.local [hbm:s3], $0xF7A  }
0x26: {  	[smem:$0x3F98] =	sst s1;
	(tag) =	ssettag s2;
	_ =	strace s9  }
0x27: {  	s1 =	sld [smem:$0x3FA8]  }
0x28: {  	s2 =	sld [smem:$0x3FA9]  }
0x29: {  	s4 =	sld [smem:$0x3FAB]  }
0x2a: {  	p0 =	seq.s32 s5, $0x0;
	s5 =	sld [smem:$0x3FAC]  }
0x2b: {  	s6 =	sld [smem:$0x3FAD]  }
0x2c: {  	s7 =	sld [smem:$0x3FAE]  }
0x2d: {  	s3 =	simm.s32 $0x108;
	s8 =	sld [smem:$0x3FAF]  }
0x2e: {  	s3 =	simm.s32 @!p0 $0x1082;
	s9 =	sld [smem:$0x3FB0]  }
0x2f: {  	lr =	sadd.s32 s0, s3;
	s0 =	sld [smem:$0x3FA7]  }
0x30: {  	s3 =	sld [smem:$0x3FAA]  }
0x31: {  	[smem:$0x3FB3] =	sst s10  }
0x32: {  	s10 =	sld [smem:$0x3FB1];
	_ =	sdelay $0x3  }
0x33: {  	p0 =	seq.s32 s10, $0x1;
	s10 =	sld [smem:$0x3FB3];
	_ =	sdelay $0x3  }
0x34: {  	[smem:$0x3FB3] =	sst s10  }
0x35: {  	s10 =	sld [smem:$0x3FB2];
	_ =	sdelay $0x3  }
0x36: {  	p1 =	seq.s32 s10, $0x1;
	s10 =	sld [smem:$0x3FB3];
	_ =	sdelay $0x3  }
0x37: {  	[smem:$0x3FB3] =	sst s10  }
0x38: {  	s10 =	sld [smem:$0x3FB4]  }
0x39: {  	_ = 	snop;
	(pc) =	sbr.ind lr, $3  }
0x3a: {  	_ = 	snop  }
0x3b: {  	_ = 	snop  }
0x3c: {  	p2 =	seq.s32 s10, $0x1;
	s10 =	sld [smem:$0x3FB3]  }
0x3d: {  	_ =	shalt  }
0x3e: {  	_ =	shalt  }
0x3f: {  	_ =	shalt  }
0x40: {  	_ =	shalt  }
0x41: {  	_ =	shalt  }
0x42: {  	_ =	shalt  }
0x43: {  	_ =	shalt  }
0x44: {  	_ =	shalt  }
0x45: {  	_ =	shalt  }
0x46: {  	_ =	shalt  }
0x47: {  	_ =	shalt  }
0x48: {  	_ =	shalt  }
0x49: {  	_ =	shalt  }
0x4a: {  	_ =	shalt  }
0x4b: {  	_ =	shalt  }
0x4c: {  	_ =	shalt  }
0x4d: {  	_ =	shalt  }
0x4e: {  	_ =	shalt  }
0x4f: {  	_ =	shalt  }
0x50: {  	_ =	shalt  }
0x51: {  	_ =	shalt  }
0x52: {  	_ =	shalt  }
0x53: {  	_ =	shalt  }
0x54: {  	_ =	shalt  }
0x55: {  	_ =	shalt  }
0x56: {  	_ =	shalt  }
0x57: {  	_ =	shalt  }
0x58: {  	_ =	shalt  }
0x59: {  	_ =	shalt  }
0x5a: {  	_ =	shalt  }
0x5b: {  	_ =	shalt  }
0x5c: {  	_ =	shalt  }
0x5d: {  	_ =	shalt  }
0x5e: {  	_ =	shalt  }
0x5f: {  	_ =	shalt  }
0x60: {  	_ =	shalt  }
0x61: {  	_ =	shalt  }
0x62: {  	_ =	shalt  }
0x63: {  	_ =	shalt  }
0x64: {  	_ =	shalt  }
0x65: {  	_ =	shalt  }
0x66: {  	_ =	shalt  }
0x67: {  	_ =	shalt  }
0x68: {  	_ =	shalt  }
0x69: {  	_ =	shalt  }
0x6a: {  	_ =	shalt  }
0x6b: {  	_ =	shalt  }
0x6c: {  	_ =	shalt  }
0x6d: {  	_ =	shalt  }
0x6e: {  	_ =	shalt  }
0x6f: {  	_ =	shalt  }
0x70: {  	_ =	shalt  }
0x71: {  	_ =	shalt  }
0x72: {  	_ =	shalt  }
0x73: {  	_ =	shalt  }
0x74: {  	_ =	shalt  }
0x75: {  	_ =	shalt  }
0x76: {  	_ =	shalt  }
0x77: {  	_ =	shalt  }
0x78: {  	_ =	shalt  }
0x79: {  	_ =	shalt  }
0x7a: {  	_ =	shalt  }
0x7b: {  	_ =	shalt  }
0x7c: {  	_ =	shalt  }
0x7d: {  	_ =	shalt  }
0x7e: {  	_ =	shalt  }
0x7f: {  	_ =	shalt  }
0x80: {  	_ =	shalt  }
0x81: {  	_ =	shalt  }
0x82: {  	_ =	shalt  }
0x83: {  	_ =	shalt  }
0x84: {  	_ =	shalt  }
0x85: {  	_ =	shalt  }
0x86: {  	_ =	shalt  }
0x87: {  	_ =	shalt  }
.Lfunc_end0:
.L_simem_size_0:
called_computation.1_lowered:
.L_overlay_start_0:
0x88: {  	s2 =	sld [smem:$0x3FD9]  }
0x89: {  	s3 =	sld [smem:$0x3FFE];
	_ =	sdelay $0x1  }
0x8a: {  	s1 =	srdreg.scid  }
0x8b: {  	s0 =	sand.u32 $0x1, s1  }
0x8c: {  	s14 =	sshll.u32 s0, $0xA;
	s2 =	sadd.s32 s3, s2  }
0x8d: {  	s2 =	sadd.s32 s2, s14  }
0x8e: {  	[smem:$0x3FBF] =	sst s2  }
0x8f: {  	_ = 	snop  }
0x90: {  	s2 =	sld [smem:$0x3FD0];
	_ =	sdelay $0x2  }
0x91: {  	s15 =	simm.s32 $0xA;
	s4 =	simm.s32 $0x10  }
0x92: {  	[smem:s4], [sflag:s15] =	dma.local [hbm:s2], $0x1  }
0x93: {  	_ =	swait.eq [sflag:s15], $0x1  }
0x94: {  	[sflag:s15] =	ssyncset.done $0x0  }
0x95: {  	[sflag:s15] =	ssyncadd.s32 $0xFFFFFFFF  }
0x96: {  	s16 =	sld [smem:$0x10];
	(tm) =	ssettm $0x1  }
0x97: {  	s17 =	sld [smem:$0x3FFB];
	_ =	sdelay $0x3  }
0x98: {  	_ =	strace s17  }
0x99: {  	s3 =	sld [smem:$0x3FFC];
	_ =	sdelay $0x3  }
0x9a: {  	_ =	strace s3  }
0x9b: {  	s3 =	sld [smem:$0x3FFD];
	_ =	sdelay $0x3  }
0x9c: {  	_ =	strace s3  }
0x9d: {  	_ =	strace $0x8FFFFFFF  }
0x9e: {  	s18 =	sld [smem:$0x3FDB];
	_ =	sdelay $0x1  }
0x9f: {  	s19 =	simm.s32 $_scs_section_size  }
0xa0: {  	s5 =	simm.s32 $_size__tile_overlayer_lowered;
	s6 =	simm.s32 $_tile_overlayer_lowered  }
0xa1: {  	s22 =	simm.s32 $0x1BFF;
	s21 =	sshll.u32 s6, $0x1;
	s3 =	sadd.s32 s19, s18  }
0xa2: {  	s7 =	simm.s32 $0x0;
	s20 =	sshll.u32 s5, $0x1;
	s5 =	sadd.s32 s21, s3  }
0xa3: {  	[timem:s7], [sflag:s22] =	dma.local [hbm:s5], s20  }
0xa4: {  	_ =	swait.ge [sflag:s22], s20  }
0xa5: {  	s4 =	ssub.s32 $0x0, s20;
	[sflag:s22] =	ssyncset.done $0x0  }
0xa6: {  	[sflag:s22] =	ssyncadd.s32 s4;
	_ =	sdelay $0x1  }
0xa7: {  	s23 =	simm.s32 $0x1B8B  }
0xa8: {  	_ =	swait.ge [sflag:s23], $0x1  }
0xa9: {  	[sflag:s23] =	ssyncset.done $0x0  }
0xaa: {  	s25 =	simm.s32 $0x1B8E;
	s24 =	sld [smem:$0x3FFE];
	[sflag:s23] =	ssyncadd.s32 $0xFFFFFFFF  }
0xab: {  	s26 =	simm.s32 $execute0_lowered;
	[smem:$0x3FD2] =	sst s25  }
0xac: {  	s5 =	sshll.u32 s26, $0x1;
	_ =	strace $0x80000049;
	[dreg:$0x1] =	wrdreg $0xFFFFFFFF  }
0xad: {  	s28 =	simm.s32 $_size_execute0_lowered;
	s3 =	sadd.s32 s3, s5;
	[dreg:$0x0] =	wrdreg $0x0  }
0xae: {  	s5 =	sshll.u32 s28, $0x1;
	[dreg:$0x2] =	wrdreg s3  }
0xaf: {  	[dreg:$0x3] =	wrdreg s5  }
0xb0: {  	[dreg:$0x4] =	wrdreg $0xC0  }
0xb1: {  	_ =	task [dreg:s7], $0x5FFFF  }
0xb2: {  	[dreg:$0x1] =	wrdreg $0xFFFFFFFF  }
0xb3: {  	[dreg:$0x0] =	wrdreg $0x60  }
0xb4: {  	[dreg:$0x2] =	wrdreg s24  }
0xb5: {  	[dreg:$0x3] =	wrdreg s16  }
0xb6: {  	[dreg:$0x4] =	wrdreg $0x9  }
0xb7: {  	_ =	task.clear_ibuf [dreg:s7], $0x5FFFF;
	_ =	strace $0x90000049  }
0xb8: {  	s29 =	simm.s32 $0x9;
	_ =	strace $0x8000004B  }
0xb9: {  	_ =	swait.ge [sflag:s29], $0x1  }
0xba: {  	[sflag:s29] =	ssyncadd.s32 $0xFFFFFFFF  }
0xbb: {  	_ =	strace $0x9000004B  }
0xbc: {  	_ =	sfence  }
0xbd: {  	s30 =	sld [smem:$0x0];
	_ =	sdelay $0x2  }
0xbe: {  	s31 =	sshll.u32 s1, $0xD;
	s1 =	sshrl.u32 s1, $0x2  }
0xbf: {  	s3 =	sand.u32 $0x4000, s31;
	s1 =	sadd.s32 s1, s30  }
0xc0: {  	s0 =	sor.u32 s3, s0;
	s1 =	sshll.u32 s1, $0x11  }
0xc1: {  	s0 =	sor.u32 s1, s0  }
0xc2: {  	s0 =	sadd.s32 $0x8F2B, s0  }
0xc3: {  	[sflag:s0] =	ssyncadd.remote.s32 $0x1  }
0xc4: {  	_ =	sfence.sel $0xFFFF  }
0xc5: {  	[dreg:$0x0] =	wrdreg $0xFFFFFFFF;
	(pc) =	sbr.abs _section_cstart, $3  }
0xc6: {  	[dreg:$0x1] =	wrdreg $0xFFFFFFFF  }
0xc7: {  	_ =	task.clear_ibuf [dreg:s7], $0x2FFFF;
	_ =	strace $0x9FFFFFFF  }
0xc8: {  	(tm) =	ssettm $0x7FFFFFFF  }
0xc9: {  	_ =	shalt  }
tec
execute0_lowered:
.L_overlay_start_1:
0x0: {  	(tag) =	ssettag $0x1  }
0x1: {  	s0 =	rddreg [dreg:$0x0]  }
0x2: {  	s1 =	rddreg [dreg:$0x1]  }
0x3: {  	s3 =	srdreg.scid;
	s2 =	simm.s32 $0x0;
	s5 =	stileid.u32  }
0x4: {  	s17 =	simm.s32 $0x3;
	s19 =	simm.s32 $0x100;
	s30 =	simm.s32 $0x3100  }
0x5: {  	s18 =	simm.s32 $0x9100;
	s31 =	simm.s32 $0x11100;
	s20 =	simm.s32 $0x2  }
0x6: {  	s21 =	simm.s32 $0x0;
	s4 =	sand.u32 $0x1, s3;
	[smem:$0x7FF] =	sst s2  }
0x7: {  	s26 =	sshll.u32 s5, $0x4;
	s13 =	sadd.s32 $0x18C800, s0;
	s28 =	sshll.u32 s4, $0x3  }
0x8: {  	s3 =	sadd.s32 $0x1BC800, s0;
	s6 =	ssub.s32 $0x2, s4;
	s5 =	sor.u32 s28, s26  }
0x9: {  	_ =	strace $0x8000004A;
	s7 =	sshrl.u32 s6, $0x1;
	s10 =	smul.u32 $0x300, s5  }
0xa: {  	s4 =	sadd.s32 s0, s5;
	s8 =	smul.u32 $0x1800, s5;
	s16 =	ssub.s32 s6, s7  }
0xb: {  	s7 =	sadd.s32 $0x1BC900, s0;
	s5 =	sadd.s32 $0x200, s4;
	s16 =	smax.u32 s16, $0x1  }
0xc: {  	s6 =	sadd.s32 s13, s10;
	s12 =	sor.u32 $0x600, s10;
	s14 =	sshrl.u32 s8, $0x3  }
0xd: {  	s8 =	sadd.s32 $0x1BCA00, s0;
	s10 =	sadd.s32 s1, s10;
	s0 =	simm.s32 $0x11900  }
0xe: {  	v2 =	vlaneseq.u32;
	s9 =	sadd.s32 s13, s12;
	s29 =	sadd.s32 $0xC00, s14;
	s15 =	sadd.s32 $0x1200, s14  }
0xf: {  	vm0 =	vmmov $0xffff;
	v1 =	vshrl.u32 v2, $0x3;
	s12 =	sadd.s32 s1, s12;
	s11 =	sadd.s32 s13, s29;
	s13 =	sadd.s32 s13, s15  }
0x10: {  	v0 =	vand.u32 $0x7, v2;
	v2 =	vor.u32 $0x8, v2;
	v1 =	vmul.u32 $0x8, v1;
	s14 =	sadd.s32 s1, s29;
	s15 =	sadd.s32 s1, s15;
	s1 =	simm.s32 $0x1  }
.LBB2_1:
0x11: {  	[tilespmem:s2], [sflag:$0x3] =	stream.linear.gather [hbm4b:s4+s2], $0x40, $0x38;
	[tilespmem:$0x12100] =	vst v63  }
0x12: {  	_ =	swait.ge [sflag:s17], $0x40  }
0x13: {  	[sflag:s17] =	ssyncset.done $0x0  }
0x14: {  	s22 =	simm.s32 $0x80;
	[sflag:s17] =	ssyncadd.s32 $0xFFFFFFC0  }
0x15: {  	[tilespmem:s22], [sflag:$0x3] =	stream.linear.gather [hbm4b:s5+s2], $0x40, $0x38;
	[tilespmem:$0x12100] =	vst v63  }
0x16: {  	_ =	swait.ge [sflag:s17], $0x40  }
0x17: {  	[sflag:s17] =	ssyncset.done $0x0  }
0x18: {  	[sflag:s17] =	ssyncadd.s32 $0xFFFFFFC0  }
0x19: {  	[tilespmem:s19], [sflag:$0x1] =	stream.linear.gather [hbm4b:s6+s2], $0x3000, $0x38;
	[tilespmem:$0x12100] =	vst v63  }
0x1a: {  	v3 =	vld [tilespmem:$0x0];
	_ =	sdelay $0x4  }
0x1b: {  	v4 =	vshrl.u32 v3, $0x3  }
0x1c: {  	v4 =	vmul.u32 $0x30, v4  }
0x1d: {  	v3 =	vand.u32 $0x7, v3  }
0x1e: {  	v3 =	vor.u32 v3, v4  }
0x1f: {  	v4 =	vperm.xlane v3, v0;
	_ =	sdelay $0x1  }
0x20: {  	v4 =	vadd.s32 v1, v4;
	_ =	sdelay $0x3  }
0x21: {  	v3 =	vperm.xlane v3, v2  }
0x22: {  	[tilespmem:s30], [sflag:$0x1] =	stream.indirect_vreg.gather [hbm4b:s3+s2], $0x80, v4, vm0, $0xb8;
	[tilespmem:$0x12100] =	vst v63  }
0x23: {  	s25 =	simm.s32 $0x3900;
	v3 =	vadd.s32 v1, v3  }
0x24: {  	[tilespmem:s25], [sflag:$0x1] =	stream.indirect_vreg.gather [hbm4b:s7+s2], $0x80, v4, vm0, $0xb8;
	[tilespmem:$0x12100] =	vst v63  }
0x25: {  	s26 =	simm.s32 $0x4100  }
0x26: {  	[tilespmem:s26], [sflag:$0x1] =	stream.indirect_vreg.gather [hbm4b:s8+s2], $0x80, v4, vm0, $0xb8;
	[tilespmem:$0x12100] =	vst v63  }
0x27: {  	s28 =	simm.s32 $0x4900  }
0x28: {  	[tilespmem:s28], [sflag:$0x1] =	stream.indirect_vreg.gather [hbm4b:s3+s2], $0x80, v3, vm0, $0xb8;
	[tilespmem:$0x12100] =	vst v63  }
0x29: {  	s29 =	simm.s32 $0x5100  }
0x2a: {  	[tilespmem:s29], [sflag:$0x1] =	stream.indirect_vreg.gather [hbm4b:s7+s2], $0x80, v3, vm0, $0xb8;
	[tilespmem:$0x12100] =	vst v63  }
0x2b: {  	s23 =	simm.s32 $0x5900  }
0x2c: {  	[tilespmem:s23], [sflag:$0x1] =	stream.indirect_vreg.gather [hbm4b:s8+s2], $0x80, v3, vm0, $0xb8;
	[tilespmem:$0x12100] =	vst v63  }
0x2d: {  	v3 =	vld [tilespmem:$0x80];
	_ =	sdelay $0x4  }
0x2e: {  	v4 =	vshrl.u32 v3, $0x3  }
0x2f: {  	v4 =	vmul.u32 $0x30, v4  }
0x30: {  	v3 =	vand.u32 $0x7, v3  }
0x31: {  	v3 =	vor.u32 v3, v4  }
0x32: {  	v4 =	vperm.xlane v3, v0;
	_ =	sdelay $0x1  }
0x33: {  	v4 =	vadd.s32 v1, v4;
	_ =	sdelay $0x3  }
0x34: {  	s24 =	simm.s32 $0x6100;
	v3 =	vperm.xlane v3, v2  }
0x35: {  	[tilespmem:s24], [sflag:$0x1] =	stream.indirect_vreg.gather [hbm4b:s3+s2], $0x80, v4, vm0, $0xb8;
	[tilespmem:$0x12100] =	vst v63  }
0x36: {  	s25 =	simm.s32 $0x6900;
	v3 =	vadd.s32 v1, v3  }
0x37: {  	[tilespmem:s25], [sflag:$0x1] =	stream.indirect_vreg.gather [hbm4b:s7+s2], $0x80, v4, vm0, $0xb8;
	[tilespmem:$0x12100] =	vst v63  }
0x38: {  	s26 =	simm.s32 $0x7100  }
0x39: {  	[tilespmem:s26], [sflag:$0x1] =	stream.indirect_vreg.gather [hbm4b:s8+s2], $0x80, v4, vm0, $0xb8;
	[tilespmem:$0x12100] =	vst v63  }
0x3a: {  	s28 =	simm.s32 $0x7900  }
0x3b: {  	[tilespmem:s28], [sflag:$0x1] =	stream.indirect_vreg.gather [hbm4b:s3+s2], $0x80, v3, vm0, $0xb8;
	[tilespmem:$0x12100] =	vst v63  }
0x3c: {  	s29 =	simm.s32 $0x8100  }
0x3d: {  	[tilespmem:s29], [sflag:$0x1] =	stream.indirect_vreg.gather [hbm4b:s7+s2], $0x80, v3, vm0, $0xb8;
	[tilespmem:$0x12100] =	vst v63  }
0x3e: {  	s23 =	simm.s32 $0x8900  }
0x3f: {  	[tilespmem:s23], [sflag:$0x1] =	stream.indirect_vreg.gather [hbm4b:s8+s2], $0x80, v3, vm0, $0xb8;
	[tilespmem:$0x12100] =	vst v63  }
0x40: {  	_ =	swait.ge [sflag:s1], $0x3000  }
0x41: {  	[sflag:s1] =	ssyncset.done $0x0  }
0x42: {  	[sflag:s1] =	ssyncadd.s32 $0xFFFFD000  }
0x43: {  	_ =	swait.ge [sflag:s1], $0x3000  }
0x44: {  	[sflag:s1] =	ssyncset.done $0x0  }
0x45: {  	[sflag:s1] =	ssyncadd.s32 $0xFFFFD000  }
0x46: {  	_ =	swait.ge [sflag:s1], $0x3000  }
0x47: {  	[sflag:s1] =	ssyncset.done $0x0  }
0x48: {  	[sflag:s1] =	ssyncadd.s32 $0xFFFFD000  }
0x49: {  	[tilespmem:s18], [sflag:$0x1] =	stream.linear.gather [hbm4b:s9+s2], $0x3000, $0x38;
	[tilespmem:$0x12100] =	vst v63  }
0x4a: {  	v3 =	vld [tilespmem:$0x10];
	_ =	sdelay $0x4  }
0x4b: {  	v4 =	vshrl.u32 v3, $0x3  }
0x4c: {  	v4 =	vmul.u32 $0x30, v4  }
0x4d: {  	v3 =	vand.u32 $0x7, v3  }
0x4e: {  	v3 =	vor.u32 v3, v4  }
0x4f: {  	v4 =	vperm.xlane v3, v0;
	_ =	sdelay $0x1  }
0x50: {  	v4 =	vadd.s32 v1, v4;
	_ =	sdelay $0x3  }
0x51: {  	s24 =	simm.s32 $0xC100;
	v3 =	vperm.xlane v3, v2  }
0x52: {  	[tilespmem:s24], [sflag:$0x1] =	stream.indirect_vreg.gather [hbm4b:s3+s2], $0x80, v4, vm0, $0xb8;
	[tilespmem:$0x12100] =	vst v63  }
0x53: {  	s25 =	simm.s32 $0xC900;
	v3 =	vadd.s32 v1, v3  }
0x54: {  	[tilespmem:s25], [sflag:$0x1] =	stream.indirect_vreg.gather [hbm4b:s7+s2], $0x80, v4, vm0, $0xb8;
	[tilespmem:$0x12100] =	vst v63  }
0x55: {  	s26 =	simm.s32 $0xD100  }
0x56: {  	[tilespmem:s26], [sflag:$0x1] =	stream.indirect_vreg.gather [hbm4b:s8+s2], $0x80, v4, vm0, $0xb8;
	[tilespmem:$0x12100] =	vst v63  }
0x57: {  	s28 =	simm.s32 $0xD900  }
0x58: {  	[tilespmem:s28], [sflag:$0x1] =	stream.indirect_vreg.gather [hbm4b:s3+s2], $0x80, v3, vm0, $0xb8;
	[tilespmem:$0x12100] =	vst v63  }
0x59: {  	s29 =	simm.s32 $0xE100  }
0x5a: {  	[tilespmem:s29], [sflag:$0x1] =	stream.indirect_vreg.gather [hbm4b:s7+s2], $0x80, v3, vm0, $0xb8;
	[tilespmem:$0x12100] =	vst v63  }
0x5b: {  	s23 =	simm.s32 $0xE900  }
0x5c: {  	[tilespmem:s23], [sflag:$0x1] =	stream.indirect_vreg.gather [hbm4b:s8+s2], $0x80, v3, vm0, $0xb8;
	[tilespmem:$0x12100] =	vst v63  }
0x5d: {  	v3 =	vld [tilespmem:$0x90];
	_ =	sdelay $0x4  }
0x5e: {  	v4 =	vshrl.u32 v3, $0x3  }
0x5f: {  	v4 =	vmul.u32 $0x30, v4  }
0x60: {  	v3 =	vand.u32 $0x7, v3  }
0x61: {  	v3 =	vor.u32 v3, v4  }
0x62: {  	v4 =	vperm.xlane v3, v0;
	_ =	sdelay $0x1  }
0x63: {  	v4 =	vadd.s32 v1, v4;
	_ =	sdelay $0x3  }
0x64: {  	s24 =	simm.s32 $0xF100;
	v3 =	vperm.xlane v3, v2  }
0x65: {  	[tilespmem:s24], [sflag:$0x1] =	stream.indirect_vreg.gather [hbm4b:s3+s2], $0x80, v4, vm0, $0xb8;
	[tilespmem:$0x12100] =	vst v63  }
0x66: {  	s25 =	simm.s32 $0xF900;
	v3 =	vadd.s32 v1, v3  }
0x67: {  	[tilespmem:s25], [sflag:$0x1] =	stream.indirect_vreg.gather [hbm4b:s7+s2], $0x80, v4, vm0, $0xb8;
	[tilespmem:$0x12100] =	vst v63  }
0x68: {  	s26 =	simm.s32 $0x10100  }
0x69: {  	[tilespmem:s26], [sflag:$0x1] =	stream.indirect_vreg.gather [hbm4b:s8+s2], $0x80, v4, vm0, $0xb8;
	[tilespmem:$0x12100] =	vst v63  }
0x6a: {  	s28 =	simm.s32 $0x10900  }
0x6b: {  	[tilespmem:s28], [sflag:$0x1] =	stream.indirect_vreg.gather [hbm4b:s3+s2], $0x80, v3, vm0, $0xb8;
	[tilespmem:$0x12100] =	vst v63  }
0x6c: {  	s29 =	sand.u32 $0x70, s2;
	s23 =	sand.u32 $0x1C00, s2  }
0x6d: {  	[tilespmem:s31], [sflag:$0x1] =	stream.indirect_vreg.gather [hbm4b:s7+s2], $0x80, v3, vm0, $0xb8;
	[tilespmem:$0x12100] =	vst v63  }
0x6e: {  	s22 =	sor.u32 s29, s23  }
0x6f: {  	[tilespmem:s0], [sflag:$0x1] =	stream.indirect_vreg.gather [hbm4b:s8+s2], $0x80, v3, vm0, $0xb8;
	[tilespmem:$0x12100] =	vst v63  }
0x70: {  	v3 =	vld [tilespmem:s22+$0x3100]  }
0x71: {  	v4 =	vld [tilespmem:s22+$0x100];
	_ =	sdelay $0x1  }
0x72: {  	v5 =	vld [tilespmem:s22+$0x6100];
	_ =	sdelay $0x2  }
0x73: {  	v3 =	vadd.f32 v3, v4  }
0x74: {  	s23 =	simm.s32 $0x80;
	s24 =	simm.s32 $0x10  }
0x75: {  	s24 =	sand.u32 $0x70, s24;
	s25 =	sand.u32 $0x1C00, s23;
	v3 =	vadd.f32 v5, v3  }
0x76: {  	s25 =	sor.u32 s24, s25;
	s24 =	simm.s32 $0x20  }
.LBB2_2:
0x77: {  	p0 =	sne.s32 s24, $0x2F0;
	v4 =	vld [tilespmem:s25+$0x3100];
	[tilespmem:s22+$0x100] =	vst v3;
	s22 =	smov.u32 s25  }
0x78: {  	v3 =	vld [tilespmem:s22+$0x100];
	_ =	sdelay $0x1  }
0x79: {  	v5 =	vld [tilespmem:s22+$0x6100];
	_ =	sdelay $0x1  }
.Ltmp0:
0x7a: {  	(pc) =	sbr.rel @p0 .LBB2_2-.Ltmp0, $4  }
0x7b: {  	v3 =	vadd.f32 v4, v3  }
0x7c: {  	s23 =	sadd.s32 $0x80, s23  }
0x7d: {  	s25 =	sand.u32 $0x70, s24;
	s26 =	sand.u32 $0x1C00, s23;
	v3 =	vadd.f32 v5, v3  }
0x7e: {  	s24 =	sadd.s32 $0x10, s24;
	s25 =	sor.u32 s25, s26  }
0x7f: {  	v4 =	vld [tilespmem:s25+$0x3100];
	[tilespmem:s22+$0x100] =	vst v3  }
0x80: {  	v3 =	vld [tilespmem:s25+$0x100];
	_ =	sdelay $0x1  }
0x81: {  	v5 =	vld [tilespmem:s25+$0x6100];
	_ =	sdelay $0x2  }
0x82: {  	v3 =	vadd.f32 v4, v3;
	_ =	sdelay $0x1  }
0x83: {  	s24 =	simm.s32 $0x0;
	v3 =	vadd.f32 v5, v3  }
0x84: {  	s23 =	sand.u32 $0x70, s24;
	s22 =	sand.u32 $0x1C00, s24  }
0x85: {  	s22 =	sor.u32 s22, s23;
	[tilespmem:s25+$0x100] =	vst v3  }
0x86: {  	v3 =	vld [tilespmem:s22+$0x3180]  }
0x87: {  	v4 =	vld [tilespmem:s22+$0x180];
	_ =	sdelay $0x1  }
0x88: {  	v5 =	vld [tilespmem:s22+$0x6180];
	_ =	sdelay $0x2  }
0x89: {  	v3 =	vadd.f32 v3, v4  }
0x8a: {  	s26 =	simm.s32 $0x10;
	s24 =	simm.s32 $0x80  }
0x8b: {  	s23 =	sand.u32 $0x70, s26;
	s29 =	sand.u32 $0x1C00, s24;
	v3 =	vadd.f32 v5, v3  }
0x8c: {  	s26 =	simm.s32 $0x20;
	s28 =	sor.u32 s29, s23;
	s25 =	smov.u32 s22  }
.LBB2_4:
0x8d: {  	p0 =	sne.s32 s26, $0x2F0;
	v4 =	vld [tilespmem:s28+$0x3180];
	[tilespmem:s25+$0x180] =	vst v3;
	s25 =	smov.u32 s28  }
0x8e: {  	v3 =	vld [tilespmem:s25+$0x180];
	_ =	sdelay $0x1  }
0x8f: {  	v5 =	vld [tilespmem:s25+$0x6180];
	_ =	sdelay $0x1  }
.Ltmp1:
0x90: {  	(pc) =	sbr.rel @p0 .LBB2_4-.Ltmp1, $4  }
0x91: {  	v3 =	vadd.f32 v4, v3  }
0x92: {  	s24 =	sadd.s32 $0x80, s24  }
0x93: {  	s28 =	sand.u32 $0x70, s26;
	s29 =	sand.u32 $0x1C00, s24;
	v3 =	vadd.f32 v5, v3  }
0x94: {  	s26 =	sadd.s32 $0x10, s26;
	s28 =	sor.u32 s29, s28  }
0x95: {  	v4 =	vld [tilespmem:s28+$0x3180];
	[tilespmem:s25+$0x180] =	vst v3  }
0x96: {  	v3 =	vld [tilespmem:s28+$0x180];
	_ =	sdelay $0x1  }
0x97: {  	v5 =	vld [tilespmem:s28+$0x6180];
	_ =	sdelay $0x2  }
0x98: {  	v3 =	vadd.f32 v4, v3;
	_ =	sdelay $0x1  }
0x99: {  	v3 =	vadd.f32 v5, v3;
	_ =	sdelay $0x1  }
0x9a: {  	[tilespmem:s28+$0x180] =	vst v3  }
0x9b: {  	v3 =	vld [tilespmem:s22+$0x3200]  }
0x9c: {  	v4 =	vld [tilespmem:s22+$0x200];
	_ =	sdelay $0x1  }
0x9d: {  	v5 =	vld [tilespmem:s22+$0x6200];
	_ =	sdelay $0x2  }
0x9e: {  	v3 =	vadd.f32 v3, v4  }
0x9f: {  	s24 =	simm.s32 $0x80  }
0xa0: {  	s29 =	sand.u32 $0x1C00, s24;
	v3 =	vadd.f32 v5, v3  }
0xa1: {  	s25 =	sor.u32 s29, s23;
	s23 =	simm.s32 $0x20  }
.LBB2_6:
0xa2: {  	p0 =	sne.s32 s23, $0x2F0;
	v4 =	vld [tilespmem:s25+$0x3200];
	[tilespmem:s22+$0x200] =	vst v3;
	s22 =	smov.u32 s25  }
0xa3: {  	v3 =	vld [tilespmem:s22+$0x200];
	_ =	sdelay $0x1  }
0xa4: {  	v5 =	vld [tilespmem:s22+$0x6200];
	_ =	sdelay $0x1  }
.Ltmp2:
0xa5: {  	(pc) =	sbr.rel @p0 .LBB2_6-.Ltmp2, $4  }
0xa6: {  	v3 =	vadd.f32 v4, v3  }
0xa7: {  	s24 =	sadd.s32 $0x80, s24  }
0xa8: {  	s25 =	sand.u32 $0x70, s23;
	s26 =	sand.u32 $0x1C00, s24;
	v3 =	vadd.f32 v5, v3  }
0xa9: {  	s23 =	sadd.s32 $0x10, s23;
	s25 =	sor.u32 s26, s25  }
0xaa: {  	v4 =	vld [tilespmem:s25+$0x3200];
	[tilespmem:s22+$0x200] =	vst v3  }
0xab: {  	v3 =	vld [tilespmem:s25+$0x200];
	_ =	sdelay $0x1  }
0xac: {  	v5 =	vld [tilespmem:s25+$0x6200];
	_ =	sdelay $0x2  }
0xad: {  	v3 =	vadd.f32 v4, v3;
	_ =	sdelay $0x1  }
0xae: {  	s24 =	simm.s32 $0x0;
	v3 =	vadd.f32 v5, v3  }
0xaf: {  	s23 =	sand.u32 $0x70, s24;
	s22 =	sand.u32 $0x1C00, s24  }
0xb0: {  	s22 =	sor.u32 s22, s23;
	[tilespmem:s25+$0x200] =	vst v3  }
0xb1: {  	v3 =	vld [tilespmem:s22+$0x3280]  }
0xb2: {  	v4 =	vld [tilespmem:s22+$0x280];
	_ =	sdelay $0x1  }
0xb3: {  	v5 =	vld [tilespmem:s22+$0x6280];
	_ =	sdelay $0x2  }
0xb4: {  	v3 =	vadd.f32 v3, v4  }
0xb5: {  	s26 =	simm.s32 $0x10;
	s24 =	simm.s32 $0x80  }
0xb6: {  	s23 =	sand.u32 $0x70, s26;
	s29 =	sand.u32 $0x1C00, s24;
	v3 =	vadd.f32 v5, v3  }
0xb7: {  	s26 =	simm.s32 $0x20;
	s28 =	sor.u32 s29, s23;
	s25 =	smov.u32 s22  }
.LBB2_8:
0xb8: {  	p0 =	sne.s32 s26, $0x2F0;
	v4 =	vld [tilespmem:s28+$0x3280];
	[tilespmem:s25+$0x280] =	vst v3;
	s25 =	smov.u32 s28  }
0xb9: {  	v3 =	vld [tilespmem:s25+$0x280];
	_ =	sdelay $0x1  }
0xba: {  	v5 =	vld [tilespmem:s25+$0x6280];
	_ =	sdelay $0x1  }
.Ltmp3:
0xbb: {  	(pc) =	sbr.rel @p0 .LBB2_8-.Ltmp3, $4  }
0xbc: {  	v3 =	vadd.f32 v4, v3  }
0xbd: {  	s24 =	sadd.s32 $0x80, s24  }
0xbe: {  	s28 =	sand.u32 $0x70, s26;
	s29 =	sand.u32 $0x1C00, s24;
	v3 =	vadd.f32 v5, v3  }
0xbf: {  	s26 =	sadd.s32 $0x10, s26;
	s28 =	sor.u32 s29, s28  }
0xc0: {  	v4 =	vld [tilespmem:s28+$0x3280];
	[tilespmem:s25+$0x280] =	vst v3  }
0xc1: {  	v3 =	vld [tilespmem:s28+$0x280];
	_ =	sdelay $0x1  }
0xc2: {  	v5 =	vld [tilespmem:s28+$0x6280];
	_ =	sdelay $0x2  }
0xc3: {  	v3 =	vadd.f32 v4, v3;
	_ =	sdelay $0x1  }
0xc4: {  	v3 =	vadd.f32 v5, v3;
	_ =	sdelay $0x1  }
0xc5: {  	[tilespmem:s28+$0x280] =	vst v3  }
0xc6: {  	v3 =	vld [tilespmem:s22+$0x3300]  }
0xc7: {  	v4 =	vld [tilespmem:s22+$0x300];
	_ =	sdelay $0x1  }
0xc8: {  	v5 =	vld [tilespmem:s22+$0x6300];
	_ =	sdelay $0x2  }
0xc9: {  	v3 =	vadd.f32 v3, v4  }
0xca: {  	s24 =	simm.s32 $0x80  }
0xcb: {  	s29 =	sand.u32 $0x1C00, s24;
	v3 =	vadd.f32 v5, v3  }
0xcc: {  	s25 =	sor.u32 s29, s23;
	s23 =	simm.s32 $0x20  }
.LBB2_10:
0xcd: {  	p0 =	sne.s32 s23, $0x2F0;
	v4 =	vld [tilespmem:s25+$0x3300];
	[tilespmem:s22+$0x300] =	vst v3;
	s22 =	smov.u32 s25  }
0xce: {  	v3 =	vld [tilespmem:s22+$0x300];
	_ =	sdelay $0x1  }
0xcf: {  	v5 =	vld [tilespmem:s22+$0x6300];
	_ =	sdelay $0x1  }
.Ltmp4:
0xd0: {  	(pc) =	sbr.rel @p0 .LBB2_10-.Ltmp4, $4  }
0xd1: {  	v3 =	vadd.f32 v4, v3  }
0xd2: {  	s24 =	sadd.s32 $0x80, s24  }
0xd3: {  	s25 =	sand.u32 $0x70, s23;
	s26 =	sand.u32 $0x1C00, s24;
	v3 =	vadd.f32 v5, v3  }
0xd4: {  	s23 =	sadd.s32 $0x10, s23;
	s25 =	sor.u32 s26, s25  }
0xd5: {  	v4 =	vld [tilespmem:s25+$0x3300];
	[tilespmem:s22+$0x300] =	vst v3  }
0xd6: {  	v3 =	vld [tilespmem:s25+$0x300];
	_ =	sdelay $0x1  }
0xd7: {  	v5 =	vld [tilespmem:s25+$0x6300];
	_ =	sdelay $0x2  }
0xd8: {  	v3 =	vadd.f32 v4, v3;
	_ =	sdelay $0x1  }
0xd9: {  	s24 =	simm.s32 $0x0;
	v3 =	vadd.f32 v5, v3  }
0xda: {  	s23 =	sand.u32 $0x70, s24;
	s22 =	sand.u32 $0x1C00, s24  }
0xdb: {  	s22 =	sor.u32 s22, s23;
	[tilespmem:s25+$0x300] =	vst v3  }
0xdc: {  	v3 =	vld [tilespmem:s22+$0x3380]  }
0xdd: {  	v4 =	vld [tilespmem:s22+$0x380];
	_ =	sdelay $0x1  }
0xde: {  	v5 =	vld [tilespmem:s22+$0x6380];
	_ =	sdelay $0x2  }
0xdf: {  	v3 =	vadd.f32 v3, v4  }
0xe0: {  	s26 =	simm.s32 $0x10;
	s24 =	simm.s32 $0x80  }
0xe1: {  	s23 =	sand.u32 $0x70, s26;
	s29 =	sand.u32 $0x1C00, s24;
	v3 =	vadd.f32 v5, v3  }
0xe2: {  	s26 =	simm.s32 $0x20;
	s28 =	sor.u32 s29, s23;
	s25 =	smov.u32 s22  }
.LBB2_12:
0xe3: {  	p0 =	sne.s32 s26, $0x2F0;
	v4 =	vld [tilespmem:s28+$0x3380];
	[tilespmem:s25+$0x380] =	vst v3;
	s25 =	smov.u32 s28  }
0xe4: {  	v3 =	vld [tilespmem:s25+$0x380];
	_ =	sdelay $0x1  }
0xe5: {  	v5 =	vld [tilespmem:s25+$0x6380];
	_ =	sdelay $0x1  }
.Ltmp5:
0xe6: {  	(pc) =	sbr.rel @p0 .LBB2_12-.Ltmp5, $4  }
0xe7: {  	v3 =	vadd.f32 v4, v3  }
0xe8: {  	s24 =	sadd.s32 $0x80, s24  }
0xe9: {  	s28 =	sand.u32 $0x70, s26;
	s29 =	sand.u32 $0x1C00, s24;
	v3 =	vadd.f32 v5, v3  }
0xea: {  	s26 =	sadd.s32 $0x10, s26;
	s28 =	sor.u32 s29, s28  }
0xeb: {  	v4 =	vld [tilespmem:s28+$0x3380];
	[tilespmem:s25+$0x380] =	vst v3  }
0xec: {  	v3 =	vld [tilespmem:s28+$0x380];
	_ =	sdelay $0x1  }
0xed: {  	v5 =	vld [tilespmem:s28+$0x6380];
	_ =	sdelay $0x2  }
0xee: {  	v3 =	vadd.f32 v4, v3;
	_ =	sdelay $0x1  }
0xef: {  	v3 =	vadd.f32 v5, v3;
	_ =	sdelay $0x1  }
0xf0: {  	[tilespmem:s28+$0x380] =	vst v3  }
0xf1: {  	v3 =	vld [tilespmem:s22+$0x3400]  }
0xf2: {  	v4 =	vld [tilespmem:s22+$0x400];
	_ =	sdelay $0x1  }
0xf3: {  	v5 =	vld [tilespmem:s22+$0x6400];
	_ =	sdelay $0x2  }
0xf4: {  	v3 =	vadd.f32 v3, v4  }
0xf5: {  	s24 =	simm.s32 $0x80  }
0xf6: {  	s29 =	sand.u32 $0x1C00, s24;
	v3 =	vadd.f32 v5, v3  }
0xf7: {  	s25 =	sor.u32 s29, s23;
	s23 =	simm.s32 $0x20  }
.LBB2_14:
0xf8: {  	p0 =	sne.s32 s23, $0x2F0;
	v4 =	vld [tilespmem:s25+$0x3400];
	[tilespmem:s22+$0x400] =	vst v3;
	s22 =	smov.u32 s25  }
0xf9: {  	v3 =	vld [tilespmem:s22+$0x400];
	_ =	sdelay $0x1  }
0xfa: {  	v5 =	vld [tilespmem:s22+$0x6400];
	_ =	sdelay $0x1  }
.Ltmp6:
0xfb: {  	(pc) =	sbr.rel @p0 .LBB2_14-.Ltmp6, $4  }
0xfc: {  	v3 =	vadd.f32 v4, v3  }
0xfd: {  	s24 =	sadd.s32 $0x80, s24  }
0xfe: {  	s25 =	sand.u32 $0x70, s23;
	s26 =	sand.u32 $0x1C00, s24;
	v3 =	vadd.f32 v5, v3  }
0xff: {  	s23 =	sadd.s32 $0x10, s23;
	s25 =	sor.u32 s26, s25  }
0x100: {  	v4 =	vld [tilespmem:s25+$0x3400];
	[tilespmem:s22+$0x400] =	vst v3  }
0x101: {  	v3 =	vld [tilespmem:s25+$0x400];
	_ =	sdelay $0x1  }
0x102: {  	v5 =	vld [tilespmem:s25+$0x6400];
	_ =	sdelay $0x2  }
0x103: {  	v3 =	vadd.f32 v4, v3;
	_ =	sdelay $0x1  }
0x104: {  	s23 =	simm.s32 $0x0;
	v3 =	vadd.f32 v5, v3  }
0x105: {  	s29 =	sor.u32 s23, s23  }
0x106: {  	s24 =	sor.u32 $0x380, s29;
	[tilespmem:s25+$0x400] =	vst v3  }
0x107: {  	v3 =	vld [tilespmem:s24+$0x3100]  }
0x108: {  	v4 =	vld [tilespmem:s24+$0x100];
	_ =	sdelay $0x1  }
0x109: {  	v5 =	vld [tilespmem:s24+$0x6100];
	_ =	sdelay $0x2  }
0x10a: {  	v3 =	vadd.f32 v3, v4  }
0x10b: {  	s22 =	simm.s32 $0x10;
	s25 =	simm.s32 $0x80  }
0x10c: {  	s26 =	sor.u32 s25, s22;
	v3 =	vadd.f32 v5, v3  }
0x10d: {  	s28 =	sor.u32 $0x380, s26;
	s26 =	simm.s32 $0x20  }
.LBB2_16:
0x10e: {  	p0 =	sne.s32 s26, $0x2F0;
	v4 =	vld [tilespmem:s28+$0x3100];
	[tilespmem:s24+$0x100] =	vst v3;
	s24 =	smov.u32 s28  }
0x10f: {  	v3 =	vld [tilespmem:s24+$0x100];
	_ =	sdelay $0x1  }
0x110: {  	v5 =	vld [tilespmem:s24+$0x6100];
	_ =	sdelay $0x1  }
.Ltmp7:
0x111: {  	(pc) =	sbr.rel @p0 .LBB2_16-.Ltmp7, $4  }
0x112: {  	v3 =	vadd.f32 v4, v3  }
0x113: {  	s25 =	sadd.s32 $0x80, s25  }
0x114: {  	s28 =	sor.u32 s25, s26;
	v3 =	vadd.f32 v5, v3  }
0x115: {  	s26 =	sadd.s32 $0x10, s26;
	s28 =	sor.u32 $0x380, s28  }
0x116: {  	v4 =	vld [tilespmem:s28+$0x3100];
	[tilespmem:s24+$0x100] =	vst v3  }
0x117: {  	v3 =	vld [tilespmem:s28+$0x100];
	_ =	sdelay $0x1  }
0x118: {  	v5 =	vld [tilespmem:s28+$0x6100];
	_ =	sdelay $0x2  }
0x119: {  	v3 =	vadd.f32 v4, v3;
	_ =	sdelay $0x1  }
0x11a: {  	v3 =	vadd.f32 v5, v3  }
0x11b: {  	s26 =	sand.u32 $0x70, s23;
	s29 =	sand.u32 $0x1C00, s23  }
0x11c: {  	s23 =	sor.u32 s26, s29;
	[tilespmem:s28+$0x100] =	vst v3  }
0x11d: {  	v3 =	vld [tilespmem:s23+$0x4900]  }
0x11e: {  	v4 =	vld [tilespmem:s23+$0x1900];
	_ =	sdelay $0x1  }
0x11f: {  	v5 =	vld [tilespmem:s23+$0x7900];
	_ =	sdelay $0x2  }
0x120: {  	v3 =	vadd.f32 v3, v4  }
0x121: {  	s24 =	simm.s32 $0x80  }
0x122: {  	s22 =	sand.u32 $0x70, s22;
	s25 =	sand.u32 $0x1C00, s24;
	v3 =	vadd.f32 v5, v3  }
0x123: {  	s25 =	sor.u32 s22, s25;
	s22 =	simm.s32 $0x20  }
.LBB2_18:
0x124: {  	p0 =	sne.s32 s22, $0x2F0;
	v4 =	vld [tilespmem:s25+$0x4900];
	[tilespmem:s23+$0x1900] =	vst v3;
	s23 =	smov.u32 s25  }
0x125: {  	v3 =	vld [tilespmem:s23+$0x1900];
	_ =	sdelay $0x1  }
0x126: {  	v5 =	vld [tilespmem:s23+$0x7900];
	_ =	sdelay $0x1  }
.Ltmp8:
0x127: {  	(pc) =	sbr.rel @p0 .LBB2_18-.Ltmp8, $4  }
0x128: {  	v3 =	vadd.f32 v4, v3  }
0x129: {  	s24 =	sadd.s32 $0x80, s24  }
0x12a: {  	s25 =	sand.u32 $0x70, s22;
	s26 =	sand.u32 $0x1C00, s24;
	v3 =	vadd.f32 v5, v3  }
0x12b: {  	s22 =	sadd.s32 $0x10, s22;
	s25 =	sor.u32 s25, s26  }
0x12c: {  	v4 =	vld [tilespmem:s25+$0x4900];
	[tilespmem:s23+$0x1900] =	vst v3  }
0x12d: {  	v3 =	vld [tilespmem:s25+$0x1900];
	_ =	sdelay $0x1  }
0x12e: {  	v5 =	vld [tilespmem:s25+$0x7900];
	_ =	sdelay $0x2  }
0x12f: {  	v3 =	vadd.f32 v4, v3;
	_ =	sdelay $0x1  }
0x130: {  	s22 =	simm.s32 $0x0;
	v3 =	vadd.f32 v5, v3  }
0x131: {  	s24 =	sand.u32 $0x70, s22;
	s22 =	sand.u32 $0x1C00, s22  }
0x132: {  	s22 =	sor.u32 s24, s22;
	[tilespmem:s25+$0x1900] =	vst v3  }
0x133: {  	v3 =	vld [tilespmem:s22+$0x4980]  }
0x134: {  	v4 =	vld [tilespmem:s22+$0x1980];
	_ =	sdelay $0x1  }
0x135: {  	v5 =	vld [tilespmem:s22+$0x7980];
	_ =	sdelay $0x2  }
0x136: {  	v3 =	vadd.f32 v3, v4  }
0x137: {  	s26 =	simm.s32 $0x10;
	s24 =	simm.s32 $0x80  }
0x138: {  	s23 =	sand.u32 $0x70, s26;
	s29 =	sand.u32 $0x1C00, s24;
	v3 =	vadd.f32 v5, v3  }
0x139: {  	s26 =	simm.s32 $0x20;
	s28 =	sor.u32 s23, s29;
	s25 =	smov.u32 s22  }
.LBB2_20:
0x13a: {  	p0 =	sne.s32 s26, $0x2F0;
	v4 =	vld [tilespmem:s28+$0x4980];
	[tilespmem:s25+$0x1980] =	vst v3;
	s25 =	smov.u32 s28  }
0x13b: {  	v3 =	vld [tilespmem:s25+$0x1980];
	_ =	sdelay $0x1  }
0x13c: {  	v5 =	vld [tilespmem:s25+$0x7980];
	_ =	sdelay $0x1  }
.Ltmp9:
0x13d: {  	(pc) =	sbr.rel @p0 .LBB2_20-.Ltmp9, $4  }
0x13e: {  	v3 =	vadd.f32 v4, v3  }
0x13f: {  	s24 =	sadd.s32 $0x80, s24  }
0x140: {  	s28 =	sand.u32 $0x70, s26;
	s29 =	sand.u32 $0x1C00, s24;
	v3 =	vadd.f32 v5, v3  }
0x141: {  	s26 =	sadd.s32 $0x10, s26;
	s28 =	sor.u32 s28, s29  }
0x142: {  	v4 =	vld [tilespmem:s28+$0x4980];
	[tilespmem:s25+$0x1980] =	vst v3  }
0x143: {  	v3 =	vld [tilespmem:s28+$0x1980];
	_ =	sdelay $0x1  }
0x144: {  	v5 =	vld [tilespmem:s28+$0x7980];
	_ =	sdelay $0x2  }
0x145: {  	v3 =	vadd.f32 v4, v3;
	_ =	sdelay $0x1  }
0x146: {  	v3 =	vadd.f32 v5, v3;
	_ =	sdelay $0x1  }
0x147: {  	[tilespmem:s28+$0x1980] =	vst v3  }
0x148: {  	v3 =	vld [tilespmem:s22+$0x4A00]  }
0x149: {  	v4 =	vld [tilespmem:s22+$0x1A00];
	_ =	sdelay $0x1  }
0x14a: {  	v5 =	vld [tilespmem:s22+$0x7A00];
	_ =	sdelay $0x2  }
0x14b: {  	v3 =	vadd.f32 v3, v4  }
0x14c: {  	s24 =	simm.s32 $0x80  }
0x14d: {  	s29 =	sand.u32 $0x1C00, s24;
	v3 =	vadd.f32 v5, v3  }
0x14e: {  	s25 =	sor.u32 s23, s29;
	s23 =	simm.s32 $0x20  }
.LBB2_22:
0x14f: {  	p0 =	sne.s32 s23, $0x2F0;
	v4 =	vld [tilespmem:s25+$0x4A00];
	[tilespmem:s22+$0x1A00] =	vst v3;
	s22 =	smov.u32 s25  }
0x150: {  	v3 =	vld [tilespmem:s22+$0x1A00];
	_ =	sdelay $0x1  }
0x151: {  	v5 =	vld [tilespmem:s22+$0x7A00];
	_ =	sdelay $0x1  }
.Ltmp10:
0x152: {  	(pc) =	sbr.rel @p0 .LBB2_22-.Ltmp10, $4  }
0x153: {  	v3 =	vadd.f32 v4, v3  }
0x154: {  	s24 =	sadd.s32 $0x80, s24  }
0x155: {  	s25 =	sand.u32 $0x70, s23;
	s26 =	sand.u32 $0x1C00, s24;
	v3 =	vadd.f32 v5, v3  }
0x156: {  	s23 =	sadd.s32 $0x10, s23;
	s25 =	sor.u32 s25, s26  }
0x157: {  	v4 =	vld [tilespmem:s25+$0x4A00];
	[tilespmem:s22+$0x1A00] =	vst v3  }
0x158: {  	v3 =	vld [tilespmem:s25+$0x1A00];
	_ =	sdelay $0x1  }
0x159: {  	v5 =	vld [tilespmem:s25+$0x7A00];
	_ =	sdelay $0x2  }
0x15a: {  	v3 =	vadd.f32 v4, v3;
	_ =	sdelay $0x1  }
0x15b: {  	s24 =	simm.s32 $0x0;
	v3 =	vadd.f32 v5, v3  }
0x15c: {  	s23 =	sand.u32 $0x70, s24;
	s22 =	sand.u32 $0x1C00, s24  }
0x15d: {  	s22 =	sor.u32 s23, s22;
	[tilespmem:s25+$0x1A00] =	vst v3  }
0x15e: {  	v3 =	vld [tilespmem:s22+$0x4A80]  }
0x15f: {  	v4 =	vld [tilespmem:s22+$0x1A80];
	_ =	sdelay $0x1  }
0x160: {  	v5 =	vld [tilespmem:s22+$0x7A80];
	_ =	sdelay $0x2  }
0x161: {  	v3 =	vadd.f32 v3, v4  }
0x162: {  	s26 =	simm.s32 $0x10;
	s24 =	simm.s32 $0x80  }
0x163: {  	s23 =	sand.u32 $0x70, s26;
	s29 =	sand.u32 $0x1C00, s24;
	v3 =	vadd.f32 v5, v3  }
0x164: {  	s26 =	simm.s32 $0x20;
	s28 =	sor.u32 s23, s29;
	s25 =	smov.u32 s22  }
.LBB2_24:
0x165: {  	p0 =	sne.s32 s26, $0x2F0;
	v4 =	vld [tilespmem:s28+$0x4A80];
	[tilespmem:s25+$0x1A80] =	vst v3;
	s25 =	smov.u32 s28  }
0x166: {  	v3 =	vld [tilespmem:s25+$0x1A80];
	_ =	sdelay $0x1  }
0x167: {  	v5 =	vld [tilespmem:s25+$0x7A80];
	_ =	sdelay $0x1  }
.Ltmp11:
0x168: {  	(pc) =	sbr.rel @p0 .LBB2_24-.Ltmp11, $4  }
0x169: {  	v3 =	vadd.f32 v4, v3  }
0x16a: {  	s24 =	sadd.s32 $0x80, s24  }
0x16b: {  	s28 =	sand.u32 $0x70, s26;
	s29 =	sand.u32 $0x1C00, s24;
	v3 =	vadd.f32 v5, v3  }
0x16c: {  	s26 =	sadd.s32 $0x10, s26;
	s28 =	sor.u32 s28, s29  }
0x16d: {  	v4 =	vld [tilespmem:s28+$0x4A80];
	[tilespmem:s25+$0x1A80] =	vst v3  }
0x16e: {  	v3 =	vld [tilespmem:s28+$0x1A80];
	_ =	sdelay $0x1  }
0x16f: {  	v5 =	vld [tilespmem:s28+$0x7A80];
	_ =	sdelay $0x2  }
0x170: {  	v3 =	vadd.f32 v4, v3;
	_ =	sdelay $0x1  }
0x171: {  	v3 =	vadd.f32 v5, v3;
	_ =	sdelay $0x1  }
0x172: {  	[tilespmem:s28+$0x1A80] =	vst v3  }
0x173: {  	v3 =	vld [tilespmem:s22+$0x4B00]  }
0x174: {  	v4 =	vld [tilespmem:s22+$0x1B00];
	_ =	sdelay $0x1  }
0x175: {  	v5 =	vld [tilespmem:s22+$0x7B00];
	_ =	sdelay $0x2  }
0x176: {  	v3 =	vadd.f32 v3, v4  }
0x177: {  	s24 =	simm.s32 $0x80  }
0x178: {  	s29 =	sand.u32 $0x1C00, s24;
	v3 =	vadd.f32 v5, v3  }
0x179: {  	s25 =	sor.u32 s23, s29;
	s23 =	simm.s32 $0x20  }
.LBB2_26:
0x17a: {  	p0 =	sne.s32 s23, $0x2F0;
	v4 =	vld [tilespmem:s25+$0x4B00];
	[tilespmem:s22+$0x1B00] =	vst v3;
	s22 =	smov.u32 s25  }
0x17b: {  	v3 =	vld [tilespmem:s22+$0x1B00];
	_ =	sdelay $0x1  }
0x17c: {  	v5 =	vld [tilespmem:s22+$0x7B00];
	_ =	sdelay $0x1  }
.Ltmp12:
0x17d: {  	(pc) =	sbr.rel @p0 .LBB2_26-.Ltmp12, $4  }
0x17e: {  	v3 =	vadd.f32 v4, v3  }
0x17f: {  	s24 =	sadd.s32 $0x80, s24  }
0x180: {  	s25 =	sand.u32 $0x70, s23;
	s26 =	sand.u32 $0x1C00, s24;
	v3 =	vadd.f32 v5, v3  }
0x181: {  	s23 =	sadd.s32 $0x10, s23;
	s25 =	sor.u32 s25, s26  }
0x182: {  	v4 =	vld [tilespmem:s25+$0x4B00];
	[tilespmem:s22+$0x1B00] =	vst v3  }
0x183: {  	v3 =	vld [tilespmem:s25+$0x1B00];
	_ =	sdelay $0x1  }
0x184: {  	v5 =	vld [tilespmem:s25+$0x7B00];
	_ =	sdelay $0x2  }
0x185: {  	v3 =	vadd.f32 v4, v3;
	_ =	sdelay $0x1  }
0x186: {  	s24 =	simm.s32 $0x0;
	v3 =	vadd.f32 v5, v3  }
0x187: {  	s23 =	sand.u32 $0x70, s24;
	s22 =	sand.u32 $0x1C00, s24  }
0x188: {  	s22 =	sor.u32 s23, s22;
	[tilespmem:s25+$0x1B00] =	vst v3  }
0x189: {  	v3 =	vld [tilespmem:s22+$0x4B80]  }
0x18a: {  	v4 =	vld [tilespmem:s22+$0x1B80];
	_ =	sdelay $0x1  }
0x18b: {  	v5 =	vld [tilespmem:s22+$0x7B80];
	_ =	sdelay $0x2  }
0x18c: {  	v3 =	vadd.f32 v3, v4  }
0x18d: {  	s26 =	simm.s32 $0x10;
	s24 =	simm.s32 $0x80  }
0x18e: {  	s23 =	sand.u32 $0x70, s26;
	s29 =	sand.u32 $0x1C00, s24;
	v3 =	vadd.f32 v5, v3  }
0x18f: {  	s26 =	simm.s32 $0x20;
	s28 =	sor.u32 s23, s29;
	s25 =	smov.u32 s22  }
.LBB2_28:
0x190: {  	p0 =	sne.s32 s26, $0x2F0;
	v4 =	vld [tilespmem:s28+$0x4B80];
	[tilespmem:s25+$0x1B80] =	vst v3;
	s25 =	smov.u32 s28  }
0x191: {  	v3 =	vld [tilespmem:s25+$0x1B80];
	_ =	sdelay $0x1  }
0x192: {  	v5 =	vld [tilespmem:s25+$0x7B80];
	_ =	sdelay $0x1  }
.Ltmp13:
0x193: {  	(pc) =	sbr.rel @p0 .LBB2_28-.Ltmp13, $4  }
0x194: {  	v3 =	vadd.f32 v4, v3  }
0x195: {  	s24 =	sadd.s32 $0x80, s24  }
0x196: {  	s28 =	sand.u32 $0x70, s26;
	s29 =	sand.u32 $0x1C00, s24;
	v3 =	vadd.f32 v5, v3  }
0x197: {  	s26 =	sadd.s32 $0x10, s26;
	s28 =	sor.u32 s28, s29  }
0x198: {  	v4 =	vld [tilespmem:s28+$0x4B80];
	[tilespmem:s25+$0x1B80] =	vst v3  }
0x199: {  	v3 =	vld [tilespmem:s28+$0x1B80];
	_ =	sdelay $0x1  }
0x19a: {  	v5 =	vld [tilespmem:s28+$0x7B80];
	_ =	sdelay $0x2  }
0x19b: {  	v3 =	vadd.f32 v4, v3;
	_ =	sdelay $0x1  }
0x19c: {  	v3 =	vadd.f32 v5, v3;
	_ =	sdelay $0x1  }
0x19d: {  	[tilespmem:s28+$0x1B80] =	vst v3  }
0x19e: {  	v3 =	vld [tilespmem:s22+$0x4C00]  }
0x19f: {  	v4 =	vld [tilespmem:s22+$0x1C00];
	_ =	sdelay $0x1  }
0x1a0: {  	v5 =	vld [tilespmem:s22+$0x7C00];
	_ =	sdelay $0x2  }
0x1a1: {  	v3 =	vadd.f32 v3, v4  }
0x1a2: {  	s24 =	simm.s32 $0x80  }
0x1a3: {  	s29 =	sand.u32 $0x1C00, s24;
	v3 =	vadd.f32 v5, v3  }
0x1a4: {  	s25 =	sor.u32 s23, s29;
	s23 =	simm.s32 $0x20  }
.LBB2_30:
0x1a5: {  	p0 =	sne.s32 s23, $0x2F0;
	v4 =	vld [tilespmem:s25+$0x4C00];
	[tilespmem:s22+$0x1C00] =	vst v3;
	s22 =	smov.u32 s25  }
0x1a6: {  	v3 =	vld [tilespmem:s22+$0x1C00];
	_ =	sdelay $0x1  }
0x1a7: {  	v5 =	vld [tilespmem:s22+$0x7C00];
	_ =	sdelay $0x1  }
.Ltmp14:
0x1a8: {  	(pc) =	sbr.rel @p0 .LBB2_30-.Ltmp14, $4  }
0x1a9: {  	v3 =	vadd.f32 v4, v3  }
0x1aa: {  	s24 =	sadd.s32 $0x80, s24  }
0x1ab: {  	s25 =	sand.u32 $0x70, s23;
	s26 =	sand.u32 $0x1C00, s24;
	v3 =	vadd.f32 v5, v3  }
0x1ac: {  	s23 =	sadd.s32 $0x10, s23;
	s25 =	sor.u32 s25, s26  }
0x1ad: {  	v4 =	vld [tilespmem:s25+$0x4C00];
	[tilespmem:s22+$0x1C00] =	vst v3  }
0x1ae: {  	v3 =	vld [tilespmem:s25+$0x1C00];
	_ =	sdelay $0x1  }
0x1af: {  	v5 =	vld [tilespmem:s25+$0x7C00];
	_ =	sdelay $0x2  }
0x1b0: {  	v3 =	vadd.f32 v4, v3;
	_ =	sdelay $0x1  }
0x1b1: {  	s28 =	simm.s32 $0x0;
	v3 =	vadd.f32 v5, v3  }
0x1b2: {  	s23 =	sand.u32 $0x70, s28;
	s22 =	sand.u32 $0x1C00, s28  }
0x1b3: {  	s22 =	sor.u32 s23, s22;
	[tilespmem:s25+$0x1C00] =	vst v3  }
0x1b4: {  	v3 =	vld [tilespmem:s22+$0x4C80]  }
0x1b5: {  	v4 =	vld [tilespmem:s22+$0x1C80];
	_ =	sdelay $0x1  }
0x1b6: {  	v5 =	vld [tilespmem:s22+$0x7C80];
	_ =	sdelay $0x2  }
0x1b7: {  	v3 =	vadd.f32 v3, v4  }
0x1b8: {  	s24 =	simm.s32 $0x10;
	s23 =	simm.s32 $0x80  }
0x1b9: {  	s24 =	sand.u32 $0x70, s24;
	s29 =	sand.u32 $0x1C00, s23;
	v3 =	vadd.f32 v5, v3  }
0x1ba: {  	s25 =	sor.u32 s24, s29;
	s24 =	simm.s32 $0x20  }
.LBB2_32:
0x1bb: {  	p0 =	sne.s32 s24, $0x2F0;
	v4 =	vld [tilespmem:s25+$0x4C80];
	[tilespmem:s22+$0x1C80] =	vst v3;
	s22 =	smov.u32 s25  }
0x1bc: {  	v3 =	vld [tilespmem:s22+$0x1C80];
	_ =	sdelay $0x1  }
0x1bd: {  	v5 =	vld [tilespmem:s22+$0x7C80];
	_ =	sdelay $0x1  }
.Ltmp15:
0x1be: {  	(pc) =	sbr.rel @p0 .LBB2_32-.Ltmp15, $4  }
0x1bf: {  	v3 =	vadd.f32 v4, v3  }
0x1c0: {  	s23 =	sadd.s32 $0x80, s23  }
0x1c1: {  	s25 =	sand.u32 $0x70, s24;
	s26 =	sand.u32 $0x1C00, s23;
	v3 =	vadd.f32 v5, v3  }
0x1c2: {  	s24 =	sadd.s32 $0x10, s24;
	s25 =	sor.u32 s25, s26  }
0x1c3: {  	v4 =	vld [tilespmem:s25+$0x4C80];
	[tilespmem:s22+$0x1C80] =	vst v3  }
0x1c4: {  	v3 =	vld [tilespmem:s25+$0x1C80];
	_ =	sdelay $0x1  }
0x1c5: {  	v5 =	vld [tilespmem:s25+$0x7C80];
	_ =	sdelay $0x2  }
0x1c6: {  	v3 =	vadd.f32 v4, v3;
	_ =	sdelay $0x1  }
0x1c7: {  	v3 =	vadd.f32 v5, v3;
	_ =	sdelay $0x1  }
0x1c8: {  	s23 =	simm.s32 $0x0;
	[tilespmem:s25+$0x1C80] =	vst v3  }
0x1c9: {  	[hbm4b:s10+s23] =	stream.linear.scatter [tilespmem:s19], [sflag:$0x2], $0x3000, $0x38;
	[tilespmem:$0x12100] =	vst v63  }
0x1ca: {  	_ =	swait.ge [sflag:s1], $0x3000  }
0x1cb: {  	[sflag:s1] =	ssyncset.done $0x0  }
0x1cc: {  	[sflag:s1] =	ssyncadd.s32 $0xFFFFD000  }
0x1cd: {  	_ =	swait.ge [sflag:s1], $0x3000  }
0x1ce: {  	[sflag:s1] =	ssyncset.done $0x0  }
0x1cf: {  	[sflag:s1] =	ssyncadd.s32 $0xFFFFD000  }
0x1d0: {  	_ =	swait.ge [sflag:s1], $0x3000  }
0x1d1: {  	[sflag:s1] =	ssyncset.done $0x0  }
0x1d2: {  	[sflag:s1] =	ssyncadd.s32 $0xFFFFD000  }
0x1d3: {  	_ =	swait.ge [sflag:s20], $0x3000  }
0x1d4: {  	[sflag:s20] =	ssyncset.done $0x0  }
0x1d5: {  	[sflag:s20] =	ssyncadd.s32 $0xFFFFD000  }
0x1d6: {  	[tilespmem:s19], [sflag:$0x1] =	stream.linear.gather [hbm4b:s11+s23], $0x3000, $0x38;
	[tilespmem:$0x12100] =	vst v63  }
0x1d7: {  	v3 =	vld [tilespmem:$0x20];
	_ =	sdelay $0x4  }
0x1d8: {  	v4 =	vshrl.u32 v3, $0x3  }
0x1d9: {  	v4 =	vmul.u32 $0x30, v4  }
0x1da: {  	v3 =	vand.u32 $0x7, v3  }
0x1db: {  	v3 =	vor.u32 v3, v4  }
0x1dc: {  	v4 =	vperm.xlane v3, v0;
	_ =	sdelay $0x1  }
0x1dd: {  	v4 =	vadd.s32 v1, v4;
	_ =	sdelay $0x3  }
0x1de: {  	v3 =	vperm.xlane v3, v2  }
0x1df: {  	[tilespmem:s30], [sflag:$0x1] =	stream.indirect_vreg.gather [hbm4b:s3+s23], $0x80, v4, vm0, $0xb8;
	[tilespmem:$0x12100] =	vst v63  }
0x1e0: {  	s25 =	simm.s32 $0x3900;
	v3 =	vadd.s32 v1, v3  }
0x1e1: {  	[tilespmem:s25], [sflag:$0x1] =	stream.indirect_vreg.gather [hbm4b:s7+s23], $0x80, v4, vm0, $0xb8;
	[tilespmem:$0x12100] =	vst v63  }
0x1e2: {  	s26 =	simm.s32 $0x4100  }
0x1e3: {  	[tilespmem:s26], [sflag:$0x1] =	stream.indirect_vreg.gather [hbm4b:s8+s23], $0x80, v4, vm0, $0xb8;
	[tilespmem:$0x12100] =	vst v63  }
0x1e4: {  	s30 =	simm.s32 $0x4900  }
0x1e5: {  	[tilespmem:s30], [sflag:$0x1] =	stream.indirect_vreg.gather [hbm4b:s3+s23], $0x80, v3, vm0, $0xb8;
	[tilespmem:$0x12100] =	vst v63  }
0x1e6: {  	s24 =	simm.s32 $0x5100  }
0x1e7: {  	[tilespmem:s24], [sflag:$0x1] =	stream.indirect_vreg.gather [hbm4b:s7+s23], $0x80, v3, vm0, $0xb8;
	[tilespmem:$0x12100] =	vst v63  }
0x1e8: {  	s25 =	simm.s32 $0x5900  }
0x1e9: {  	[tilespmem:s25], [sflag:$0x1] =	stream.indirect_vreg.gather [hbm4b:s8+s23], $0x80, v3, vm0, $0xb8;
	[tilespmem:$0x12100] =	vst v63  }
0x1ea: {  	v3 =	vld [tilespmem:$0xA0];
	_ =	sdelay $0x4  }
0x1eb: {  	v4 =	vshrl.u32 v3, $0x3  }
0x1ec: {  	v4 =	vmul.u32 $0x30, v4  }
0x1ed: {  	v3 =	vand.u32 $0x7, v3  }
0x1ee: {  	v3 =	vor.u32 v3, v4  }
0x1ef: {  	v4 =	vperm.xlane v3, v0;
	_ =	sdelay $0x1  }
0x1f0: {  	v4 =	vadd.s32 v1, v4;
	_ =	sdelay $0x3  }
0x1f1: {  	s26 =	simm.s32 $0x6100;
	v3 =	vperm.xlane v3, v2  }
0x1f2: {  	[tilespmem:s26], [sflag:$0x1] =	stream.indirect_vreg.gather [hbm4b:s3+s23], $0x80, v4, vm0, $0xb8;
	[tilespmem:$0x12100] =	vst v63  }
0x1f3: {  	s30 =	simm.s32 $0x6900;
	v3 =	vadd.s32 v1, v3  }
0x1f4: {  	[tilespmem:s30], [sflag:$0x1] =	stream.indirect_vreg.gather [hbm4b:s7+s23], $0x80, v4, vm0, $0xb8;
	[tilespmem:$0x12100] =	vst v63  }
0x1f5: {  	s24 =	simm.s32 $0x7100  }
0x1f6: {  	[tilespmem:s24], [sflag:$0x1] =	stream.indirect_vreg.gather [hbm4b:s8+s23], $0x80, v4, vm0, $0xb8;
	[tilespmem:$0x12100] =	vst v63  }
0x1f7: {  	s25 =	simm.s32 $0x7900  }
0x1f8: {  	[tilespmem:s25], [sflag:$0x1] =	stream.indirect_vreg.gather [hbm4b:s3+s23], $0x80, v3, vm0, $0xb8;
	[tilespmem:$0x12100] =	vst v63  }
0x1f9: {  	s26 =	simm.s32 $0x8100  }
0x1fa: {  	[tilespmem:s26], [sflag:$0x1] =	stream.indirect_vreg.gather [hbm4b:s7+s23], $0x80, v3, vm0, $0xb8;
	[tilespmem:$0x12100] =	vst v63  }
0x1fb: {  	s30 =	simm.s32 $0x8900  }
0x1fc: {  	[tilespmem:s30], [sflag:$0x1] =	stream.indirect_vreg.gather [hbm4b:s8+s23], $0x80, v3, vm0, $0xb8;
	[tilespmem:$0x12100] =	vst v63  }
0x1fd: {  	s22 =	sand.u32 $0x70, s23;
	s23 =	sand.u32 $0x1C00, s23  }
0x1fe: {  	s25 =	sor.u32 s22, s23  }
0x1ff: {  	v3 =	vld [tilespmem:s25+$0xC100]  }
0x200: {  	v4 =	vld [tilespmem:s25+$0x9100];
	_ =	sdelay $0x1  }
0x201: {  	v5 =	vld [tilespmem:s25+$0xF100];
	_ =	sdelay $0x2  }
0x202: {  	v3 =	vadd.f32 v3, v4  }
0x203: {  	s24 =	simm.s32 $0x10;
	s26 =	simm.s32 $0x80  }
0x204: {  	s24 =	sand.u32 $0x70, s24;
	s28 =	sand.u32 $0x1C00, s26;
	v3 =	vadd.f32 v5, v3  }
0x205: {  	s29 =	sor.u32 s24, s28;
	s28 =	simm.s32 $0x20  }
.LBB2_34:
0x206: {  	p0 =	sne.s32 s28, $0x2F0;
	v4 =	vld [tilespmem:s29+$0xC100];
	[tilespmem:s25+$0x9100] =	vst v3;
	s25 =	smov.u32 s29  }
0x207: {  	v3 =	vld [tilespmem:s25+$0x9100];
	_ =	sdelay $0x1  }
0x208: {  	v5 =	vld [tilespmem:s25+$0xF100];
	_ =	sdelay $0x1  }
.Ltmp16:
0x209: {  	(pc) =	sbr.rel @p0 .LBB2_34-.Ltmp16, $4  }
0x20a: {  	v3 =	vadd.f32 v4, v3  }
0x20b: {  	s26 =	sadd.s32 $0x80, s26  }
0x20c: {  	s29 =	sand.u32 $0x70, s28;
	s30 =	sand.u32 $0x1C00, s26;
	v3 =	vadd.f32 v5, v3  }
0x20d: {  	s28 =	sadd.s32 $0x10, s28;
	s29 =	sor.u32 s29, s30  }
0x20e: {  	v4 =	vld [tilespmem:s29+$0xC100];
	[tilespmem:s25+$0x9100] =	vst v3  }
0x20f: {  	v3 =	vld [tilespmem:s29+$0x9100];
	_ =	sdelay $0x1  }
0x210: {  	v5 =	vld [tilespmem:s29+$0xF100];
	_ =	sdelay $0x2  }
0x211: {  	v3 =	vadd.f32 v4, v3;
	_ =	sdelay $0x1  }
0x212: {  	v3 =	vadd.f32 v5, v3;
	_ =	sdelay $0x1  }
0x213: {  	s22 =	sor.u32 s23, s22;
	[tilespmem:s29+$0x9100] =	vst v3  }
0x214: {  	v3 =	vld [tilespmem:s22+$0xC180]  }
0x215: {  	v4 =	vld [tilespmem:s22+$0x9180];
	_ =	sdelay $0x1  }
0x216: {  	v5 =	vld [tilespmem:s22+$0xF180];
	_ =	sdelay $0x2  }
0x217: {  	v3 =	vadd.f32 v3, v4  }
0x218: {  	s23 =	simm.s32 $0x80  }
0x219: {  	s30 =	sand.u32 $0x1C00, s23;
	v3 =	vadd.f32 v5, v3  }
0x21a: {  	s25 =	sor.u32 s30, s24;
	s24 =	simm.s32 $0x20  }
.LBB2_36:
0x21b: {  	p0 =	sne.s32 s24, $0x2F0;
	v4 =	vld [tilespmem:s25+$0xC180];
	[tilespmem:s22+$0x9180] =	vst v3;
	s22 =	smov.u32 s25  }
0x21c: {  	v3 =	vld [tilespmem:s22+$0x9180];
	_ =	sdelay $0x1  }
0x21d: {  	v5 =	vld [tilespmem:s22+$0xF180];
	_ =	sdelay $0x1  }
.Ltmp17:
0x21e: {  	(pc) =	sbr.rel @p0 .LBB2_36-.Ltmp17, $4  }
0x21f: {  	v3 =	vadd.f32 v4, v3  }
0x220: {  	s23 =	sadd.s32 $0x80, s23  }
0x221: {  	s25 =	sand.u32 $0x70, s24;
	s26 =	sand.u32 $0x1C00, s23;
	v3 =	vadd.f32 v5, v3  }
0x222: {  	s24 =	sadd.s32 $0x10, s24;
	s25 =	sor.u32 s26, s25  }
0x223: {  	v4 =	vld [tilespmem:s25+$0xC180];
	[tilespmem:s22+$0x9180] =	vst v3  }
0x224: {  	v3 =	vld [tilespmem:s25+$0x9180];
	_ =	sdelay $0x1  }
0x225: {  	v5 =	vld [tilespmem:s25+$0xF180];
	_ =	sdelay $0x2  }
0x226: {  	v3 =	vadd.f32 v4, v3;
	_ =	sdelay $0x1  }
0x227: {  	s26 =	simm.s32 $0x0;
	v3 =	vadd.f32 v5, v3  }
0x228: {  	s23 =	sand.u32 $0x70, s26;
	s22 =	sand.u32 $0x1C00, s26  }
0x229: {  	s22 =	sor.u32 s22, s23;
	[tilespmem:s25+$0x9180] =	vst v3  }
0x22a: {  	v3 =	vld [tilespmem:s22+$0xC200]  }
0x22b: {  	v4 =	vld [tilespmem:s22+$0x9200];
	_ =	sdelay $0x1  }
0x22c: {  	v5 =	vld [tilespmem:s22+$0xF200];
	_ =	sdelay $0x2  }
0x22d: {  	v3 =	vadd.f32 v3, v4  }
0x22e: {  	s29 =	simm.s32 $0x10;
	s24 =	simm.s32 $0x80  }
0x22f: {  	s30 =	sand.u32 $0x1C00, s24;
	s23 =	sand.u32 $0x70, s29;
	v3 =	vadd.f32 v5, v3  }
0x230: {  	s26 =	simm.s32 $0x20;
	s28 =	sor.u32 s30, s23;
	s25 =	smov.u32 s22  }
.LBB2_38:
0x231: {  	p0 =	sne.s32 s26, $0x2F0;
	v4 =	vld [tilespmem:s28+$0xC200];
	[tilespmem:s25+$0x9200] =	vst v3;
	s25 =	smov.u32 s28  }
0x232: {  	v3 =	vld [tilespmem:s25+$0x9200];
	_ =	sdelay $0x1  }
0x233: {  	v5 =	vld [tilespmem:s25+$0xF200];
	_ =	sdelay $0x1  }
.Ltmp18:
0x234: {  	(pc) =	sbr.rel @p0 .LBB2_38-.Ltmp18, $4  }
0x235: {  	v3 =	vadd.f32 v4, v3  }
0x236: {  	s24 =	sadd.s32 $0x80, s24  }
0x237: {  	s28 =	sand.u32 $0x70, s26;
	s29 =	sand.u32 $0x1C00, s24;
	v3 =	vadd.f32 v5, v3  }
0x238: {  	s26 =	sadd.s32 $0x10, s26;
	s28 =	sor.u32 s29, s28  }
0x239: {  	v4 =	vld [tilespmem:s28+$0xC200];
	[tilespmem:s25+$0x9200] =	vst v3  }
0x23a: {  	v3 =	vld [tilespmem:s28+$0x9200];
	_ =	sdelay $0x1  }
0x23b: {  	v5 =	vld [tilespmem:s28+$0xF200];
	_ =	sdelay $0x2  }
0x23c: {  	v3 =	vadd.f32 v4, v3;
	_ =	sdelay $0x1  }
0x23d: {  	v3 =	vadd.f32 v5, v3;
	_ =	sdelay $0x1  }
0x23e: {  	[tilespmem:s28+$0x9200] =	vst v3  }
0x23f: {  	v3 =	vld [tilespmem:s22+$0xC280]  }
0x240: {  	v4 =	vld [tilespmem:s22+$0x9280];
	_ =	sdelay $0x1  }
0x241: {  	v5 =	vld [tilespmem:s22+$0xF280];
	_ =	sdelay $0x2  }
0x242: {  	v3 =	vadd.f32 v3, v4  }
0x243: {  	s24 =	simm.s32 $0x80  }
0x244: {  	s30 =	sand.u32 $0x1C00, s24;
	v3 =	vadd.f32 v5, v3  }
0x245: {  	s25 =	sor.u32 s30, s23;
	s23 =	simm.s32 $0x20  }
.LBB2_40:
0x246: {  	p0 =	sne.s32 s23, $0x2F0;
	v4 =	vld [tilespmem:s25+$0xC280];
	[tilespmem:s22+$0x9280] =	vst v3;
	s22 =	smov.u32 s25  }
0x247: {  	v3 =	vld [tilespmem:s22+$0x9280];
	_ =	sdelay $0x1  }
0x248: {  	v5 =	vld [tilespmem:s22+$0xF280];
	_ =	sdelay $0x1  }
.Ltmp19:
0x249: {  	(pc) =	sbr.rel @p0 .LBB2_40-.Ltmp19, $4  }
0x24a: {  	v3 =	vadd.f32 v4, v3  }
0x24b: {  	s24 =	sadd.s32 $0x80, s24  }
0x24c: {  	s25 =	sand.u32 $0x70, s23;
	s26 =	sand.u32 $0x1C00, s24;
	v3 =	vadd.f32 v5, v3  }
0x24d: {  	s23 =	sadd.s32 $0x10, s23;
	s25 =	sor.u32 s26, s25  }
0x24e: {  	v4 =	vld [tilespmem:s25+$0xC280];
	[tilespmem:s22+$0x9280] =	vst v3  }
0x24f: {  	v3 =	vld [tilespmem:s25+$0x9280];
	_ =	sdelay $0x1  }
0x250: {  	v5 =	vld [tilespmem:s25+$0xF280];
	_ =	sdelay $0x2  }
0x251: {  	v3 =	vadd.f32 v4, v3;
	_ =	sdelay $0x1  }
0x252: {  	s26 =	simm.s32 $0x0;
	v3 =	vadd.f32 v5, v3  }
0x253: {  	s23 =	sand.u32 $0x70, s26;
	s22 =	sand.u32 $0x1C00, s26  }
0x254: {  	s22 =	sor.u32 s22, s23;
	[tilespmem:s25+$0x9280] =	vst v3  }
0x255: {  	v3 =	vld [tilespmem:s22+$0xC300]  }
0x256: {  	v4 =	vld [tilespmem:s22+$0x9300];
	_ =	sdelay $0x1  }
0x257: {  	v5 =	vld [tilespmem:s22+$0xF300];
	_ =	sdelay $0x2  }
0x258: {  	v3 =	vadd.f32 v3, v4  }
0x259: {  	s29 =	simm.s32 $0x10;
	s24 =	simm.s32 $0x80  }
0x25a: {  	s30 =	sand.u32 $0x1C00, s24;
	s23 =	sand.u32 $0x70, s29;
	v3 =	vadd.f32 v5, v3  }
0x25b: {  	s26 =	simm.s32 $0x20;
	s28 =	sor.u32 s30, s23;
	s25 =	smov.u32 s22  }
.LBB2_42:
0x25c: {  	p0 =	sne.s32 s26, $0x2F0;
	v4 =	vld [tilespmem:s28+$0xC300];
	[tilespmem:s25+$0x9300] =	vst v3;
	s25 =	smov.u32 s28  }
0x25d: {  	v3 =	vld [tilespmem:s25+$0x9300];
	_ =	sdelay $0x1  }
0x25e: {  	v5 =	vld [tilespmem:s25+$0xF300];
	_ =	sdelay $0x1  }
.Ltmp20:
0x25f: {  	(pc) =	sbr.rel @p0 .LBB2_42-.Ltmp20, $4  }
0x260: {  	v3 =	vadd.f32 v4, v3  }
0x261: {  	s24 =	sadd.s32 $0x80, s24  }
0x262: {  	s28 =	sand.u32 $0x70, s26;
	s29 =	sand.u32 $0x1C00, s24;
	v3 =	vadd.f32 v5, v3  }
0x263: {  	s26 =	sadd.s32 $0x10, s26;
	s28 =	sor.u32 s29, s28  }
0x264: {  	v4 =	vld [tilespmem:s28+$0xC300];
	[tilespmem:s25+$0x9300] =	vst v3  }
0x265: {  	v3 =	vld [tilespmem:s28+$0x9300];
	_ =	sdelay $0x1  }
0x266: {  	v5 =	vld [tilespmem:s28+$0xF300];
	_ =	sdelay $0x2  }
0x267: {  	v3 =	vadd.f32 v4, v3;
	_ =	sdelay $0x1  }
0x268: {  	v3 =	vadd.f32 v5, v3;
	_ =	sdelay $0x1  }
0x269: {  	[tilespmem:s28+$0x9300] =	vst v3  }
0x26a: {  	v3 =	vld [tilespmem:s22+$0xC380]  }
0x26b: {  	v4 =	vld [tilespmem:s22+$0x9380];
	_ =	sdelay $0x1  }
0x26c: {  	v5 =	vld [tilespmem:s22+$0xF380];
	_ =	sdelay $0x2  }
0x26d: {  	v3 =	vadd.f32 v3, v4  }
0x26e: {  	s24 =	simm.s32 $0x80  }
0x26f: {  	s30 =	sand.u32 $0x1C00, s24;
	v3 =	vadd.f32 v5, v3  }
0x270: {  	s25 =	sor.u32 s30, s23;
	s23 =	simm.s32 $0x20  }
.LBB2_44:
0x271: {  	p0 =	sne.s32 s23, $0x2F0;
	v4 =	vld [tilespmem:s25+$0xC380];
	[tilespmem:s22+$0x9380] =	vst v3;
	s22 =	smov.u32 s25  }
0x272: {  	v3 =	vld [tilespmem:s22+$0x9380];
	_ =	sdelay $0x1  }
0x273: {  	v5 =	vld [tilespmem:s22+$0xF380];
	_ =	sdelay $0x1  }
.Ltmp21:
0x274: {  	(pc) =	sbr.rel @p0 .LBB2_44-.Ltmp21, $4  }
0x275: {  	v3 =	vadd.f32 v4, v3  }
0x276: {  	s24 =	sadd.s32 $0x80, s24  }
0x277: {  	s25 =	sand.u32 $0x70, s23;
	s26 =	sand.u32 $0x1C00, s24;
	v3 =	vadd.f32 v5, v3  }
0x278: {  	s23 =	sadd.s32 $0x10, s23;
	s25 =	sor.u32 s26, s25  }
0x279: {  	v4 =	vld [tilespmem:s25+$0xC380];
	[tilespmem:s22+$0x9380] =	vst v3  }
0x27a: {  	v3 =	vld [tilespmem:s25+$0x9380];
	_ =	sdelay $0x1  }
0x27b: {  	v5 =	vld [tilespmem:s25+$0xF380];
	_ =	sdelay $0x2  }
0x27c: {  	v3 =	vadd.f32 v4, v3;
	_ =	sdelay $0x1  }
0x27d: {  	s22 =	simm.s32 $0x0;
	v3 =	vadd.f32 v5, v3  }
0x27e: {  	s23 =	sand.u32 $0x70, s22;
	s24 =	sand.u32 $0x1C00, s22  }
0x27f: {  	s24 =	sor.u32 s24, s23;
	[tilespmem:s25+$0x9380] =	vst v3  }
0x280: {  	v3 =	vld [tilespmem:s24+$0xC400]  }
0x281: {  	v4 =	vld [tilespmem:s24+$0x9400];
	_ =	sdelay $0x1  }
0x282: {  	v5 =	vld [tilespmem:s24+$0xF400];
	_ =	sdelay $0x2  }
0x283: {  	v3 =	vadd.f32 v3, v4  }
0x284: {  	s23 =	simm.s32 $0x10;
	s25 =	simm.s32 $0x80  }
0x285: {  	s26 =	sand.u32 $0x70, s23;
	s28 =	sand.u32 $0x1C00, s25;
	v3 =	vadd.f32 v5, v3  }
0x286: {  	s28 =	sor.u32 s28, s26;
	s26 =	simm.s32 $0x20  }
.LBB2_46:
0x287: {  	p0 =	sne.s32 s26, $0x2F0;
	v4 =	vld [tilespmem:s28+$0xC400];
	[tilespmem:s24+$0x9400] =	vst v3;
	s24 =	smov.u32 s28  }
0x288: {  	v3 =	vld [tilespmem:s24+$0x9400];
	_ =	sdelay $0x1  }
0x289: {  	v5 =	vld [tilespmem:s24+$0xF400];
	_ =	sdelay $0x1  }
.Ltmp22:
0x28a: {  	(pc) =	sbr.rel @p0 .LBB2_46-.Ltmp22, $4  }
0x28b: {  	v3 =	vadd.f32 v4, v3  }
0x28c: {  	s25 =	sadd.s32 $0x80, s25  }
0x28d: {  	s28 =	sand.u32 $0x70, s26;
	s29 =	sand.u32 $0x1C00, s25;
	v3 =	vadd.f32 v5, v3  }
0x28e: {  	s26 =	sadd.s32 $0x10, s26;
	s28 =	sor.u32 s29, s28  }
0x28f: {  	v4 =	vld [tilespmem:s28+$0xC400];
	[tilespmem:s24+$0x9400] =	vst v3  }
0x290: {  	v3 =	vld [tilespmem:s28+$0x9400];
	_ =	sdelay $0x1  }
0x291: {  	v5 =	vld [tilespmem:s28+$0xF400];
	_ =	sdelay $0x2  }
0x292: {  	v3 =	vadd.f32 v4, v3;
	_ =	sdelay $0x1  }
0x293: {  	v3 =	vadd.f32 v5, v3  }
0x294: {  	s22 =	sor.u32 s22, s22  }
0x295: {  	s22 =	sor.u32 $0x380, s22;
	[tilespmem:s28+$0x9400] =	vst v3  }
0x296: {  	v3 =	vld [tilespmem:s22+$0xC100]  }
0x297: {  	v4 =	vld [tilespmem:s22+$0x9100];
	_ =	sdelay $0x1  }
0x298: {  	v5 =	vld [tilespmem:s22+$0xF100];
	_ =	sdelay $0x2  }
0x299: {  	v3 =	vadd.f32 v3, v4  }
0x29a: {  	s24 =	simm.s32 $0x80  }
0x29b: {  	s23 =	sor.u32 s24, s23;
	v3 =	vadd.f32 v5, v3  }
0x29c: {  	s25 =	sor.u32 $0x380, s23;
	s23 =	simm.s32 $0x20  }
.LBB2_48:
0x29d: {  	p0 =	sne.s32 s23, $0x2F0;
	v4 =	vld [tilespmem:s25+$0xC100];
	[tilespmem:s22+$0x9100] =	vst v3;
	s22 =	smov.u32 s25  }
0x29e: {  	v3 =	vld [tilespmem:s22+$0x9100];
	_ =	sdelay $0x1  }
0x29f: {  	v5 =	vld [tilespmem:s22+$0xF100];
	_ =	sdelay $0x1  }
.Ltmp23:
0x2a0: {  	(pc) =	sbr.rel @p0 .LBB2_48-.Ltmp23, $4  }
0x2a1: {  	v3 =	vadd.f32 v4, v3  }
0x2a2: {  	s24 =	sadd.s32 $0x80, s24  }
0x2a3: {  	s25 =	sor.u32 s24, s23;
	v3 =	vadd.f32 v5, v3  }
0x2a4: {  	s23 =	sadd.s32 $0x10, s23;
	s25 =	sor.u32 $0x380, s25  }
0x2a5: {  	v4 =	vld [tilespmem:s25+$0xC100];
	[tilespmem:s22+$0x9100] =	vst v3  }
0x2a6: {  	v3 =	vld [tilespmem:s25+$0x9100];
	_ =	sdelay $0x1  }
0x2a7: {  	v5 =	vld [tilespmem:s25+$0xF100];
	_ =	sdelay $0x2  }
0x2a8: {  	v3 =	vadd.f32 v4, v3;
	_ =	sdelay $0x1  }
0x2a9: {  	s26 =	simm.s32 $0x0;
	v3 =	vadd.f32 v5, v3  }
0x2aa: {  	s23 =	sand.u32 $0x70, s26;
	s22 =	sand.u32 $0x1C00, s26  }
0x2ab: {  	s22 =	sor.u32 s23, s22;
	[tilespmem:s25+$0x9100] =	vst v3  }
0x2ac: {  	v3 =	vld [tilespmem:s22+$0xD900]  }
0x2ad: {  	v4 =	vld [tilespmem:s22+$0xA900];
	_ =	sdelay $0x1  }
0x2ae: {  	v5 =	vld [tilespmem:s22+$0x10900];
	_ =	sdelay $0x2  }
0x2af: {  	v3 =	vadd.f32 v3, v4  }
0x2b0: {  	s29 =	simm.s32 $0x10;
	s24 =	simm.s32 $0x80  }
0x2b1: {  	s30 =	sand.u32 $0x1C00, s24;
	s23 =	sand.u32 $0x70, s29;
	v3 =	vadd.f32 v5, v3  }
0x2b2: {  	s26 =	simm.s32 $0x20;
	s28 =	sor.u32 s23, s30;
	s25 =	smov.u32 s22  }
.LBB2_50:
0x2b3: {  	p0 =	sne.s32 s26, $0x2F0;
	v4 =	vld [tilespmem:s28+$0xD900];
	[tilespmem:s25+$0xA900] =	vst v3;
	s25 =	smov.u32 s28  }
0x2b4: {  	v3 =	vld [tilespmem:s25+$0xA900];
	_ =	sdelay $0x1  }
0x2b5: {  	v5 =	vld [tilespmem:s25+$0x10900];
	_ =	sdelay $0x1  }
.Ltmp24:
0x2b6: {  	(pc) =	sbr.rel @p0 .LBB2_50-.Ltmp24, $4  }
0x2b7: {  	v3 =	vadd.f32 v4, v3  }
0x2b8: {  	s24 =	sadd.s32 $0x80, s24  }
0x2b9: {  	s28 =	sand.u32 $0x70, s26;
	s29 =	sand.u32 $0x1C00, s24;
	v3 =	vadd.f32 v5, v3  }
0x2ba: {  	s26 =	sadd.s32 $0x10, s26;
	s28 =	sor.u32 s28, s29  }
0x2bb: {  	v4 =	vld [tilespmem:s28+$0xD900];
	[tilespmem:s25+$0xA900] =	vst v3  }
0x2bc: {  	v3 =	vld [tilespmem:s28+$0xA900];
	_ =	sdelay $0x1  }
0x2bd: {  	v5 =	vld [tilespmem:s28+$0x10900];
	_ =	sdelay $0x2  }
0x2be: {  	v3 =	vadd.f32 v4, v3;
	_ =	sdelay $0x1  }
0x2bf: {  	v3 =	vadd.f32 v5, v3;
	_ =	sdelay $0x1  }
0x2c0: {  	[tilespmem:s28+$0xA900] =	vst v3  }
0x2c1: {  	v3 =	vld [tilespmem:s22+$0xD980]  }
0x2c2: {  	v4 =	vld [tilespmem:s22+$0xA980];
	_ =	sdelay $0x1  }
0x2c3: {  	v5 =	vld [tilespmem:s22+$0x10980];
	_ =	sdelay $0x2  }
0x2c4: {  	v3 =	vadd.f32 v3, v4  }
0x2c5: {  	s24 =	simm.s32 $0x80  }
0x2c6: {  	s30 =	sand.u32 $0x1C00, s24;
	v3 =	vadd.f32 v5, v3  }
0x2c7: {  	s25 =	sor.u32 s23, s30;
	s23 =	simm.s32 $0x20  }
.LBB2_52:
0x2c8: {  	p0 =	sne.s32 s23, $0x2F0;
	v4 =	vld [tilespmem:s25+$0xD980];
	[tilespmem:s22+$0xA980] =	vst v3;
	s22 =	smov.u32 s25  }
0x2c9: {  	v3 =	vld [tilespmem:s22+$0xA980];
	_ =	sdelay $0x1  }
0x2ca: {  	v5 =	vld [tilespmem:s22+$0x10980];
	_ =	sdelay $0x1  }
.Ltmp25:
0x2cb: {  	(pc) =	sbr.rel @p0 .LBB2_52-.Ltmp25, $4  }
0x2cc: {  	v3 =	vadd.f32 v4, v3  }
0x2cd: {  	s24 =	sadd.s32 $0x80, s24  }
0x2ce: {  	s25 =	sand.u32 $0x70, s23;
	s26 =	sand.u32 $0x1C00, s24;
	v3 =	vadd.f32 v5, v3  }
0x2cf: {  	s23 =	sadd.s32 $0x10, s23;
	s25 =	sor.u32 s25, s26  }
0x2d0: {  	v4 =	vld [tilespmem:s25+$0xD980];
	[tilespmem:s22+$0xA980] =	vst v3  }
0x2d1: {  	v3 =	vld [tilespmem:s25+$0xA980];
	_ =	sdelay $0x1  }
0x2d2: {  	v5 =	vld [tilespmem:s25+$0x10980];
	_ =	sdelay $0x2  }
0x2d3: {  	v3 =	vadd.f32 v4, v3;
	_ =	sdelay $0x1  }
0x2d4: {  	s26 =	simm.s32 $0x0;
	v3 =	vadd.f32 v5, v3  }
0x2d5: {  	s23 =	sand.u32 $0x70, s26;
	s22 =	sand.u32 $0x1C00, s26  }
0x2d6: {  	s22 =	sor.u32 s23, s22;
	[tilespmem:s25+$0xA980] =	vst v3  }
0x2d7: {  	v3 =	vld [tilespmem:s22+$0xDA00]  }
0x2d8: {  	v4 =	vld [tilespmem:s22+$0xAA00];
	_ =	sdelay $0x1  }
0x2d9: {  	v5 =	vld [tilespmem:s22+$0x10A00];
	_ =	sdelay $0x2  }
0x2da: {  	v3 =	vadd.f32 v3, v4  }
0x2db: {  	s29 =	simm.s32 $0x10;
	s24 =	simm.s32 $0x80  }
0x2dc: {  	s30 =	sand.u32 $0x1C00, s24;
	s23 =	sand.u32 $0x70, s29;
	v3 =	vadd.f32 v5, v3  }
0x2dd: {  	s26 =	simm.s32 $0x20;
	s28 =	sor.u32 s23, s30;
	s25 =	smov.u32 s22  }
.LBB2_54:
0x2de: {  	p0 =	sne.s32 s26, $0x2F0;
	v4 =	vld [tilespmem:s28+$0xDA00];
	[tilespmem:s25+$0xAA00] =	vst v3;
	s25 =	smov.u32 s28  }
0x2df: {  	v3 =	vld [tilespmem:s25+$0xAA00];
	_ =	sdelay $0x1  }
0x2e0: {  	v5 =	vld [tilespmem:s25+$0x10A00];
	_ =	sdelay $0x1  }
.Ltmp26:
0x2e1: {  	(pc) =	sbr.rel @p0 .LBB2_54-.Ltmp26, $4  }
0x2e2: {  	v3 =	vadd.f32 v4, v3  }
0x2e3: {  	s24 =	sadd.s32 $0x80, s24  }
0x2e4: {  	s28 =	sand.u32 $0x70, s26;
	s29 =	sand.u32 $0x1C00, s24;
	v3 =	vadd.f32 v5, v3  }
0x2e5: {  	s26 =	sadd.s32 $0x10, s26;
	s28 =	sor.u32 s28, s29  }
0x2e6: {  	v4 =	vld [tilespmem:s28+$0xDA00];
	[tilespmem:s25+$0xAA00] =	vst v3  }
0x2e7: {  	v3 =	vld [tilespmem:s28+$0xAA00];
	_ =	sdelay $0x1  }
0x2e8: {  	v5 =	vld [tilespmem:s28+$0x10A00];
	_ =	sdelay $0x2  }
0x2e9: {  	v3 =	vadd.f32 v4, v3;
	_ =	sdelay $0x1  }
0x2ea: {  	v3 =	vadd.f32 v5, v3;
	_ =	sdelay $0x1  }
0x2eb: {  	[tilespmem:s28+$0xAA00] =	vst v3  }
0x2ec: {  	v3 =	vld [tilespmem:s22+$0xDA80]  }
0x2ed: {  	v4 =	vld [tilespmem:s22+$0xAA80];
	_ =	sdelay $0x1  }
0x2ee: {  	v5 =	vld [tilespmem:s22+$0x10A80];
	_ =	sdelay $0x2  }
0x2ef: {  	v3 =	vadd.f32 v3, v4  }
0x2f0: {  	s24 =	simm.s32 $0x80  }
0x2f1: {  	s30 =	sand.u32 $0x1C00, s24;
	v3 =	vadd.f32 v5, v3  }
0x2f2: {  	s25 =	sor.u32 s23, s30;
	s23 =	simm.s32 $0x20  }
.LBB2_56:
0x2f3: {  	p0 =	sne.s32 s23, $0x2F0;
	v4 =	vld [tilespmem:s25+$0xDA80];
	[tilespmem:s22+$0xAA80] =	vst v3;
	s22 =	smov.u32 s25  }
0x2f4: {  	v3 =	vld [tilespmem:s22+$0xAA80];
	_ =	sdelay $0x1  }
0x2f5: {  	v5 =	vld [tilespmem:s22+$0x10A80];
	_ =	sdelay $0x1  }
.Ltmp27:
0x2f6: {  	(pc) =	sbr.rel @p0 .LBB2_56-.Ltmp27, $4  }
0x2f7: {  	v3 =	vadd.f32 v4, v3  }
0x2f8: {  	s24 =	sadd.s32 $0x80, s24  }
0x2f9: {  	s25 =	sand.u32 $0x70, s23;
	s26 =	sand.u32 $0x1C00, s24;
	v3 =	vadd.f32 v5, v3  }
0x2fa: {  	s23 =	sadd.s32 $0x10, s23;
	s25 =	sor.u32 s25, s26  }
0x2fb: {  	v4 =	vld [tilespmem:s25+$0xDA80];
	[tilespmem:s22+$0xAA80] =	vst v3  }
0x2fc: {  	v3 =	vld [tilespmem:s25+$0xAA80];
	_ =	sdelay $0x1  }
0x2fd: {  	v5 =	vld [tilespmem:s25+$0x10A80];
	_ =	sdelay $0x2  }
0x2fe: {  	v3 =	vadd.f32 v4, v3;
	_ =	sdelay $0x1  }
0x2ff: {  	s26 =	simm.s32 $0x0;
	v3 =	vadd.f32 v5, v3  }
0x300: {  	s23 =	sand.u32 $0x70, s26;
	s22 =	sand.u32 $0x1C00, s26  }
0x301: {  	s22 =	sor.u32 s23, s22;
	[tilespmem:s25+$0xAA80] =	vst v3  }
0x302: {  	v3 =	vld [tilespmem:s22+$0xDB00]  }
0x303: {  	v4 =	vld [tilespmem:s22+$0xAB00];
	_ =	sdelay $0x1  }
0x304: {  	v5 =	vld [tilespmem:s22+$0x10B00];
	_ =	sdelay $0x2  }
0x305: {  	v3 =	vadd.f32 v3, v4  }
0x306: {  	s29 =	simm.s32 $0x10;
	s24 =	simm.s32 $0x80  }
0x307: {  	s30 =	sand.u32 $0x1C00, s24;
	s23 =	sand.u32 $0x70, s29;
	v3 =	vadd.f32 v5, v3  }
0x308: {  	s26 =	simm.s32 $0x20;
	s28 =	sor.u32 s23, s30;
	s25 =	smov.u32 s22  }
.LBB2_58:
0x309: {  	p0 =	sne.s32 s26, $0x2F0;
	v4 =	vld [tilespmem:s28+$0xDB00];
	[tilespmem:s25+$0xAB00] =	vst v3;
	s25 =	smov.u32 s28  }
0x30a: {  	v3 =	vld [tilespmem:s25+$0xAB00];
	_ =	sdelay $0x1  }
0x30b: {  	v5 =	vld [tilespmem:s25+$0x10B00];
	_ =	sdelay $0x1  }
.Ltmp28:
0x30c: {  	(pc) =	sbr.rel @p0 .LBB2_58-.Ltmp28, $4  }
0x30d: {  	v3 =	vadd.f32 v4, v3  }
0x30e: {  	s24 =	sadd.s32 $0x80, s24  }
0x30f: {  	s28 =	sand.u32 $0x70, s26;
	s29 =	sand.u32 $0x1C00, s24;
	v3 =	vadd.f32 v5, v3  }
0x310: {  	s26 =	sadd.s32 $0x10, s26;
	s28 =	sor.u32 s28, s29  }
0x311: {  	v4 =	vld [tilespmem:s28+$0xDB00];
	[tilespmem:s25+$0xAB00] =	vst v3  }
0x312: {  	v3 =	vld [tilespmem:s28+$0xAB00];
	_ =	sdelay $0x1  }
0x313: {  	v5 =	vld [tilespmem:s28+$0x10B00];
	_ =	sdelay $0x2  }
0x314: {  	v3 =	vadd.f32 v4, v3;
	_ =	sdelay $0x1  }
0x315: {  	v3 =	vadd.f32 v5, v3;
	_ =	sdelay $0x1  }
0x316: {  	[tilespmem:s28+$0xAB00] =	vst v3  }
0x317: {  	v3 =	vld [tilespmem:s22+$0xDB80]  }
0x318: {  	v4 =	vld [tilespmem:s22+$0xAB80];
	_ =	sdelay $0x1  }
0x319: {  	v5 =	vld [tilespmem:s22+$0x10B80];
	_ =	sdelay $0x2  }
0x31a: {  	v3 =	vadd.f32 v3, v4  }
0x31b: {  	s24 =	simm.s32 $0x80  }
0x31c: {  	s30 =	sand.u32 $0x1C00, s24;
	v3 =	vadd.f32 v5, v3  }
0x31d: {  	s25 =	sor.u32 s23, s30;
	s23 =	simm.s32 $0x20  }
.LBB2_60:
0x31e: {  	p0 =	sne.s32 s23, $0x2F0;
	v4 =	vld [tilespmem:s25+$0xDB80];
	[tilespmem:s22+$0xAB80] =	vst v3;
	s22 =	smov.u32 s25  }
0x31f: {  	v3 =	vld [tilespmem:s22+$0xAB80];
	_ =	sdelay $0x1  }
0x320: {  	v5 =	vld [tilespmem:s22+$0x10B80];
	_ =	sdelay $0x1  }
.Ltmp29:
0x321: {  	(pc) =	sbr.rel @p0 .LBB2_60-.Ltmp29, $4  }
0x322: {  	v3 =	vadd.f32 v4, v3  }
0x323: {  	s24 =	sadd.s32 $0x80, s24  }
0x324: {  	s25 =	sand.u32 $0x70, s23;
	s26 =	sand.u32 $0x1C00, s24;
	v3 =	vadd.f32 v5, v3  }
0x325: {  	s23 =	sadd.s32 $0x10, s23;
	s25 =	sor.u32 s25, s26  }
0x326: {  	v4 =	vld [tilespmem:s25+$0xDB80];
	[tilespmem:s22+$0xAB80] =	vst v3  }
0x327: {  	v3 =	vld [tilespmem:s25+$0xAB80];
	_ =	sdelay $0x1  }
0x328: {  	v5 =	vld [tilespmem:s25+$0x10B80];
	_ =	sdelay $0x2  }
0x329: {  	v3 =	vadd.f32 v4, v3;
	_ =	sdelay $0x1  }
0x32a: {  	s26 =	simm.s32 $0x0;
	v3 =	vadd.f32 v5, v3  }
0x32b: {  	s23 =	sand.u32 $0x70, s26;
	s22 =	sand.u32 $0x1C00, s26  }
0x32c: {  	s22 =	sor.u32 s23, s22;
	[tilespmem:s25+$0xAB80] =	vst v3  }
0x32d: {  	v3 =	vld [tilespmem:s22+$0xDC00]  }
0x32e: {  	v4 =	vld [tilespmem:s22+$0xAC00];
	_ =	sdelay $0x1  }
0x32f: {  	v5 =	vld [tilespmem:s22+$0x10C00];
	_ =	sdelay $0x2  }
0x330: {  	v3 =	vadd.f32 v3, v4  }
0x331: {  	s29 =	simm.s32 $0x10;
	s24 =	simm.s32 $0x80  }
0x332: {  	s30 =	sand.u32 $0x1C00, s24;
	s23 =	sand.u32 $0x70, s29;
	v3 =	vadd.f32 v5, v3  }
0x333: {  	s26 =	simm.s32 $0x20;
	s28 =	sor.u32 s23, s30;
	s25 =	smov.u32 s22  }
.LBB2_62:
0x334: {  	p0 =	sne.s32 s26, $0x2F0;
	v4 =	vld [tilespmem:s28+$0xDC00];
	[tilespmem:s25+$0xAC00] =	vst v3;
	s25 =	smov.u32 s28  }
0x335: {  	v3 =	vld [tilespmem:s25+$0xAC00];
	_ =	sdelay $0x1  }
0x336: {  	v5 =	vld [tilespmem:s25+$0x10C00];
	_ =	sdelay $0x1  }
.Ltmp30:
0x337: {  	(pc) =	sbr.rel @p0 .LBB2_62-.Ltmp30, $4  }
0x338: {  	v3 =	vadd.f32 v4, v3  }
0x339: {  	s24 =	sadd.s32 $0x80, s24  }
0x33a: {  	s28 =	sand.u32 $0x70, s26;
	s29 =	sand.u32 $0x1C00, s24;
	v3 =	vadd.f32 v5, v3  }
0x33b: {  	s26 =	sadd.s32 $0x10, s26;
	s28 =	sor.u32 s28, s29  }
0x33c: {  	v4 =	vld [tilespmem:s28+$0xDC00];
	[tilespmem:s25+$0xAC00] =	vst v3  }
0x33d: {  	v3 =	vld [tilespmem:s28+$0xAC00];
	_ =	sdelay $0x1  }
0x33e: {  	v5 =	vld [tilespmem:s28+$0x10C00];
	_ =	sdelay $0x2  }
0x33f: {  	v3 =	vadd.f32 v4, v3;
	_ =	sdelay $0x1  }
0x340: {  	v3 =	vadd.f32 v5, v3;
	_ =	sdelay $0x1  }
0x341: {  	[tilespmem:s28+$0xAC00] =	vst v3  }
0x342: {  	v3 =	vld [tilespmem:s22+$0xDC80]  }
0x343: {  	v4 =	vld [tilespmem:s22+$0xAC80];
	_ =	sdelay $0x1  }
0x344: {  	v5 =	vld [tilespmem:s22+$0x10C80];
	_ =	sdelay $0x2  }
0x345: {  	v3 =	vadd.f32 v3, v4  }
0x346: {  	s24 =	simm.s32 $0x80  }
0x347: {  	s30 =	sand.u32 $0x1C00, s24;
	v3 =	vadd.f32 v5, v3  }
0x348: {  	s25 =	sor.u32 s23, s30;
	s23 =	simm.s32 $0x20  }
.LBB2_64:
0x349: {  	p0 =	sne.s32 s23, $0x2F0;
	v4 =	vld [tilespmem:s25+$0xDC80];
	[tilespmem:s22+$0xAC80] =	vst v3;
	s22 =	smov.u32 s25  }
0x34a: {  	v3 =	vld [tilespmem:s22+$0xAC80];
	_ =	sdelay $0x1  }
0x34b: {  	v5 =	vld [tilespmem:s22+$0x10C80];
	_ =	sdelay $0x1  }
.Ltmp31:
0x34c: {  	(pc) =	sbr.rel @p0 .LBB2_64-.Ltmp31, $4  }
0x34d: {  	v3 =	vadd.f32 v4, v3  }
0x34e: {  	s24 =	sadd.s32 $0x80, s24  }
0x34f: {  	s25 =	sand.u32 $0x70, s23;
	s26 =	sand.u32 $0x1C00, s24;
	v3 =	vadd.f32 v5, v3  }
0x350: {  	s23 =	sadd.s32 $0x10, s23;
	s25 =	sor.u32 s25, s26  }
0x351: {  	v4 =	vld [tilespmem:s25+$0xDC80];
	[tilespmem:s22+$0xAC80] =	vst v3  }
0x352: {  	v3 =	vld [tilespmem:s25+$0xAC80];
	_ =	sdelay $0x1  }
0x353: {  	v5 =	vld [tilespmem:s25+$0x10C80];
	_ =	sdelay $0x2  }
0x354: {  	v3 =	vadd.f32 v4, v3;
	_ =	sdelay $0x1  }
0x355: {  	v3 =	vadd.f32 v5, v3;
	_ =	sdelay $0x1  }
0x356: {  	s23 =	simm.s32 $0x0;
	[tilespmem:s25+$0xAC80] =	vst v3  }
0x357: {  	[hbm4b:s12+s23] =	stream.linear.scatter [tilespmem:s18], [sflag:$0x2], $0x3000, $0x38;
	[tilespmem:$0x12100] =	vst v63  }
0x358: {  	_ =	swait.ge [sflag:s1], $0x3000  }
0x359: {  	[sflag:s1] =	ssyncset.done $0x0  }
0x35a: {  	[sflag:s1] =	ssyncadd.s32 $0xFFFFD000  }
0x35b: {  	_ =	swait.ge [sflag:s1], $0x3000  }
0x35c: {  	[sflag:s1] =	ssyncset.done $0x0  }
0x35d: {  	[sflag:s1] =	ssyncadd.s32 $0xFFFFD000  }
0x35e: {  	_ =	swait.ge [sflag:s1], $0x3000  }
0x35f: {  	[sflag:s1] =	ssyncset.done $0x0  }
0x360: {  	[sflag:s1] =	ssyncadd.s32 $0xFFFFD000  }
0x361: {  	_ =	swait.ge [sflag:s20], $0x3000  }
0x362: {  	[sflag:s20] =	ssyncset.done $0x0  }
0x363: {  	[sflag:s20] =	ssyncadd.s32 $0xFFFFD000  }
0x364: {  	[tilespmem:s18], [sflag:$0x1] =	stream.linear.gather [hbm4b:s13+s23], $0x3000, $0x38;
	[tilespmem:$0x12100] =	vst v63  }
0x365: {  	v3 =	vld [tilespmem:$0x30];
	_ =	sdelay $0x4  }
0x366: {  	v4 =	vshrl.u32 v3, $0x3  }
0x367: {  	v4 =	vmul.u32 $0x30, v4  }
0x368: {  	v3 =	vand.u32 $0x7, v3  }
0x369: {  	v3 =	vor.u32 v3, v4  }
0x36a: {  	v4 =	vperm.xlane v3, v0;
	_ =	sdelay $0x1  }
0x36b: {  	v4 =	vadd.s32 v1, v4;
	_ =	sdelay $0x3  }
0x36c: {  	s26 =	simm.s32 $0xC100;
	v3 =	vperm.xlane v3, v2  }
0x36d: {  	[tilespmem:s26], [sflag:$0x1] =	stream.indirect_vreg.gather [hbm4b:s3+s23], $0x80, v4, vm0, $0xb8;
	[tilespmem:$0x12100] =	vst v63  }
0x36e: {  	s30 =	simm.s32 $0xC900;
	v3 =	vadd.s32 v1, v3  }
0x36f: {  	[tilespmem:s30], [sflag:$0x1] =	stream.indirect_vreg.gather [hbm4b:s7+s23], $0x80, v4, vm0, $0xb8;
	[tilespmem:$0x12100] =	vst v63  }
0x370: {  	s24 =	simm.s32 $0xD100  }
0x371: {  	[tilespmem:s24], [sflag:$0x1] =	stream.indirect_vreg.gather [hbm4b:s8+s23], $0x80, v4, vm0, $0xb8;
	[tilespmem:$0x12100] =	vst v63  }
0x372: {  	s25 =	simm.s32 $0xD900  }
0x373: {  	[tilespmem:s25], [sflag:$0x1] =	stream.indirect_vreg.gather [hbm4b:s3+s23], $0x80, v3, vm0, $0xb8;
	[tilespmem:$0x12100] =	vst v63  }
0x374: {  	s26 =	simm.s32 $0xE100  }
0x375: {  	[tilespmem:s26], [sflag:$0x1] =	stream.indirect_vreg.gather [hbm4b:s7+s23], $0x80, v3, vm0, $0xb8;
	[tilespmem:$0x12100] =	vst v63  }
0x376: {  	s30 =	simm.s32 $0xE900  }
0x377: {  	[tilespmem:s30], [sflag:$0x1] =	stream.indirect_vreg.gather [hbm4b:s8+s23], $0x80, v3, vm0, $0xb8;
	[tilespmem:$0x12100] =	vst v63  }
0x378: {  	v3 =	vld [tilespmem:$0xB0];
	_ =	sdelay $0x4  }
0x379: {  	v4 =	vshrl.u32 v3, $0x3  }
0x37a: {  	v4 =	vmul.u32 $0x30, v4  }
0x37b: {  	v3 =	vand.u32 $0x7, v3  }
0x37c: {  	v3 =	vor.u32 v3, v4  }
0x37d: {  	v4 =	vperm.xlane v3, v0;
	_ =	sdelay $0x1  }
0x37e: {  	v4 =	vadd.s32 v1, v4;
	_ =	sdelay $0x3  }
0x37f: {  	s24 =	simm.s32 $0xF100;
	v3 =	vperm.xlane v3, v2  }
0x380: {  	[tilespmem:s24], [sflag:$0x1] =	stream.indirect_vreg.gather [hbm4b:s3+s23], $0x80, v4, vm0, $0xb8;
	[tilespmem:$0x12100] =	vst v63  }
0x381: {  	s25 =	simm.s32 $0xF900;
	v3 =	vadd.s32 v1, v3  }
0x382: {  	[tilespmem:s25], [sflag:$0x1] =	stream.indirect_vreg.gather [hbm4b:s7+s23], $0x80, v4, vm0, $0xb8;
	[tilespmem:$0x12100] =	vst v63  }
0x383: {  	s26 =	simm.s32 $0x10100  }
0x384: {  	[tilespmem:s26], [sflag:$0x1] =	stream.indirect_vreg.gather [hbm4b:s8+s23], $0x80, v4, vm0, $0xb8;
	[tilespmem:$0x12100] =	vst v63  }
0x385: {  	s30 =	simm.s32 $0x10900  }
0x386: {  	[tilespmem:s30], [sflag:$0x1] =	stream.indirect_vreg.gather [hbm4b:s3+s23], $0x80, v3, vm0, $0xb8;
	[tilespmem:$0x12100] =	vst v63  }
0x387: {  	_ = 	snop  }
0x388: {  	[tilespmem:s31], [sflag:$0x1] =	stream.indirect_vreg.gather [hbm4b:s7+s23], $0x80, v3, vm0, $0xb8;
	[tilespmem:$0x12100] =	vst v63  }
0x389: {  	_ = 	snop  }
0x38a: {  	[tilespmem:s0], [sflag:$0x1] =	stream.indirect_vreg.gather [hbm4b:s8+s23], $0x80, v3, vm0, $0xb8;
	[tilespmem:$0x12100] =	vst v63  }
0x38b: {  	s22 =	sand.u32 $0x70, s23;
	s23 =	sand.u32 $0x1C00, s23  }
0x38c: {  	s25 =	sor.u32 s22, s23  }
0x38d: {  	v3 =	vld [tilespmem:s25+$0x3100]  }
0x38e: {  	v4 =	vld [tilespmem:s25+$0x100];
	_ =	sdelay $0x1  }
0x38f: {  	v5 =	vld [tilespmem:s25+$0x6100];
	_ =	sdelay $0x2  }
0x390: {  	v3 =	vadd.f32 v3, v4  }
0x391: {  	s24 =	simm.s32 $0x10;
	s26 =	simm.s32 $0x80  }
0x392: {  	s24 =	sand.u32 $0x70, s24;
	s28 =	sand.u32 $0x1C00, s26;
	v3 =	vadd.f32 v5, v3  }
0x393: {  	s29 =	sor.u32 s24, s28;
	s28 =	simm.s32 $0x20  }
.LBB2_66:
0x394: {  	p0 =	sne.s32 s28, $0x2F0;
	v4 =	vld [tilespmem:s29+$0x3100];
	[tilespmem:s25+$0x100] =	vst v3;
	s25 =	smov.u32 s29  }
0x395: {  	v3 =	vld [tilespmem:s25+$0x100];
	_ =	sdelay $0x1  }
0x396: {  	v5 =	vld [tilespmem:s25+$0x6100];
	_ =	sdelay $0x1  }
.Ltmp32:
0x397: {  	(pc) =	sbr.rel @p0 .LBB2_66-.Ltmp32, $4  }
0x398: {  	v3 =	vadd.f32 v4, v3  }
0x399: {  	s26 =	sadd.s32 $0x80, s26  }
0x39a: {  	s29 =	sand.u32 $0x70, s28;
	s30 =	sand.u32 $0x1C00, s26;
	v3 =	vadd.f32 v5, v3  }
0x39b: {  	s28 =	sadd.s32 $0x10, s28;
	s29 =	sor.u32 s29, s30  }
0x39c: {  	v4 =	vld [tilespmem:s29+$0x3100];
	[tilespmem:s25+$0x100] =	vst v3  }
0x39d: {  	v3 =	vld [tilespmem:s29+$0x100];
	_ =	sdelay $0x1  }
0x39e: {  	v5 =	vld [tilespmem:s29+$0x6100];
	_ =	sdelay $0x2  }
0x39f: {  	v3 =	vadd.f32 v4, v3;
	_ =	sdelay $0x1  }
0x3a0: {  	v3 =	vadd.f32 v5, v3;
	_ =	sdelay $0x1  }
0x3a1: {  	s22 =	sor.u32 s23, s22;
	[tilespmem:s29+$0x100] =	vst v3  }
0x3a2: {  	v3 =	vld [tilespmem:s22+$0x3180]  }
0x3a3: {  	v4 =	vld [tilespmem:s22+$0x180];
	_ =	sdelay $0x1  }
0x3a4: {  	v5 =	vld [tilespmem:s22+$0x6180];
	_ =	sdelay $0x2  }
0x3a5: {  	v3 =	vadd.f32 v3, v4  }
0x3a6: {  	s23 =	simm.s32 $0x80  }
0x3a7: {  	s30 =	sand.u32 $0x1C00, s23;
	v3 =	vadd.f32 v5, v3  }
0x3a8: {  	s25 =	sor.u32 s30, s24;
	s24 =	simm.s32 $0x20  }
.LBB2_68:
0x3a9: {  	p0 =	sne.s32 s24, $0x2F0;
	v4 =	vld [tilespmem:s25+$0x3180];
	[tilespmem:s22+$0x180] =	vst v3;
	s22 =	smov.u32 s25  }
0x3aa: {  	v3 =	vld [tilespmem:s22+$0x180];
	_ =	sdelay $0x1  }
0x3ab: {  	v5 =	vld [tilespmem:s22+$0x6180];
	_ =	sdelay $0x1  }
.Ltmp33:
0x3ac: {  	(pc) =	sbr.rel @p0 .LBB2_68-.Ltmp33, $4  }
0x3ad: {  	v3 =	vadd.f32 v4, v3  }
0x3ae: {  	s23 =	sadd.s32 $0x80, s23  }
0x3af: {  	s25 =	sand.u32 $0x70, s24;
	s26 =	sand.u32 $0x1C00, s23;
	v3 =	vadd.f32 v5, v3  }
0x3b0: {  	s24 =	sadd.s32 $0x10, s24;
	s25 =	sor.u32 s26, s25  }
0x3b1: {  	v4 =	vld [tilespmem:s25+$0x3180];
	[tilespmem:s22+$0x180] =	vst v3  }
0x3b2: {  	v3 =	vld [tilespmem:s25+$0x180];
	_ =	sdelay $0x1  }
0x3b3: {  	v5 =	vld [tilespmem:s25+$0x6180];
	_ =	sdelay $0x2  }
0x3b4: {  	v3 =	vadd.f32 v4, v3;
	_ =	sdelay $0x1  }
0x3b5: {  	s26 =	simm.s32 $0x0;
	v3 =	vadd.f32 v5, v3  }
0x3b6: {  	s23 =	sand.u32 $0x70, s26;
	s22 =	sand.u32 $0x1C00, s26  }
0x3b7: {  	s22 =	sor.u32 s22, s23;
	[tilespmem:s25+$0x180] =	vst v3  }
0x3b8: {  	v3 =	vld [tilespmem:s22+$0x3200]  }
0x3b9: {  	v4 =	vld [tilespmem:s22+$0x200];
	_ =	sdelay $0x1  }
0x3ba: {  	v5 =	vld [tilespmem:s22+$0x6200];
	_ =	sdelay $0x2  }
0x3bb: {  	v3 =	vadd.f32 v3, v4  }
0x3bc: {  	s29 =	simm.s32 $0x10;
	s24 =	simm.s32 $0x80  }
0x3bd: {  	s30 =	sand.u32 $0x1C00, s24;
	s23 =	sand.u32 $0x70, s29;
	v3 =	vadd.f32 v5, v3  }
0x3be: {  	s26 =	simm.s32 $0x20;
	s28 =	sor.u32 s30, s23;
	s25 =	smov.u32 s22  }
.LBB2_70:
0x3bf: {  	p0 =	sne.s32 s26, $0x2F0;
	v4 =	vld [tilespmem:s28+$0x3200];
	[tilespmem:s25+$0x200] =	vst v3;
	s25 =	smov.u32 s28  }
0x3c0: {  	v3 =	vld [tilespmem:s25+$0x200];
	_ =	sdelay $0x1  }
0x3c1: {  	v5 =	vld [tilespmem:s25+$0x6200];
	_ =	sdelay $0x1  }
.Ltmp34:
0x3c2: {  	(pc) =	sbr.rel @p0 .LBB2_70-.Ltmp34, $4  }
0x3c3: {  	v3 =	vadd.f32 v4, v3  }
0x3c4: {  	s24 =	sadd.s32 $0x80, s24  }
0x3c5: {  	s28 =	sand.u32 $0x70, s26;
	s29 =	sand.u32 $0x1C00, s24;
	v3 =	vadd.f32 v5, v3  }
0x3c6: {  	s26 =	sadd.s32 $0x10, s26;
	s28 =	sor.u32 s29, s28  }
0x3c7: {  	v4 =	vld [tilespmem:s28+$0x3200];
	[tilespmem:s25+$0x200] =	vst v3  }
0x3c8: {  	v3 =	vld [tilespmem:s28+$0x200];
	_ =	sdelay $0x1  }
0x3c9: {  	v5 =	vld [tilespmem:s28+$0x6200];
	_ =	sdelay $0x2  }
0x3ca: {  	v3 =	vadd.f32 v4, v3;
	_ =	sdelay $0x1  }
0x3cb: {  	v3 =	vadd.f32 v5, v3;
	_ =	sdelay $0x1  }
0x3cc: {  	[tilespmem:s28+$0x200] =	vst v3  }
0x3cd: {  	v3 =	vld [tilespmem:s22+$0x3280]  }
0x3ce: {  	v4 =	vld [tilespmem:s22+$0x280];
	_ =	sdelay $0x1  }
0x3cf: {  	v5 =	vld [tilespmem:s22+$0x6280];
	_ =	sdelay $0x2  }
0x3d0: {  	v3 =	vadd.f32 v3, v4  }
0x3d1: {  	s24 =	simm.s32 $0x80  }
0x3d2: {  	s30 =	sand.u32 $0x1C00, s24;
	v3 =	vadd.f32 v5, v3  }
0x3d3: {  	s25 =	sor.u32 s30, s23;
	s23 =	simm.s32 $0x20  }
.LBB2_72:
0x3d4: {  	p0 =	sne.s32 s23, $0x2F0;
	v4 =	vld [tilespmem:s25+$0x3280];
	[tilespmem:s22+$0x280] =	vst v3;
	s22 =	smov.u32 s25  }
0x3d5: {  	v3 =	vld [tilespmem:s22+$0x280];
	_ =	sdelay $0x1  }
0x3d6: {  	v5 =	vld [tilespmem:s22+$0x6280];
	_ =	sdelay $0x1  }
.Ltmp35:
0x3d7: {  	(pc) =	sbr.rel @p0 .LBB2_72-.Ltmp35, $4  }
0x3d8: {  	v3 =	vadd.f32 v4, v3  }
0x3d9: {  	s24 =	sadd.s32 $0x80, s24  }
0x3da: {  	s25 =	sand.u32 $0x70, s23;
	s26 =	sand.u32 $0x1C00, s24;
	v3 =	vadd.f32 v5, v3  }
0x3db: {  	s23 =	sadd.s32 $0x10, s23;
	s25 =	sor.u32 s26, s25  }
0x3dc: {  	v4 =	vld [tilespmem:s25+$0x3280];
	[tilespmem:s22+$0x280] =	vst v3  }
0x3dd: {  	v3 =	vld [tilespmem:s25+$0x280];
	_ =	sdelay $0x1  }
0x3de: {  	v5 =	vld [tilespmem:s25+$0x6280];
	_ =	sdelay $0x2  }
0x3df: {  	v3 =	vadd.f32 v4, v3;
	_ =	sdelay $0x1  }
0x3e0: {  	s26 =	simm.s32 $0x0;
	v3 =	vadd.f32 v5, v3  }
0x3e1: {  	s23 =	sand.u32 $0x70, s26;
	s22 =	sand.u32 $0x1C00, s26  }
0x3e2: {  	s22 =	sor.u32 s22, s23;
	[tilespmem:s25+$0x280] =	vst v3  }
0x3e3: {  	v3 =	vld [tilespmem:s22+$0x3300]  }
0x3e4: {  	v4 =	vld [tilespmem:s22+$0x300];
	_ =	sdelay $0x1  }
0x3e5: {  	v5 =	vld [tilespmem:s22+$0x6300];
	_ =	sdelay $0x2  }
0x3e6: {  	v3 =	vadd.f32 v3, v4  }
0x3e7: {  	s29 =	simm.s32 $0x10;
	s24 =	simm.s32 $0x80  }
0x3e8: {  	s30 =	sand.u32 $0x1C00, s24;
	s23 =	sand.u32 $0x70, s29;
	v3 =	vadd.f32 v5, v3  }
0x3e9: {  	s26 =	simm.s32 $0x20;
	s28 =	sor.u32 s30, s23;
	s25 =	smov.u32 s22  }
.LBB2_74:
0x3ea: {  	p0 =	sne.s32 s26, $0x2F0;
	v4 =	vld [tilespmem:s28+$0x3300];
	[tilespmem:s25+$0x300] =	vst v3;
	s25 =	smov.u32 s28  }
0x3eb: {  	v3 =	vld [tilespmem:s25+$0x300];
	_ =	sdelay $0x1  }
0x3ec: {  	v5 =	vld [tilespmem:s25+$0x6300];
	_ =	sdelay $0x1  }
.Ltmp36:
0x3ed: {  	(pc) =	sbr.rel @p0 .LBB2_74-.Ltmp36, $4  }
0x3ee: {  	v3 =	vadd.f32 v4, v3  }
0x3ef: {  	s24 =	sadd.s32 $0x80, s24  }
0x3f0: {  	s28 =	sand.u32 $0x70, s26;
	s29 =	sand.u32 $0x1C00, s24;
	v3 =	vadd.f32 v5, v3  }
0x3f1: {  	s26 =	sadd.s32 $0x10, s26;
	s28 =	sor.u32 s29, s28  }
0x3f2: {  	v4 =	vld [tilespmem:s28+$0x3300];
	[tilespmem:s25+$0x300] =	vst v3  }
0x3f3: {  	v3 =	vld [tilespmem:s28+$0x300];
	_ =	sdelay $0x1  }
0x3f4: {  	v5 =	vld [tilespmem:s28+$0x6300];
	_ =	sdelay $0x2  }
0x3f5: {  	v3 =	vadd.f32 v4, v3;
	_ =	sdelay $0x1  }
0x3f6: {  	v3 =	vadd.f32 v5, v3;
	_ =	sdelay $0x1  }
0x3f7: {  	[tilespmem:s28+$0x300] =	vst v3  }
0x3f8: {  	v3 =	vld [tilespmem:s22+$0x3380]  }
0x3f9: {  	v4 =	vld [tilespmem:s22+$0x380];
	_ =	sdelay $0x1  }
0x3fa: {  	v5 =	vld [tilespmem:s22+$0x6380];
	_ =	sdelay $0x2  }
0x3fb: {  	v3 =	vadd.f32 v3, v4  }
0x3fc: {  	s24 =	simm.s32 $0x80  }
0x3fd: {  	s30 =	sand.u32 $0x1C00, s24;
	v3 =	vadd.f32 v5, v3  }
0x3fe: {  	s25 =	sor.u32 s30, s23;
	s23 =	simm.s32 $0x20  }
.LBB2_76:
0x3ff: {  	p0 =	sne.s32 s23, $0x2F0;
	v4 =	vld [tilespmem:s25+$0x3380];
	[tilespmem:s22+$0x380] =	vst v3;
	s22 =	smov.u32 s25  }
0x400: {  	v3 =	vld [tilespmem:s22+$0x380];
	_ =	sdelay $0x1  }
0x401: {  	v5 =	vld [tilespmem:s22+$0x6380];
	_ =	sdelay $0x1  }
.Ltmp37:
0x402: {  	(pc) =	sbr.rel @p0 .LBB2_76-.Ltmp37, $4  }
0x403: {  	v3 =	vadd.f32 v4, v3  }
0x404: {  	s24 =	sadd.s32 $0x80, s24  }
0x405: {  	s25 =	sand.u32 $0x70, s23;
	s26 =	sand.u32 $0x1C00, s24;
	v3 =	vadd.f32 v5, v3  }
0x406: {  	s23 =	sadd.s32 $0x10, s23;
	s25 =	sor.u32 s26, s25  }
0x407: {  	v4 =	vld [tilespmem:s25+$0x3380];
	[tilespmem:s22+$0x380] =	vst v3  }
0x408: {  	v3 =	vld [tilespmem:s25+$0x380];
	_ =	sdelay $0x1  }
0x409: {  	v5 =	vld [tilespmem:s25+$0x6380];
	_ =	sdelay $0x2  }
0x40a: {  	v3 =	vadd.f32 v4, v3;
	_ =	sdelay $0x1  }
0x40b: {  	s22 =	simm.s32 $0x0;
	v3 =	vadd.f32 v5, v3  }
0x40c: {  	s23 =	sand.u32 $0x70, s22;
	s24 =	sand.u32 $0x1C00, s22  }
0x40d: {  	s24 =	sor.u32 s24, s23;
	[tilespmem:s25+$0x380] =	vst v3  }
0x40e: {  	v3 =	vld [tilespmem:s24+$0x3400]  }
0x40f: {  	v4 =	vld [tilespmem:s24+$0x400];
	_ =	sdelay $0x1  }
0x410: {  	v5 =	vld [tilespmem:s24+$0x6400];
	_ =	sdelay $0x2  }
0x411: {  	v3 =	vadd.f32 v3, v4  }
0x412: {  	s23 =	simm.s32 $0x10;
	s25 =	simm.s32 $0x80  }
0x413: {  	s26 =	sand.u32 $0x70, s23;
	s28 =	sand.u32 $0x1C00, s25;
	v3 =	vadd.f32 v5, v3  }
0x414: {  	s28 =	sor.u32 s28, s26;
	s26 =	simm.s32 $0x20  }
.LBB2_78:
0x415: {  	p0 =	sne.s32 s26, $0x2F0;
	v4 =	vld [tilespmem:s28+$0x3400];
	[tilespmem:s24+$0x400] =	vst v3;
	s24 =	smov.u32 s28  }
0x416: {  	v3 =	vld [tilespmem:s24+$0x400];
	_ =	sdelay $0x1  }
0x417: {  	v5 =	vld [tilespmem:s24+$0x6400];
	_ =	sdelay $0x1  }
.Ltmp38:
0x418: {  	(pc) =	sbr.rel @p0 .LBB2_78-.Ltmp38, $4  }
0x419: {  	v3 =	vadd.f32 v4, v3  }
0x41a: {  	s25 =	sadd.s32 $0x80, s25  }
0x41b: {  	s28 =	sand.u32 $0x70, s26;
	s29 =	sand.u32 $0x1C00, s25;
	v3 =	vadd.f32 v5, v3  }
0x41c: {  	s26 =	sadd.s32 $0x10, s26;
	s28 =	sor.u32 s29, s28  }
0x41d: {  	v4 =	vld [tilespmem:s28+$0x3400];
	[tilespmem:s24+$0x400] =	vst v3  }
0x41e: {  	v3 =	vld [tilespmem:s28+$0x400];
	_ =	sdelay $0x1  }
0x41f: {  	v5 =	vld [tilespmem:s28+$0x6400];
	_ =	sdelay $0x2  }
0x420: {  	v3 =	vadd.f32 v4, v3;
	_ =	sdelay $0x1  }
0x421: {  	v3 =	vadd.f32 v5, v3  }
0x422: {  	s22 =	sor.u32 s22, s22  }
0x423: {  	s22 =	sor.u32 $0x380, s22;
	[tilespmem:s28+$0x400] =	vst v3  }
0x424: {  	v3 =	vld [tilespmem:s22+$0x3100]  }
0x425: {  	v4 =	vld [tilespmem:s22+$0x100];
	_ =	sdelay $0x1  }
0x426: {  	v5 =	vld [tilespmem:s22+$0x6100];
	_ =	sdelay $0x2  }
0x427: {  	v3 =	vadd.f32 v3, v4  }
0x428: {  	s24 =	simm.s32 $0x80  }
0x429: {  	s23 =	sor.u32 s24, s23;
	v3 =	vadd.f32 v5, v3  }
0x42a: {  	s25 =	sor.u32 $0x380, s23;
	s23 =	simm.s32 $0x20  }
.LBB2_80:
0x42b: {  	p0 =	sne.s32 s23, $0x2F0;
	v4 =	vld [tilespmem:s25+$0x3100];
	[tilespmem:s22+$0x100] =	vst v3;
	s22 =	smov.u32 s25  }
0x42c: {  	v3 =	vld [tilespmem:s22+$0x100];
	_ =	sdelay $0x1  }
0x42d: {  	v5 =	vld [tilespmem:s22+$0x6100];
	_ =	sdelay $0x1  }
.Ltmp39:
0x42e: {  	(pc) =	sbr.rel @p0 .LBB2_80-.Ltmp39, $4  }
0x42f: {  	v3 =	vadd.f32 v4, v3  }
0x430: {  	s24 =	sadd.s32 $0x80, s24  }
0x431: {  	s25 =	sor.u32 s24, s23;
	v3 =	vadd.f32 v5, v3  }
0x432: {  	s23 =	sadd.s32 $0x10, s23;
	s25 =	sor.u32 $0x380, s25  }
0x433: {  	v4 =	vld [tilespmem:s25+$0x3100];
	[tilespmem:s22+$0x100] =	vst v3  }
0x434: {  	v3 =	vld [tilespmem:s25+$0x100];
	_ =	sdelay $0x1  }
0x435: {  	v5 =	vld [tilespmem:s25+$0x6100];
	_ =	sdelay $0x2  }
0x436: {  	v3 =	vadd.f32 v4, v3;
	_ =	sdelay $0x1  }
0x437: {  	s26 =	simm.s32 $0x0;
	v3 =	vadd.f32 v5, v3  }
0x438: {  	s23 =	sand.u32 $0x70, s26;
	s22 =	sand.u32 $0x1C00, s26  }
0x439: {  	s22 =	sor.u32 s23, s22;
	[tilespmem:s25+$0x100] =	vst v3  }
0x43a: {  	v3 =	vld [tilespmem:s22+$0x4900]  }
0x43b: {  	v4 =	vld [tilespmem:s22+$0x1900];
	_ =	sdelay $0x1  }
0x43c: {  	v5 =	vld [tilespmem:s22+$0x7900];
	_ =	sdelay $0x2  }
0x43d: {  	v3 =	vadd.f32 v3, v4  }
0x43e: {  	s29 =	simm.s32 $0x10;
	s24 =	simm.s32 $0x80  }
0x43f: {  	s30 =	sand.u32 $0x1C00, s24;
	s23 =	sand.u32 $0x70, s29;
	v3 =	vadd.f32 v5, v3  }
0x440: {  	s26 =	simm.s32 $0x20;
	s28 =	sor.u32 s23, s30;
	s25 =	smov.u32 s22  }
.LBB2_82:
0x441: {  	p0 =	sne.s32 s26, $0x2F0;
	v4 =	vld [tilespmem:s28+$0x4900];
	[tilespmem:s25+$0x1900] =	vst v3;
	s25 =	smov.u32 s28  }
0x442: {  	v3 =	vld [tilespmem:s25+$0x1900];
	_ =	sdelay $0x1  }
0x443: {  	v5 =	vld [tilespmem:s25+$0x7900];
	_ =	sdelay $0x1  }
.Ltmp40:
0x444: {  	(pc) =	sbr.rel @p0 .LBB2_82-.Ltmp40, $4  }
0x445: {  	v3 =	vadd.f32 v4, v3  }
0x446: {  	s24 =	sadd.s32 $0x80, s24  }
0x447: {  	s28 =	sand.u32 $0x70, s26;
	s29 =	sand.u32 $0x1C00, s24;
	v3 =	vadd.f32 v5, v3  }
0x448: {  	s26 =	sadd.s32 $0x10, s26;
	s28 =	sor.u32 s28, s29  }
0x449: {  	v4 =	vld [tilespmem:s28+$0x4900];
	[tilespmem:s25+$0x1900] =	vst v3  }
0x44a: {  	v3 =	vld [tilespmem:s28+$0x1900];
	_ =	sdelay $0x1  }
0x44b: {  	v5 =	vld [tilespmem:s28+$0x7900];
	_ =	sdelay $0x2  }
0x44c: {  	v3 =	vadd.f32 v4, v3;
	_ =	sdelay $0x1  }
0x44d: {  	v3 =	vadd.f32 v5, v3;
	_ =	sdelay $0x1  }
0x44e: {  	[tilespmem:s28+$0x1900] =	vst v3  }
0x44f: {  	v3 =	vld [tilespmem:s22+$0x4980]  }
0x450: {  	v4 =	vld [tilespmem:s22+$0x1980];
	_ =	sdelay $0x1  }
0x451: {  	v5 =	vld [tilespmem:s22+$0x7980];
	_ =	sdelay $0x2  }
0x452: {  	v3 =	vadd.f32 v3, v4  }
0x453: {  	s24 =	simm.s32 $0x80  }
0x454: {  	s30 =	sand.u32 $0x1C00, s24;
	v3 =	vadd.f32 v5, v3  }
0x455: {  	s25 =	sor.u32 s23, s30;
	s23 =	simm.s32 $0x20  }
.LBB2_84:
0x456: {  	p0 =	sne.s32 s23, $0x2F0;
	v4 =	vld [tilespmem:s25+$0x4980];
	[tilespmem:s22+$0x1980] =	vst v3;
	s22 =	smov.u32 s25  }
0x457: {  	v3 =	vld [tilespmem:s22+$0x1980];
	_ =	sdelay $0x1  }
0x458: {  	v5 =	vld [tilespmem:s22+$0x7980];
	_ =	sdelay $0x1  }
.Ltmp41:
0x459: {  	(pc) =	sbr.rel @p0 .LBB2_84-.Ltmp41, $4  }
0x45a: {  	v3 =	vadd.f32 v4, v3  }
0x45b: {  	s24 =	sadd.s32 $0x80, s24  }
0x45c: {  	s25 =	sand.u32 $0x70, s23;
	s26 =	sand.u32 $0x1C00, s24;
	v3 =	vadd.f32 v5, v3  }
0x45d: {  	s23 =	sadd.s32 $0x10, s23;
	s25 =	sor.u32 s25, s26  }
0x45e: {  	v4 =	vld [tilespmem:s25+$0x4980];
	[tilespmem:s22+$0x1980] =	vst v3  }
0x45f: {  	v3 =	vld [tilespmem:s25+$0x1980];
	_ =	sdelay $0x1  }
0x460: {  	v5 =	vld [tilespmem:s25+$0x7980];
	_ =	sdelay $0x2  }
0x461: {  	v3 =	vadd.f32 v4, v3;
	_ =	sdelay $0x1  }
0x462: {  	s26 =	simm.s32 $0x0;
	v3 =	vadd.f32 v5, v3  }
0x463: {  	s23 =	sand.u32 $0x70, s26;
	s22 =	sand.u32 $0x1C00, s26  }
0x464: {  	s22 =	sor.u32 s23, s22;
	[tilespmem:s25+$0x1980] =	vst v3  }
0x465: {  	v3 =	vld [tilespmem:s22+$0x4A00]  }
0x466: {  	v4 =	vld [tilespmem:s22+$0x1A00];
	_ =	sdelay $0x1  }
0x467: {  	v5 =	vld [tilespmem:s22+$0x7A00];
	_ =	sdelay $0x2  }
0x468: {  	v3 =	vadd.f32 v3, v4  }
0x469: {  	s29 =	simm.s32 $0x10;
	s24 =	simm.s32 $0x80  }
0x46a: {  	s30 =	sand.u32 $0x1C00, s24;
	s23 =	sand.u32 $0x70, s29;
	v3 =	vadd.f32 v5, v3  }
0x46b: {  	s26 =	simm.s32 $0x20;
	s28 =	sor.u32 s23, s30;
	s25 =	smov.u32 s22  }
.LBB2_86:
0x46c: {  	p0 =	sne.s32 s26, $0x2F0;
	v4 =	vld [tilespmem:s28+$0x4A00];
	[tilespmem:s25+$0x1A00] =	vst v3;
	s25 =	smov.u32 s28  }
0x46d: {  	v3 =	vld [tilespmem:s25+$0x1A00];
	_ =	sdelay $0x1  }
0x46e: {  	v5 =	vld [tilespmem:s25+$0x7A00];
	_ =	sdelay $0x1  }
.Ltmp42:
0x46f: {  	(pc) =	sbr.rel @p0 .LBB2_86-.Ltmp42, $4  }
0x470: {  	v3 =	vadd.f32 v4, v3  }
0x471: {  	s24 =	sadd.s32 $0x80, s24  }
0x472: {  	s28 =	sand.u32 $0x70, s26;
	s29 =	sand.u32 $0x1C00, s24;
	v3 =	vadd.f32 v5, v3  }
0x473: {  	s26 =	sadd.s32 $0x10, s26;
	s28 =	sor.u32 s28, s29  }
0x474: {  	v4 =	vld [tilespmem:s28+$0x4A00];
	[tilespmem:s25+$0x1A00] =	vst v3  }
0x475: {  	v3 =	vld [tilespmem:s28+$0x1A00];
	_ =	sdelay $0x1  }
0x476: {  	v5 =	vld [tilespmem:s28+$0x7A00];
	_ =	sdelay $0x2  }
0x477: {  	v3 =	vadd.f32 v4, v3;
	_ =	sdelay $0x1  }
0x478: {  	v3 =	vadd.f32 v5, v3;
	_ =	sdelay $0x1  }
0x479: {  	[tilespmem:s28+$0x1A00] =	vst v3  }
0x47a: {  	v3 =	vld [tilespmem:s22+$0x4A80]  }
0x47b: {  	v4 =	vld [tilespmem:s22+$0x1A80];
	_ =	sdelay $0x1  }
0x47c: {  	v5 =	vld [tilespmem:s22+$0x7A80];
	_ =	sdelay $0x2  }
0x47d: {  	v3 =	vadd.f32 v3, v4  }
0x47e: {  	s24 =	simm.s32 $0x80  }
0x47f: {  	s30 =	sand.u32 $0x1C00, s24;
	v3 =	vadd.f32 v5, v3  }
0x480: {  	s25 =	sor.u32 s23, s30;
	s23 =	simm.s32 $0x20  }
.LBB2_88:
0x481: {  	p0 =	sne.s32 s23, $0x2F0;
	v4 =	vld [tilespmem:s25+$0x4A80];
	[tilespmem:s22+$0x1A80] =	vst v3;
	s22 =	smov.u32 s25  }
0x482: {  	v3 =	vld [tilespmem:s22+$0x1A80];
	_ =	sdelay $0x1  }
0x483: {  	v5 =	vld [tilespmem:s22+$0x7A80];
	_ =	sdelay $0x1  }
.Ltmp43:
0x484: {  	(pc) =	sbr.rel @p0 .LBB2_88-.Ltmp43, $4  }
0x485: {  	v3 =	vadd.f32 v4, v3  }
0x486: {  	s24 =	sadd.s32 $0x80, s24  }
0x487: {  	s25 =	sand.u32 $0x70, s23;
	s26 =	sand.u32 $0x1C00, s24;
	v3 =	vadd.f32 v5, v3  }
0x488: {  	s23 =	sadd.s32 $0x10, s23;
	s25 =	sor.u32 s25, s26  }
0x489: {  	v4 =	vld [tilespmem:s25+$0x4A80];
	[tilespmem:s22+$0x1A80] =	vst v3  }
0x48a: {  	v3 =	vld [tilespmem:s25+$0x1A80];
	_ =	sdelay $0x1  }
0x48b: {  	v5 =	vld [tilespmem:s25+$0x7A80];
	_ =	sdelay $0x2  }
0x48c: {  	v3 =	vadd.f32 v4, v3;
	_ =	sdelay $0x1  }
0x48d: {  	s26 =	simm.s32 $0x0;
	v3 =	vadd.f32 v5, v3  }
0x48e: {  	s23 =	sand.u32 $0x70, s26;
	s22 =	sand.u32 $0x1C00, s26  }
0x48f: {  	s22 =	sor.u32 s23, s22;
	[tilespmem:s25+$0x1A80] =	vst v3  }
0x490: {  	v3 =	vld [tilespmem:s22+$0x4B00]  }
0x491: {  	v4 =	vld [tilespmem:s22+$0x1B00];
	_ =	sdelay $0x1  }
0x492: {  	v5 =	vld [tilespmem:s22+$0x7B00];
	_ =	sdelay $0x2  }
0x493: {  	v3 =	vadd.f32 v3, v4  }
0x494: {  	s29 =	simm.s32 $0x10;
	s24 =	simm.s32 $0x80  }
0x495: {  	s30 =	sand.u32 $0x1C00, s24;
	s23 =	sand.u32 $0x70, s29;
	v3 =	vadd.f32 v5, v3  }
0x496: {  	s26 =	simm.s32 $0x20;
	s28 =	sor.u32 s23, s30;
	s25 =	smov.u32 s22  }
.LBB2_90:
0x497: {  	p0 =	sne.s32 s26, $0x2F0;
	v4 =	vld [tilespmem:s28+$0x4B00];
	[tilespmem:s25+$0x1B00] =	vst v3;
	s25 =	smov.u32 s28  }
0x498: {  	v3 =	vld [tilespmem:s25+$0x1B00];
	_ =	sdelay $0x1  }
0x499: {  	v5 =	vld [tilespmem:s25+$0x7B00];
	_ =	sdelay $0x1  }
.Ltmp44:
0x49a: {  	(pc) =	sbr.rel @p0 .LBB2_90-.Ltmp44, $4  }
0x49b: {  	v3 =	vadd.f32 v4, v3  }
0x49c: {  	s24 =	sadd.s32 $0x80, s24  }
0x49d: {  	s28 =	sand.u32 $0x70, s26;
	s29 =	sand.u32 $0x1C00, s24;
	v3 =	vadd.f32 v5, v3  }
0x49e: {  	s26 =	sadd.s32 $0x10, s26;
	s28 =	sor.u32 s28, s29  }
0x49f: {  	v4 =	vld [tilespmem:s28+$0x4B00];
	[tilespmem:s25+$0x1B00] =	vst v3  }
0x4a0: {  	v3 =	vld [tilespmem:s28+$0x1B00];
	_ =	sdelay $0x1  }
0x4a1: {  	v5 =	vld [tilespmem:s28+$0x7B00];
	_ =	sdelay $0x2  }
0x4a2: {  	v3 =	vadd.f32 v4, v3;
	_ =	sdelay $0x1  }
0x4a3: {  	v3 =	vadd.f32 v5, v3;
	_ =	sdelay $0x1  }
0x4a4: {  	[tilespmem:s28+$0x1B00] =	vst v3  }
0x4a5: {  	v3 =	vld [tilespmem:s22+$0x4B80]  }
0x4a6: {  	v4 =	vld [tilespmem:s22+$0x1B80];
	_ =	sdelay $0x1  }
0x4a7: {  	v5 =	vld [tilespmem:s22+$0x7B80];
	_ =	sdelay $0x2  }
0x4a8: {  	v3 =	vadd.f32 v3, v4  }
0x4a9: {  	s24 =	simm.s32 $0x80  }
0x4aa: {  	s30 =	sand.u32 $0x1C00, s24;
	v3 =	vadd.f32 v5, v3  }
0x4ab: {  	s25 =	sor.u32 s23, s30;
	s23 =	simm.s32 $0x20  }
.LBB2_92:
0x4ac: {  	p0 =	sne.s32 s23, $0x2F0;
	v4 =	vld [tilespmem:s25+$0x4B80];
	[tilespmem:s22+$0x1B80] =	vst v3;
	s22 =	smov.u32 s25  }
0x4ad: {  	v3 =	vld [tilespmem:s22+$0x1B80];
	_ =	sdelay $0x1  }
0x4ae: {  	v5 =	vld [tilespmem:s22+$0x7B80];
	_ =	sdelay $0x1  }
.Ltmp45:
0x4af: {  	(pc) =	sbr.rel @p0 .LBB2_92-.Ltmp45, $4  }
0x4b0: {  	v3 =	vadd.f32 v4, v3  }
0x4b1: {  	s24 =	sadd.s32 $0x80, s24  }
0x4b2: {  	s25 =	sand.u32 $0x70, s23;
	s26 =	sand.u32 $0x1C00, s24;
	v3 =	vadd.f32 v5, v3  }
0x4b3: {  	s23 =	sadd.s32 $0x10, s23;
	s25 =	sor.u32 s25, s26  }
0x4b4: {  	v4 =	vld [tilespmem:s25+$0x4B80];
	[tilespmem:s22+$0x1B80] =	vst v3  }
0x4b5: {  	v3 =	vld [tilespmem:s25+$0x1B80];
	_ =	sdelay $0x1  }
0x4b6: {  	v5 =	vld [tilespmem:s25+$0x7B80];
	_ =	sdelay $0x2  }
0x4b7: {  	v3 =	vadd.f32 v4, v3;
	_ =	sdelay $0x1  }
0x4b8: {  	s26 =	simm.s32 $0x0;
	v3 =	vadd.f32 v5, v3  }
0x4b9: {  	s23 =	sand.u32 $0x70, s26;
	s22 =	sand.u32 $0x1C00, s26  }
0x4ba: {  	s22 =	sor.u32 s23, s22;
	[tilespmem:s25+$0x1B80] =	vst v3  }
0x4bb: {  	v3 =	vld [tilespmem:s22+$0x4C00]  }
0x4bc: {  	v4 =	vld [tilespmem:s22+$0x1C00];
	_ =	sdelay $0x1  }
0x4bd: {  	v5 =	vld [tilespmem:s22+$0x7C00];
	_ =	sdelay $0x2  }
0x4be: {  	v3 =	vadd.f32 v3, v4  }
0x4bf: {  	s29 =	simm.s32 $0x10;
	s24 =	simm.s32 $0x80  }
0x4c0: {  	s30 =	sand.u32 $0x1C00, s24;
	s23 =	sand.u32 $0x70, s29;
	v3 =	vadd.f32 v5, v3  }
0x4c1: {  	s26 =	simm.s32 $0x20;
	s28 =	sor.u32 s23, s30;
	s25 =	smov.u32 s22  }
.LBB2_94:
0x4c2: {  	p0 =	sne.s32 s26, $0x2F0;
	v4 =	vld [tilespmem:s28+$0x4C00];
	[tilespmem:s25+$0x1C00] =	vst v3;
	s25 =	smov.u32 s28  }
0x4c3: {  	v3 =	vld [tilespmem:s25+$0x1C00];
	_ =	sdelay $0x1  }
0x4c4: {  	v5 =	vld [tilespmem:s25+$0x7C00];
	_ =	sdelay $0x1  }
.Ltmp46:
0x4c5: {  	(pc) =	sbr.rel @p0 .LBB2_94-.Ltmp46, $4  }
0x4c6: {  	v3 =	vadd.f32 v4, v3  }
0x4c7: {  	s24 =	sadd.s32 $0x80, s24  }
0x4c8: {  	s28 =	sand.u32 $0x70, s26;
	s29 =	sand.u32 $0x1C00, s24;
	v3 =	vadd.f32 v5, v3  }
0x4c9: {  	s26 =	sadd.s32 $0x10, s26;
	s28 =	sor.u32 s28, s29  }
0x4ca: {  	v4 =	vld [tilespmem:s28+$0x4C00];
	[tilespmem:s25+$0x1C00] =	vst v3  }
0x4cb: {  	v3 =	vld [tilespmem:s28+$0x1C00];
	_ =	sdelay $0x1  }
0x4cc: {  	v5 =	vld [tilespmem:s28+$0x7C00];
	_ =	sdelay $0x2  }
0x4cd: {  	v3 =	vadd.f32 v4, v3;
	_ =	sdelay $0x1  }
0x4ce: {  	v3 =	vadd.f32 v5, v3;
	_ =	sdelay $0x1  }
0x4cf: {  	[tilespmem:s28+$0x1C00] =	vst v3  }
0x4d0: {  	v3 =	vld [tilespmem:s22+$0x4C80]  }
0x4d1: {  	v4 =	vld [tilespmem:s22+$0x1C80];
	_ =	sdelay $0x1  }
0x4d2: {  	v5 =	vld [tilespmem:s22+$0x7C80];
	_ =	sdelay $0x2  }
0x4d3: {  	v3 =	vadd.f32 v3, v4  }
0x4d4: {  	s24 =	simm.s32 $0x80  }
0x4d5: {  	s30 =	sand.u32 $0x1C00, s24;
	v3 =	vadd.f32 v5, v3  }
0x4d6: {  	s25 =	sor.u32 s23, s30;
	s23 =	simm.s32 $0x20  }
.LBB2_96:
0x4d7: {  	p0 =	sne.s32 s23, $0x2F0;
	v4 =	vld [tilespmem:s25+$0x4C80];
	[tilespmem:s22+$0x1C80] =	vst v3;
	s22 =	smov.u32 s25  }
0x4d8: {  	v3 =	vld [tilespmem:s22+$0x1C80];
	_ =	sdelay $0x1  }
0x4d9: {  	v5 =	vld [tilespmem:s22+$0x7C80];
	_ =	sdelay $0x1  }
.Ltmp47:
0x4da: {  	(pc) =	sbr.rel @p0 .LBB2_96-.Ltmp47, $4  }
0x4db: {  	v3 =	vadd.f32 v4, v3  }
0x4dc: {  	s24 =	sadd.s32 $0x80, s24  }
0x4dd: {  	s25 =	sand.u32 $0x70, s23;
	s26 =	sand.u32 $0x1C00, s24;
	v3 =	vadd.f32 v5, v3  }
0x4de: {  	s23 =	sadd.s32 $0x10, s23;
	s25 =	sor.u32 s25, s26  }
0x4df: {  	v4 =	vld [tilespmem:s25+$0x4C80];
	[tilespmem:s22+$0x1C80] =	vst v3  }
0x4e0: {  	v3 =	vld [tilespmem:s25+$0x1C80];
	_ =	sdelay $0x1  }
0x4e1: {  	v5 =	vld [tilespmem:s25+$0x7C80];
	_ =	sdelay $0x2  }
0x4e2: {  	v3 =	vadd.f32 v4, v3;
	_ =	sdelay $0x1  }
0x4e3: {  	v3 =	vadd.f32 v5, v3;
	_ =	sdelay $0x1  }
0x4e4: {  	s23 =	simm.s32 $0x0;
	[tilespmem:s25+$0x1C80] =	vst v3  }
0x4e5: {  	[hbm4b:s14+s23] =	stream.linear.scatter [tilespmem:s19], [sflag:$0x2], $0x3000, $0x38;
	[tilespmem:$0x12100] =	vst v63  }
0x4e6: {  	_ =	swait.ge [sflag:s1], $0x3000  }
0x4e7: {  	[sflag:s1] =	ssyncset.done $0x0  }
0x4e8: {  	[sflag:s1] =	ssyncadd.s32 $0xFFFFD000  }
0x4e9: {  	_ =	swait.ge [sflag:s1], $0x3000  }
0x4ea: {  	[sflag:s1] =	ssyncset.done $0x0  }
0x4eb: {  	[sflag:s1] =	ssyncadd.s32 $0xFFFFD000  }
0x4ec: {  	_ =	swait.ge [sflag:s1], $0x3000  }
0x4ed: {  	s22 =	sand.u32 $0x70, s23;
	s23 =	sand.u32 $0x1C00, s23;
	[sflag:s1] =	ssyncset.done $0x0  }
0x4ee: {  	s25 =	sor.u32 s22, s23;
	[sflag:s1] =	ssyncadd.s32 $0xFFFFD000  }
0x4ef: {  	v3 =	vld [tilespmem:s25+$0xC100]  }
0x4f0: {  	v4 =	vld [tilespmem:s25+$0x9100];
	_ =	sdelay $0x1  }
0x4f1: {  	v5 =	vld [tilespmem:s25+$0xF100];
	_ =	sdelay $0x2  }
0x4f2: {  	v3 =	vadd.f32 v3, v4  }
0x4f3: {  	s24 =	simm.s32 $0x10;
	s26 =	simm.s32 $0x80  }
0x4f4: {  	s24 =	sand.u32 $0x70, s24;
	s28 =	sand.u32 $0x1C00, s26;
	v3 =	vadd.f32 v5, v3  }
0x4f5: {  	s29 =	sor.u32 s24, s28;
	s28 =	simm.s32 $0x20  }
.LBB2_98:
0x4f6: {  	p0 =	sne.s32 s28, $0x2F0;
	v4 =	vld [tilespmem:s29+$0xC100];
	[tilespmem:s25+$0x9100] =	vst v3;
	s25 =	smov.u32 s29  }
0x4f7: {  	v3 =	vld [tilespmem:s25+$0x9100];
	_ =	sdelay $0x1  }
0x4f8: {  	v5 =	vld [tilespmem:s25+$0xF100];
	_ =	sdelay $0x1  }
.Ltmp48:
0x4f9: {  	(pc) =	sbr.rel @p0 .LBB2_98-.Ltmp48, $4  }
0x4fa: {  	v3 =	vadd.f32 v4, v3  }
0x4fb: {  	s26 =	sadd.s32 $0x80, s26  }
0x4fc: {  	s29 =	sand.u32 $0x70, s28;
	s30 =	sand.u32 $0x1C00, s26;
	v3 =	vadd.f32 v5, v3  }
0x4fd: {  	s28 =	sadd.s32 $0x10, s28;
	s29 =	sor.u32 s29, s30  }
0x4fe: {  	v4 =	vld [tilespmem:s29+$0xC100];
	[tilespmem:s25+$0x9100] =	vst v3  }
0x4ff: {  	v3 =	vld [tilespmem:s29+$0x9100];
	_ =	sdelay $0x1  }
0x500: {  	v5 =	vld [tilespmem:s29+$0xF100];
	_ =	sdelay $0x2  }
0x501: {  	v3 =	vadd.f32 v4, v3;
	_ =	sdelay $0x1  }
0x502: {  	v3 =	vadd.f32 v5, v3;
	_ =	sdelay $0x1  }
0x503: {  	s22 =	sor.u32 s23, s22;
	[tilespmem:s29+$0x9100] =	vst v3  }
0x504: {  	v3 =	vld [tilespmem:s22+$0xC180]  }
0x505: {  	v4 =	vld [tilespmem:s22+$0x9180];
	_ =	sdelay $0x1  }
0x506: {  	v5 =	vld [tilespmem:s22+$0xF180];
	_ =	sdelay $0x2  }
0x507: {  	v3 =	vadd.f32 v3, v4  }
0x508: {  	s23 =	simm.s32 $0x80  }
0x509: {  	s30 =	sand.u32 $0x1C00, s23;
	v3 =	vadd.f32 v5, v3  }
0x50a: {  	s25 =	sor.u32 s30, s24;
	s24 =	simm.s32 $0x20  }
.LBB2_100:
0x50b: {  	p0 =	sne.s32 s24, $0x2F0;
	v4 =	vld [tilespmem:s25+$0xC180];
	[tilespmem:s22+$0x9180] =	vst v3;
	s22 =	smov.u32 s25  }
0x50c: {  	v3 =	vld [tilespmem:s22+$0x9180];
	_ =	sdelay $0x1  }
0x50d: {  	v5 =	vld [tilespmem:s22+$0xF180];
	_ =	sdelay $0x1  }
.Ltmp49:
0x50e: {  	(pc) =	sbr.rel @p0 .LBB2_100-.Ltmp49, $4  }
0x50f: {  	v3 =	vadd.f32 v4, v3  }
0x510: {  	s23 =	sadd.s32 $0x80, s23  }
0x511: {  	s25 =	sand.u32 $0x70, s24;
	s26 =	sand.u32 $0x1C00, s23;
	v3 =	vadd.f32 v5, v3  }
0x512: {  	s24 =	sadd.s32 $0x10, s24;
	s25 =	sor.u32 s26, s25  }
0x513: {  	v4 =	vld [tilespmem:s25+$0xC180];
	[tilespmem:s22+$0x9180] =	vst v3  }
0x514: {  	v3 =	vld [tilespmem:s25+$0x9180];
	_ =	sdelay $0x1  }
0x515: {  	v5 =	vld [tilespmem:s25+$0xF180];
	_ =	sdelay $0x2  }
0x516: {  	v3 =	vadd.f32 v4, v3;
	_ =	sdelay $0x1  }
0x517: {  	s24 =	simm.s32 $0x0;
	v3 =	vadd.f32 v5, v3  }
0x518: {  	s23 =	sand.u32 $0x70, s24;
	s22 =	sand.u32 $0x1C00, s24  }
0x519: {  	s22 =	sor.u32 s22, s23;
	[tilespmem:s25+$0x9180] =	vst v3  }
0x51a: {  	v3 =	vld [tilespmem:s22+$0xC200]  }
0x51b: {  	v4 =	vld [tilespmem:s22+$0x9200];
	_ =	sdelay $0x1  }
0x51c: {  	v5 =	vld [tilespmem:s22+$0xF200];
	_ =	sdelay $0x2  }
0x51d: {  	v3 =	vadd.f32 v3, v4  }
0x51e: {  	s26 =	simm.s32 $0x10;
	s24 =	simm.s32 $0x80  }
0x51f: {  	s30 =	simm.s32 $0x3100;
	s23 =	sand.u32 $0x70, s26;
	s29 =	sand.u32 $0x1C00, s24;
	v3 =	vadd.f32 v5, v3  }
0x520: {  	s26 =	simm.s32 $0x20;
	s28 =	sor.u32 s29, s23;
	s25 =	smov.u32 s22  }
.LBB2_102:
0x521: {  	p0 =	sne.s32 s26, $0x2F0;
	v4 =	vld [tilespmem:s28+$0xC200];
	[tilespmem:s25+$0x9200] =	vst v3;
	s25 =	smov.u32 s28  }
0x522: {  	v3 =	vld [tilespmem:s25+$0x9200];
	_ =	sdelay $0x1  }
0x523: {  	v5 =	vld [tilespmem:s25+$0xF200];
	_ =	sdelay $0x1  }
.Ltmp50:
0x524: {  	(pc) =	sbr.rel @p0 .LBB2_102-.Ltmp50, $4  }
0x525: {  	v3 =	vadd.f32 v4, v3  }
0x526: {  	s24 =	sadd.s32 $0x80, s24  }
0x527: {  	s28 =	sand.u32 $0x70, s26;
	s29 =	sand.u32 $0x1C00, s24;
	v3 =	vadd.f32 v5, v3  }
0x528: {  	s26 =	sadd.s32 $0x10, s26;
	s28 =	sor.u32 s29, s28  }
0x529: {  	v4 =	vld [tilespmem:s28+$0xC200];
	[tilespmem:s25+$0x9200] =	vst v3  }
0x52a: {  	v3 =	vld [tilespmem:s28+$0x9200];
	_ =	sdelay $0x1  }
0x52b: {  	v5 =	vld [tilespmem:s28+$0xF200];
	_ =	sdelay $0x2  }
0x52c: {  	v3 =	vadd.f32 v4, v3;
	_ =	sdelay $0x1  }
0x52d: {  	v3 =	vadd.f32 v5, v3;
	_ =	sdelay $0x1  }
0x52e: {  	[tilespmem:s28+$0x9200] =	vst v3  }
0x52f: {  	v3 =	vld [tilespmem:s22+$0xC280]  }
0x530: {  	v4 =	vld [tilespmem:s22+$0x9280];
	_ =	sdelay $0x1  }
0x531: {  	v5 =	vld [tilespmem:s22+$0xF280];
	_ =	sdelay $0x2  }
0x532: {  	v3 =	vadd.f32 v3, v4  }
0x533: {  	s24 =	simm.s32 $0x80  }
0x534: {  	s29 =	sand.u32 $0x1C00, s24;
	v3 =	vadd.f32 v5, v3  }
0x535: {  	s25 =	sor.u32 s29, s23;
	s23 =	simm.s32 $0x20  }
.LBB2_104:
0x536: {  	p0 =	sne.s32 s23, $0x2F0;
	v4 =	vld [tilespmem:s25+$0xC280];
	[tilespmem:s22+$0x9280] =	vst v3;
	s22 =	smov.u32 s25  }
0x537: {  	v3 =	vld [tilespmem:s22+$0x9280];
	_ =	sdelay $0x1  }
0x538: {  	v5 =	vld [tilespmem:s22+$0xF280];
	_ =	sdelay $0x1  }
.Ltmp51:
0x539: {  	(pc) =	sbr.rel @p0 .LBB2_104-.Ltmp51, $4  }
0x53a: {  	v3 =	vadd.f32 v4, v3  }
0x53b: {  	s24 =	sadd.s32 $0x80, s24  }
0x53c: {  	s25 =	sand.u32 $0x70, s23;
	s26 =	sand.u32 $0x1C00, s24;
	v3 =	vadd.f32 v5, v3  }
0x53d: {  	s23 =	sadd.s32 $0x10, s23;
	s25 =	sor.u32 s26, s25  }
0x53e: {  	v4 =	vld [tilespmem:s25+$0xC280];
	[tilespmem:s22+$0x9280] =	vst v3  }
0x53f: {  	v3 =	vld [tilespmem:s25+$0x9280];
	_ =	sdelay $0x1  }
0x540: {  	v5 =	vld [tilespmem:s25+$0xF280];
	_ =	sdelay $0x2  }
0x541: {  	v3 =	vadd.f32 v4, v3;
	_ =	sdelay $0x1  }
0x542: {  	s24 =	simm.s32 $0x0;
	v3 =	vadd.f32 v5, v3  }
0x543: {  	s23 =	sand.u32 $0x70, s24;
	s22 =	sand.u32 $0x1C00, s24  }
0x544: {  	s22 =	sor.u32 s22, s23;
	[tilespmem:s25+$0x9280] =	vst v3  }
0x545: {  	v3 =	vld [tilespmem:s22+$0xC300]  }
0x546: {  	v4 =	vld [tilespmem:s22+$0x9300];
	_ =	sdelay $0x1  }
0x547: {  	v5 =	vld [tilespmem:s22+$0xF300];
	_ =	sdelay $0x2  }
0x548: {  	v3 =	vadd.f32 v3, v4  }
0x549: {  	s26 =	simm.s32 $0x10;
	s24 =	simm.s32 $0x80  }
0x54a: {  	s23 =	sand.u32 $0x70, s26;
	s29 =	sand.u32 $0x1C00, s24;
	v3 =	vadd.f32 v5, v3  }
0x54b: {  	s26 =	simm.s32 $0x20;
	s28 =	sor.u32 s29, s23;
	s25 =	smov.u32 s22  }
.LBB2_106:
0x54c: {  	p0 =	sne.s32 s26, $0x2F0;
	v4 =	vld [tilespmem:s28+$0xC300];
	[tilespmem:s25+$0x9300] =	vst v3;
	s25 =	smov.u32 s28  }
0x54d: {  	v3 =	vld [tilespmem:s25+$0x9300];
	_ =	sdelay $0x1  }
0x54e: {  	v5 =	vld [tilespmem:s25+$0xF300];
	_ =	sdelay $0x1  }
.Ltmp52:
0x54f: {  	(pc) =	sbr.rel @p0 .LBB2_106-.Ltmp52, $4  }
0x550: {  	v3 =	vadd.f32 v4, v3  }
0x551: {  	s24 =	sadd.s32 $0x80, s24  }
0x552: {  	s28 =	sand.u32 $0x70, s26;
	s29 =	sand.u32 $0x1C00, s24;
	v3 =	vadd.f32 v5, v3  }
0x553: {  	s26 =	sadd.s32 $0x10, s26;
	s28 =	sor.u32 s29, s28  }
0x554: {  	v4 =	vld [tilespmem:s28+$0xC300];
	[tilespmem:s25+$0x9300] =	vst v3  }
0x555: {  	v3 =	vld [tilespmem:s28+$0x9300];
	_ =	sdelay $0x1  }
0x556: {  	v5 =	vld [tilespmem:s28+$0xF300];
	_ =	sdelay $0x2  }
0x557: {  	v3 =	vadd.f32 v4, v3;
	_ =	sdelay $0x1  }
0x558: {  	v3 =	vadd.f32 v5, v3;
	_ =	sdelay $0x1  }
0x559: {  	[tilespmem:s28+$0x9300] =	vst v3  }
0x55a: {  	v3 =	vld [tilespmem:s22+$0xC380]  }
0x55b: {  	v4 =	vld [tilespmem:s22+$0x9380];
	_ =	sdelay $0x1  }
0x55c: {  	v5 =	vld [tilespmem:s22+$0xF380];
	_ =	sdelay $0x2  }
0x55d: {  	v3 =	vadd.f32 v3, v4  }
0x55e: {  	s24 =	simm.s32 $0x80  }
0x55f: {  	s29 =	sand.u32 $0x1C00, s24;
	v3 =	vadd.f32 v5, v3  }
0x560: {  	s25 =	sor.u32 s29, s23;
	s23 =	simm.s32 $0x20  }
.LBB2_108:
0x561: {  	p0 =	sne.s32 s23, $0x2F0;
	v4 =	vld [tilespmem:s25+$0xC380];
	[tilespmem:s22+$0x9380] =	vst v3;
	s22 =	smov.u32 s25  }
0x562: {  	v3 =	vld [tilespmem:s22+$0x9380];
	_ =	sdelay $0x1  }
0x563: {  	v5 =	vld [tilespmem:s22+$0xF380];
	_ =	sdelay $0x1  }
.Ltmp53:
0x564: {  	(pc) =	sbr.rel @p0 .LBB2_108-.Ltmp53, $4  }
0x565: {  	v3 =	vadd.f32 v4, v3  }
0x566: {  	s24 =	sadd.s32 $0x80, s24  }
0x567: {  	s25 =	sand.u32 $0x70, s23;
	s26 =	sand.u32 $0x1C00, s24;
	v3 =	vadd.f32 v5, v3  }
0x568: {  	s23 =	sadd.s32 $0x10, s23;
	s25 =	sor.u32 s26, s25  }
0x569: {  	v4 =	vld [tilespmem:s25+$0xC380];
	[tilespmem:s22+$0x9380] =	vst v3  }
0x56a: {  	v3 =	vld [tilespmem:s25+$0x9380];
	_ =	sdelay $0x1  }
0x56b: {  	v5 =	vld [tilespmem:s25+$0xF380];
	_ =	sdelay $0x2  }
0x56c: {  	v3 =	vadd.f32 v4, v3;
	_ =	sdelay $0x1  }
0x56d: {  	s22 =	simm.s32 $0x0;
	v3 =	vadd.f32 v5, v3  }
0x56e: {  	s23 =	sand.u32 $0x70, s22;
	s24 =	sand.u32 $0x1C00, s22  }
0x56f: {  	s24 =	sor.u32 s24, s23;
	[tilespmem:s25+$0x9380] =	vst v3  }
0x570: {  	v3 =	vld [tilespmem:s24+$0xC400]  }
0x571: {  	v4 =	vld [tilespmem:s24+$0x9400];
	_ =	sdelay $0x1  }
0x572: {  	v5 =	vld [tilespmem:s24+$0xF400];
	_ =	sdelay $0x2  }
0x573: {  	v3 =	vadd.f32 v3, v4  }
0x574: {  	s23 =	simm.s32 $0x10;
	s25 =	simm.s32 $0x80  }
0x575: {  	s26 =	sand.u32 $0x70, s23;
	s28 =	sand.u32 $0x1C00, s25;
	v3 =	vadd.f32 v5, v3  }
0x576: {  	s28 =	sor.u32 s28, s26;
	s26 =	simm.s32 $0x20  }
.LBB2_110:
0x577: {  	p0 =	sne.s32 s26, $0x2F0;
	v4 =	vld [tilespmem:s28+$0xC400];
	[tilespmem:s24+$0x9400] =	vst v3;
	s24 =	smov.u32 s28  }
0x578: {  	v3 =	vld [tilespmem:s24+$0x9400];
	_ =	sdelay $0x1  }
0x579: {  	v5 =	vld [tilespmem:s24+$0xF400];
	_ =	sdelay $0x1  }
.Ltmp54:
0x57a: {  	(pc) =	sbr.rel @p0 .LBB2_110-.Ltmp54, $4  }
0x57b: {  	v3 =	vadd.f32 v4, v3  }
0x57c: {  	s25 =	sadd.s32 $0x80, s25  }
0x57d: {  	s28 =	sand.u32 $0x70, s26;
	s29 =	sand.u32 $0x1C00, s25;
	v3 =	vadd.f32 v5, v3  }
0x57e: {  	s26 =	sadd.s32 $0x10, s26;
	s28 =	sor.u32 s29, s28  }
0x57f: {  	v4 =	vld [tilespmem:s28+$0xC400];
	[tilespmem:s24+$0x9400] =	vst v3  }
0x580: {  	v3 =	vld [tilespmem:s28+$0x9400];
	_ =	sdelay $0x1  }
0x581: {  	v5 =	vld [tilespmem:s28+$0xF400];
	_ =	sdelay $0x2  }
0x582: {  	v3 =	vadd.f32 v4, v3;
	_ =	sdelay $0x1  }
0x583: {  	v3 =	vadd.f32 v5, v3  }
0x584: {  	s22 =	sor.u32 s22, s22  }
0x585: {  	s22 =	sor.u32 $0x380, s22;
	[tilespmem:s28+$0x9400] =	vst v3  }
0x586: {  	v3 =	vld [tilespmem:s22+$0xC100]  }
0x587: {  	v4 =	vld [tilespmem:s22+$0x9100];
	_ =	sdelay $0x1  }
0x588: {  	v5 =	vld [tilespmem:s22+$0xF100];
	_ =	sdelay $0x2  }
0x589: {  	v3 =	vadd.f32 v3, v4  }
0x58a: {  	s24 =	simm.s32 $0x80  }
0x58b: {  	s23 =	sor.u32 s24, s23;
	v3 =	vadd.f32 v5, v3  }
0x58c: {  	s25 =	sor.u32 $0x380, s23;
	s23 =	simm.s32 $0x20  }
.LBB2_112:
0x58d: {  	p0 =	sne.s32 s23, $0x2F0;
	v4 =	vld [tilespmem:s25+$0xC100];
	[tilespmem:s22+$0x9100] =	vst v3;
	s22 =	smov.u32 s25  }
0x58e: {  	v3 =	vld [tilespmem:s22+$0x9100];
	_ =	sdelay $0x1  }
0x58f: {  	v5 =	vld [tilespmem:s22+$0xF100];
	_ =	sdelay $0x1  }
.Ltmp55:
0x590: {  	(pc) =	sbr.rel @p0 .LBB2_112-.Ltmp55, $4  }
0x591: {  	v3 =	vadd.f32 v4, v3  }
0x592: {  	s24 =	sadd.s32 $0x80, s24  }
0x593: {  	s25 =	sor.u32 s24, s23;
	v3 =	vadd.f32 v5, v3  }
0x594: {  	s23 =	sadd.s32 $0x10, s23;
	s25 =	sor.u32 $0x380, s25  }
0x595: {  	v4 =	vld [tilespmem:s25+$0xC100];
	[tilespmem:s22+$0x9100] =	vst v3  }
0x596: {  	v3 =	vld [tilespmem:s25+$0x9100];
	_ =	sdelay $0x1  }
0x597: {  	v5 =	vld [tilespmem:s25+$0xF100];
	_ =	sdelay $0x2  }
0x598: {  	v3 =	vadd.f32 v4, v3;
	_ =	sdelay $0x1  }
0x599: {  	s24 =	simm.s32 $0x0;
	v3 =	vadd.f32 v5, v3  }
0x59a: {  	s23 =	sand.u32 $0x70, s24;
	s22 =	sand.u32 $0x1C00, s24  }
0x59b: {  	s22 =	sor.u32 s23, s22;
	[tilespmem:s25+$0x9100] =	vst v3  }
0x59c: {  	v3 =	vld [tilespmem:s22+$0xD900]  }
0x59d: {  	v4 =	vld [tilespmem:s22+$0xA900];
	_ =	sdelay $0x1  }
0x59e: {  	v5 =	vld [tilespmem:s22+$0x10900];
	_ =	sdelay $0x2  }
0x59f: {  	v3 =	vadd.f32 v3, v4  }
0x5a0: {  	s26 =	simm.s32 $0x10;
	s24 =	simm.s32 $0x80  }
0x5a1: {  	s23 =	sand.u32 $0x70, s26;
	s29 =	sand.u32 $0x1C00, s24;
	v3 =	vadd.f32 v5, v3  }
0x5a2: {  	s26 =	simm.s32 $0x20;
	s28 =	sor.u32 s23, s29;
	s25 =	smov.u32 s22  }
.LBB2_114:
0x5a3: {  	p0 =	sne.s32 s26, $0x2F0;
	v4 =	vld [tilespmem:s28+$0xD900];
	[tilespmem:s25+$0xA900] =	vst v3;
	s25 =	smov.u32 s28  }
0x5a4: {  	v3 =	vld [tilespmem:s25+$0xA900];
	_ =	sdelay $0x1  }
0x5a5: {  	v5 =	vld [tilespmem:s25+$0x10900];
	_ =	sdelay $0x1  }
.Ltmp56:
0x5a6: {  	(pc) =	sbr.rel @p0 .LBB2_114-.Ltmp56, $4  }
0x5a7: {  	v3 =	vadd.f32 v4, v3  }
0x5a8: {  	s24 =	sadd.s32 $0x80, s24  }
0x5a9: {  	s28 =	sand.u32 $0x70, s26;
	s29 =	sand.u32 $0x1C00, s24;
	v3 =	vadd.f32 v5, v3  }
0x5aa: {  	s26 =	sadd.s32 $0x10, s26;
	s28 =	sor.u32 s28, s29  }
0x5ab: {  	v4 =	vld [tilespmem:s28+$0xD900];
	[tilespmem:s25+$0xA900] =	vst v3  }
0x5ac: {  	v3 =	vld [tilespmem:s28+$0xA900];
	_ =	sdelay $0x1  }
0x5ad: {  	v5 =	vld [tilespmem:s28+$0x10900];
	_ =	sdelay $0x2  }
0x5ae: {  	v3 =	vadd.f32 v4, v3;
	_ =	sdelay $0x1  }
0x5af: {  	v3 =	vadd.f32 v5, v3;
	_ =	sdelay $0x1  }
0x5b0: {  	[tilespmem:s28+$0xA900] =	vst v3  }
0x5b1: {  	v3 =	vld [tilespmem:s22+$0xD980]  }
0x5b2: {  	v4 =	vld [tilespmem:s22+$0xA980];
	_ =	sdelay $0x1  }
0x5b3: {  	v5 =	vld [tilespmem:s22+$0x10980];
	_ =	sdelay $0x2  }
0x5b4: {  	v3 =	vadd.f32 v3, v4  }
0x5b5: {  	s24 =	simm.s32 $0x80  }
0x5b6: {  	s29 =	sand.u32 $0x1C00, s24;
	v3 =	vadd.f32 v5, v3  }
0x5b7: {  	s25 =	sor.u32 s23, s29;
	s23 =	simm.s32 $0x20  }
.LBB2_116:
0x5b8: {  	p0 =	sne.s32 s23, $0x2F0;
	v4 =	vld [tilespmem:s25+$0xD980];
	[tilespmem:s22+$0xA980] =	vst v3;
	s22 =	smov.u32 s25  }
0x5b9: {  	v3 =	vld [tilespmem:s22+$0xA980];
	_ =	sdelay $0x1  }
0x5ba: {  	v5 =	vld [tilespmem:s22+$0x10980];
	_ =	sdelay $0x1  }
.Ltmp57:
0x5bb: {  	(pc) =	sbr.rel @p0 .LBB2_116-.Ltmp57, $4  }
0x5bc: {  	v3 =	vadd.f32 v4, v3  }
0x5bd: {  	s24 =	sadd.s32 $0x80, s24  }
0x5be: {  	s25 =	sand.u32 $0x70, s23;
	s26 =	sand.u32 $0x1C00, s24;
	v3 =	vadd.f32 v5, v3  }
0x5bf: {  	s23 =	sadd.s32 $0x10, s23;
	s25 =	sor.u32 s25, s26  }
0x5c0: {  	v4 =	vld [tilespmem:s25+$0xD980];
	[tilespmem:s22+$0xA980] =	vst v3  }
0x5c1: {  	v3 =	vld [tilespmem:s25+$0xA980];
	_ =	sdelay $0x1  }
0x5c2: {  	v5 =	vld [tilespmem:s25+$0x10980];
	_ =	sdelay $0x2  }
0x5c3: {  	v3 =	vadd.f32 v4, v3;
	_ =	sdelay $0x1  }
0x5c4: {  	s24 =	simm.s32 $0x0;
	v3 =	vadd.f32 v5, v3  }
0x5c5: {  	s23 =	sand.u32 $0x70, s24;
	s22 =	sand.u32 $0x1C00, s24  }
0x5c6: {  	s22 =	sor.u32 s23, s22;
	[tilespmem:s25+$0xA980] =	vst v3  }
0x5c7: {  	v3 =	vld [tilespmem:s22+$0xDA00]  }
0x5c8: {  	v4 =	vld [tilespmem:s22+$0xAA00];
	_ =	sdelay $0x1  }
0x5c9: {  	v5 =	vld [tilespmem:s22+$0x10A00];
	_ =	sdelay $0x2  }
0x5ca: {  	v3 =	vadd.f32 v3, v4  }
0x5cb: {  	s26 =	simm.s32 $0x10;
	s24 =	simm.s32 $0x80  }
0x5cc: {  	s23 =	sand.u32 $0x70, s26;
	s29 =	sand.u32 $0x1C00, s24;
	v3 =	vadd.f32 v5, v3  }
0x5cd: {  	s26 =	simm.s32 $0x20;
	s28 =	sor.u32 s23, s29;
	s25 =	smov.u32 s22  }
.LBB2_118:
0x5ce: {  	p0 =	sne.s32 s26, $0x2F0;
	v4 =	vld [tilespmem:s28+$0xDA00];
	[tilespmem:s25+$0xAA00] =	vst v3;
	s25 =	smov.u32 s28  }
0x5cf: {  	v3 =	vld [tilespmem:s25+$0xAA00];
	_ =	sdelay $0x1  }
0x5d0: {  	v5 =	vld [tilespmem:s25+$0x10A00];
	_ =	sdelay $0x1  }
.Ltmp58:
0x5d1: {  	(pc) =	sbr.rel @p0 .LBB2_118-.Ltmp58, $4  }
0x5d2: {  	v3 =	vadd.f32 v4, v3  }
0x5d3: {  	s24 =	sadd.s32 $0x80, s24  }
0x5d4: {  	s28 =	sand.u32 $0x70, s26;
	s29 =	sand.u32 $0x1C00, s24;
	v3 =	vadd.f32 v5, v3  }
0x5d5: {  	s26 =	sadd.s32 $0x10, s26;
	s28 =	sor.u32 s28, s29  }
0x5d6: {  	v4 =	vld [tilespmem:s28+$0xDA00];
	[tilespmem:s25+$0xAA00] =	vst v3  }
0x5d7: {  	v3 =	vld [tilespmem:s28+$0xAA00];
	_ =	sdelay $0x1  }
0x5d8: {  	v5 =	vld [tilespmem:s28+$0x10A00];
	_ =	sdelay $0x2  }
0x5d9: {  	v3 =	vadd.f32 v4, v3;
	_ =	sdelay $0x1  }
0x5da: {  	v3 =	vadd.f32 v5, v3;
	_ =	sdelay $0x1  }
0x5db: {  	[tilespmem:s28+$0xAA00] =	vst v3  }
0x5dc: {  	v3 =	vld [tilespmem:s22+$0xDA80]  }
0x5dd: {  	v4 =	vld [tilespmem:s22+$0xAA80];
	_ =	sdelay $0x1  }
0x5de: {  	v5 =	vld [tilespmem:s22+$0x10A80];
	_ =	sdelay $0x2  }
0x5df: {  	v3 =	vadd.f32 v3, v4  }
0x5e0: {  	s24 =	simm.s32 $0x80  }
0x5e1: {  	s29 =	sand.u32 $0x1C00, s24;
	v3 =	vadd.f32 v5, v3  }
0x5e2: {  	s25 =	sor.u32 s23, s29;
	s23 =	simm.s32 $0x20  }
.LBB2_120:
0x5e3: {  	p0 =	sne.s32 s23, $0x2F0;
	v4 =	vld [tilespmem:s25+$0xDA80];
	[tilespmem:s22+$0xAA80] =	vst v3;
	s22 =	smov.u32 s25  }
0x5e4: {  	v3 =	vld [tilespmem:s22+$0xAA80];
	_ =	sdelay $0x1  }
0x5e5: {  	v5 =	vld [tilespmem:s22+$0x10A80];
	_ =	sdelay $0x1  }
.Ltmp59:
0x5e6: {  	(pc) =	sbr.rel @p0 .LBB2_120-.Ltmp59, $4  }
0x5e7: {  	v3 =	vadd.f32 v4, v3  }
0x5e8: {  	s24 =	sadd.s32 $0x80, s24  }
0x5e9: {  	s25 =	sand.u32 $0x70, s23;
	s26 =	sand.u32 $0x1C00, s24;
	v3 =	vadd.f32 v5, v3  }
0x5ea: {  	s23 =	sadd.s32 $0x10, s23;
	s25 =	sor.u32 s25, s26  }
0x5eb: {  	v4 =	vld [tilespmem:s25+$0xDA80];
	[tilespmem:s22+$0xAA80] =	vst v3  }
0x5ec: {  	v3 =	vld [tilespmem:s25+$0xAA80];
	_ =	sdelay $0x1  }
0x5ed: {  	v5 =	vld [tilespmem:s25+$0x10A80];
	_ =	sdelay $0x2  }
0x5ee: {  	v3 =	vadd.f32 v4, v3;
	_ =	sdelay $0x1  }
0x5ef: {  	s24 =	simm.s32 $0x0;
	v3 =	vadd.f32 v5, v3  }
0x5f0: {  	s23 =	sand.u32 $0x70, s24;
	s22 =	sand.u32 $0x1C00, s24  }
0x5f1: {  	s22 =	sor.u32 s23, s22;
	[tilespmem:s25+$0xAA80] =	vst v3  }
0x5f2: {  	v3 =	vld [tilespmem:s22+$0xDB00]  }
0x5f3: {  	v4 =	vld [tilespmem:s22+$0xAB00];
	_ =	sdelay $0x1  }
0x5f4: {  	v5 =	vld [tilespmem:s22+$0x10B00];
	_ =	sdelay $0x2  }
0x5f5: {  	v3 =	vadd.f32 v3, v4  }
0x5f6: {  	s26 =	simm.s32 $0x10;
	s24 =	simm.s32 $0x80  }
0x5f7: {  	s23 =	sand.u32 $0x70, s26;
	s29 =	sand.u32 $0x1C00, s24;
	v3 =	vadd.f32 v5, v3  }
0x5f8: {  	s26 =	simm.s32 $0x20;
	s28 =	sor.u32 s23, s29;
	s25 =	smov.u32 s22  }
.LBB2_122:
0x5f9: {  	p0 =	sne.s32 s26, $0x2F0;
	v4 =	vld [tilespmem:s28+$0xDB00];
	[tilespmem:s25+$0xAB00] =	vst v3;
	s25 =	smov.u32 s28  }
0x5fa: {  	v3 =	vld [tilespmem:s25+$0xAB00];
	_ =	sdelay $0x1  }
0x5fb: {  	v5 =	vld [tilespmem:s25+$0x10B00];
	_ =	sdelay $0x1  }
.Ltmp60:
0x5fc: {  	(pc) =	sbr.rel @p0 .LBB2_122-.Ltmp60, $4  }
0x5fd: {  	v3 =	vadd.f32 v4, v3  }
0x5fe: {  	s24 =	sadd.s32 $0x80, s24  }
0x5ff: {  	s28 =	sand.u32 $0x70, s26;
	s29 =	sand.u32 $0x1C00, s24;
	v3 =	vadd.f32 v5, v3  }
0x600: {  	s26 =	sadd.s32 $0x10, s26;
	s28 =	sor.u32 s28, s29  }
0x601: {  	v4 =	vld [tilespmem:s28+$0xDB00];
	[tilespmem:s25+$0xAB00] =	vst v3  }
0x602: {  	v3 =	vld [tilespmem:s28+$0xAB00];
	_ =	sdelay $0x1  }
0x603: {  	v5 =	vld [tilespmem:s28+$0x10B00];
	_ =	sdelay $0x2  }
0x604: {  	v3 =	vadd.f32 v4, v3;
	_ =	sdelay $0x1  }
0x605: {  	v3 =	vadd.f32 v5, v3;
	_ =	sdelay $0x1  }
0x606: {  	[tilespmem:s28+$0xAB00] =	vst v3  }
0x607: {  	v3 =	vld [tilespmem:s22+$0xDB80]  }
0x608: {  	v4 =	vld [tilespmem:s22+$0xAB80];
	_ =	sdelay $0x1  }
0x609: {  	v5 =	vld [tilespmem:s22+$0x10B80];
	_ =	sdelay $0x2  }
0x60a: {  	v3 =	vadd.f32 v3, v4  }
0x60b: {  	s24 =	simm.s32 $0x80  }
0x60c: {  	s29 =	sand.u32 $0x1C00, s24;
	v3 =	vadd.f32 v5, v3  }
0x60d: {  	s25 =	sor.u32 s23, s29;
	s23 =	simm.s32 $0x20  }
.LBB2_124:
0x60e: {  	p0 =	sne.s32 s23, $0x2F0;
	v4 =	vld [tilespmem:s25+$0xDB80];
	[tilespmem:s22+$0xAB80] =	vst v3;
	s22 =	smov.u32 s25  }
0x60f: {  	v3 =	vld [tilespmem:s22+$0xAB80];
	_ =	sdelay $0x1  }
0x610: {  	v5 =	vld [tilespmem:s22+$0x10B80];
	_ =	sdelay $0x1  }
.Ltmp61:
0x611: {  	(pc) =	sbr.rel @p0 .LBB2_124-.Ltmp61, $4  }
0x612: {  	v3 =	vadd.f32 v4, v3  }
0x613: {  	s24 =	sadd.s32 $0x80, s24  }
0x614: {  	s25 =	sand.u32 $0x70, s23;
	s26 =	sand.u32 $0x1C00, s24;
	v3 =	vadd.f32 v5, v3  }
0x615: {  	s23 =	sadd.s32 $0x10, s23;
	s25 =	sor.u32 s25, s26  }
0x616: {  	v4 =	vld [tilespmem:s25+$0xDB80];
	[tilespmem:s22+$0xAB80] =	vst v3  }
0x617: {  	v3 =	vld [tilespmem:s25+$0xAB80];
	_ =	sdelay $0x1  }
0x618: {  	v5 =	vld [tilespmem:s25+$0x10B80];
	_ =	sdelay $0x2  }
0x619: {  	v3 =	vadd.f32 v4, v3;
	_ =	sdelay $0x1  }
0x61a: {  	s24 =	simm.s32 $0x0;
	v3 =	vadd.f32 v5, v3  }
0x61b: {  	s23 =	sand.u32 $0x70, s24;
	s22 =	sand.u32 $0x1C00, s24  }
0x61c: {  	s22 =	sor.u32 s23, s22;
	[tilespmem:s25+$0xAB80] =	vst v3  }
0x61d: {  	v3 =	vld [tilespmem:s22+$0xDC00]  }
0x61e: {  	v4 =	vld [tilespmem:s22+$0xAC00];
	_ =	sdelay $0x1  }
0x61f: {  	v5 =	vld [tilespmem:s22+$0x10C00];
	_ =	sdelay $0x2  }
0x620: {  	v3 =	vadd.f32 v3, v4  }
0x621: {  	s26 =	simm.s32 $0x10;
	s24 =	simm.s32 $0x80  }
0x622: {  	s23 =	sand.u32 $0x70, s26;
	s29 =	sand.u32 $0x1C00, s24;
	v3 =	vadd.f32 v5, v3  }
0x623: {  	s26 =	simm.s32 $0x20;
	s28 =	sor.u32 s23, s29;
	s25 =	smov.u32 s22  }
.LBB2_126:
0x624: {  	p0 =	sne.s32 s26, $0x2F0;
	v4 =	vld [tilespmem:s28+$0xDC00];
	[tilespmem:s25+$0xAC00] =	vst v3;
	s25 =	smov.u32 s28  }
0x625: {  	v3 =	vld [tilespmem:s25+$0xAC00];
	_ =	sdelay $0x1  }
0x626: {  	v5 =	vld [tilespmem:s25+$0x10C00];
	_ =	sdelay $0x1  }
.Ltmp62:
0x627: {  	(pc) =	sbr.rel @p0 .LBB2_126-.Ltmp62, $4  }
0x628: {  	v3 =	vadd.f32 v4, v3  }
0x629: {  	s24 =	sadd.s32 $0x80, s24  }
0x62a: {  	s28 =	sand.u32 $0x70, s26;
	s29 =	sand.u32 $0x1C00, s24;
	v3 =	vadd.f32 v5, v3  }
0x62b: {  	s26 =	sadd.s32 $0x10, s26;
	s28 =	sor.u32 s28, s29  }
0x62c: {  	v4 =	vld [tilespmem:s28+$0xDC00];
	[tilespmem:s25+$0xAC00] =	vst v3  }
0x62d: {  	v3 =	vld [tilespmem:s28+$0xAC00];
	_ =	sdelay $0x1  }
0x62e: {  	v5 =	vld [tilespmem:s28+$0x10C00];
	_ =	sdelay $0x2  }
0x62f: {  	v3 =	vadd.f32 v4, v3;
	_ =	sdelay $0x1  }
0x630: {  	v3 =	vadd.f32 v5, v3;
	_ =	sdelay $0x1  }
0x631: {  	[tilespmem:s28+$0xAC00] =	vst v3  }
0x632: {  	v3 =	vld [tilespmem:s22+$0xDC80]  }
0x633: {  	v4 =	vld [tilespmem:s22+$0xAC80];
	_ =	sdelay $0x1  }
0x634: {  	v5 =	vld [tilespmem:s22+$0x10C80];
	_ =	sdelay $0x2  }
0x635: {  	v3 =	vadd.f32 v3, v4  }
0x636: {  	s24 =	simm.s32 $0x80  }
0x637: {  	s29 =	sand.u32 $0x1C00, s24;
	v3 =	vadd.f32 v5, v3  }
0x638: {  	s25 =	sor.u32 s23, s29;
	s23 =	simm.s32 $0x20  }
.LBB2_128:
0x639: {  	p0 =	sne.s32 s23, $0x2F0;
	v4 =	vld [tilespmem:s25+$0xDC80];
	[tilespmem:s22+$0xAC80] =	vst v3;
	s22 =	smov.u32 s25  }
0x63a: {  	v3 =	vld [tilespmem:s22+$0xAC80];
	_ =	sdelay $0x1  }
0x63b: {  	v5 =	vld [tilespmem:s22+$0x10C80];
	_ =	sdelay $0x1  }
.Ltmp63:
0x63c: {  	(pc) =	sbr.rel @p0 .LBB2_128-.Ltmp63, $4  }
0x63d: {  	v3 =	vadd.f32 v4, v3  }
0x63e: {  	s24 =	sadd.s32 $0x80, s24  }
0x63f: {  	s25 =	sand.u32 $0x70, s23;
	s26 =	sand.u32 $0x1C00, s24;
	v3 =	vadd.f32 v5, v3  }
0x640: {  	s23 =	sadd.s32 $0x10, s23;
	s25 =	sor.u32 s25, s26  }
0x641: {  	v4 =	vld [tilespmem:s25+$0xDC80];
	[tilespmem:s22+$0xAC80] =	vst v3  }
0x642: {  	v3 =	vld [tilespmem:s25+$0xAC80];
	_ =	sdelay $0x1  }
0x643: {  	v5 =	vld [tilespmem:s25+$0x10C80];
	_ =	sdelay $0x2  }
0x644: {  	v3 =	vadd.f32 v4, v3;
	_ =	sdelay $0x1  }
0x645: {  	v3 =	vadd.f32 v5, v3;
	_ =	sdelay $0x1  }
0x646: {  	s21 =	sadd.s32 $0x1, s21;
	[tilespmem:s25+$0xAC80] =	vst v3  }
0x647: {  	[hbm4b:s15+s2] =	stream.linear.scatter [tilespmem:s18], [sflag:$0x2], $0x3000, $0x38;
	[tilespmem:$0x12100] =	vst v63  }
0x648: {  	p0 =	sne.s32 s21, s16;
	_ =	swait.ge [sflag:s20], $0x3000  }
.Ltmp64:
0x649: {  	[sflag:s20] =	ssyncset.done $0x0;
	(pc) =	sbr.rel @p0 .LBB2_1-.Ltmp64, $4  }
0x64a: {  	[sflag:s20] =	ssyncadd.s32 $0xFFFFD000  }
0x64b: {  	_ =	swait.ge [sflag:s20], $0x3000  }
0x64c: {  	[sflag:s20] =	ssyncset.done $0x0  }
0x64d: {  	[sflag:s20] =	ssyncadd.s32 $0xFFFFD000  }
0x64e: {  	_ =	sfence.sel $0x180000  }
0x64f: {  	[bflag:$0x0] =	sbarrier.arrive $0xFFFF  }
0x650: {  	_ =	strace $0x9000004A  }
0x651: {  	s0 =	stileid.u32;
	[bflag:$0x2] =	sbarrier.arrive $0xFFFF  }
0x652: {  	p0 =	sne.s32 s0, $0x0;
	s0 =	rddreg [dreg:$0x2]  }
0x653: {  	s0 =	sadd.s32 @!p0 $0x100000, s0  }
0x654: {  	[sflag:s0] =	ssyncadd.tile.s32 @!p0 $0x1;
	_ =	shalt  }
.Lfunc_end2:
_tile_overlayer_lowered:
.L_overlay_start_2:
0x655: {  	(tag) =	ssettag $0x2  }
0x656: {  	s0 =	rddreg [dreg:$0x0];
	s2 =	stileid.u32  }
0x657: {  	s1 =	rddreg [dreg:$0x1];
	p0 =	sne.s32 s2, $0x0  }
0x658: {  	s3 =	rddreg [dreg:$0x2];
	[bflag:$0x3] =	sbarrier.arrive $0xFFFF;
	s2 =	simm.s32 @!p0 $0x1C03  }
0x659: {  	[timem:s3], [sflag:s2] =	dma.local @!p0 [hbm:s0], s1  }
0x65a: {  	s0 =	simm.s32 @!p0 $0x3  }
0x65b: {  	_ =	swait.ge @!p0 [sflag:s0], s1  }
0x65c: {  	s1 =	ssub.s32 @!p0 $0x0, s1;
	[sflag:s0] =	ssyncset.done @!p0 $0x0  }
0x65d: {  	[sflag:s0] =	ssyncadd.s32 @!p0 s1  }
0x65e: {  	[bflag:$0x3] =	sbarrier.arrive $0xFFFF  }
0x65f: {  	_ =	shalt  }

// kernel: kernel.7.cloned.1.call-start
scs
__scs_entry_jumppad:
0x0: {  	(pc) =	sbr.rel $0x88, $3  }
0x1: {  	(tag) =	ssettag $0x0;
	lr =	simm.s32 $0x1  }
0x2: {  	[smem:$0x3F98] =	sst lr;
	_ =	strace $0xD0000000  }
0x3: {  	_ = 	snop  }
0x4: {  	_ = 	snop  }
0x5: {  	_ = 	snop  }
0x6: {  	_ = 	snop  }
0x7: {  	_ = 	snop  }
__scs_overlays_trampoline_lowered:
0x8: {  	[smem:$0x3FA7] =	sst s0  }
0x9: {  	[smem:$0x3FA8] =	sst s1  }
0xa: {  	[smem:$0x3FA9] =	sst s2  }
0xb: {  	[smem:$0x3FAA] =	sst s3  }
0xc: {  	[smem:$0x3FAB] =	sst s4  }
0xd: {  	[smem:$0x3FAC] =	sst s5  }
0xe: {  	[smem:$0x3FAD] =	sst s6  }
0xf: {  	[smem:$0x3FAE] =	sst s7  }
0x10: {  	[smem:$0x3FAF] =	sst s8  }
0x11: {  	[smem:$0x3FB0] =	sst s9;
	s0 =	simm.s32 @!p0 $0x0  }
0x12: {  	s1 =	sld [smem:$0x3F96];
	s0 =	simm.s32 @p0 $0x1  }
0x13: {  	[smem:$0x3FB1] =	sst s0;
	s0 =	simm.s32 @!p1 $0x0  }
0x14: {  	s2 =	sld [smem:$0x3F95];
	s0 =	simm.s32 @p1 $0x1  }
0x15: {  	[smem:$0x3FB2] =	sst s0;
	s0 =	simm.s32 @!p2 $0x0  }
0x16: {  	s3 =	sld [smem:$0x3FDB];
	s0 =	simm.s32 @p2 $0x1  }
0x17: {  	s4 =	simm.s32 $0x1BF5;
	[smem:$0x3FB4] =	sst s0  }
0x18: {  	s0 =	sld [smem:$0x3F97];
	_ =	swait.ge [sflag:s4], $0x0  }
0x19: {  	s7 =	sld [smem:$0x3F98]  }
0x1a: {  	s8 =	sadd.s32 $0xFFFFE003, lr  }
0x1b: {  	s9 =	sadd.s32 $0xFFFFFEF7, lr;
	s5 =	simm.s32 $0xFFFFFFFF;
	p2 =	slt.u32 s8, $0xFFFFF086  }
0x1c: {  	p1 =	slt.u32 s9, $0xF7A;
	s5 =	simm.s32 @!p2 $0x0  }
0x1d: {  	s5 =	simm.s32 @p1 $0x1;
	p0 =	seq.s32 s7, s2  }
0x1e: {  	s7 =	smul.u32 @!p0 $0xF7A, s2;
	p2 =	seq.s32 @!p0 s5, $0x0  }
0x1f: {  	s9 =	smul.u32 $0xF7A, s1;
	s8 =	simm.s32 @!p0 $0x1BF5;
	p2 =	por !p2, p0  }
0x20: {  	[sflag:s8] =	ssyncset.s32 @!p0 $0xFFFFF086;
	s6 =	sadd.s32 @!p0 s3, s7;
	s7 =	simm.s32 @!p0 $0x108  }
0x21: {  	s3 =	sadd.s32 s3, s9;
	s6 =	sadd.s32 @!p0 $0x88, s6;
	s7 =	simm.s32 @p2 $0x1082  }
0x22: {  	[simem:s7], [sflag:s8] =	dma.local @!p0 [hbm:s6], $0xF7A  }
0x23: {  	s9 =	sor.u32 $0xD0000000, s2;
	s6 =	simm.s32 $0x108;
	_ =	swait.ge @!p0 [sflag:s8], $0x0  }
0x24: {  	s3 =	sadd.s32 $0x88, s3;
	s6 =	simm.s32 @!p1 $0x1082;
	[sflag:s4] =	ssyncset.s32 $0xFFFFF086  }
0x25: {  	[simem:s6], [sflag:s4] =	dma.local [hbm:s3], $0xF7A  }
0x26: {  	[smem:$0x3F98] =	sst s1;
	(tag) =	ssettag s2;
	_ =	strace s9  }
0x27: {  	s1 =	sld [smem:$0x3FA8]  }
0x28: {  	s2 =	sld [smem:$0x3FA9]  }
0x29: {  	s4 =	sld [smem:$0x3FAB]  }
0x2a: {  	p0 =	seq.s32 s5, $0x0;
	s5 =	sld [smem:$0x3FAC]  }
0x2b: {  	s6 =	sld [smem:$0x3FAD]  }
0x2c: {  	s7 =	sld [smem:$0x3FAE]  }
0x2d: {  	s3 =	simm.s32 $0x108;
	s8 =	sld [smem:$0x3FAF]  }
0x2e: {  	s3 =	simm.s32 @!p0 $0x1082;
	s9 =	sld [smem:$0x3FB0]  }
0x2f: {  	lr =	sadd.s32 s0, s3;
	s0 =	sld [smem:$0x3FA7]  }
0x30: {  	s3 =	sld [smem:$0x3FAA]  }
0x31: {  	[smem:$0x3FB3] =	sst s10  }
0x32: {  	s10 =	sld [smem:$0x3FB1];
	_ =	sdelay $0x3  }
0x33: {  	p0 =	seq.s32 s10, $0x1;
	s10 =	sld [smem:$0x3FB3];
	_ =	sdelay $0x3  }
0x34: {  	[smem:$0x3FB3] =	sst s10  }
0x35: {  	s10 =	sld [smem:$0x3FB2];
	_ =	sdelay $0x3  }
0x36: {  	p1 =	seq.s32 s10, $0x1;
	s10 =	sld [smem:$0x3FB3];
	_ =	sdelay $0x3  }
0x37: {  	[smem:$0x3FB3] =	sst s10  }
0x38: {  	s10 =	sld [smem:$0x3FB4]  }
0x39: {  	_ = 	snop;
	(pc) =	sbr.ind lr, $3  }
0x3a: {  	_ = 	snop  }
0x3b: {  	_ = 	snop  }
0x3c: {  	p2 =	seq.s32 s10, $0x1;
	s10 =	sld [smem:$0x3FB3]  }
0x3d: {  	_ =	shalt  }
0x3e: {  	_ =	shalt  }
0x3f: {  	_ =	shalt  }
0x40: {  	_ =	shalt  }
0x41: {  	_ =	shalt  }
0x42: {  	_ =	shalt  }
0x43: {  	_ =	shalt  }
0x44: {  	_ =	shalt  }
0x45: {  	_ =	shalt  }
0x46: {  	_ =	shalt  }
0x47: {  	_ =	shalt  }
0x48: {  	_ =	shalt  }
0x49: {  	_ =	shalt  }
0x4a: {  	_ =	shalt  }
0x4b: {  	_ =	shalt  }
0x4c: {  	_ =	shalt  }
0x4d: {  	_ =	shalt  }
0x4e: {  	_ =	shalt  }
0x4f: {  	_ =	shalt  }
0x50: {  	_ =	shalt  }
0x51: {  	_ =	shalt  }
0x52: {  	_ =	shalt  }
0x53: {  	_ =	shalt  }
0x54: {  	_ =	shalt  }
0x55: {  	_ =	shalt  }
0x56: {  	_ =	shalt  }
0x57: {  	_ =	shalt  }
0x58: {  	_ =	shalt  }
0x59: {  	_ =	shalt  }
0x5a: {  	_ =	shalt  }
0x5b: {  	_ =	shalt  }
0x5c: {  	_ =	shalt  }
0x5d: {  	_ =	shalt  }
0x5e: {  	_ =	shalt  }
0x5f: {  	_ =	shalt  }
0x60: {  	_ =	shalt  }
0x61: {  	_ =	shalt  }
0x62: {  	_ =	shalt  }
0x63: {  	_ =	shalt  }
0x64: {  	_ =	shalt  }
0x65: {  	_ =	shalt  }
0x66: {  	_ =	shalt  }
0x67: {  	_ =	shalt  }
0x68: {  	_ =	shalt  }
0x69: {  	_ =	shalt  }
0x6a: {  	_ =	shalt  }
0x6b: {  	_ =	shalt  }
0x6c: {  	_ =	shalt  }
0x6d: {  	_ =	shalt  }
0x6e: {  	_ =	shalt  }
0x6f: {  	_ =	shalt  }
0x70: {  	_ =	shalt  }
0x71: {  	_ =	shalt  }
0x72: {  	_ =	shalt  }
0x73: {  	_ =	shalt  }
0x74: {  	_ =	shalt  }
0x75: {  	_ =	shalt  }
0x76: {  	_ =	shalt  }
0x77: {  	_ =	shalt  }
0x78: {  	_ =	shalt  }
0x79: {  	_ =	shalt  }
0x7a: {  	_ =	shalt  }
0x7b: {  	_ =	shalt  }
0x7c: {  	_ =	shalt  }
0x7d: {  	_ =	shalt  }
0x7e: {  	_ =	shalt  }
0x7f: {  	_ =	shalt  }
0x80: {  	_ =	shalt  }
0x81: {  	_ =	shalt  }
0x82: {  	_ =	shalt  }
0x83: {  	_ =	shalt  }
0x84: {  	_ =	shalt  }
0x85: {  	_ =	shalt  }
0x86: {  	_ =	shalt  }
0x87: {  	_ =	shalt  }
.Lfunc_end0:
.L_simem_size_0:
called_computation_lowered:
.L_overlay_start_0:
0x88: {  	s2 =	sld [smem:$0x3FD9]  }
0x89: {  	s3 =	sld [smem:$0x3FFE];
	_ =	sdelay $0x1  }
0x8a: {  	s1 =	srdreg.scid  }
0x8b: {  	s0 =	sand.u32 $0x1, s1  }
0x8c: {  	s14 =	sshll.u32 s0, $0xA;
	s2 =	sadd.s32 s3, s2  }
0x8d: {  	s2 =	sadd.s32 s2, s14  }
0x8e: {  	[smem:$0x3FBF] =	sst s2  }
0x8f: {  	_ = 	snop  }
0x90: {  	s2 =	sld [smem:$0x3FD0];
	_ =	sdelay $0x2  }
0x91: {  	s4 =	simm.s32 $0xA;
	s5 =	simm.s32 $0x10;
	s15 =	sld [smem:$0x3FC9]  }
0x92: {  	[smem:s5], [sflag:s4] =	dma.local [hbm:s2], $0x1  }
0x93: {  	_ =	swait.eq [sflag:s4], $0x1  }
0x94: {  	[sflag:s4] =	ssyncset.done $0x0  }
0x95: {  	[sflag:s4] =	ssyncadd.s32 $0xFFFFFFFF  }
0x96: {  	s16 =	sld [smem:$0x10];
	(tm) =	ssettm $0x1  }
0x97: {  	s17 =	sld [smem:$0x3FFB];
	_ =	sdelay $0x3  }
0x98: {  	_ =	strace s17  }
0x99: {  	s4 =	sld [smem:$0x3FFC];
	_ =	sdelay $0x3  }
0x9a: {  	_ =	strace s4  }
0x9b: {  	s4 =	sld [smem:$0x3FFD];
	_ =	sdelay $0x3  }
0x9c: {  	_ =	strace s4  }
0x9d: {  	_ =	strace $0x8FFFFFFF  }
0x9e: {  	s18 =	sld [smem:$0x3FDB];
	_ =	sdelay $0x1  }
0x9f: {  	s19 =	simm.s32 $_scs_section_size  }
0xa0: {  	s6 =	simm.s32 $_size__tile_overlayer_lowered;
	s7 =	simm.s32 $_tile_overlayer_lowered  }
0xa1: {  	s22 =	simm.s32 $0x1BFF;
	s21 =	sshll.u32 s7, $0x1;
	s4 =	sadd.s32 s19, s18  }
0xa2: {  	s8 =	simm.s32 $0x0;
	s20 =	sshll.u32 s6, $0x1;
	s6 =	sadd.s32 s21, s4  }
0xa3: {  	[timem:s8], [sflag:s22] =	dma.local [hbm:s6], s20  }
0xa4: {  	_ =	swait.ge [sflag:s22], s20  }
0xa5: {  	s5 =	ssub.s32 $0x0, s20;
	[sflag:s22] =	ssyncset.done $0x0  }
0xa6: {  	[sflag:s22] =	ssyncadd.s32 s5;
	_ =	sdelay $0x1  }
0xa7: {  	s23 =	simm.s32 $0x1B8B  }
0xa8: {  	_ =	swait.ge [sflag:s23], $0x1  }
0xa9: {  	[sflag:s23] =	ssyncset.done $0x0  }
0xaa: {  	s25 =	simm.s32 $0x1B8E;
	s24 =	sld [smem:$0x3FFE];
	[sflag:s23] =	ssyncadd.s32 $0xFFFFFFFF  }
0xab: {  	s26 =	simm.s32 $execute0_lowered;
	[smem:$0x3FD2] =	sst s25  }
0xac: {  	s6 =	sshll.u32 s26, $0x1;
	_ =	strace $0x80000046;
	[dreg:$0x1] =	wrdreg $0xFFFFFFFF  }
0xad: {  	s28 =	simm.s32 $_size_execute0_lowered;
	s4 =	sadd.s32 s4, s6;
	[dreg:$0x0] =	wrdreg $0x0  }
0xae: {  	s6 =	sshll.u32 s28, $0x1;
	[dreg:$0x2] =	wrdreg s4  }
0xaf: {  	[dreg:$0x3] =	wrdreg s6  }
0xb0: {  	[dreg:$0x4] =	wrdreg $0xC0  }
0xb1: {  	_ =	task [dreg:s8], $0x5FFFF  }
0xb2: {  	[dreg:$0x1] =	wrdreg $0xFFFFFFFF  }
0xb3: {  	[dreg:$0x0] =	wrdreg $0x60  }
0xb4: {  	[dreg:$0x2] =	wrdreg s15  }
0xb5: {  	[dreg:$0x3] =	wrdreg s24  }
0xb6: {  	[dreg:$0x4] =	wrdreg s16  }
0xb7: {  	[dreg:$0x5] =	wrdreg $0x9  }
0xb8: {  	_ =	task.clear_ibuf [dreg:s8], $0x6FFFF;
	_ =	strace $0x90000046  }
0xb9: {  	s29 =	simm.s32 $0x9;
	_ =	strace $0x80000048  }
0xba: {  	_ =	swait.ge [sflag:s29], $0x1  }
0xbb: {  	[sflag:s29] =	ssyncadd.s32 $0xFFFFFFFF  }
0xbc: {  	_ =	strace $0x90000048  }
0xbd: {  	_ =	sfence  }
0xbe: {  	s30 =	sld [smem:$0x0];
	_ =	sdelay $0x2  }
0xbf: {  	s31 =	sshll.u32 s1, $0xD;
	s1 =	sshrl.u32 s1, $0x2  }
0xc0: {  	s3 =	sand.u32 $0x4000, s31;
	s1 =	sadd.s32 s1, s30  }
0xc1: {  	s0 =	sor.u32 s3, s0;
	s1 =	sshll.u32 s1, $0x11  }
0xc2: {  	s0 =	sor.u32 s1, s0  }
0xc3: {  	s0 =	sadd.s32 $0x8F2B, s0  }
0xc4: {  	[sflag:s0] =	ssyncadd.remote.s32 $0x1  }
0xc5: {  	_ =	sfence.sel $0xFFFF  }
0xc6: {  	[dreg:$0x0] =	wrdreg $0xFFFFFFFF;
	(pc) =	sbr.abs _section_cstart, $3  }
0xc7: {  	[dreg:$0x1] =	wrdreg $0xFFFFFFFF  }
0xc8: {  	_ =	task.clear_ibuf [dreg:s8], $0x2FFFF;
	_ =	strace $0x9FFFFFFF  }
0xc9: {  	(tm) =	ssettm $0x7FFFFFFF  }
tec
execute0_lowered:
.L_overlay_start_1:
0x0: {  	(tag) =	ssettag $0x1  }
0x1: {  	s0 =	rddreg [dreg:$0x0]  }
0x2: {  	s1 =	srdreg.scid;
	s2 =	rddreg [dreg:$0x1]  }
0x3: {  	s3 =	stileid.u32;
	s9 =	simm.s32 $0x2;
	s19 =	simm.s32 $0x1200  }
0x4: {  	s20 =	simm.s32 $0x1A00;
	s21 =	simm.s32 $0x2200;
	s22 =	simm.s32 $0x2A00  }
0x5: {  	s28 =	simm.s32 $0x5200;
	s29 =	simm.s32 $0x5A00;
	s30 =	simm.s32 $0x6200  }
0x6: {  	s31 =	simm.s32 $0x6A00;
	s16 =	simm.s32 $0x7A00;
	s10 =	simm.s32 $0x8A00  }
0x7: {  	s12 =	simm.s32 $0x9200;
	s13 =	simm.s32 $0x9A00;
	s14 =	simm.s32 $0xA200  }
0x8: {  	s11 =	simm.s32 $0xAA00;
	s17 =	simm.s32 $0xB200;
	s18 =	simm.s32 $0xBA00  }
0x9: {  	s1 =	sand.u32 $0x1, s1;
	s4 =	sshll.u32 s3, $0x4;
	s3 =	simm.s32 $0x0  }
0xa: {  	s7 =	sadd.s32 $0xA00, s2;
	s5 =	sshll.u32 s1, $0x3;
	[smem:$0x7FF] =	sst s3  }
0xb: {  	s1 =	ssub.s32 $0x2, s1;
	s4 =	sor.u32 s5, s4;
	_ =	strace $0x80000047  }
0xc: {  	s25 =	sshrl.u32 s1, $0x1;
	s5 =	sadd.s32 $0x800, s2;
	s6 =	sadd.s32 s2, s4  }
0xd: {  	s4 =	smul.u32 $0x300, s4;
	s1 =	ssub.s32 s1, s25;
	s25 =	simm.s32 $0x4200  }
0xe: {  	s23 =	sadd.s32 $0x200, s6;
	s24 =	sadd.s32 $0x400, s6;
	[dreg:$0x8] =	wrdreg s6  }
0xf: {  	s26 =	sadd.s32 $0x600, s6;
	s6 =	sadd.s32 $0x900, s2;
	[dreg:$0x4] =	wrdreg s23  }
0x10: {  	v2 =	vlaneseq.u32;
	s8 =	smax.u32 s1, $0x1;
	s0 =	sadd.s32 s0, s4;
	[dreg:$0x6] =	wrdreg s24  }
0x11: {  	vm0 =	vmmov $0xffff;
	v1 =	vshrl.u32 v2, $0x3;
	[dreg:$0x7] =	wrdreg s26;
	s4 =	simm.s32 $0x1;
	s23 =	simm.s32 $0x3200  }
0x12: {  	v0 =	vand.u32 $0x7, v2;
	v2 =	vor.u32 $0x8, v2;
	v1 =	vmul.u32 $0x8, v1;
	s24 =	simm.s32 $0x3A00;
	s26 =	simm.s32 $0x4A00;
	[dreg:$0x5] =	wrdreg s0  }
.LBB2_1:
0x13: {  	s15 =	rddreg [dreg:$0x8]  }
0x14: {  	[tilespmem:s3], [sflag:$0x2] =	stream.linear.gather [hbm4b:s15+s3], $0x40, $0x38;
	[tilespmem:$0xC200] =	vst v63  }
0x15: {  	_ =	swait.ge [sflag:s9], $0x40  }
0x16: {  	[sflag:s9] =	ssyncset.done $0x0  }
0x17: {  	s0 =	simm.s32 $0x80;
	s2 =	rddreg [dreg:$0x4];
	[sflag:s9] =	ssyncadd.s32 $0xFFFFFFC0  }
0x18: {  	[tilespmem:s0], [sflag:$0x2] =	stream.linear.gather [hbm4b:s2+s3], $0x40, $0x38;
	[tilespmem:$0xC200] =	vst v63  }
0x19: {  	_ =	swait.ge [sflag:s9], $0x40  }
0x1a: {  	[sflag:s9] =	ssyncset.done $0x0  }
0x1b: {  	s0 =	simm.s32 $0x200;
	s1 =	rddreg [dreg:$0x5];
	[sflag:s9] =	ssyncadd.s32 $0xFFFFFFC0  }
0x1c: {  	[tilespmem:s0], [sflag:$0x2] =	stream.linear.gather [hbm4b:s1+s3], $0xC000, $0x38;
	[tilespmem:$0xC200] =	vst v63  }
0x1d: {  	_ =	swait.ge [sflag:s9], $0xC000  }
0x1e: {  	[sflag:s9] =	ssyncset.done $0x0  }
0x1f: {  	s1 =	simm.s32 $0x100;
	s2 =	rddreg [dreg:$0x6];
	[sflag:s9] =	ssyncadd.s32 $0xFFFF4000  }
0x20: {  	[tilespmem:s1], [sflag:$0x2] =	stream.linear.gather [hbm4b:s2+s3], $0x40, $0x38;
	[tilespmem:$0xC200] =	vst v63  }
0x21: {  	_ =	swait.ge [sflag:s9], $0x40  }
0x22: {  	[sflag:s9] =	ssyncset.done $0x0  }
0x23: {  	s2 =	simm.s32 $0x180;
	s1 =	rddreg [dreg:$0x7];
	[sflag:s9] =	ssyncadd.s32 $0xFFFFFFC0  }
0x24: {  	[tilespmem:s2], [sflag:$0x2] =	stream.linear.gather [hbm4b:s1+s3], $0x40, $0x38;
	[tilespmem:$0xC200] =	vst v63  }
0x25: {  	_ =	swait.ge [sflag:s9], $0x40  }
0x26: {  	[sflag:s9] =	ssyncset.done $0x0  }
0x27: {  	[sflag:s9] =	ssyncadd.s32 $0xFFFFFFC0  }
0x28: {  	v3 =	vld [tilespmem:$0x0];
	_ =	sdelay $0x4  }
0x29: {  	v4 =	vshrl.u32 v3, $0x3  }
0x2a: {  	v4 =	vmul.u32 $0x30, v4  }
0x2b: {  	v3 =	vand.u32 $0x7, v3  }
0x2c: {  	v3 =	vor.u32 v3, v4  }
0x2d: {  	v4 =	vperm.xlane v3, v0;
	_ =	sdelay $0x1  }
0x2e: {  	v4 =	vadd.s32 v1, v4;
	_ =	sdelay $0x3  }
0x2f: {  	v3 =	vperm.xlane v3, v2  }
0x30: {  	[hbm4b:s5+s3] =	stream.indirect_vreg.scatter [tilespmem:s0], [sflag:$0x1], $0x80, v4, vm0, $0xb8;
	[tilespmem:$0xC200] =	vst v63  }
0x31: {  	s15 =	simm.s32 $0xA00;
	v3 =	vadd.s32 v1, v3  }
0x32: {  	[hbm4b:s6+s3] =	stream.indirect_vreg.scatter [tilespmem:s15], [sflag:$0x1], $0x80, v4, vm0, $0xb8;
	[tilespmem:$0xC200] =	vst v63  }
0x33: {  	_ = 	snop  }
0x34: {  	[hbm4b:s7+s3] =	stream.indirect_vreg.scatter [tilespmem:s19], [sflag:$0x1], $0x80, v4, vm0, $0xb8;
	[tilespmem:$0xC200] =	vst v63  }
0x35: {  	_ = 	snop  }
0x36: {  	[hbm4b:s5+s3] =	stream.indirect_vreg.scatter [tilespmem:s20], [sflag:$0x1], $0x80, v3, vm0, $0xb8;
	[tilespmem:$0xC200] =	vst v63  }
0x37: {  	_ = 	snop  }
0x38: {  	[hbm4b:s6+s3] =	stream.indirect_vreg.scatter [tilespmem:s21], [sflag:$0x1], $0x80, v3, vm0, $0xb8;
	[tilespmem:$0xC200] =	vst v63  }
0x39: {  	_ = 	snop  }
0x3a: {  	[hbm4b:s7+s3] =	stream.indirect_vreg.scatter [tilespmem:s22], [sflag:$0x1], $0x80, v3, vm0, $0xb8;
	[tilespmem:$0xC200] =	vst v63  }
0x3b: {  	v3 =	vld [tilespmem:$0x10];
	_ =	sdelay $0x4  }
0x3c: {  	v57 =	vshrl.u32 v3, $0x3  }
0x3d: {  	v4 =	vmul.u32 $0x30, v57  }
0x3e: {  	v3 =	vand.u32 $0x7, v3  }
0x3f: {  	v3 =	vor.u32 v3, v4  }
0x40: {  	v4 =	vperm.xlane v3, v0;
	_ =	sdelay $0x1  }
0x41: {  	v4 =	vadd.s32 v1, v4;
	_ =	sdelay $0x3  }
0x42: {  	v3 =	vperm.xlane v3, v2  }
0x43: {  	[hbm4b:s5+s3] =	stream.indirect_vreg.scatter [tilespmem:s23], [sflag:$0x1], $0x80, v4, vm0, $0xb8;
	[tilespmem:$0xC200] =	vst v63  }
0x44: {  	v3 =	vadd.s32 v1, v3  }
0x45: {  	[hbm4b:s6+s3] =	stream.indirect_vreg.scatter [tilespmem:s24], [sflag:$0x1], $0x80, v4, vm0, $0xb8;
	[tilespmem:$0xC200] =	vst v63  }
0x46: {  	_ = 	snop  }
0x47: {  	[hbm4b:s7+s3] =	stream.indirect_vreg.scatter [tilespmem:s25], [sflag:$0x1], $0x80, v4, vm0, $0xb8;
	[tilespmem:$0xC200] =	vst v63  }
0x48: {  	_ = 	snop  }
0x49: {  	[hbm4b:s5+s3] =	stream.indirect_vreg.scatter [tilespmem:s26], [sflag:$0x1], $0x80, v3, vm0, $0xb8;
	[tilespmem:$0xC200] =	vst v63  }
0x4a: {  	_ = 	snop  }
0x4b: {  	[hbm4b:s6+s3] =	stream.indirect_vreg.scatter [tilespmem:s28], [sflag:$0x1], $0x80, v3, vm0, $0xb8;
	[tilespmem:$0xC200] =	vst v63  }
0x4c: {  	_ = 	snop  }
0x4d: {  	[hbm4b:s7+s3] =	stream.indirect_vreg.scatter [tilespmem:s29], [sflag:$0x1], $0x80, v3, vm0, $0xb8;
	[tilespmem:$0xC200] =	vst v63  }
0x4e: {  	v3 =	vld [tilespmem:$0x20];
	_ =	sdelay $0x4  }
0x4f: {  	v58 =	vshrl.u32 v3, $0x3  }
0x50: {  	v4 =	vmul.u32 $0x30, v58  }
0x51: {  	v3 =	vand.u32 $0x7, v3  }
0x52: {  	v3 =	vor.u32 v3, v4  }
0x53: {  	v4 =	vperm.xlane v3, v0;
	_ =	sdelay $0x1  }
0x54: {  	v4 =	vadd.s32 v1, v4;
	_ =	sdelay $0x3  }
0x55: {  	v3 =	vperm.xlane v3, v2  }
0x56: {  	[hbm4b:s5+s3] =	stream.indirect_vreg.scatter [tilespmem:s30], [sflag:$0x1], $0x80, v4, vm0, $0xb8;
	[tilespmem:$0xC200] =	vst v63  }
0x57: {  	v3 =	vadd.s32 v1, v3  }
0x58: {  	[hbm4b:s6+s3] =	stream.indirect_vreg.scatter [tilespmem:s31], [sflag:$0x1], $0x80, v4, vm0, $0xb8;
	[tilespmem:$0xC200] =	vst v63  }
0x59: {  	s1 =	simm.s32 $0x7200  }
0x5a: {  	[hbm4b:s7+s3] =	stream.indirect_vreg.scatter [tilespmem:s1], [sflag:$0x1], $0x80, v4, vm0, $0xb8;
	[tilespmem:$0xC200] =	vst v63  }
0x5b: {  	_ = 	snop  }
0x5c: {  	[hbm4b:s5+s3] =	stream.indirect_vreg.scatter [tilespmem:s16], [sflag:$0x1], $0x80, v3, vm0, $0xb8;
	[tilespmem:$0xC200] =	vst v63  }
0x5d: {  	s2 =	simm.s32 $0x8200  }
0x5e: {  	[hbm4b:s6+s3] =	stream.indirect_vreg.scatter [tilespmem:s2], [sflag:$0x1], $0x80, v3, vm0, $0xb8;
	[tilespmem:$0xC200] =	vst v63  }
0x5f: {  	_ = 	snop  }
0x60: {  	[hbm4b:s7+s3] =	stream.indirect_vreg.scatter [tilespmem:s10], [sflag:$0x1], $0x80, v3, vm0, $0xb8;
	[tilespmem:$0xC200] =	vst v63  }
0x61: {  	v3 =	vld [tilespmem:$0x30];
	_ =	sdelay $0x4  }
0x62: {  	v59 =	vshrl.u32 v3, $0x3  }
0x63: {  	v4 =	vmul.u32 $0x30, v59  }
0x64: {  	v3 =	vand.u32 $0x7, v3  }
0x65: {  	v3 =	vor.u32 v3, v4  }
0x66: {  	v4 =	vperm.xlane v3, v0;
	_ =	sdelay $0x1  }
0x67: {  	v4 =	vadd.s32 v1, v4;
	_ =	sdelay $0x3  }
0x68: {  	v3 =	vperm.xlane v3, v2  }
0x69: {  	[hbm4b:s5+s3] =	stream.indirect_vreg.scatter [tilespmem:s12], [sflag:$0x1], $0x80, v4, vm0, $0xb8;
	[tilespmem:$0xC200] =	vst v63  }
0x6a: {  	v3 =	vadd.s32 v1, v3  }
0x6b: {  	[hbm4b:s6+s3] =	stream.indirect_vreg.scatter [tilespmem:s13], [sflag:$0x1], $0x80, v4, vm0, $0xb8;
	[tilespmem:$0xC200] =	vst v63  }
0x6c: {  	_ = 	snop  }
0x6d: {  	[hbm4b:s7+s3] =	stream.indirect_vreg.scatter [tilespmem:s14], [sflag:$0x1], $0x80, v4, vm0, $0xb8;
	[tilespmem:$0xC200] =	vst v63  }
0x6e: {  	_ = 	snop  }
0x6f: {  	[hbm4b:s5+s3] =	stream.indirect_vreg.scatter [tilespmem:s11], [sflag:$0x1], $0x80, v3, vm0, $0xb8;
	[tilespmem:$0xC200] =	vst v63  }
0x70: {  	_ = 	snop  }
0x71: {  	[hbm4b:s6+s3] =	stream.indirect_vreg.scatter [tilespmem:s17], [sflag:$0x1], $0x80, v3, vm0, $0xb8;
	[tilespmem:$0xC200] =	vst v63  }
0x72: {  	_ = 	snop  }
0x73: {  	[hbm4b:s7+s3] =	stream.indirect_vreg.scatter [tilespmem:s18], [sflag:$0x1], $0x80, v3, vm0, $0xb8;
	[tilespmem:$0xC200] =	vst v63  }
0x74: {  	v3 =	vld [tilespmem:$0x80];
	_ =	sdelay $0x4  }
0x75: {  	v60 =	vshrl.u32 v3, $0x3  }
0x76: {  	v4 =	vmul.u32 $0x30, v60  }
0x77: {  	v3 =	vand.u32 $0x7, v3  }
0x78: {  	v3 =	vor.u32 v3, v4  }
0x79: {  	v4 =	vperm.xlane v3, v0;
	_ =	sdelay $0x1  }
0x7a: {  	v4 =	vadd.s32 v1, v4;
	_ =	sdelay $0x3  }
0x7b: {  	v3 =	vperm.xlane v3, v2  }
0x7c: {  	[hbm4b:s5+s3] =	stream.indirect_vreg.scatter [tilespmem:s0], [sflag:$0x1], $0x80, v4, vm0, $0xb8;
	[tilespmem:$0xC200] =	vst v63  }
0x7d: {  	v3 =	vadd.s32 v1, v3  }
0x7e: {  	[hbm4b:s6+s3] =	stream.indirect_vreg.scatter [tilespmem:s15], [sflag:$0x1], $0x80, v4, vm0, $0xb8;
	[tilespmem:$0xC200] =	vst v63  }
0x7f: {  	_ = 	snop  }
0x80: {  	[hbm4b:s7+s3] =	stream.indirect_vreg.scatter [tilespmem:s19], [sflag:$0x1], $0x80, v4, vm0, $0xb8;
	[tilespmem:$0xC200] =	vst v63  }
0x81: {  	_ = 	snop  }
0x82: {  	[hbm4b:s5+s3] =	stream.indirect_vreg.scatter [tilespmem:s20], [sflag:$0x1], $0x80, v3, vm0, $0xb8;
	[tilespmem:$0xC200] =	vst v63  }
0x83: {  	_ = 	snop  }
0x84: {  	[hbm4b:s6+s3] =	stream.indirect_vreg.scatter [tilespmem:s21], [sflag:$0x1], $0x80, v3, vm0, $0xb8;
	[tilespmem:$0xC200] =	vst v63  }
0x85: {  	_ = 	snop  }
0x86: {  	[hbm4b:s7+s3] =	stream.indirect_vreg.scatter [tilespmem:s22], [sflag:$0x1], $0x80, v3, vm0, $0xb8;
	[tilespmem:$0xC200] =	vst v63  }
0x87: {  	v3 =	vld [tilespmem:$0x90];
	_ =	sdelay $0x4  }
0x88: {  	v61 =	vshrl.u32 v3, $0x3  }
0x89: {  	v4 =	vmul.u32 $0x30, v61  }
0x8a: {  	v3 =	vand.u32 $0x7, v3  }
0x8b: {  	v3 =	vor.u32 v3, v4  }
0x8c: {  	v4 =	vperm.xlane v3, v0;
	_ =	sdelay $0x1  }
0x8d: {  	v4 =	vadd.s32 v1, v4;
	_ =	sdelay $0x3  }
0x8e: {  	v3 =	vperm.xlane v3, v2  }
0x8f: {  	[hbm4b:s5+s3] =	stream.indirect_vreg.scatter [tilespmem:s23], [sflag:$0x1], $0x80, v4, vm0, $0xb8;
	[tilespmem:$0xC200] =	vst v63  }
0x90: {  	v3 =	vadd.s32 v1, v3  }
0x91: {  	[hbm4b:s6+s3] =	stream.indirect_vreg.scatter [tilespmem:s24], [sflag:$0x1], $0x80, v4, vm0, $0xb8;
	[tilespmem:$0xC200] =	vst v63  }
0x92: {  	_ = 	snop  }
0x93: {  	[hbm4b:s7+s3] =	stream.indirect_vreg.scatter [tilespmem:s25], [sflag:$0x1], $0x80, v4, vm0, $0xb8;
	[tilespmem:$0xC200] =	vst v63  }
0x94: {  	_ = 	snop  }
0x95: {  	[hbm4b:s5+s3] =	stream.indirect_vreg.scatter [tilespmem:s26], [sflag:$0x1], $0x80, v3, vm0, $0xb8;
	[tilespmem:$0xC200] =	vst v63  }
0x96: {  	_ = 	snop  }
0x97: {  	[hbm4b:s6+s3] =	stream.indirect_vreg.scatter [tilespmem:s28], [sflag:$0x1], $0x80, v3, vm0, $0xb8;
	[tilespmem:$0xC200] =	vst v63  }
0x98: {  	_ = 	snop  }
0x99: {  	[hbm4b:s7+s3] =	stream.indirect_vreg.scatter [tilespmem:s29], [sflag:$0x1], $0x80, v3, vm0, $0xb8;
	[tilespmem:$0xC200] =	vst v63  }
0x9a: {  	v3 =	vld [tilespmem:$0xA0];
	_ =	sdelay $0x4  }
0x9b: {  	v62 =	vshrl.u32 v3, $0x3  }
0x9c: {  	v4 =	vmul.u32 $0x30, v62  }
0x9d: {  	v3 =	vand.u32 $0x7, v3  }
0x9e: {  	v3 =	vor.u32 v3, v4  }
0x9f: {  	v4 =	vperm.xlane v3, v0;
	_ =	sdelay $0x1  }
0xa0: {  	v4 =	vadd.s32 v1, v4;
	_ =	sdelay $0x3  }
0xa1: {  	v3 =	vperm.xlane v3, v2  }
0xa2: {  	[hbm4b:s5+s3] =	stream.indirect_vreg.scatter [tilespmem:s30], [sflag:$0x1], $0x80, v4, vm0, $0xb8;
	[tilespmem:$0xC200] =	vst v63  }
0xa3: {  	v3 =	vadd.s32 v1, v3  }
0xa4: {  	[hbm4b:s6+s3] =	stream.indirect_vreg.scatter [tilespmem:s31], [sflag:$0x1], $0x80, v4, vm0, $0xb8;
	[tilespmem:$0xC200] =	vst v63  }
0xa5: {  	_ = 	snop  }
0xa6: {  	[hbm4b:s7+s3] =	stream.indirect_vreg.scatter [tilespmem:s1], [sflag:$0x1], $0x80, v4, vm0, $0xb8;
	[tilespmem:$0xC200] =	vst v63  }
0xa7: {  	_ = 	snop  }
0xa8: {  	[hbm4b:s5+s3] =	stream.indirect_vreg.scatter [tilespmem:s16], [sflag:$0x1], $0x80, v3, vm0, $0xb8;
	[tilespmem:$0xC200] =	vst v63  }
0xa9: {  	_ = 	snop  }
0xaa: {  	[hbm4b:s6+s3] =	stream.indirect_vreg.scatter [tilespmem:s2], [sflag:$0x1], $0x80, v3, vm0, $0xb8;
	[tilespmem:$0xC200] =	vst v63  }
0xab: {  	_ = 	snop  }
0xac: {  	[hbm4b:s7+s3] =	stream.indirect_vreg.scatter [tilespmem:s10], [sflag:$0x1], $0x80, v3, vm0, $0xb8;
	[tilespmem:$0xC200] =	vst v63  }
0xad: {  	v3 =	vld [tilespmem:$0xB0];
	_ =	sdelay $0x4  }
0xae: {  	v63 =	vshrl.u32 v3, $0x3  }
0xaf: {  	v4 =	vmul.u32 $0x30, v63  }
0xb0: {  	v3 =	vand.u32 $0x7, v3  }
0xb1: {  	v3 =	vor.u32 v3, v4  }
0xb2: {  	v4 =	vperm.xlane v3, v0;
	_ =	sdelay $0x1  }
0xb3: {  	v4 =	vadd.s32 v1, v4;
	_ =	sdelay $0x3  }
0xb4: {  	v3 =	vperm.xlane v3, v2  }
0xb5: {  	[hbm4b:s5+s3] =	stream.indirect_vreg.scatter [tilespmem:s12], [sflag:$0x1], $0x80, v4, vm0, $0xb8;
	[tilespmem:$0xC200] =	vst v63  }
0xb6: {  	v3 =	vadd.s32 v1, v3  }
0xb7: {  	[hbm4b:s6+s3] =	stream.indirect_vreg.scatter [tilespmem:s13], [sflag:$0x1], $0x80, v4, vm0, $0xb8;
	[tilespmem:$0xC200] =	vst v63  }
0xb8: {  	_ = 	snop  }
0xb9: {  	[hbm4b:s7+s3] =	stream.indirect_vreg.scatter [tilespmem:s14], [sflag:$0x1], $0x80, v4, vm0, $0xb8;
	[tilespmem:$0xC200] =	vst v63  }
0xba: {  	_ = 	snop  }
0xbb: {  	[hbm4b:s5+s3] =	stream.indirect_vreg.scatter [tilespmem:s11], [sflag:$0x1], $0x80, v3, vm0, $0xb8;
	[tilespmem:$0xC200] =	vst v63  }
0xbc: {  	_ = 	snop  }
0xbd: {  	[hbm4b:s6+s3] =	stream.indirect_vreg.scatter [tilespmem:s17], [sflag:$0x1], $0x80, v3, vm0, $0xb8;
	[tilespmem:$0xC200] =	vst v63  }
0xbe: {  	_ = 	snop  }
0xbf: {  	[hbm4b:s7+s3] =	stream.indirect_vreg.scatter [tilespmem:s18], [sflag:$0x1], $0x80, v3, vm0, $0xb8;
	[tilespmem:$0xC200] =	vst v63  }
0xc0: {  	s0 =	simm.s32 $0x40;
	s15 =	rddreg [dreg:$0x2];
	s2 =	simm.s32 $0x100  }
0xc1: {  	[hbm4b:s15+s0] =	stream.indirect.scatter [tilespmem:s2], [sflag:$0x1], $0x1, s3, s0, $0xb8;
	[tilespmem:$0xC200] =	vst v63  }
0xc2: {  	s1 =	simm.s32 $0x80;
	s2 =	simm.s32 $0x180  }
0xc3: {  	[hbm4b:s15+s0] =	stream.indirect.scatter [tilespmem:s2], [sflag:$0x1], $0x1, s1, s0, $0xb8;
	[tilespmem:$0xC200] =	vst v63  }
0xc4: {  	_ =	swait.ge [sflag:s4], $0xC000  }
0xc5: {  	[sflag:s4] =	ssyncset.done $0x0  }
0xc6: {  	[sflag:s4] =	ssyncadd.s32 $0xFFFF4000  }
0xc7: {  	_ =	swait.ge [sflag:s4], $0xC000  }
0xc8: {  	[sflag:s4] =	ssyncset.done $0x0  }
0xc9: {  	[sflag:s4] =	ssyncadd.s32 $0xFFFF4000  }
0xca: {  	p0 =	sne.s32 s8, $0x1;
	_ =	swait.ge [sflag:s4], $0x40  }
.Ltmp0:
0xcb: {  	[sflag:s4] =	ssyncset.done $0x0;
	(pc) =	sbr.rel @p0 .LBB2_1-.Ltmp0, $4  }
0xcc: {  	[sflag:s4] =	ssyncadd.s32 $0xFFFFFFC0  }
0xcd: {  	_ =	swait.ge [sflag:s4], $0x40  }
0xce: {  	[sflag:s4] =	ssyncset.done $0x0  }
0xcf: {  	s8 =	sadd.s32 $0xFFFFFFFF, s8;
	[sflag:s4] =	ssyncadd.s32 $0xFFFFFFC0  }
0xd0: {  	_ =	sfence.sel $0x180000  }
0xd1: {  	[bflag:$0x0] =	sbarrier.arrive $0xFFFF  }
0xd2: {  	_ =	strace $0x90000047  }
0xd3: {  	s0 =	stileid.u32;
	[bflag:$0x2] =	sbarrier.arrive $0xFFFF  }
0xd4: {  	p0 =	sne.s32 s0, $0x0;
	s0 =	rddreg [dreg:$0x3]  }
0xd5: {  	s0 =	sadd.s32 @!p0 $0x100000, s0  }
0xd6: {  	[sflag:s0] =	ssyncadd.tile.s32 @!p0 $0x1;
	_ =	shalt  }
.Lfunc_end2:
_tile_overlayer_lowered:
.L_overlay_start_2:
0xd7: {  	(tag) =	ssettag $0x2  }
0xd8: {  	s0 =	rddreg [dreg:$0x0];
	s2 =	stileid.u32  }
0xd9: {  	s1 =	rddreg [dreg:$0x1];
	p0 =	sne.s32 s2, $0x0  }
0xda: {  	s3 =	rddreg [dreg:$0x2];
	[bflag:$0x3] =	sbarrier.arrive $0xFFFF;
	s2 =	simm.s32 @!p0 $0x1C02  }
0xdb: {  	[timem:s3], [sflag:s2] =	dma.local @!p0 [hbm:s0], s1  }
0xdc: {  	s0 =	simm.s32 @!p0 $0x2  }
0xdd: {  	_ =	swait.ge @!p0 [sflag:s0], s1  }
0xde: {  	s1 =	ssub.s32 @!p0 $0x0, s1;
	[sflag:s0] =	ssyncset.done @!p0 $0x0  }
0xdf: {  	[sflag:s0] =	ssyncadd.s32 @!p0 s1  }
0xe0: {  	[bflag:$0x3] =	sbarrier.arrive $0xFFFF  }
0xe1: {  	_ =	shalt  }

</sc_bundles>
